<compile_context>
chip_gen: v7x
topology: tpu7x:2x2x1
jax: 0.10.2.dev20260603
libtpu: 0.0.44.dev20260713+nightly
codegen_flags: <defaults>
</compile_context>

<pallas_src>
import functools

import numpy as np
import jax
import jax.numpy as jnp
from jax.experimental import pallas as pl
from jax.experimental.pallas import tpu as pltpu
from jax.experimental.pallas import tpu_sc as plsc

B, H, W, C = 2, 384, 384, 96
P = 110592
K = 27648
RAND = 9216
BP = B * P
R4 = 4 * BP
NW = 32
PERW = R4 // NW
CHUNK = 128
NCH = PERW // CHUNK
CPAD = 128
TP = 2048
NB = BP // TP
NROW = P // 128
NPAD = 1024
N_SORT = NPAD * 128
KROWS = K // 128


def _raw_constants():
    def build():
        key = jax.random.key(42)
        k1, k2 = jax.random.split(key)
        pc = jax.random.uniform(k1, (B, P, 2), dtype=jnp.float32)
        rand_pts = jax.random.uniform(k2, (B, RAND, 2), dtype=jnp.float32)
        grid = pc * 2.0 - 1.0
        gx, gy = grid[..., 0], grid[..., 1]
        x = (gx + 1.0) * W / 2.0 - 0.5
        y = (gy + 1.0) * H / 2.0 - 0.5
        x0 = jnp.floor(x)
        y0 = jnp.floor(y)
        x1 = x0 + 1.0
        y1 = y0 + 1.0
        wx1 = x - x0
        wx0 = 1.0 - wx1
        wy1 = y - y0
        wy0 = 1.0 - wy1
        offs, ws = [], []
        for (xi, yi, wx, wy) in ((x0, y0, wx0, wy0), (x1, y0, wx1, wy0),
                                 (x0, y1, wx0, wy1), (x1, y1, wx1, wy1)):
            valid = (xi >= 0) & (xi <= W - 1) & (yi >= 0) & (yi <= H - 1)
            xi_c = jnp.clip(xi, 0, W - 1).astype(jnp.int32)
            yi_c = jnp.clip(yi, 0, H - 1).astype(jnp.int32)
            offs.append(yi_c * W + xi_c)
            ws.append(jnp.where(valid, wx * wy, 0.0))
        boff = (jnp.arange(B, dtype=jnp.int32) * (H * W))[:, None]
        offs = jnp.stack(offs, 0) + boff[None]
        ws = jnp.stack(ws, 0)
        return pc, rand_pts, offs, ws

    return build


def _derive(pc, rand_pts, offs, ws):
    np_ = jnp if isinstance(pc, jax.core.Tracer) else np
    idx_flat = offs.astype(np_.int32).reshape(R4)
    wts = np_.transpose(ws.astype(np_.float32).reshape(4, BP))
    pad = np_.zeros((B, NPAD - NROW, 128), np_.float32)
    px = np_.concatenate(
        [pc[..., 0].astype(np_.float32).reshape(B, NROW, 128), pad], axis=1)
    py = np_.concatenate(
        [pc[..., 1].astype(np_.float32).reshape(B, NROW, 128), pad], axis=1)
    return idx_flat, wts, px, py, rand_pts.astype(np_.float32)


def _host_constants():
    try:
        cpu = jax.devices("cpu")[0]
        with jax.default_device(cpu):
            vals = jax.device_get(jax.jit(_raw_constants())())
    except Exception:
        return None
    return _derive(*(np.asarray(v) for v in vals))


_CONSTS = _host_constants()


def _constants():
    return _derive(*_raw_constants()())



def _gather_body(feat_hbm, idx_hbm, out_hbm, idx_v, buf0, buf1, sem0, sem1):
    cid = jax.lax.axis_index("c")
    sid = jax.lax.axis_index("s")
    wid = sid * 2 + cid
    base = wid * PERW
    pltpu.sync_copy(idx_hbm.at[pl.ds(base, PERW)], idx_v)

    def start(c, buf, sem):
        cpy = pltpu.make_async_copy(
            feat_hbm.at[idx_v.at[pl.ds(c * CHUNK, CHUNK)]], buf, sem)
        cpy.start()

    def wait(buf, sem):
        pltpu.make_async_copy(feat_hbm.at[idx_v.at[pl.ds(0, CHUNK)]],
                              buf, sem).wait()

    start(0, buf0, sem0)
    start(1, buf1, sem1)

    def body(i, _):
        c0 = 2 * i
        wait(buf0, sem0)
        pltpu.sync_copy(buf0, out_hbm.at[pl.ds(base + c0 * CHUNK, CHUNK)])

        @pl.when(i < NCH // 2 - 1)
        def _():
            start(c0 + 2, buf0, sem0)

        wait(buf1, sem1)
        pltpu.sync_copy(buf1, out_hbm.at[pl.ds(base + (c0 + 1) * CHUNK, CHUNK)])

        @pl.when(i < NCH // 2 - 1)
        def _():
            start(c0 + 3, buf1, sem1)

        return 0

    jax.lax.fori_loop(0, NCH // 2, body, 0)


@functools.lru_cache(maxsize=1)
def _make_sc_gather():
    @functools.partial(
        pl.kernel,
        mesh=plsc.VectorSubcoreMesh(core_axis_name="c", subcore_axis_name="s"),
        out_type=jax.ShapeDtypeStruct((R4, CPAD), jnp.float32),
        scratch_types=[
            pltpu.VMEM((PERW,), jnp.int32),
            pltpu.VMEM((CHUNK, CPAD), jnp.float32),
            pltpu.VMEM((CHUNK, CPAD), jnp.float32),
            pltpu.SemaphoreType.DMA,
            pltpu.SemaphoreType.DMA,
        ],
    )
    def _sc_gather(feat_hbm, idx_hbm, out_hbm, idx_v, buf0, buf1, sem0, sem1):
        _gather_body(feat_hbm, idx_hbm, out_hbm, idx_v, buf0, buf1, sem0, sem1)

    return _sc_gather



def _rotl8(t, d):
    return jnp.concatenate([t[:, d:], t[:, :d]], axis=-1)


def _uncert_body(g_ref, w_ref, unc_ref):
    g = g_ref[..., :C]
    wv = w_ref[...]
    l = g[0] * wv[:, 0:1]
    l = l + g[1] * wv[:, 1:2]
    l = l + g[2] * wv[:, 2:3]
    l = l + g[3] * wv[:, 3:4]
    m = jnp.max(l, axis=-1, keepdims=True)
    u = jnp.exp(l - m)
    A = None
    for k in range(12):
        blk = u[:, k * 8:(k + 1) * 8]
        A = blk if A is None else A + blk
    for d in (4, 2, 1):
        A = A + _rotl8(A, d)
    p = u * pl.reciprocal(A[:, 0:1], approx=True)
    p1 = jnp.max(p, axis=-1)
    eq = p == p1[:, None]
    pos = jax.lax.broadcasted_iota(jnp.int32, p.shape, 1)
    first_idx = jnp.min(jnp.where(eq, pos, p.shape[-1]), axis=-1)
    first = pos == first_idx[:, None]
    p2 = jnp.max(jnp.where(first, -jnp.inf, p), axis=-1)
    unc_ref[...] = (p2 - p1).reshape(8, TP // 8)


def _tc_uncert(gath4, wts):
    return pl.pallas_call(
        _uncert_body,
        grid=(NB,),
        in_specs=[
            pl.BlockSpec((4, TP, CPAD), lambda i: (0, i, 0)),
            pl.BlockSpec((TP, 4), lambda i: (i, 0)),
        ],
        out_specs=pl.BlockSpec((8, TP // 8), lambda i: (i, 0)),
        out_shape=jax.ShapeDtypeStruct((NB * 8, TP // 8), jnp.float32),
    )(gath4, wts)



def _ce(h0, h1, desc, active=None):
    v0, i0 = h0[0], h0[1]
    v1, i1 = h1[0], h1[1]
    gt = (v0 > v1) | ((v0 == v1) & (i0 < i1))
    exch = jnp.logical_xor(gt, desc)
    if active is not None:
        exch = exch & active
    o0, o1 = [], []
    for a0, a1 in zip(h0, h1):
        o0.append(jnp.where(exch, a1, a0))
        o1.append(jnp.where(exch, a0, a1))
    return o0, o1


def _ce_rows(arrs, jr, k, active=None):
    G = NPAD // (2 * jr)
    rs = [a.reshape(G, 2, jr, 128) for a in arrs]
    h0 = [r[:, 0] for r in rs]
    h1 = [r[:, 1] for r in rs]
    g_iota = jax.lax.broadcasted_iota(jnp.int32, (G, 1, 1), 0)
    desc = ((g_iota * (2 * jr)) & jax.lax.shift_right_logical(k, 7)) == 0
    o0, o1 = _ce(h0, h1, desc, active)
    return [jnp.stack([a0, a1], axis=1).reshape(NPAD, 128)
            for a0, a1 in zip(o0, o1)]


def _ce_lanes(arrs_t, j, k, in_merge):
    G = 128 // (2 * j)
    rs = [a.reshape(G, 2, j, NPAD) for a in arrs_t]
    h0 = [r[:, 0] for r in rs]
    h1 = [r[:, 1] for r in rs]
    if in_merge:
        r_iota = jax.lax.broadcasted_iota(jnp.int32, (1, 1, NPAD), 2)
        desc = (r_iota & jax.lax.shift_right_logical(k, 7)) == 0
    else:
        g_iota = jax.lax.broadcasted_iota(jnp.int32, (G, 1, 1), 0)
        desc = ((g_iota * (2 * j)) & k) == 0
    o0, o1 = _ce(h0, h1, desc)
    return [jnp.stack([a0, a1], axis=1).reshape(128, NPAD)
            for a0, a1 in zip(o0, o1)]


def _sort_body(v_ref, x_ref, y_ref, ox_ref, oy_ref):
    v = v_ref[...]
    x = x_ref[...]
    y = y_ref[...]
    r_iota = jax.lax.broadcasted_iota(jnp.int32, (NPAD, 128), 0)
    c_iota = jax.lax.broadcasted_iota(jnp.int32, (NPAD, 128), 1)
    idx = r_iota * 128 + c_iota
    arrs_t = [jnp.transpose(a) for a in (v, idx, x, y)]

    k = 2
    while k <= 128:
        j = k // 2
        while j >= 1:
            arrs_t = _ce_lanes(arrs_t, j, k, in_merge=(k >= 128))
            j //= 2
        k *= 2

    def phase(p, carry):
        arrs_t = list(carry)
        kk = jax.lax.shift_left(1, p)
        arrs = [jnp.transpose(a) for a in arrs_t]
        for jr_log in range(9, -1, -1):
            jr = 1 << jr_log
            active = (2 * jr * 128) <= kk
            arrs = _ce_rows(arrs, jr, kk, active)
        arrs_t = [jnp.transpose(a) for a in arrs]
        for j in (64, 32, 16, 8, 4, 2, 1):
            arrs_t = _ce_lanes(arrs_t, j, kk, in_merge=True)
        return tuple(arrs_t)

    arrs_t = list(jax.lax.fori_loop(8, 18, phase, tuple(arrs_t)))

    xs = jnp.transpose(arrs_t[2])
    ys = jnp.transpose(arrs_t[3])
    ox_ref[...] = xs[:KROWS]
    oy_ref[...] = ys[:KROWS]


def _tc_sort(v, x, y):
    return pl.pallas_call(
        _sort_body,
        grid=(B,),
        in_specs=[pl.BlockSpec((None, NPAD, 128), lambda b: (b, 0, 0))] * 3,
        out_specs=[pl.BlockSpec((None, KROWS, 128), lambda b: (b, 0, 0))] * 2,
        out_shape=[jax.ShapeDtypeStruct((B, KROWS, 128), jnp.float32)] * 2,
    )(v, x, y)



def kernel(inputs):
    idx, wts, px, py, rand_pts = _constants()
    feat2d = inputs.reshape(B * H * W, C)
    featp = jnp.concatenate(
        [feat2d, jnp.zeros((B * H * W, CPAD - C), jnp.float32)], axis=-1)
    gath = _make_sc_gather()(featp, jnp.asarray(idx))
    gath4 = gath.reshape(4, BP, CPAD)
    unc = _tc_uncert(gath4, jnp.asarray(wts))
    v = unc.reshape(B, NROW, 128)
    v = jnp.concatenate(
        [v, jnp.full((B, NPAD - NROW, 128), -jnp.inf, jnp.float32)], axis=1)
    tx, ty = _tc_sort(v, jnp.asarray(px), jnp.asarray(py))
    top = jnp.stack([tx.reshape(B, K), ty.reshape(B, K)], axis=-1)
    return jnp.concatenate([top, jnp.asarray(rand_pts)], axis=1)

# --- scband reference (transcript-rebuilt; emitter-appended) ---
"""Pipeline reference for scband-uncertain-points-with-randomness-69028714381456 (READ-ONLY COPY).

The authoritative reference and input builder live on the scoring server;
editing this copy changes nothing except your own understanding.
"""

import jax, jax.numpy as jnp
import numpy as np

POINTS = 0.25
OVERSAMPLE = 3.0
IMPORTANCE = 0.75
ALIGN_CORNERS = False


def setup_inputs(seed: int = 0) -> dict:
    key = jax.random.key(seed)
    inputs = jax.random.normal(key, (2, 384, 384, 96), dtype=jnp.float32)
    return {"inputs": inputs}


def grid_sample_bilinear(feat, grid, align_corners):
    # feat: [B, H, W, C] (NHWC); grid: [B, P, 2] in [-1, 1], grid[..., 0]=x (width), grid[..., 1]=y (height)
    B, H, W, C = feat.shape
    gx = grid[..., 0]
    gy = grid[..., 1]
    if align_corners:
        x = (gx + 1.0) * (W - 1) / 2.0
        y = (gy + 1.0) * (H - 1) / 2.0
    else:
        x = (gx + 1.0) * W / 2.0 - 0.5
        y = (gy + 1.0) * H / 2.0 - 0.5
    x0 = jnp.floor(x)
    y0 = jnp.floor(y)
    x1 = x0 + 1.0
    y1 = y0 + 1.0
    wx1 = x - x0
    wx0 = 1.0 - wx1
    wy1 = y - y0
    wy0 = 1.0 - wy1

    def gather(xi, yi):
        valid = (xi >= 0) & (xi <= W - 1) & (yi >= 0) & (yi <= H - 1)
        xi_c = jnp.clip(xi, 0, W - 1).astype(jnp.int32)
        yi_c = jnp.clip(yi, 0, H - 1).astype(jnp.int32)
        v = jax.vmap(lambda f, yy, xx: f[yy, xx])(feat, yi_c, xi_c)  # [B, P, C]
        return v * valid[..., None].astype(v.dtype)

    out = (gather(x0, y0) * (wx0 * wy0)[..., None]
           + gather(x1, y0) * (wx1 * wy0)[..., None]
           + gather(x0, y1) * (wx0 * wy1)[..., None]
           + gather(x1, y1) * (wx1 * wy1)[..., None])
    return out


def reference(inputs):
    B, H, W, C = inputs.shape
    total_points = float(H * W) * POINTS
    sampled_size = int(total_points * OVERSAMPLE)
    key = jax.random.key(42)
    k1, k2 = jax.random.split(key)
    point_coords = jax.random.uniform(k1, (B, sampled_size, 2), dtype=jnp.float32)
    # PointSample: grid_sample at point_coords * 2 - 1
    point_logits = grid_sample_bilinear(inputs, point_coords * 2.0 - 1.0, ALIGN_CORNERS)  # [B, P, C]
    # ClassificationUncertainty (from_logits=True, C > 1 -> softmax)
    probs = jax.nn.softmax(point_logits, axis=-1)
    scores, _ = jax.lax.top_k(probs, 2)
    point_uncerts = scores[..., 1] - scores[..., 0]  # [B, P]
    uncertain_size = int(total_points * IMPORTANCE)
    random_size = max(0, int(total_points) - uncertain_size)
    _, top_indices = jax.lax.top_k(point_uncerts, uncertain_size)  # [B, K]
    top_points = jnp.take_along_axis(point_coords, top_indices[..., None], axis=1)  # [B, K, 2]
    rand_points = jax.random.uniform(k2, (B, random_size, 2), dtype=jnp.float32)
    return jnp.concatenate([top_points, rand_points], axis=1)

if __name__ == "__main__":
    import jax
    _d = setup_inputs()
    print(jax.jit(kernel)(*tuple(_d.values())))

</pallas_src>

<mosaic_0001>
#map = affine_map<(d0, d1) -> (0, 0)>
#map1 = affine_map<(d0, d1) -> (0)>
module attributes {stable_mosaic.version = 14 : i64} {
  func.func @_sc_gather(%arg0: i32, %arg1: i32, %arg2: memref<294912x128xf32, #tpu.memory_space<hbm>>, %arg3: memref<884736xi32, #tpu.memory_space<hbm>>, %arg4: memref<884736x128xf32, #tpu.memory_space<hbm>>, %arg5: memref<27648xi32, #tpu.memory_space<vmem>>, %arg6: memref<128x128xf32, #tpu.memory_space<vmem>>, %arg7: memref<128x128xf32, #tpu.memory_space<vmem>>, %arg8: memref<!tpu.dma_semaphore, #tpu.memory_space<semaphore_mem>>, %arg9: memref<!tpu.dma_semaphore, #tpu.memory_space<semaphore_mem>>) attributes {dimension_semantics = [#tpu.dimension_semantics<core_parallel>, #tpu.dimension_semantics<subcore_parallel>], iteration_bounds = array<i64: 2, 16>, scalar_prefetch = 0 : i64, scratch_operands = 5 : i64, tpu.core_type = #tpu.core_type<sc_vector_subcore>, window_params = [{transform_indices = #map}, {transform_indices = #map1}, {transform_indices = #map}]} {
    %mul3A = arith.constant 2 : i32
    %mul3A_0 = arith.muli %arg1, %mul3A : i32
    %add3A = arith.addi %mul3A_0, %arg0 : i32
    %mul3A_1 = arith.constant 27648 : i32
    %mul3A_2 = arith.muli %add3A, %mul3A_1 : i32
    "tpu.region"() ({
      %run_scoped3A = tpu.sem_alloc : memref<!tpu.dma_semaphore, #tpu.memory_space<semaphore_mem>>
      %dma_start3A_18 = tpu.memref_slice %arg3[%mul3A_2] : memref<884736xi32, #tpu.memory_space<hbm>> -> memref<27648xi32, #tpu.memory_space<hbm>>
      %dma_start3A_19 = tpu.memref_slice %arg3[%mul3A_2] : memref<884736xi32, #tpu.memory_space<hbm>> -> memref<27648xi32, #tpu.memory_space<hbm>>
      tpu.enqueue_dma source(%dma_start3A_19 : memref<27648xi32, #tpu.memory_space<hbm>>) target(%arg5 : memref<27648xi32, #tpu.memory_space<vmem>>) target_semaphore(%run_scoped3A : memref<!tpu.dma_semaphore, #tpu.memory_space<semaphore_mem>>)
      %dma_wait3A = tpu.memref_slice %arg3[%mul3A_2] : memref<884736xi32, #tpu.memory_space<hbm>> -> memref<27648xi32, #tpu.memory_space<hbm>>
      %dma_wait3A_20 = tpu.memref_slice %arg3[%mul3A_2] : memref<884736xi32, #tpu.memory_space<hbm>> -> memref<27648xi32, #tpu.memory_space<hbm>>
      tpu.wait_dma2 semaphore(%run_scoped3A : memref<!tpu.dma_semaphore, #tpu.memory_space<semaphore_mem>>) src(%dma_wait3A_20 : memref<27648xi32, #tpu.memory_space<hbm>>) dst(%arg5 : memref<27648xi32, #tpu.memory_space<vmem>>)
      tpu.yield
    }) : () -> ()
    %dma_start3A = arith.constant 0 : i32
    %dma_start3A_3 = tpu.memref_slice %arg5[%dma_start3A] : memref<27648xi32, #tpu.memory_space<vmem>> -> memref<128xi32, #tpu.memory_space<vmem>>
    %dma_start3A_4 = arith.constant 0 : i32
    %dma_start3A_5 = arith.constant 0 : i32
    %dma_start3A_6 = tpu.memref_slice %arg2[%dma_start3A_4, %dma_start3A_5] : memref<294912x128xf32, #tpu.memory_space<hbm>> -> memref<294912x128xf32, #tpu.memory_space<hbm>>
    tpu.enqueue_indirect_dma source(%dma_start3A_6 : memref<294912x128xf32, #tpu.memory_space<hbm>>) target(%arg6 : memref<128x128xf32, #tpu.memory_space<vmem>>) offsets(%dma_start3A_3 : memref<128xi32, #tpu.memory_space<vmem>>) semaphore(%arg8 : memref<!tpu.dma_semaphore, #tpu.memory_space<semaphore_mem>>)
    %dma_start3A_7 = arith.constant 128 : i32
    %dma_start3A_8 = tpu.memref_slice %arg5[%dma_start3A_7] : memref<27648xi32, #tpu.memory_space<vmem>> -> memref<128xi32, #tpu.memory_space<vmem>>
    %dma_start3A_9 = arith.constant 0 : i32
    %dma_start3A_10 = arith.constant 0 : i32
    %dma_start3A_11 = tpu.memref_slice %arg2[%dma_start3A_9, %dma_start3A_10] : memref<294912x128xf32, #tpu.memory_space<hbm>> -> memref<294912x128xf32, #tpu.memory_space<hbm>>
    tpu.enqueue_indirect_dma source(%dma_start3A_11 : memref<294912x128xf32, #tpu.memory_space<hbm>>) target(%arg7 : memref<128x128xf32, #tpu.memory_space<vmem>>) offsets(%dma_start3A_8 : memref<128xi32, #tpu.memory_space<vmem>>) semaphore(%arg9 : memref<!tpu.dma_semaphore, #tpu.memory_space<semaphore_mem>>)
    %scan3A = arith.constant 0 : i32
    %scan3A_12 = arith.constant 0 : i32
    %scan3A_13 = arith.constant 108 : i32
    %scan3A_14 = arith.addi %scan3A_12, %scan3A_13 : i32
    %scan3A_15 = arith.constant 1 : i32
    %scan3A_16 = scf.for %scan3A_18 = %scan3A_12 to %scan3A_14 step %scan3A_15 iter_args(%scan3A_19 = %scan3A) -> (i32)  : i32 {
      %mul3A_20 = arith.constant 2 : i32
      %mul3A_21 = arith.muli %mul3A_20, %scan3A_18 : i32
      %dma_wait3A = arith.constant 0 : i32
      %dma_wait3A_22 = tpu.memref_slice %arg5[%dma_wait3A] : memref<27648xi32, #tpu.memory_space<vmem>> -> memref<128xi32, #tpu.memory_space<vmem>>
      %dma_wait3A_23 = arith.constant 0 : i32
      %dma_wait3A_24 = arith.constant 0 : i32
      %dma_wait3A_25 = tpu.memref_slice %arg2[%dma_wait3A_23, %dma_wait3A_24] : memref<294912x128xf32, #tpu.memory_space<hbm>> -> memref<294912x128xf32, #tpu.memory_space<hbm>>
      tpu.wait_indirect_dma semaphore(%arg8 : memref<!tpu.dma_semaphore, #tpu.memory_space<semaphore_mem>>) src(%dma_wait3A_25 : memref<294912x128xf32, #tpu.memory_space<hbm>>) dst(%arg6 : memref<128x128xf32, #tpu.memory_space<vmem>>)
      %mul3A_26 = arith.constant 128 : i32
      %mul3A_27 = arith.muli %mul3A_21, %mul3A_26 : i32
      %add3A_28 = arith.addi %mul3A_2, %mul3A_27 : i32
      "tpu.region"() ({
        %run_scoped3A = tpu.sem_alloc : memref<!tpu.dma_semaphore, #tpu.memory_space<semaphore_mem>>
        %dma_start3A_47 = arith.constant 0 : i32
        %dma_start3A_48 = tpu.memref_slice %arg4[%add3A_28, %dma_start3A_47] : memref<884736x128xf32, #tpu.memory_space<hbm>> -> memref<128x128xf32, #tpu.memory_space<hbm>>
        %dma_start3A_49 = arith.constant 0 : i32
        %dma_start3A_50 = tpu.memref_slice %arg4[%add3A_28, %dma_start3A_49] : memref<884736x128xf32, #tpu.memory_space<hbm>> -> memref<128x128xf32, #tpu.memory_space<hbm>>
        tpu.enqueue_dma source(%arg6 : memref<128x128xf32, #tpu.memory_space<vmem>>) target(%dma_start3A_50 : memref<128x128xf32, #tpu.memory_space<hbm>>) target_semaphore(%run_scoped3A : memref<!tpu.dma_semaphore, #tpu.memory_space<semaphore_mem>>)
        %dma_wait3A_51 = arith.constant 0 : i32
        %dma_wait3A_52 = tpu.memref_slice %arg4[%add3A_28, %dma_wait3A_51] : memref<884736x128xf32, #tpu.memory_space<hbm>> -> memref<128x128xf32, #tpu.memory_space<hbm>>
        %dma_wait3A_53 = arith.constant 0 : i32
        %dma_wait3A_54 = tpu.memref_slice %arg4[%add3A_28, %dma_wait3A_53] : memref<884736x128xf32, #tpu.memory_space<hbm>> -> memref<128x128xf32, #tpu.memory_space<hbm>>
        tpu.wait_dma2 semaphore(%run_scoped3A : memref<!tpu.dma_semaphore, #tpu.memory_space<semaphore_mem>>) src(%arg6 : memref<128x128xf32, #tpu.memory_space<vmem>>) dst(%dma_wait3A_54 : memref<128x128xf32, #tpu.memory_space<hbm>>)
        tpu.yield
      }) : () -> ()
      %lt3A = arith.constant 107 : i32
      %lt3A_29 = arith.cmpi slt, %scan3A_18, %lt3A : i32
      %convert_element_type3A = arith.extui %lt3A_29 : i1 to i32
      %cond3A = arith.constant 0 : i32
      %cond3A_30 = arith.cmpi ne, %convert_element_type3A, %cond3A : i32
      scf.if %cond3A_30 {
        %add3A_47 = arith.constant 2 : i32
        %add3A_48 = arith.addi %mul3A_21, %add3A_47 : i32
        %mul3A_49 = arith.constant 128 : i32
        %mul3A_50 = arith.muli %add3A_48, %mul3A_49 : i32
        %dma_start3A_51 = tpu.memref_slice %arg5[%mul3A_50] : memref<27648xi32, #tpu.memory_space<vmem>> -> memref<128xi32, #tpu.memory_space<vmem>>
        %dma_start3A_52 = arith.constant 0 : i32
        %dma_start3A_53 = arith.constant 0 : i32
        %dma_start3A_54 = tpu.memref_slice %arg2[%dma_start3A_52, %dma_start3A_53] : memref<294912x128xf32, #tpu.memory_space<hbm>> -> memref<294912x128xf32, #tpu.memory_space<hbm>>
        tpu.enqueue_indirect_dma source(%dma_start3A_54 : memref<294912x128xf32, #tpu.memory_space<hbm>>) target(%arg6 : memref<128x128xf32, #tpu.memory_space<vmem>>) offsets(%dma_start3A_51 : memref<128xi32, #tpu.memory_space<vmem>>) semaphore(%arg8 : memref<!tpu.dma_semaphore, #tpu.memory_space<semaphore_mem>>)
      } else {
      }
      %dma_wait3A_31 = arith.constant 0 : i32
      %dma_wait3A_32 = tpu.memref_slice %arg5[%dma_wait3A_31] : memref<27648xi32, #tpu.memory_space<vmem>> -> memref<128xi32, #tpu.memory_space<vmem>>
      %dma_wait3A_33 = arith.constant 0 : i32
      %dma_wait3A_34 = arith.constant 0 : i32
      %dma_wait3A_35 = tpu.memref_slice %arg2[%dma_wait3A_33, %dma_wait3A_34] : memref<294912x128xf32, #tpu.memory_space<hbm>> -> memref<294912x128xf32, #tpu.memory_space<hbm>>
      tpu.wait_indirect_dma semaphore(%arg9 : memref<!tpu.dma_semaphore, #tpu.memory_space<semaphore_mem>>) src(%dma_wait3A_35 : memref<294912x128xf32, #tpu.memory_space<hbm>>) dst(%arg7 : memref<128x128xf32, #tpu.memory_space<vmem>>)
      %add3A_36 = arith.constant 1 : i32
      %add3A_37 = arith.addi %mul3A_21, %add3A_36 : i32
      %mul3A_38 = arith.constant 128 : i32
      %mul3A_39 = arith.muli %add3A_37, %mul3A_38 : i32
      %add3A_40 = arith.addi %mul3A_2, %mul3A_39 : i32
      "tpu.region"() ({
        %run_scoped3A = tpu.sem_alloc : memref<!tpu.dma_semaphore, #tpu.memory_space<semaphore_mem>>
        %dma_start3A_47 = arith.constant 0 : i32
        %dma_start3A_48 = tpu.memref_slice %arg4[%add3A_40, %dma_start3A_47] : memref<884736x128xf32, #tpu.memory_space<hbm>> -> memref<128x128xf32, #tpu.memory_space<hbm>>
        %dma_start3A_49 = arith.constant 0 : i32
        %dma_start3A_50 = tpu.memref_slice %arg4[%add3A_40, %dma_start3A_49] : memref<884736x128xf32, #tpu.memory_space<hbm>> -> memref<128x128xf32, #tpu.memory_space<hbm>>
        tpu.enqueue_dma source(%arg7 : memref<128x128xf32, #tpu.memory_space<vmem>>) target(%dma_start3A_50 : memref<128x128xf32, #tpu.memory_space<hbm>>) target_semaphore(%run_scoped3A : memref<!tpu.dma_semaphore, #tpu.memory_space<semaphore_mem>>)
        %dma_wait3A_51 = arith.constant 0 : i32
        %dma_wait3A_52 = tpu.memref_slice %arg4[%add3A_40, %dma_wait3A_51] : memref<884736x128xf32, #tpu.memory_space<hbm>> -> memref<128x128xf32, #tpu.memory_space<hbm>>
        %dma_wait3A_53 = arith.constant 0 : i32
        %dma_wait3A_54 = tpu.memref_slice %arg4[%add3A_40, %dma_wait3A_53] : memref<884736x128xf32, #tpu.memory_space<hbm>> -> memref<128x128xf32, #tpu.memory_space<hbm>>
        tpu.wait_dma2 semaphore(%run_scoped3A : memref<!tpu.dma_semaphore, #tpu.memory_space<semaphore_mem>>) src(%arg7 : memref<128x128xf32, #tpu.memory_space<vmem>>) dst(%dma_wait3A_54 : memref<128x128xf32, #tpu.memory_space<hbm>>)
        tpu.yield
      }) : () -> ()
      %lt3A_41 = arith.constant 107 : i32
      %lt3A_42 = arith.cmpi slt, %scan3A_18, %lt3A_41 : i32
      %convert_element_type3A_43 = arith.extui %lt3A_42 : i1 to i32
      %cond3A_44 = arith.constant 0 : i32
      %cond3A_45 = arith.cmpi ne, %convert_element_type3A_43, %cond3A_44 : i32
      scf.if %cond3A_45 {
        %add3A_47 = arith.constant 3 : i32
        %add3A_48 = arith.addi %mul3A_21, %add3A_47 : i32
        %mul3A_49 = arith.constant 128 : i32
        %mul3A_50 = arith.muli %add3A_48, %mul3A_49 : i32
        %dma_start3A_51 = tpu.memref_slice %arg5[%mul3A_50] : memref<27648xi32, #tpu.memory_space<vmem>> -> memref<128xi32, #tpu.memory_space<vmem>>
        %dma_start3A_52 = arith.constant 0 : i32
        %dma_start3A_53 = arith.constant 0 : i32
        %dma_start3A_54 = tpu.memref_slice %arg2[%dma_start3A_52, %dma_start3A_53] : memref<294912x128xf32, #tpu.memory_space<hbm>> -> memref<294912x128xf32, #tpu.memory_space<hbm>>
        tpu.enqueue_indirect_dma source(%dma_start3A_54 : memref<294912x128xf32, #tpu.memory_space<hbm>>) target(%arg7 : memref<128x128xf32, #tpu.memory_space<vmem>>) offsets(%dma_start3A_51 : memref<128xi32, #tpu.memory_space<vmem>>) semaphore(%arg9 : memref<!tpu.dma_semaphore, #tpu.memory_space<semaphore_mem>>)
      } else {
      }
      %scan3A_46 = arith.constant 0 : i32
      scf.yield %scan3A_46 : i32
    }
    %scan3A_17 = arith.constant 108 : i32
    return
  }
}

module attributes {stable_mosaic.version = 14 : i64} {
  func.func @_uncert_body(%arg0: i32, %arg1: memref<4x2048x128xf32, #tpu.memory_space<vmem>>, %arg2: memref<2048x4xf32, #tpu.memory_space<vmem>>, %arg3: memref<8x256xf32, #tpu.memory_space<vmem>>) attributes {dimension_semantics = [#tpu.dimension_semantics<arbitrary>], iteration_bounds = array<i64: 108>, scalar_prefetch = 0 : i64, scratch_operands = 0 : i64, tpu.core_type = #tpu.core_type<tc>, window_params = [{transform_indices = @transform_0, window_bounds = array<i64: 4, 2048, 128>}, {transform_indices = @transform_1, window_bounds = array<i64: 2048, 4>}, {transform_indices = @transform_2, window_bounds = array<i64: 8, 256>}]} {
    %get3A = arith.constant 0 : index
    %get3A_0 = arith.constant 0 : index
    %get3A_1 = arith.constant 0 : index
    %get3A_2 = vector.load %arg1[%get3A, %get3A_0, %get3A_1] : memref<4x2048x128xf32, #tpu.memory_space<vmem>>, vector<4x2048x96xf32>
    %get3A_3 = arith.constant 0 : index
    %get3A_4 = arith.constant 0 : index
    %get3A_5 = vector.load %arg2[%get3A_3, %get3A_4] : memref<2048x4xf32, #tpu.memory_space<vmem>>, vector<2048x4xf32>
    %slice3A = vector.extract_strided_slice %get3A_2 {offsets = [0, 0, 0], sizes = [1, 2048, 96], strides = [1, 1, 1]} : vector<4x2048x96xf32> to vector<1x2048x96xf32>
    %squeeze3A = vector.shape_cast %slice3A : vector<1x2048x96xf32> to vector<2048x96xf32>
    %slice3A_6 = vector.extract_strided_slice %get3A_5 {offsets = [0, 0], sizes = [2048, 1], strides = [1, 1]} : vector<2048x4xf32> to vector<2048x1xf32>
    %mul3A = vector.broadcast %slice3A_6 : vector<2048x1xf32> to vector<2048x96xf32>
    %mul3A_7 = arith.mulf %squeeze3A, %mul3A : vector<2048x96xf32>
    %slice3A_8 = vector.extract_strided_slice %get3A_2 {offsets = [1, 0, 0], sizes = [1, 2048, 96], strides = [1, 1, 1]} : vector<4x2048x96xf32> to vector<1x2048x96xf32>
    %squeeze3A_9 = vector.shape_cast %slice3A_8 : vector<1x2048x96xf32> to vector<2048x96xf32>
    %slice3A_10 = vector.extract_strided_slice %get3A_5 {offsets = [0, 1], sizes = [2048, 1], strides = [1, 1]} : vector<2048x4xf32> to vector<2048x1xf32>
    %mul3A_11 = vector.broadcast %slice3A_10 : vector<2048x1xf32> to vector<2048x96xf32>
    %mul3A_12 = arith.mulf %squeeze3A_9, %mul3A_11 : vector<2048x96xf32>
    %add3A = arith.addf %mul3A_7, %mul3A_12 : vector<2048x96xf32>
    %slice3A_13 = vector.extract_strided_slice %get3A_2 {offsets = [2, 0, 0], sizes = [1, 2048, 96], strides = [1, 1, 1]} : vector<4x2048x96xf32> to vector<1x2048x96xf32>
    %squeeze3A_14 = vector.shape_cast %slice3A_13 : vector<1x2048x96xf32> to vector<2048x96xf32>
    %slice3A_15 = vector.extract_strided_slice %get3A_5 {offsets = [0, 2], sizes = [2048, 1], strides = [1, 1]} : vector<2048x4xf32> to vector<2048x1xf32>
    %mul3A_16 = vector.broadcast %slice3A_15 : vector<2048x1xf32> to vector<2048x96xf32>
    %mul3A_17 = arith.mulf %squeeze3A_14, %mul3A_16 : vector<2048x96xf32>
    %add3A_18 = arith.addf %add3A, %mul3A_17 : vector<2048x96xf32>
    %slice3A_19 = vector.extract_strided_slice %get3A_2 {offsets = [3, 0, 0], sizes = [1, 2048, 96], strides = [1, 1, 1]} : vector<4x2048x96xf32> to vector<1x2048x96xf32>
    %squeeze3A_20 = vector.shape_cast %slice3A_19 : vector<1x2048x96xf32> to vector<2048x96xf32>
    %slice3A_21 = vector.extract_strided_slice %get3A_5 {offsets = [0, 3], sizes = [2048, 1], strides = [1, 1]} : vector<2048x4xf32> to vector<2048x1xf32>
    %mul3A_22 = vector.broadcast %slice3A_21 : vector<2048x1xf32> to vector<2048x96xf32>
    %mul3A_23 = arith.mulf %squeeze3A_20, %mul3A_22 : vector<2048x96xf32>
    %add3A_24 = arith.addf %add3A_18, %mul3A_23 : vector<2048x96xf32>
    %reduce_max3A = arith.constant dense<0xFF800000> : vector<2048xf32>
    %reduce_max3A_25 = vector.multi_reduction <maximumf>, %add3A_24, %reduce_max3A [1] : vector<2048x96xf32> to vector<2048xf32>
    %broadcast_in_dim3A = vector.shape_cast %reduce_max3A_25 : vector<2048xf32> to vector<2048x1xf32>
    %sub3A = vector.broadcast %broadcast_in_dim3A : vector<2048x1xf32> to vector<2048x96xf32>
    %sub3A_26 = arith.subf %add3A_24, %sub3A : vector<2048x96xf32>
    %exp3A = math.exp %sub3A_26 : vector<2048x96xf32>
    %slice3A_27 = vector.extract_strided_slice %exp3A {offsets = [0, 0], sizes = [2048, 8], strides = [1, 1]} : vector<2048x96xf32> to vector<2048x8xf32>
    %slice3A_28 = vector.extract_strided_slice %exp3A {offsets = [0, 8], sizes = [2048, 8], strides = [1, 1]} : vector<2048x96xf32> to vector<2048x8xf32>
    %add3A_29 = arith.addf %slice3A_27, %slice3A_28 : vector<2048x8xf32>
    %slice3A_30 = vector.extract_strided_slice %exp3A {offsets = [0, 16], sizes = [2048, 8], strides = [1, 1]} : vector<2048x96xf32> to vector<2048x8xf32>
    %add3A_31 = arith.addf %add3A_29, %slice3A_30 : vector<2048x8xf32>
    %slice3A_32 = vector.extract_strided_slice %exp3A {offsets = [0, 24], sizes = [2048, 8], strides = [1, 1]} : vector<2048x96xf32> to vector<2048x8xf32>
    %add3A_33 = arith.addf %add3A_31, %slice3A_32 : vector<2048x8xf32>
    %slice3A_34 = vector.extract_strided_slice %exp3A {offsets = [0, 32], sizes = [2048, 8], strides = [1, 1]} : vector<2048x96xf32> to vector<2048x8xf32>
    %add3A_35 = arith.addf %add3A_33, %slice3A_34 : vector<2048x8xf32>
    %slice3A_36 = vector.extract_strided_slice %exp3A {offsets = [0, 40], sizes = [2048, 8], strides = [1, 1]} : vector<2048x96xf32> to vector<2048x8xf32>
    %add3A_37 = arith.addf %add3A_35, %slice3A_36 : vector<2048x8xf32>
    %slice3A_38 = vector.extract_strided_slice %exp3A {offsets = [0, 48], sizes = [2048, 8], strides = [1, 1]} : vector<2048x96xf32> to vector<2048x8xf32>
    %add3A_39 = arith.addf %add3A_37, %slice3A_38 : vector<2048x8xf32>
    %slice3A_40 = vector.extract_strided_slice %exp3A {offsets = [0, 56], sizes = [2048, 8], strides = [1, 1]} : vector<2048x96xf32> to vector<2048x8xf32>
    %add3A_41 = arith.addf %add3A_39, %slice3A_40 : vector<2048x8xf32>
    %slice3A_42 = vector.extract_strided_slice %exp3A {offsets = [0, 64], sizes = [2048, 8], strides = [1, 1]} : vector<2048x96xf32> to vector<2048x8xf32>
    %add3A_43 = arith.addf %add3A_41, %slice3A_42 : vector<2048x8xf32>
    %slice3A_44 = vector.extract_strided_slice %exp3A {offsets = [0, 72], sizes = [2048, 8], strides = [1, 1]} : vector<2048x96xf32> to vector<2048x8xf32>
    %add3A_45 = arith.addf %add3A_43, %slice3A_44 : vector<2048x8xf32>
    %slice3A_46 = vector.extract_strided_slice %exp3A {offsets = [0, 80], sizes = [2048, 8], strides = [1, 1]} : vector<2048x96xf32> to vector<2048x8xf32>
    %add3A_47 = arith.addf %add3A_45, %slice3A_46 : vector<2048x8xf32>
    %slice3A_48 = vector.extract_strided_slice %exp3A {offsets = [0, 88], sizes = [2048, 8], strides = [1, 1]} : vector<2048x96xf32> to vector<2048x8xf32>
    %add3A_49 = arith.addf %add3A_47, %slice3A_48 : vector<2048x8xf32>
    %slice3A_50 = vector.extract_strided_slice %add3A_49 {offsets = [0, 4], sizes = [2048, 4], strides = [1, 1]} : vector<2048x8xf32> to vector<2048x4xf32>
    %slice3A_51 = vector.extract_strided_slice %add3A_49 {offsets = [0, 0], sizes = [2048, 4], strides = [1, 1]} : vector<2048x8xf32> to vector<2048x4xf32>
    %concatenate3A = tpu.concatenate %slice3A_50, %slice3A_51 in 1 : vector<2048x4xf32>, vector<2048x4xf32> -> vector<2048x8xf32>
    %add3A_52 = arith.addf %add3A_49, %concatenate3A : vector<2048x8xf32>
    %slice3A_53 = vector.extract_strided_slice %add3A_52 {offsets = [0, 2], sizes = [2048, 6], strides = [1, 1]} : vector<2048x8xf32> to vector<2048x6xf32>
    %slice3A_54 = vector.extract_strided_slice %add3A_52 {offsets = [0, 0], sizes = [2048, 2], strides = [1, 1]} : vector<2048x8xf32> to vector<2048x2xf32>
    %concatenate3A_55 = tpu.concatenate %slice3A_53, %slice3A_54 in 1 : vector<2048x6xf32>, vector<2048x2xf32> -> vector<2048x8xf32>
    %add3A_56 = arith.addf %add3A_52, %concatenate3A_55 : vector<2048x8xf32>
    %slice3A_57 = vector.extract_strided_slice %add3A_56 {offsets = [0, 1], sizes = [2048, 7], strides = [1, 1]} : vector<2048x8xf32> to vector<2048x7xf32>
    %slice3A_58 = vector.extract_strided_slice %add3A_56 {offsets = [0, 0], sizes = [2048, 1], strides = [1, 1]} : vector<2048x8xf32> to vector<2048x1xf32>
    %concatenate3A_59 = tpu.concatenate %slice3A_57, %slice3A_58 in 1 : vector<2048x7xf32>, vector<2048x1xf32> -> vector<2048x8xf32>
    %add3A_60 = arith.addf %add3A_56, %concatenate3A_59 : vector<2048x8xf32>
    %slice3A_61 = vector.extract_strided_slice %add3A_60 {offsets = [0, 0], sizes = [2048, 1], strides = [1, 1]} : vector<2048x8xf32> to vector<2048x1xf32>
    %reciprocal3A = tpu.reciprocal %slice3A_61 {approx = true} : vector<2048x1xf32> -> vector<2048x1xf32>
    %mul3A_62 = vector.broadcast %reciprocal3A : vector<2048x1xf32> to vector<2048x96xf32>
    %mul3A_63 = arith.mulf %exp3A, %mul3A_62 : vector<2048x96xf32>
    %reduce_max3A_64 = arith.constant dense<0xFF800000> : vector<2048xf32>
    %reduce_max3A_65 = vector.multi_reduction <maximumf>, %mul3A_63, %reduce_max3A_64 [1] : vector<2048x96xf32> to vector<2048xf32>
    %broadcast_in_dim3A_66 = vector.shape_cast %reduce_max3A_65 : vector<2048xf32> to vector<2048x1xf32>
    %eq3A = vector.broadcast %broadcast_in_dim3A_66 : vector<2048x1xf32> to vector<2048x96xf32>
    %eq3A_67 = arith.cmpf oeq, %mul3A_63, %eq3A : vector<2048x96xf32>
    %iota3A = tpu.iota {dimensions = array<i32: 1>} : vector<2048x96xi32>
    %jit3A = arith.constant 96 : i32
    %broadcast_in_dim3A_68 = vector.broadcast %jit3A : i32 to vector<2048x96xi32>
    %select_n3A = arith.select %eq3A_67, %iota3A, %broadcast_in_dim3A_68 : vector<2048x96xi1>, vector<2048x96xi32>
    %reduce_min3A = arith.constant dense<2147483647> : vector<2048xi32>
    %reduce_min3A_69 = vector.multi_reduction <minsi>, %select_n3A, %reduce_min3A [1] : vector<2048x96xi32> to vector<2048xi32>
    %broadcast_in_dim3A_70 = vector.shape_cast %reduce_min3A_69 : vector<2048xi32> to vector<2048x1xi32>
    %eq3A_71 = vector.broadcast %broadcast_in_dim3A_70 : vector<2048x1xi32> to vector<2048x96xi32>
    %eq3A_72 = arith.cmpi eq, %iota3A, %eq3A_71 : vector<2048x96xi32>
    %jit3A_73 = arith.constant 0xFF800000 : f32
    %broadcast_in_dim3A_74 = vector.broadcast %jit3A_73 : f32 to vector<2048x96xf32>
    %select_n3A_75 = arith.select %eq3A_72, %broadcast_in_dim3A_74, %mul3A_63 : vector<2048x96xi1>, vector<2048x96xf32>
    %reduce_max3A_76 = arith.constant dense<0xFF800000> : vector<2048xf32>
    %reduce_max3A_77 = vector.multi_reduction <maximumf>, %select_n3A_75, %reduce_max3A_76 [1] : vector<2048x96xf32> to vector<2048xf32>
    %sub3A_78 = arith.subf %reduce_max3A_77, %reduce_max3A_65 : vector<2048xf32>
    %reshape3A = vector.shape_cast %sub3A_78 : vector<2048xf32> to vector<8x256xf32>
    %swap3A = arith.constant 0 : index
    %swap3A_79 = arith.constant 0 : index
    %swap3A_80 = vector.load %arg3[%swap3A, %swap3A_79] : memref<8x256xf32, #tpu.memory_space<vmem>>, vector<8x256xf32>
    tpu.vector_store %arg3[%swap3A, %swap3A_79], %reshape3A {strides = array<i32>} : memref<8x256xf32, #tpu.memory_space<vmem>>, vector<8x256xf32>,
    return
  }
  func.func @transform_0(%arg0: i32) -> (i32, i32, i32) {
    %c0_i32 = arith.constant 0 : i32
    %c0_i32_0 = arith.constant 0 : i32
    %c0_i32_1 = arith.constant 0 : i32
    return %c0_i32, %arg0, %c0_i32_0 : i32, i32, i32
  }
  func.func @transform_1(%arg0: i32) -> (i32, i32) {
    %c0_i32 = arith.constant 0 : i32
    %c0_i32_0 = arith.constant 0 : i32
    return %arg0, %c0_i32 : i32, i32
  }
  func.func @transform_2(%arg0: i32) -> (i32, i32) {
    %c0_i32 = arith.constant 0 : i32
    %c0_i32_0 = arith.constant 0 : i32
    return %arg0, %c0_i32 : i32, i32
  }
}

module attributes {stable_mosaic.version = 14 : i64} {
  func.func @_sort_body(%arg0: i32, %arg1: memref<1x1024x128xf32, #tpu.memory_space<vmem>>, %arg2: memref<1x1024x128xf32, #tpu.memory_space<vmem>>, %arg3: memref<1x1024x128xf32, #tpu.memory_space<vmem>>, %arg4: memref<1x216x128xf32, #tpu.memory_space<vmem>>, %arg5: memref<1x216x128xf32, #tpu.memory_space<vmem>>) attributes {dimension_semantics = [#tpu.dimension_semantics<arbitrary>], iteration_bounds = array<i64: 2>, scalar_prefetch = 0 : i64, scratch_operands = 0 : i64, tpu.core_type = #tpu.core_type<tc>, window_params = [{transform_indices = @transform_0, window_bounds = array<i64: 1, 1024, 128>}, {transform_indices = @transform_1, window_bounds = array<i64: 1, 1024, 128>}, {transform_indices = @transform_2, window_bounds = array<i64: 1, 1024, 128>}, {transform_indices = @transform_3, window_bounds = array<i64: 1, 216, 128>}, {transform_indices = @transform_4, window_bounds = array<i64: 1, 216, 128>}]} {
    %get3A = arith.constant 0 : index
    %get3A_0 = arith.constant 0 : index
    %get3A_1 = arith.constant 0 : index
    %get3A_2 = vector.load %arg1[%get3A, %get3A_0, %get3A_1] : memref<1x1024x128xf32, #tpu.memory_space<vmem>>, vector<1x1024x128xf32>
    %get3A_3 = vector.shape_cast %get3A_2 : vector<1x1024x128xf32> to vector<1024x128xf32>
    %get3A_4 = arith.constant 0 : index
    %get3A_5 = arith.constant 0 : index
    %get3A_6 = arith.constant 0 : index
    %get3A_7 = vector.load %arg2[%get3A_4, %get3A_5, %get3A_6] : memref<1x1024x128xf32, #tpu.memory_space<vmem>>, vector<1x1024x128xf32>
    %get3A_8 = vector.shape_cast %get3A_7 : vector<1x1024x128xf32> to vector<1024x128xf32>
    %get3A_9 = arith.constant 0 : index
    %get3A_10 = arith.constant 0 : index
    %get3A_11 = arith.constant 0 : index
    %get3A_12 = vector.load %arg3[%get3A_9, %get3A_10, %get3A_11] : memref<1x1024x128xf32, #tpu.memory_space<vmem>>, vector<1x1024x128xf32>
    %get3A_13 = vector.shape_cast %get3A_12 : vector<1x1024x128xf32> to vector<1024x128xf32>
    %iota3A = tpu.iota {dimensions = array<i32: 0>} : vector<1024x128xi32>
    %iota3A_14 = tpu.iota {dimensions = array<i32: 1>} : vector<1024x128xi32>
    %mul3A = arith.constant 128 : i32
    %mul3A_15 = vector.broadcast %mul3A : i32 to vector<1024x128xi32>
    %mul3A_16 = arith.muli %iota3A, %mul3A_15 : vector<1024x128xi32>
    %add3A = arith.addi %mul3A_16, %iota3A_14 : vector<1024x128xi32>
    %transpose3A = tpu.transpose %get3A_3, [1, 0] : vector<1024x128xf32> -> vector<128x1024xf32>
    %transpose3A_17 = tpu.transpose %add3A, [1, 0] : vector<1024x128xi32> -> vector<128x1024xi32>
    %transpose3A_18 = tpu.transpose %get3A_8, [1, 0] : vector<1024x128xf32> -> vector<128x1024xf32>
    %transpose3A_19 = tpu.transpose %get3A_13, [1, 0] : vector<1024x128xf32> -> vector<128x1024xf32>
    %reshape3A = vector.shape_cast %transpose3A : vector<128x1024xf32> to vector<64x2x1x1024xf32>
    %reshape3A_20 = vector.shape_cast %transpose3A_17 : vector<128x1024xi32> to vector<64x2x1x1024xi32>
    %reshape3A_21 = vector.shape_cast %transpose3A_18 : vector<128x1024xf32> to vector<64x2x1x1024xf32>
    %reshape3A_22 = vector.shape_cast %transpose3A_19 : vector<128x1024xf32> to vector<64x2x1x1024xf32>
    %slice3A = vector.extract_strided_slice %reshape3A {offsets = [0, 0, 0, 0], sizes = [64, 1, 1, 1024], strides = [1, 1, 1, 1]} : vector<64x2x1x1024xf32> to vector<64x1x1x1024xf32>
    %squeeze3A = vector.shape_cast %slice3A : vector<64x1x1x1024xf32> to vector<64x1x1024xf32>
    %slice3A_23 = vector.extract_strided_slice %reshape3A_20 {offsets = [0, 0, 0, 0], sizes = [64, 1, 1, 1024], strides = [1, 1, 1, 1]} : vector<64x2x1x1024xi32> to vector<64x1x1x1024xi32>
    %squeeze3A_24 = vector.shape_cast %slice3A_23 : vector<64x1x1x1024xi32> to vector<64x1x1024xi32>
    %slice3A_25 = vector.extract_strided_slice %reshape3A_21 {offsets = [0, 0, 0, 0], sizes = [64, 1, 1, 1024], strides = [1, 1, 1, 1]} : vector<64x2x1x1024xf32> to vector<64x1x1x1024xf32>
    %squeeze3A_26 = vector.shape_cast %slice3A_25 : vector<64x1x1x1024xf32> to vector<64x1x1024xf32>
    %slice3A_27 = vector.extract_strided_slice %reshape3A_22 {offsets = [0, 0, 0, 0], sizes = [64, 1, 1, 1024], strides = [1, 1, 1, 1]} : vector<64x2x1x1024xf32> to vector<64x1x1x1024xf32>
    %squeeze3A_28 = vector.shape_cast %slice3A_27 : vector<64x1x1x1024xf32> to vector<64x1x1024xf32>
    %slice3A_29 = vector.extract_strided_slice %reshape3A {offsets = [0, 1, 0, 0], sizes = [64, 1, 1, 1024], strides = [1, 1, 1, 1]} : vector<64x2x1x1024xf32> to vector<64x1x1x1024xf32>
    %squeeze3A_30 = vector.shape_cast %slice3A_29 : vector<64x1x1x1024xf32> to vector<64x1x1024xf32>
    %slice3A_31 = vector.extract_strided_slice %reshape3A_20 {offsets = [0, 1, 0, 0], sizes = [64, 1, 1, 1024], strides = [1, 1, 1, 1]} : vector<64x2x1x1024xi32> to vector<64x1x1x1024xi32>
    %squeeze3A_32 = vector.shape_cast %slice3A_31 : vector<64x1x1x1024xi32> to vector<64x1x1024xi32>
    %slice3A_33 = vector.extract_strided_slice %reshape3A_21 {offsets = [0, 1, 0, 0], sizes = [64, 1, 1, 1024], strides = [1, 1, 1, 1]} : vector<64x2x1x1024xf32> to vector<64x1x1x1024xf32>
    %squeeze3A_34 = vector.shape_cast %slice3A_33 : vector<64x1x1x1024xf32> to vector<64x1x1024xf32>
    %slice3A_35 = vector.extract_strided_slice %reshape3A_22 {offsets = [0, 1, 0, 0], sizes = [64, 1, 1, 1024], strides = [1, 1, 1, 1]} : vector<64x2x1x1024xf32> to vector<64x1x1x1024xf32>
    %squeeze3A_36 = vector.shape_cast %slice3A_35 : vector<64x1x1x1024xf32> to vector<64x1x1024xf32>
    %iota3A_37 = tpu.iota {dimensions = array<i32: 0>} : vector<64x1x1xi32>
    %mul3A_38 = arith.constant 2 : i32
    %mul3A_39 = vector.broadcast %mul3A_38 : i32 to vector<64x1x1xi32>
    %mul3A_40 = arith.muli %iota3A_37, %mul3A_39 : vector<64x1x1xi32>
    %and3A = arith.constant 2 : i32
    %and3A_41 = vector.broadcast %and3A : i32 to vector<64x1x1xi32>
    %and3A_42 = arith.andi %mul3A_40, %and3A_41 : vector<64x1x1xi32>
    %eq3A = arith.constant 0 : i32
    %eq3A_43 = vector.broadcast %eq3A : i32 to vector<64x1x1xi32>
    %eq3A_44 = arith.cmpi eq, %and3A_42, %eq3A_43 : vector<64x1x1xi32>
    %gt3A = arith.cmpf ogt, %squeeze3A, %squeeze3A_30 : vector<64x1x1024xf32>
    %eq3A_45 = arith.cmpf oeq, %squeeze3A, %squeeze3A_30 : vector<64x1x1024xf32>
    %lt3A = arith.cmpi slt, %squeeze3A_24, %squeeze3A_32 : vector<64x1x1024xi32>
    %and3A_46 = arith.andi %eq3A_45, %lt3A : vector<64x1x1024xi1>
    %or3A = arith.ori %gt3A, %and3A_46 : vector<64x1x1024xi1>
    %xor3A = vector.broadcast %eq3A_44 : vector<64x1x1xi1> to vector<64x1x1024xi1>
    %xor3A_47 = arith.xori %or3A, %xor3A : vector<64x1x1024xi1>
    %select_n3A = arith.select %xor3A_47, %squeeze3A_30, %squeeze3A : vector<64x1x1024xi1>, vector<64x1x1024xf32>
    %select_n3A_48 = arith.select %xor3A_47, %squeeze3A, %squeeze3A_30 : vector<64x1x1024xi1>, vector<64x1x1024xf32>
    %select_n3A_49 = arith.select %xor3A_47, %squeeze3A_32, %squeeze3A_24 : vector<64x1x1024xi1>, vector<64x1x1024xi32>
    %select_n3A_50 = arith.select %xor3A_47, %squeeze3A_24, %squeeze3A_32 : vector<64x1x1024xi1>, vector<64x1x1024xi32>
    %select_n3A_51 = arith.select %xor3A_47, %squeeze3A_34, %squeeze3A_26 : vector<64x1x1024xi1>, vector<64x1x1024xf32>
    %select_n3A_52 = arith.select %xor3A_47, %squeeze3A_26, %squeeze3A_34 : vector<64x1x1024xi1>, vector<64x1x1024xf32>
    %select_n3A_53 = arith.select %xor3A_47, %squeeze3A_36, %squeeze3A_28 : vector<64x1x1024xi1>, vector<64x1x1024xf32>
    %select_n3A_54 = arith.select %xor3A_47, %squeeze3A_28, %squeeze3A_36 : vector<64x1x1024xi1>, vector<64x1x1024xf32>
    %stack3A = vector.shape_cast %select_n3A : vector<64x1x1024xf32> to vector<64x1x1x1024xf32>
    %stack3A_55 = vector.shape_cast %select_n3A_48 : vector<64x1x1024xf32> to vector<64x1x1x1024xf32>
    %stack3A_56 = tpu.concatenate %stack3A, %stack3A_55 in 1 : vector<64x1x1x1024xf32>, vector<64x1x1x1024xf32> -> vector<64x2x1x1024xf32>
    %reshape3A_57 = vector.shape_cast %stack3A_56 : vector<64x2x1x1024xf32> to vector<128x1024xf32>
    %stack3A_58 = vector.shape_cast %select_n3A_49 : vector<64x1x1024xi32> to vector<64x1x1x1024xi32>
    %stack3A_59 = vector.shape_cast %select_n3A_50 : vector<64x1x1024xi32> to vector<64x1x1x1024xi32>
    %stack3A_60 = tpu.concatenate %stack3A_58, %stack3A_59 in 1 : vector<64x1x1x1024xi32>, vector<64x1x1x1024xi32> -> vector<64x2x1x1024xi32>
    %reshape3A_61 = vector.shape_cast %stack3A_60 : vector<64x2x1x1024xi32> to vector<128x1024xi32>
    %stack3A_62 = vector.shape_cast %select_n3A_51 : vector<64x1x1024xf32> to vector<64x1x1x1024xf32>
    %stack3A_63 = vector.shape_cast %select_n3A_52 : vector<64x1x1024xf32> to vector<64x1x1x1024xf32>
    %stack3A_64 = tpu.concatenate %stack3A_62, %stack3A_63 in 1 : vector<64x1x1x1024xf32>, vector<64x1x1x1024xf32> -> vector<64x2x1x1024xf32>
    %reshape3A_65 = vector.shape_cast %stack3A_64 : vector<64x2x1x1024xf32> to vector<128x1024xf32>
    %stack3A_66 = vector.shape_cast %select_n3A_53 : vector<64x1x1024xf32> to vector<64x1x1x1024xf32>
    %stack3A_67 = vector.shape_cast %select_n3A_54 : vector<64x1x1024xf32> to vector<64x1x1x1024xf32>
    %stack3A_68 = tpu.concatenate %stack3A_66, %stack3A_67 in 1 : vector<64x1x1x1024xf32>, vector<64x1x1x1024xf32> -> vector<64x2x1x1024xf32>
    %reshape3A_69 = vector.shape_cast %stack3A_68 : vector<64x2x1x1024xf32> to vector<128x1024xf32>
    %reshape3A_70 = vector.shape_cast %reshape3A_57 : vector<128x1024xf32> to vector<32x2x2x1024xf32>
    %reshape3A_71 = vector.shape_cast %reshape3A_61 : vector<128x1024xi32> to vector<32x2x2x1024xi32>
    %reshape3A_72 = vector.shape_cast %reshape3A_65 : vector<128x1024xf32> to vector<32x2x2x1024xf32>
    %reshape3A_73 = vector.shape_cast %reshape3A_69 : vector<128x1024xf32> to vector<32x2x2x1024xf32>
    %slice3A_74 = vector.extract_strided_slice %reshape3A_70 {offsets = [0, 0, 0, 0], sizes = [32, 1, 2, 1024], strides = [1, 1, 1, 1]} : vector<32x2x2x1024xf32> to vector<32x1x2x1024xf32>
    %squeeze3A_75 = vector.shape_cast %slice3A_74 : vector<32x1x2x1024xf32> to vector<32x2x1024xf32>
    %slice3A_76 = vector.extract_strided_slice %reshape3A_71 {offsets = [0, 0, 0, 0], sizes = [32, 1, 2, 1024], strides = [1, 1, 1, 1]} : vector<32x2x2x1024xi32> to vector<32x1x2x1024xi32>
    %squeeze3A_77 = vector.shape_cast %slice3A_76 : vector<32x1x2x1024xi32> to vector<32x2x1024xi32>
    %slice3A_78 = vector.extract_strided_slice %reshape3A_72 {offsets = [0, 0, 0, 0], sizes = [32, 1, 2, 1024], strides = [1, 1, 1, 1]} : vector<32x2x2x1024xf32> to vector<32x1x2x1024xf32>
    %squeeze3A_79 = vector.shape_cast %slice3A_78 : vector<32x1x2x1024xf32> to vector<32x2x1024xf32>
    %slice3A_80 = vector.extract_strided_slice %reshape3A_73 {offsets = [0, 0, 0, 0], sizes = [32, 1, 2, 1024], strides = [1, 1, 1, 1]} : vector<32x2x2x1024xf32> to vector<32x1x2x1024xf32>
    %squeeze3A_81 = vector.shape_cast %slice3A_80 : vector<32x1x2x1024xf32> to vector<32x2x1024xf32>
    %slice3A_82 = vector.extract_strided_slice %reshape3A_70 {offsets = [0, 1, 0, 0], sizes = [32, 1, 2, 1024], strides = [1, 1, 1, 1]} : vector<32x2x2x1024xf32> to vector<32x1x2x1024xf32>
    %squeeze3A_83 = vector.shape_cast %slice3A_82 : vector<32x1x2x1024xf32> to vector<32x2x1024xf32>
    %slice3A_84 = vector.extract_strided_slice %reshape3A_71 {offsets = [0, 1, 0, 0], sizes = [32, 1, 2, 1024], strides = [1, 1, 1, 1]} : vector<32x2x2x1024xi32> to vector<32x1x2x1024xi32>
    %squeeze3A_85 = vector.shape_cast %slice3A_84 : vector<32x1x2x1024xi32> to vector<32x2x1024xi32>
    %slice3A_86 = vector.extract_strided_slice %reshape3A_72 {offsets = [0, 1, 0, 0], sizes = [32, 1, 2, 1024], strides = [1, 1, 1, 1]} : vector<32x2x2x1024xf32> to vector<32x1x2x1024xf32>
    %squeeze3A_87 = vector.shape_cast %slice3A_86 : vector<32x1x2x1024xf32> to vector<32x2x1024xf32>
    %slice3A_88 = vector.extract_strided_slice %reshape3A_73 {offsets = [0, 1, 0, 0], sizes = [32, 1, 2, 1024], strides = [1, 1, 1, 1]} : vector<32x2x2x1024xf32> to vector<32x1x2x1024xf32>
    %squeeze3A_89 = vector.shape_cast %slice3A_88 : vector<32x1x2x1024xf32> to vector<32x2x1024xf32>
    %iota3A_90 = tpu.iota {dimensions = array<i32: 0>} : vector<32x1x1xi32>
    %mul3A_91 = arith.constant 4 : i32
    %mul3A_92 = vector.broadcast %mul3A_91 : i32 to vector<32x1x1xi32>
    %mul3A_93 = arith.muli %iota3A_90, %mul3A_92 : vector<32x1x1xi32>
    %and3A_94 = arith.constant 4 : i32
    %and3A_95 = vector.broadcast %and3A_94 : i32 to vector<32x1x1xi32>
    %and3A_96 = arith.andi %mul3A_93, %and3A_95 : vector<32x1x1xi32>
    %eq3A_97 = arith.constant 0 : i32
    %eq3A_98 = vector.broadcast %eq3A_97 : i32 to vector<32x1x1xi32>
    %eq3A_99 = arith.cmpi eq, %and3A_96, %eq3A_98 : vector<32x1x1xi32>
    %gt3A_100 = arith.cmpf ogt, %squeeze3A_75, %squeeze3A_83 : vector<32x2x1024xf32>
    %eq3A_101 = arith.cmpf oeq, %squeeze3A_75, %squeeze3A_83 : vector<32x2x1024xf32>
    %lt3A_102 = arith.cmpi slt, %squeeze3A_77, %squeeze3A_85 : vector<32x2x1024xi32>
    %and3A_103 = arith.andi %eq3A_101, %lt3A_102 : vector<32x2x1024xi1>
    %or3A_104 = arith.ori %gt3A_100, %and3A_103 : vector<32x2x1024xi1>
    %xor3A_105 = vector.broadcast %eq3A_99 : vector<32x1x1xi1> to vector<32x2x1024xi1>
    %xor3A_106 = arith.xori %or3A_104, %xor3A_105 : vector<32x2x1024xi1>
    %select_n3A_107 = arith.select %xor3A_106, %squeeze3A_83, %squeeze3A_75 : vector<32x2x1024xi1>, vector<32x2x1024xf32>
    %select_n3A_108 = arith.select %xor3A_106, %squeeze3A_75, %squeeze3A_83 : vector<32x2x1024xi1>, vector<32x2x1024xf32>
    %select_n3A_109 = arith.select %xor3A_106, %squeeze3A_85, %squeeze3A_77 : vector<32x2x1024xi1>, vector<32x2x1024xi32>
    %select_n3A_110 = arith.select %xor3A_106, %squeeze3A_77, %squeeze3A_85 : vector<32x2x1024xi1>, vector<32x2x1024xi32>
    %select_n3A_111 = arith.select %xor3A_106, %squeeze3A_87, %squeeze3A_79 : vector<32x2x1024xi1>, vector<32x2x1024xf32>
    %select_n3A_112 = arith.select %xor3A_106, %squeeze3A_79, %squeeze3A_87 : vector<32x2x1024xi1>, vector<32x2x1024xf32>
    %select_n3A_113 = arith.select %xor3A_106, %squeeze3A_89, %squeeze3A_81 : vector<32x2x1024xi1>, vector<32x2x1024xf32>
    %select_n3A_114 = arith.select %xor3A_106, %squeeze3A_81, %squeeze3A_89 : vector<32x2x1024xi1>, vector<32x2x1024xf32>
    %stack3A_115 = vector.shape_cast %select_n3A_107 : vector<32x2x1024xf32> to vector<32x1x2x1024xf32>
    %stack3A_116 = vector.shape_cast %select_n3A_108 : vector<32x2x1024xf32> to vector<32x1x2x1024xf32>
    %stack3A_117 = tpu.concatenate %stack3A_115, %stack3A_116 in 1 : vector<32x1x2x1024xf32>, vector<32x1x2x1024xf32> -> vector<32x2x2x1024xf32>
    %reshape3A_118 = vector.shape_cast %stack3A_117 : vector<32x2x2x1024xf32> to vector<128x1024xf32>
    %stack3A_119 = vector.shape_cast %select_n3A_109 : vector<32x2x1024xi32> to vector<32x1x2x1024xi32>
    %stack3A_120 = vector.shape_cast %select_n3A_110 : vector<32x2x1024xi32> to vector<32x1x2x1024xi32>
    %stack3A_121 = tpu.concatenate %stack3A_119, %stack3A_120 in 1 : vector<32x1x2x1024xi32>, vector<32x1x2x1024xi32> -> vector<32x2x2x1024xi32>
    %reshape3A_122 = vector.shape_cast %stack3A_121 : vector<32x2x2x1024xi32> to vector<128x1024xi32>
    %stack3A_123 = vector.shape_cast %select_n3A_111 : vector<32x2x1024xf32> to vector<32x1x2x1024xf32>
    %stack3A_124 = vector.shape_cast %select_n3A_112 : vector<32x2x1024xf32> to vector<32x1x2x1024xf32>
    %stack3A_125 = tpu.concatenate %stack3A_123, %stack3A_124 in 1 : vector<32x1x2x1024xf32>, vector<32x1x2x1024xf32> -> vector<32x2x2x1024xf32>
    %reshape3A_126 = vector.shape_cast %stack3A_125 : vector<32x2x2x1024xf32> to vector<128x1024xf32>
    %stack3A_127 = vector.shape_cast %select_n3A_113 : vector<32x2x1024xf32> to vector<32x1x2x1024xf32>
    %stack3A_128 = vector.shape_cast %select_n3A_114 : vector<32x2x1024xf32> to vector<32x1x2x1024xf32>
    %stack3A_129 = tpu.concatenate %stack3A_127, %stack3A_128 in 1 : vector<32x1x2x1024xf32>, vector<32x1x2x1024xf32> -> vector<32x2x2x1024xf32>
    %reshape3A_130 = vector.shape_cast %stack3A_129 : vector<32x2x2x1024xf32> to vector<128x1024xf32>
    %reshape3A_131 = vector.shape_cast %reshape3A_118 : vector<128x1024xf32> to vector<64x2x1x1024xf32>
    %reshape3A_132 = vector.shape_cast %reshape3A_122 : vector<128x1024xi32> to vector<64x2x1x1024xi32>
    %reshape3A_133 = vector.shape_cast %reshape3A_126 : vector<128x1024xf32> to vector<64x2x1x1024xf32>
    %reshape3A_134 = vector.shape_cast %reshape3A_130 : vector<128x1024xf32> to vector<64x2x1x1024xf32>
    %slice3A_135 = vector.extract_strided_slice %reshape3A_131 {offsets = [0, 0, 0, 0], sizes = [64, 1, 1, 1024], strides = [1, 1, 1, 1]} : vector<64x2x1x1024xf32> to vector<64x1x1x1024xf32>
    %squeeze3A_136 = vector.shape_cast %slice3A_135 : vector<64x1x1x1024xf32> to vector<64x1x1024xf32>
    %slice3A_137 = vector.extract_strided_slice %reshape3A_132 {offsets = [0, 0, 0, 0], sizes = [64, 1, 1, 1024], strides = [1, 1, 1, 1]} : vector<64x2x1x1024xi32> to vector<64x1x1x1024xi32>
    %squeeze3A_138 = vector.shape_cast %slice3A_137 : vector<64x1x1x1024xi32> to vector<64x1x1024xi32>
    %slice3A_139 = vector.extract_strided_slice %reshape3A_133 {offsets = [0, 0, 0, 0], sizes = [64, 1, 1, 1024], strides = [1, 1, 1, 1]} : vector<64x2x1x1024xf32> to vector<64x1x1x1024xf32>
    %squeeze3A_140 = vector.shape_cast %slice3A_139 : vector<64x1x1x1024xf32> to vector<64x1x1024xf32>
    %slice3A_141 = vector.extract_strided_slice %reshape3A_134 {offsets = [0, 0, 0, 0], sizes = [64, 1, 1, 1024], strides = [1, 1, 1, 1]} : vector<64x2x1x1024xf32> to vector<64x1x1x1024xf32>
    %squeeze3A_142 = vector.shape_cast %slice3A_141 : vector<64x1x1x1024xf32> to vector<64x1x1024xf32>
    %slice3A_143 = vector.extract_strided_slice %reshape3A_131 {offsets = [0, 1, 0, 0], sizes = [64, 1, 1, 1024], strides = [1, 1, 1, 1]} : vector<64x2x1x1024xf32> to vector<64x1x1x1024xf32>
    %squeeze3A_144 = vector.shape_cast %slice3A_143 : vector<64x1x1x1024xf32> to vector<64x1x1024xf32>
    %slice3A_145 = vector.extract_strided_slice %reshape3A_132 {offsets = [0, 1, 0, 0], sizes = [64, 1, 1, 1024], strides = [1, 1, 1, 1]} : vector<64x2x1x1024xi32> to vector<64x1x1x1024xi32>
    %squeeze3A_146 = vector.shape_cast %slice3A_145 : vector<64x1x1x1024xi32> to vector<64x1x1024xi32>
    %slice3A_147 = vector.extract_strided_slice %reshape3A_133 {offsets = [0, 1, 0, 0], sizes = [64, 1, 1, 1024], strides = [1, 1, 1, 1]} : vector<64x2x1x1024xf32> to vector<64x1x1x1024xf32>
    %squeeze3A_148 = vector.shape_cast %slice3A_147 : vector<64x1x1x1024xf32> to vector<64x1x1024xf32>
    %slice3A_149 = vector.extract_strided_slice %reshape3A_134 {offsets = [0, 1, 0, 0], sizes = [64, 1, 1, 1024], strides = [1, 1, 1, 1]} : vector<64x2x1x1024xf32> to vector<64x1x1x1024xf32>
    %squeeze3A_150 = vector.shape_cast %slice3A_149 : vector<64x1x1x1024xf32> to vector<64x1x1024xf32>
    %iota3A_151 = tpu.iota {dimensions = array<i32: 0>} : vector<64x1x1xi32>
    %mul3A_152 = arith.constant 2 : i32
    %mul3A_153 = vector.broadcast %mul3A_152 : i32 to vector<64x1x1xi32>
    %mul3A_154 = arith.muli %iota3A_151, %mul3A_153 : vector<64x1x1xi32>
    %and3A_155 = arith.constant 4 : i32
    %and3A_156 = vector.broadcast %and3A_155 : i32 to vector<64x1x1xi32>
    %and3A_157 = arith.andi %mul3A_154, %and3A_156 : vector<64x1x1xi32>
    %eq3A_158 = arith.constant 0 : i32
    %eq3A_159 = vector.broadcast %eq3A_158 : i32 to vector<64x1x1xi32>
    %eq3A_160 = arith.cmpi eq, %and3A_157, %eq3A_159 : vector<64x1x1xi32>
    %gt3A_161 = arith.cmpf ogt, %squeeze3A_136, %squeeze3A_144 : vector<64x1x1024xf32>
    %eq3A_162 = arith.cmpf oeq, %squeeze3A_136, %squeeze3A_144 : vector<64x1x1024xf32>
    %lt3A_163 = arith.cmpi slt, %squeeze3A_138, %squeeze3A_146 : vector<64x1x1024xi32>
    %and3A_164 = arith.andi %eq3A_162, %lt3A_163 : vector<64x1x1024xi1>
    %or3A_165 = arith.ori %gt3A_161, %and3A_164 : vector<64x1x1024xi1>
    %xor3A_166 = vector.broadcast %eq3A_160 : vector<64x1x1xi1> to vector<64x1x1024xi1>
    %xor3A_167 = arith.xori %or3A_165, %xor3A_166 : vector<64x1x1024xi1>
    %select_n3A_168 = arith.select %xor3A_167, %squeeze3A_144, %squeeze3A_136 : vector<64x1x1024xi1>, vector<64x1x1024xf32>
    %select_n3A_169 = arith.select %xor3A_167, %squeeze3A_136, %squeeze3A_144 : vector<64x1x1024xi1>, vector<64x1x1024xf32>
    %select_n3A_170 = arith.select %xor3A_167, %squeeze3A_146, %squeeze3A_138 : vector<64x1x1024xi1>, vector<64x1x1024xi32>
    %select_n3A_171 = arith.select %xor3A_167, %squeeze3A_138, %squeeze3A_146 : vector<64x1x1024xi1>, vector<64x1x1024xi32>
    %select_n3A_172 = arith.select %xor3A_167, %squeeze3A_148, %squeeze3A_140 : vector<64x1x1024xi1>, vector<64x1x1024xf32>
    %select_n3A_173 = arith.select %xor3A_167, %squeeze3A_140, %squeeze3A_148 : vector<64x1x1024xi1>, vector<64x1x1024xf32>
    %select_n3A_174 = arith.select %xor3A_167, %squeeze3A_150, %squeeze3A_142 : vector<64x1x1024xi1>, vector<64x1x1024xf32>
    %select_n3A_175 = arith.select %xor3A_167, %squeeze3A_142, %squeeze3A_150 : vector<64x1x1024xi1>, vector<64x1x1024xf32>
    %stack3A_176 = vector.shape_cast %select_n3A_168 : vector<64x1x1024xf32> to vector<64x1x1x1024xf32>
    %stack3A_177 = vector.shape_cast %select_n3A_169 : vector<64x1x1024xf32> to vector<64x1x1x1024xf32>
    %stack3A_178 = tpu.concatenate %stack3A_176, %stack3A_177 in 1 : vector<64x1x1x1024xf32>, vector<64x1x1x1024xf32> -> vector<64x2x1x1024xf32>
    %reshape3A_179 = vector.shape_cast %stack3A_178 : vector<64x2x1x1024xf32> to vector<128x1024xf32>
    %stack3A_180 = vector.shape_cast %select_n3A_170 : vector<64x1x1024xi32> to vector<64x1x1x1024xi32>
    %stack3A_181 = vector.shape_cast %select_n3A_171 : vector<64x1x1024xi32> to vector<64x1x1x1024xi32>
    %stack3A_182 = tpu.concatenate %stack3A_180, %stack3A_181 in 1 : vector<64x1x1x1024xi32>, vector<64x1x1x1024xi32> -> vector<64x2x1x1024xi32>
    %reshape3A_183 = vector.shape_cast %stack3A_182 : vector<64x2x1x1024xi32> to vector<128x1024xi32>
    %stack3A_184 = vector.shape_cast %select_n3A_172 : vector<64x1x1024xf32> to vector<64x1x1x1024xf32>
    %stack3A_185 = vector.shape_cast %select_n3A_173 : vector<64x1x1024xf32> to vector<64x1x1x1024xf32>
    %stack3A_186 = tpu.concatenate %stack3A_184, %stack3A_185 in 1 : vector<64x1x1x1024xf32>, vector<64x1x1x1024xf32> -> vector<64x2x1x1024xf32>
    %reshape3A_187 = vector.shape_cast %stack3A_186 : vector<64x2x1x1024xf32> to vector<128x1024xf32>
    %stack3A_188 = vector.shape_cast %select_n3A_174 : vector<64x1x1024xf32> to vector<64x1x1x1024xf32>
    %stack3A_189 = vector.shape_cast %select_n3A_175 : vector<64x1x1024xf32> to vector<64x1x1x1024xf32>
    %stack3A_190 = tpu.concatenate %stack3A_188, %stack3A_189 in 1 : vector<64x1x1x1024xf32>, vector<64x1x1x1024xf32> -> vector<64x2x1x1024xf32>
    %reshape3A_191 = vector.shape_cast %stack3A_190 : vector<64x2x1x1024xf32> to vector<128x1024xf32>
    %reshape3A_192 = vector.shape_cast %reshape3A_179 : vector<128x1024xf32> to vector<16x2x4x1024xf32>
    %reshape3A_193 = vector.shape_cast %reshape3A_183 : vector<128x1024xi32> to vector<16x2x4x1024xi32>
    %reshape3A_194 = vector.shape_cast %reshape3A_187 : vector<128x1024xf32> to vector<16x2x4x1024xf32>
    %reshape3A_195 = vector.shape_cast %reshape3A_191 : vector<128x1024xf32> to vector<16x2x4x1024xf32>
    %slice3A_196 = vector.extract_strided_slice %reshape3A_192 {offsets = [0, 0, 0, 0], sizes = [16, 1, 4, 1024], strides = [1, 1, 1, 1]} : vector<16x2x4x1024xf32> to vector<16x1x4x1024xf32>
    %squeeze3A_197 = vector.shape_cast %slice3A_196 : vector<16x1x4x1024xf32> to vector<16x4x1024xf32>
    %slice3A_198 = vector.extract_strided_slice %reshape3A_193 {offsets = [0, 0, 0, 0], sizes = [16, 1, 4, 1024], strides = [1, 1, 1, 1]} : vector<16x2x4x1024xi32> to vector<16x1x4x1024xi32>
    %squeeze3A_199 = vector.shape_cast %slice3A_198 : vector<16x1x4x1024xi32> to vector<16x4x1024xi32>
    %slice3A_200 = vector.extract_strided_slice %reshape3A_194 {offsets = [0, 0, 0, 0], sizes = [16, 1, 4, 1024], strides = [1, 1, 1, 1]} : vector<16x2x4x1024xf32> to vector<16x1x4x1024xf32>
    %squeeze3A_201 = vector.shape_cast %slice3A_200 : vector<16x1x4x1024xf32> to vector<16x4x1024xf32>
    %slice3A_202 = vector.extract_strided_slice %reshape3A_195 {offsets = [0, 0, 0, 0], sizes = [16, 1, 4, 1024], strides = [1, 1, 1, 1]} : vector<16x2x4x1024xf32> to vector<16x1x4x1024xf32>
    %squeeze3A_203 = vector.shape_cast %slice3A_202 : vector<16x1x4x1024xf32> to vector<16x4x1024xf32>
    %slice3A_204 = vector.extract_strided_slice %reshape3A_192 {offsets = [0, 1, 0, 0], sizes = [16, 1, 4, 1024], strides = [1, 1, 1, 1]} : vector<16x2x4x1024xf32> to vector<16x1x4x1024xf32>
    %squeeze3A_205 = vector.shape_cast %slice3A_204 : vector<16x1x4x1024xf32> to vector<16x4x1024xf32>
    %slice3A_206 = vector.extract_strided_slice %reshape3A_193 {offsets = [0, 1, 0, 0], sizes = [16, 1, 4, 1024], strides = [1, 1, 1, 1]} : vector<16x2x4x1024xi32> to vector<16x1x4x1024xi32>
    %squeeze3A_207 = vector.shape_cast %slice3A_206 : vector<16x1x4x1024xi32> to vector<16x4x1024xi32>
    %slice3A_208 = vector.extract_strided_slice %reshape3A_194 {offsets = [0, 1, 0, 0], sizes = [16, 1, 4, 1024], strides = [1, 1, 1, 1]} : vector<16x2x4x1024xf32> to vector<16x1x4x1024xf32>
    %squeeze3A_209 = vector.shape_cast %slice3A_208 : vector<16x1x4x1024xf32> to vector<16x4x1024xf32>
    %slice3A_210 = vector.extract_strided_slice %reshape3A_195 {offsets = [0, 1, 0, 0], sizes = [16, 1, 4, 1024], strides = [1, 1, 1, 1]} : vector<16x2x4x1024xf32> to vector<16x1x4x1024xf32>
    %squeeze3A_211 = vector.shape_cast %slice3A_210 : vector<16x1x4x1024xf32> to vector<16x4x1024xf32>
    %iota3A_212 = tpu.iota {dimensions = array<i32: 0>} : vector<16x1x1xi32>
    %mul3A_213 = arith.constant 8 : i32
    %mul3A_214 = vector.broadcast %mul3A_213 : i32 to vector<16x1x1xi32>
    %mul3A_215 = arith.muli %iota3A_212, %mul3A_214 : vector<16x1x1xi32>
    %and3A_216 = arith.constant 8 : i32
    %and3A_217 = vector.broadcast %and3A_216 : i32 to vector<16x1x1xi32>
    %and3A_218 = arith.andi %mul3A_215, %and3A_217 : vector<16x1x1xi32>
    %eq3A_219 = arith.constant 0 : i32
    %eq3A_220 = vector.broadcast %eq3A_219 : i32 to vector<16x1x1xi32>
    %eq3A_221 = arith.cmpi eq, %and3A_218, %eq3A_220 : vector<16x1x1xi32>
    %gt3A_222 = arith.cmpf ogt, %squeeze3A_197, %squeeze3A_205 : vector<16x4x1024xf32>
    %eq3A_223 = arith.cmpf oeq, %squeeze3A_197, %squeeze3A_205 : vector<16x4x1024xf32>
    %lt3A_224 = arith.cmpi slt, %squeeze3A_199, %squeeze3A_207 : vector<16x4x1024xi32>
    %and3A_225 = arith.andi %eq3A_223, %lt3A_224 : vector<16x4x1024xi1>
    %or3A_226 = arith.ori %gt3A_222, %and3A_225 : vector<16x4x1024xi1>
    %xor3A_227 = vector.broadcast %eq3A_221 : vector<16x1x1xi1> to vector<16x4x1024xi1>
    %xor3A_228 = arith.xori %or3A_226, %xor3A_227 : vector<16x4x1024xi1>
    %select_n3A_229 = arith.select %xor3A_228, %squeeze3A_205, %squeeze3A_197 : vector<16x4x1024xi1>, vector<16x4x1024xf32>
    %select_n3A_230 = arith.select %xor3A_228, %squeeze3A_197, %squeeze3A_205 : vector<16x4x1024xi1>, vector<16x4x1024xf32>
    %select_n3A_231 = arith.select %xor3A_228, %squeeze3A_207, %squeeze3A_199 : vector<16x4x1024xi1>, vector<16x4x1024xi32>
    %select_n3A_232 = arith.select %xor3A_228, %squeeze3A_199, %squeeze3A_207 : vector<16x4x1024xi1>, vector<16x4x1024xi32>
    %select_n3A_233 = arith.select %xor3A_228, %squeeze3A_209, %squeeze3A_201 : vector<16x4x1024xi1>, vector<16x4x1024xf32>
    %select_n3A_234 = arith.select %xor3A_228, %squeeze3A_201, %squeeze3A_209 : vector<16x4x1024xi1>, vector<16x4x1024xf32>
    %select_n3A_235 = arith.select %xor3A_228, %squeeze3A_211, %squeeze3A_203 : vector<16x4x1024xi1>, vector<16x4x1024xf32>
    %select_n3A_236 = arith.select %xor3A_228, %squeeze3A_203, %squeeze3A_211 : vector<16x4x1024xi1>, vector<16x4x1024xf32>
    %stack3A_237 = vector.shape_cast %select_n3A_229 : vector<16x4x1024xf32> to vector<16x1x4x1024xf32>
    %stack3A_238 = vector.shape_cast %select_n3A_230 : vector<16x4x1024xf32> to vector<16x1x4x1024xf32>
    %stack3A_239 = tpu.concatenate %stack3A_237, %stack3A_238 in 1 : vector<16x1x4x1024xf32>, vector<16x1x4x1024xf32> -> vector<16x2x4x1024xf32>
    %reshape3A_240 = vector.shape_cast %stack3A_239 : vector<16x2x4x1024xf32> to vector<128x1024xf32>
    %stack3A_241 = vector.shape_cast %select_n3A_231 : vector<16x4x1024xi32> to vector<16x1x4x1024xi32>
    %stack3A_242 = vector.shape_cast %select_n3A_232 : vector<16x4x1024xi32> to vector<16x1x4x1024xi32>
    %stack3A_243 = tpu.concatenate %stack3A_241, %stack3A_242 in 1 : vector<16x1x4x1024xi32>, vector<16x1x4x1024xi32> -> vector<16x2x4x1024xi32>
    %reshape3A_244 = vector.shape_cast %stack3A_243 : vector<16x2x4x1024xi32> to vector<128x1024xi32>
    %stack3A_245 = vector.shape_cast %select_n3A_233 : vector<16x4x1024xf32> to vector<16x1x4x1024xf32>
    %stack3A_246 = vector.shape_cast %select_n3A_234 : vector<16x4x1024xf32> to vector<16x1x4x1024xf32>
    %stack3A_247 = tpu.concatenate %stack3A_245, %stack3A_246 in 1 : vector<16x1x4x1024xf32>, vector<16x1x4x1024xf32> -> vector<16x2x4x1024xf32>
    %reshape3A_248 = vector.shape_cast %stack3A_247 : vector<16x2x4x1024xf32> to vector<128x1024xf32>
    %stack3A_249 = vector.shape_cast %select_n3A_235 : vector<16x4x1024xf32> to vector<16x1x4x1024xf32>
    %stack3A_250 = vector.shape_cast %select_n3A_236 : vector<16x4x1024xf32> to vector<16x1x4x1024xf32>
    %stack3A_251 = tpu.concatenate %stack3A_249, %stack3A_250 in 1 : vector<16x1x4x1024xf32>, vector<16x1x4x1024xf32> -> vector<16x2x4x1024xf32>
    %reshape3A_252 = vector.shape_cast %stack3A_251 : vector<16x2x4x1024xf32> to vector<128x1024xf32>
    %reshape3A_253 = vector.shape_cast %reshape3A_240 : vector<128x1024xf32> to vector<32x2x2x1024xf32>
    %reshape3A_254 = vector.shape_cast %reshape3A_244 : vector<128x1024xi32> to vector<32x2x2x1024xi32>
    %reshape3A_255 = vector.shape_cast %reshape3A_248 : vector<128x1024xf32> to vector<32x2x2x1024xf32>
    %reshape3A_256 = vector.shape_cast %reshape3A_252 : vector<128x1024xf32> to vector<32x2x2x1024xf32>
    %slice3A_257 = vector.extract_strided_slice %reshape3A_253 {offsets = [0, 0, 0, 0], sizes = [32, 1, 2, 1024], strides = [1, 1, 1, 1]} : vector<32x2x2x1024xf32> to vector<32x1x2x1024xf32>
    %squeeze3A_258 = vector.shape_cast %slice3A_257 : vector<32x1x2x1024xf32> to vector<32x2x1024xf32>
    %slice3A_259 = vector.extract_strided_slice %reshape3A_254 {offsets = [0, 0, 0, 0], sizes = [32, 1, 2, 1024], strides = [1, 1, 1, 1]} : vector<32x2x2x1024xi32> to vector<32x1x2x1024xi32>
    %squeeze3A_260 = vector.shape_cast %slice3A_259 : vector<32x1x2x1024xi32> to vector<32x2x1024xi32>
    %slice3A_261 = vector.extract_strided_slice %reshape3A_255 {offsets = [0, 0, 0, 0], sizes = [32, 1, 2, 1024], strides = [1, 1, 1, 1]} : vector<32x2x2x1024xf32> to vector<32x1x2x1024xf32>
    %squeeze3A_262 = vector.shape_cast %slice3A_261 : vector<32x1x2x1024xf32> to vector<32x2x1024xf32>
    %slice3A_263 = vector.extract_strided_slice %reshape3A_256 {offsets = [0, 0, 0, 0], sizes = [32, 1, 2, 1024], strides = [1, 1, 1, 1]} : vector<32x2x2x1024xf32> to vector<32x1x2x1024xf32>
    %squeeze3A_264 = vector.shape_cast %slice3A_263 : vector<32x1x2x1024xf32> to vector<32x2x1024xf32>
    %slice3A_265 = vector.extract_strided_slice %reshape3A_253 {offsets = [0, 1, 0, 0], sizes = [32, 1, 2, 1024], strides = [1, 1, 1, 1]} : vector<32x2x2x1024xf32> to vector<32x1x2x1024xf32>
    %squeeze3A_266 = vector.shape_cast %slice3A_265 : vector<32x1x2x1024xf32> to vector<32x2x1024xf32>
    %slice3A_267 = vector.extract_strided_slice %reshape3A_254 {offsets = [0, 1, 0, 0], sizes = [32, 1, 2, 1024], strides = [1, 1, 1, 1]} : vector<32x2x2x1024xi32> to vector<32x1x2x1024xi32>
    %squeeze3A_268 = vector.shape_cast %slice3A_267 : vector<32x1x2x1024xi32> to vector<32x2x1024xi32>
    %slice3A_269 = vector.extract_strided_slice %reshape3A_255 {offsets = [0, 1, 0, 0], sizes = [32, 1, 2, 1024], strides = [1, 1, 1, 1]} : vector<32x2x2x1024xf32> to vector<32x1x2x1024xf32>
    %squeeze3A_270 = vector.shape_cast %slice3A_269 : vector<32x1x2x1024xf32> to vector<32x2x1024xf32>
    %slice3A_271 = vector.extract_strided_slice %reshape3A_256 {offsets = [0, 1, 0, 0], sizes = [32, 1, 2, 1024], strides = [1, 1, 1, 1]} : vector<32x2x2x1024xf32> to vector<32x1x2x1024xf32>
    %squeeze3A_272 = vector.shape_cast %slice3A_271 : vector<32x1x2x1024xf32> to vector<32x2x1024xf32>
    %iota3A_273 = tpu.iota {dimensions = array<i32: 0>} : vector<32x1x1xi32>
    %mul3A_274 = arith.constant 4 : i32
    %mul3A_275 = vector.broadcast %mul3A_274 : i32 to vector<32x1x1xi32>
    %mul3A_276 = arith.muli %iota3A_273, %mul3A_275 : vector<32x1x1xi32>
    %and3A_277 = arith.constant 8 : i32
    %and3A_278 = vector.broadcast %and3A_277 : i32 to vector<32x1x1xi32>
    %and3A_279 = arith.andi %mul3A_276, %and3A_278 : vector<32x1x1xi32>
    %eq3A_280 = arith.constant 0 : i32
    %eq3A_281 = vector.broadcast %eq3A_280 : i32 to vector<32x1x1xi32>
    %eq3A_282 = arith.cmpi eq, %and3A_279, %eq3A_281 : vector<32x1x1xi32>
    %gt3A_283 = arith.cmpf ogt, %squeeze3A_258, %squeeze3A_266 : vector<32x2x1024xf32>
    %eq3A_284 = arith.cmpf oeq, %squeeze3A_258, %squeeze3A_266 : vector<32x2x1024xf32>
    %lt3A_285 = arith.cmpi slt, %squeeze3A_260, %squeeze3A_268 : vector<32x2x1024xi32>
    %and3A_286 = arith.andi %eq3A_284, %lt3A_285 : vector<32x2x1024xi1>
    %or3A_287 = arith.ori %gt3A_283, %and3A_286 : vector<32x2x1024xi1>
    %xor3A_288 = vector.broadcast %eq3A_282 : vector<32x1x1xi1> to vector<32x2x1024xi1>
    %xor3A_289 = arith.xori %or3A_287, %xor3A_288 : vector<32x2x1024xi1>
    %select_n3A_290 = arith.select %xor3A_289, %squeeze3A_266, %squeeze3A_258 : vector<32x2x1024xi1>, vector<32x2x1024xf32>
    %select_n3A_291 = arith.select %xor3A_289, %squeeze3A_258, %squeeze3A_266 : vector<32x2x1024xi1>, vector<32x2x1024xf32>
    %select_n3A_292 = arith.select %xor3A_289, %squeeze3A_268, %squeeze3A_260 : vector<32x2x1024xi1>, vector<32x2x1024xi32>
    %select_n3A_293 = arith.select %xor3A_289, %squeeze3A_260, %squeeze3A_268 : vector<32x2x1024xi1>, vector<32x2x1024xi32>
    %select_n3A_294 = arith.select %xor3A_289, %squeeze3A_270, %squeeze3A_262 : vector<32x2x1024xi1>, vector<32x2x1024xf32>
    %select_n3A_295 = arith.select %xor3A_289, %squeeze3A_262, %squeeze3A_270 : vector<32x2x1024xi1>, vector<32x2x1024xf32>
    %select_n3A_296 = arith.select %xor3A_289, %squeeze3A_272, %squeeze3A_264 : vector<32x2x1024xi1>, vector<32x2x1024xf32>
    %select_n3A_297 = arith.select %xor3A_289, %squeeze3A_264, %squeeze3A_272 : vector<32x2x1024xi1>, vector<32x2x1024xf32>
    %stack3A_298 = vector.shape_cast %select_n3A_290 : vector<32x2x1024xf32> to vector<32x1x2x1024xf32>
    %stack3A_299 = vector.shape_cast %select_n3A_291 : vector<32x2x1024xf32> to vector<32x1x2x1024xf32>
    %stack3A_300 = tpu.concatenate %stack3A_298, %stack3A_299 in 1 : vector<32x1x2x1024xf32>, vector<32x1x2x1024xf32> -> vector<32x2x2x1024xf32>
    %reshape3A_301 = vector.shape_cast %stack3A_300 : vector<32x2x2x1024xf32> to vector<128x1024xf32>
    %stack3A_302 = vector.shape_cast %select_n3A_292 : vector<32x2x1024xi32> to vector<32x1x2x1024xi32>
    %stack3A_303 = vector.shape_cast %select_n3A_293 : vector<32x2x1024xi32> to vector<32x1x2x1024xi32>
    %stack3A_304 = tpu.concatenate %stack3A_302, %stack3A_303 in 1 : vector<32x1x2x1024xi32>, vector<32x1x2x1024xi32> -> vector<32x2x2x1024xi32>
    %reshape3A_305 = vector.shape_cast %stack3A_304 : vector<32x2x2x1024xi32> to vector<128x1024xi32>
    %stack3A_306 = vector.shape_cast %select_n3A_294 : vector<32x2x1024xf32> to vector<32x1x2x1024xf32>
    %stack3A_307 = vector.shape_cast %select_n3A_295 : vector<32x2x1024xf32> to vector<32x1x2x1024xf32>
    %stack3A_308 = tpu.concatenate %stack3A_306, %stack3A_307 in 1 : vector<32x1x2x1024xf32>, vector<32x1x2x1024xf32> -> vector<32x2x2x1024xf32>
    %reshape3A_309 = vector.shape_cast %stack3A_308 : vector<32x2x2x1024xf32> to vector<128x1024xf32>
    %stack3A_310 = vector.shape_cast %select_n3A_296 : vector<32x2x1024xf32> to vector<32x1x2x1024xf32>
    %stack3A_311 = vector.shape_cast %select_n3A_297 : vector<32x2x1024xf32> to vector<32x1x2x1024xf32>
    %stack3A_312 = tpu.concatenate %stack3A_310, %stack3A_311 in 1 : vector<32x1x2x1024xf32>, vector<32x1x2x1024xf32> -> vector<32x2x2x1024xf32>
    %reshape3A_313 = vector.shape_cast %stack3A_312 : vector<32x2x2x1024xf32> to vector<128x1024xf32>
    %reshape3A_314 = vector.shape_cast %reshape3A_301 : vector<128x1024xf32> to vector<64x2x1x1024xf32>
    %reshape3A_315 = vector.shape_cast %reshape3A_305 : vector<128x1024xi32> to vector<64x2x1x1024xi32>
    %reshape3A_316 = vector.shape_cast %reshape3A_309 : vector<128x1024xf32> to vector<64x2x1x1024xf32>
    %reshape3A_317 = vector.shape_cast %reshape3A_313 : vector<128x1024xf32> to vector<64x2x1x1024xf32>
    %slice3A_318 = vector.extract_strided_slice %reshape3A_314 {offsets = [0, 0, 0, 0], sizes = [64, 1, 1, 1024], strides = [1, 1, 1, 1]} : vector<64x2x1x1024xf32> to vector<64x1x1x1024xf32>
    %squeeze3A_319 = vector.shape_cast %slice3A_318 : vector<64x1x1x1024xf32> to vector<64x1x1024xf32>
    %slice3A_320 = vector.extract_strided_slice %reshape3A_315 {offsets = [0, 0, 0, 0], sizes = [64, 1, 1, 1024], strides = [1, 1, 1, 1]} : vector<64x2x1x1024xi32> to vector<64x1x1x1024xi32>
    %squeeze3A_321 = vector.shape_cast %slice3A_320 : vector<64x1x1x1024xi32> to vector<64x1x1024xi32>
    %slice3A_322 = vector.extract_strided_slice %reshape3A_316 {offsets = [0, 0, 0, 0], sizes = [64, 1, 1, 1024], strides = [1, 1, 1, 1]} : vector<64x2x1x1024xf32> to vector<64x1x1x1024xf32>
    %squeeze3A_323 = vector.shape_cast %slice3A_322 : vector<64x1x1x1024xf32> to vector<64x1x1024xf32>
    %slice3A_324 = vector.extract_strided_slice %reshape3A_317 {offsets = [0, 0, 0, 0], sizes = [64, 1, 1, 1024], strides = [1, 1, 1, 1]} : vector<64x2x1x1024xf32> to vector<64x1x1x1024xf32>
    %squeeze3A_325 = vector.shape_cast %slice3A_324 : vector<64x1x1x1024xf32> to vector<64x1x1024xf32>
    %slice3A_326 = vector.extract_strided_slice %reshape3A_314 {offsets = [0, 1, 0, 0], sizes = [64, 1, 1, 1024], strides = [1, 1, 1, 1]} : vector<64x2x1x1024xf32> to vector<64x1x1x1024xf32>
    %squeeze3A_327 = vector.shape_cast %slice3A_326 : vector<64x1x1x1024xf32> to vector<64x1x1024xf32>
    %slice3A_328 = vector.extract_strided_slice %reshape3A_315 {offsets = [0, 1, 0, 0], sizes = [64, 1, 1, 1024], strides = [1, 1, 1, 1]} : vector<64x2x1x1024xi32> to vector<64x1x1x1024xi32>
    %squeeze3A_329 = vector.shape_cast %slice3A_328 : vector<64x1x1x1024xi32> to vector<64x1x1024xi32>
    %slice3A_330 = vector.extract_strided_slice %reshape3A_316 {offsets = [0, 1, 0, 0], sizes = [64, 1, 1, 1024], strides = [1, 1, 1, 1]} : vector<64x2x1x1024xf32> to vector<64x1x1x1024xf32>
    %squeeze3A_331 = vector.shape_cast %slice3A_330 : vector<64x1x1x1024xf32> to vector<64x1x1024xf32>
    %slice3A_332 = vector.extract_strided_slice %reshape3A_317 {offsets = [0, 1, 0, 0], sizes = [64, 1, 1, 1024], strides = [1, 1, 1, 1]} : vector<64x2x1x1024xf32> to vector<64x1x1x1024xf32>
    %squeeze3A_333 = vector.shape_cast %slice3A_332 : vector<64x1x1x1024xf32> to vector<64x1x1024xf32>
    %iota3A_334 = tpu.iota {dimensions = array<i32: 0>} : vector<64x1x1xi32>
    %mul3A_335 = arith.constant 2 : i32
    %mul3A_336 = vector.broadcast %mul3A_335 : i32 to vector<64x1x1xi32>
    %mul3A_337 = arith.muli %iota3A_334, %mul3A_336 : vector<64x1x1xi32>
    %and3A_338 = arith.constant 8 : i32
    %and3A_339 = vector.broadcast %and3A_338 : i32 to vector<64x1x1xi32>
    %and3A_340 = arith.andi %mul3A_337, %and3A_339 : vector<64x1x1xi32>
    %eq3A_341 = arith.constant 0 : i32
    %eq3A_342 = vector.broadcast %eq3A_341 : i32 to vector<64x1x1xi32>
    %eq3A_343 = arith.cmpi eq, %and3A_340, %eq3A_342 : vector<64x1x1xi32>
    %gt3A_344 = arith.cmpf ogt, %squeeze3A_319, %squeeze3A_327 : vector<64x1x1024xf32>
    %eq3A_345 = arith.cmpf oeq, %squeeze3A_319, %squeeze3A_327 : vector<64x1x1024xf32>
    %lt3A_346 = arith.cmpi slt, %squeeze3A_321, %squeeze3A_329 : vector<64x1x1024xi32>
    %and3A_347 = arith.andi %eq3A_345, %lt3A_346 : vector<64x1x1024xi1>
    %or3A_348 = arith.ori %gt3A_344, %and3A_347 : vector<64x1x1024xi1>
    %xor3A_349 = vector.broadcast %eq3A_343 : vector<64x1x1xi1> to vector<64x1x1024xi1>
    %xor3A_350 = arith.xori %or3A_348, %xor3A_349 : vector<64x1x1024xi1>
    %select_n3A_351 = arith.select %xor3A_350, %squeeze3A_327, %squeeze3A_319 : vector<64x1x1024xi1>, vector<64x1x1024xf32>
    %select_n3A_352 = arith.select %xor3A_350, %squeeze3A_319, %squeeze3A_327 : vector<64x1x1024xi1>, vector<64x1x1024xf32>
    %select_n3A_353 = arith.select %xor3A_350, %squeeze3A_329, %squeeze3A_321 : vector<64x1x1024xi1>, vector<64x1x1024xi32>
    %select_n3A_354 = arith.select %xor3A_350, %squeeze3A_321, %squeeze3A_329 : vector<64x1x1024xi1>, vector<64x1x1024xi32>
    %select_n3A_355 = arith.select %xor3A_350, %squeeze3A_331, %squeeze3A_323 : vector<64x1x1024xi1>, vector<64x1x1024xf32>
    %select_n3A_356 = arith.select %xor3A_350, %squeeze3A_323, %squeeze3A_331 : vector<64x1x1024xi1>, vector<64x1x1024xf32>
    %select_n3A_357 = arith.select %xor3A_350, %squeeze3A_333, %squeeze3A_325 : vector<64x1x1024xi1>, vector<64x1x1024xf32>
    %select_n3A_358 = arith.select %xor3A_350, %squeeze3A_325, %squeeze3A_333 : vector<64x1x1024xi1>, vector<64x1x1024xf32>
    %stack3A_359 = vector.shape_cast %select_n3A_351 : vector<64x1x1024xf32> to vector<64x1x1x1024xf32>
    %stack3A_360 = vector.shape_cast %select_n3A_352 : vector<64x1x1024xf32> to vector<64x1x1x1024xf32>
    %stack3A_361 = tpu.concatenate %stack3A_359, %stack3A_360 in 1 : vector<64x1x1x1024xf32>, vector<64x1x1x1024xf32> -> vector<64x2x1x1024xf32>
    %reshape3A_362 = vector.shape_cast %stack3A_361 : vector<64x2x1x1024xf32> to vector<128x1024xf32>
    %stack3A_363 = vector.shape_cast %select_n3A_353 : vector<64x1x1024xi32> to vector<64x1x1x1024xi32>
    %stack3A_364 = vector.shape_cast %select_n3A_354 : vector<64x1x1024xi32> to vector<64x1x1x1024xi32>
    %stack3A_365 = tpu.concatenate %stack3A_363, %stack3A_364 in 1 : vector<64x1x1x1024xi32>, vector<64x1x1x1024xi32> -> vector<64x2x1x1024xi32>
    %reshape3A_366 = vector.shape_cast %stack3A_365 : vector<64x2x1x1024xi32> to vector<128x1024xi32>
    %stack3A_367 = vector.shape_cast %select_n3A_355 : vector<64x1x1024xf32> to vector<64x1x1x1024xf32>
    %stack3A_368 = vector.shape_cast %select_n3A_356 : vector<64x1x1024xf32> to vector<64x1x1x1024xf32>
    %stack3A_369 = tpu.concatenate %stack3A_367, %stack3A_368 in 1 : vector<64x1x1x1024xf32>, vector<64x1x1x1024xf32> -> vector<64x2x1x1024xf32>
    %reshape3A_370 = vector.shape_cast %stack3A_369 : vector<64x2x1x1024xf32> to vector<128x1024xf32>
    %stack3A_371 = vector.shape_cast %select_n3A_357 : vector<64x1x1024xf32> to vector<64x1x1x1024xf32>
    %stack3A_372 = vector.shape_cast %select_n3A_358 : vector<64x1x1024xf32> to vector<64x1x1x1024xf32>
    %stack3A_373 = tpu.concatenate %stack3A_371, %stack3A_372 in 1 : vector<64x1x1x1024xf32>, vector<64x1x1x1024xf32> -> vector<64x2x1x1024xf32>
    %reshape3A_374 = vector.shape_cast %stack3A_373 : vector<64x2x1x1024xf32> to vector<128x1024xf32>
    %reshape3A_375 = vector.shape_cast %reshape3A_362 : vector<128x1024xf32> to vector<8x2x8x1024xf32>
    %reshape3A_376 = vector.shape_cast %reshape3A_366 : vector<128x1024xi32> to vector<8x2x8x1024xi32>
    %reshape3A_377 = vector.shape_cast %reshape3A_370 : vector<128x1024xf32> to vector<8x2x8x1024xf32>
    %reshape3A_378 = vector.shape_cast %reshape3A_374 : vector<128x1024xf32> to vector<8x2x8x1024xf32>
    %slice3A_379 = vector.extract_strided_slice %reshape3A_375 {offsets = [0, 0, 0, 0], sizes = [8, 1, 8, 1024], strides = [1, 1, 1, 1]} : vector<8x2x8x1024xf32> to vector<8x1x8x1024xf32>
    %squeeze3A_380 = vector.shape_cast %slice3A_379 : vector<8x1x8x1024xf32> to vector<8x8x1024xf32>
    %slice3A_381 = vector.extract_strided_slice %reshape3A_376 {offsets = [0, 0, 0, 0], sizes = [8, 1, 8, 1024], strides = [1, 1, 1, 1]} : vector<8x2x8x1024xi32> to vector<8x1x8x1024xi32>
    %squeeze3A_382 = vector.shape_cast %slice3A_381 : vector<8x1x8x1024xi32> to vector<8x8x1024xi32>
    %slice3A_383 = vector.extract_strided_slice %reshape3A_377 {offsets = [0, 0, 0, 0], sizes = [8, 1, 8, 1024], strides = [1, 1, 1, 1]} : vector<8x2x8x1024xf32> to vector<8x1x8x1024xf32>
    %squeeze3A_384 = vector.shape_cast %slice3A_383 : vector<8x1x8x1024xf32> to vector<8x8x1024xf32>
    %slice3A_385 = vector.extract_strided_slice %reshape3A_378 {offsets = [0, 0, 0, 0], sizes = [8, 1, 8, 1024], strides = [1, 1, 1, 1]} : vector<8x2x8x1024xf32> to vector<8x1x8x1024xf32>
    %squeeze3A_386 = vector.shape_cast %slice3A_385 : vector<8x1x8x1024xf32> to vector<8x8x1024xf32>
    %slice3A_387 = vector.extract_strided_slice %reshape3A_375 {offsets = [0, 1, 0, 0], sizes = [8, 1, 8, 1024], strides = [1, 1, 1, 1]} : vector<8x2x8x1024xf32> to vector<8x1x8x1024xf32>
    %squeeze3A_388 = vector.shape_cast %slice3A_387 : vector<8x1x8x1024xf32> to vector<8x8x1024xf32>
    %slice3A_389 = vector.extract_strided_slice %reshape3A_376 {offsets = [0, 1, 0, 0], sizes = [8, 1, 8, 1024], strides = [1, 1, 1, 1]} : vector<8x2x8x1024xi32> to vector<8x1x8x1024xi32>
    %squeeze3A_390 = vector.shape_cast %slice3A_389 : vector<8x1x8x1024xi32> to vector<8x8x1024xi32>
    %slice3A_391 = vector.extract_strided_slice %reshape3A_377 {offsets = [0, 1, 0, 0], sizes = [8, 1, 8, 1024], strides = [1, 1, 1, 1]} : vector<8x2x8x1024xf32> to vector<8x1x8x1024xf32>
    %squeeze3A_392 = vector.shape_cast %slice3A_391 : vector<8x1x8x1024xf32> to vector<8x8x1024xf32>
    %slice3A_393 = vector.extract_strided_slice %reshape3A_378 {offsets = [0, 1, 0, 0], sizes = [8, 1, 8, 1024], strides = [1, 1, 1, 1]} : vector<8x2x8x1024xf32> to vector<8x1x8x1024xf32>
    %squeeze3A_394 = vector.shape_cast %slice3A_393 : vector<8x1x8x1024xf32> to vector<8x8x1024xf32>
    %iota3A_395 = tpu.iota {dimensions = array<i32: 0>} : vector<8x1x1xi32>
    %mul3A_396 = arith.constant 16 : i32
    %mul3A_397 = vector.broadcast %mul3A_396 : i32 to vector<8x1x1xi32>
    %mul3A_398 = arith.muli %iota3A_395, %mul3A_397 : vector<8x1x1xi32>
    %and3A_399 = arith.constant 16 : i32
    %and3A_400 = vector.broadcast %and3A_399 : i32 to vector<8x1x1xi32>
    %and3A_401 = arith.andi %mul3A_398, %and3A_400 : vector<8x1x1xi32>
    %eq3A_402 = arith.constant 0 : i32
    %eq3A_403 = vector.broadcast %eq3A_402 : i32 to vector<8x1x1xi32>
    %eq3A_404 = arith.cmpi eq, %and3A_401, %eq3A_403 : vector<8x1x1xi32>
    %gt3A_405 = arith.cmpf ogt, %squeeze3A_380, %squeeze3A_388 : vector<8x8x1024xf32>
    %eq3A_406 = arith.cmpf oeq, %squeeze3A_380, %squeeze3A_388 : vector<8x8x1024xf32>
    %lt3A_407 = arith.cmpi slt, %squeeze3A_382, %squeeze3A_390 : vector<8x8x1024xi32>
    %and3A_408 = arith.andi %eq3A_406, %lt3A_407 : vector<8x8x1024xi1>
    %or3A_409 = arith.ori %gt3A_405, %and3A_408 : vector<8x8x1024xi1>
    %xor3A_410 = vector.broadcast %eq3A_404 : vector<8x1x1xi1> to vector<8x8x1024xi1>
    %xor3A_411 = arith.xori %or3A_409, %xor3A_410 : vector<8x8x1024xi1>
    %select_n3A_412 = arith.select %xor3A_411, %squeeze3A_388, %squeeze3A_380 : vector<8x8x1024xi1>, vector<8x8x1024xf32>
    %select_n3A_413 = arith.select %xor3A_411, %squeeze3A_380, %squeeze3A_388 : vector<8x8x1024xi1>, vector<8x8x1024xf32>
    %select_n3A_414 = arith.select %xor3A_411, %squeeze3A_390, %squeeze3A_382 : vector<8x8x1024xi1>, vector<8x8x1024xi32>
    %select_n3A_415 = arith.select %xor3A_411, %squeeze3A_382, %squeeze3A_390 : vector<8x8x1024xi1>, vector<8x8x1024xi32>
    %select_n3A_416 = arith.select %xor3A_411, %squeeze3A_392, %squeeze3A_384 : vector<8x8x1024xi1>, vector<8x8x1024xf32>
    %select_n3A_417 = arith.select %xor3A_411, %squeeze3A_384, %squeeze3A_392 : vector<8x8x1024xi1>, vector<8x8x1024xf32>
    %select_n3A_418 = arith.select %xor3A_411, %squeeze3A_394, %squeeze3A_386 : vector<8x8x1024xi1>, vector<8x8x1024xf32>
    %select_n3A_419 = arith.select %xor3A_411, %squeeze3A_386, %squeeze3A_394 : vector<8x8x1024xi1>, vector<8x8x1024xf32>
    %stack3A_420 = vector.shape_cast %select_n3A_412 : vector<8x8x1024xf32> to vector<8x1x8x1024xf32>
    %stack3A_421 = vector.shape_cast %select_n3A_413 : vector<8x8x1024xf32> to vector<8x1x8x1024xf32>
    %stack3A_422 = tpu.concatenate %stack3A_420, %stack3A_421 in 1 : vector<8x1x8x1024xf32>, vector<8x1x8x1024xf32> -> vector<8x2x8x1024xf32>
    %reshape3A_423 = vector.shape_cast %stack3A_422 : vector<8x2x8x1024xf32> to vector<128x1024xf32>
    %stack3A_424 = vector.shape_cast %select_n3A_414 : vector<8x8x1024xi32> to vector<8x1x8x1024xi32>
    %stack3A_425 = vector.shape_cast %select_n3A_415 : vector<8x8x1024xi32> to vector<8x1x8x1024xi32>
    %stack3A_426 = tpu.concatenate %stack3A_424, %stack3A_425 in 1 : vector<8x1x8x1024xi32>, vector<8x1x8x1024xi32> -> vector<8x2x8x1024xi32>
    %reshape3A_427 = vector.shape_cast %stack3A_426 : vector<8x2x8x1024xi32> to vector<128x1024xi32>
    %stack3A_428 = vector.shape_cast %select_n3A_416 : vector<8x8x1024xf32> to vector<8x1x8x1024xf32>
    %stack3A_429 = vector.shape_cast %select_n3A_417 : vector<8x8x1024xf32> to vector<8x1x8x1024xf32>
    %stack3A_430 = tpu.concatenate %stack3A_428, %stack3A_429 in 1 : vector<8x1x8x1024xf32>, vector<8x1x8x1024xf32> -> vector<8x2x8x1024xf32>
    %reshape3A_431 = vector.shape_cast %stack3A_430 : vector<8x2x8x1024xf32> to vector<128x1024xf32>
    %stack3A_432 = vector.shape_cast %select_n3A_418 : vector<8x8x1024xf32> to vector<8x1x8x1024xf32>
    %stack3A_433 = vector.shape_cast %select_n3A_419 : vector<8x8x1024xf32> to vector<8x1x8x1024xf32>
    %stack3A_434 = tpu.concatenate %stack3A_432, %stack3A_433 in 1 : vector<8x1x8x1024xf32>, vector<8x1x8x1024xf32> -> vector<8x2x8x1024xf32>
    %reshape3A_435 = vector.shape_cast %stack3A_434 : vector<8x2x8x1024xf32> to vector<128x1024xf32>
    %reshape3A_436 = vector.shape_cast %reshape3A_423 : vector<128x1024xf32> to vector<16x2x4x1024xf32>
    %reshape3A_437 = vector.shape_cast %reshape3A_427 : vector<128x1024xi32> to vector<16x2x4x1024xi32>
    %reshape3A_438 = vector.shape_cast %reshape3A_431 : vector<128x1024xf32> to vector<16x2x4x1024xf32>
    %reshape3A_439 = vector.shape_cast %reshape3A_435 : vector<128x1024xf32> to vector<16x2x4x1024xf32>
    %slice3A_440 = vector.extract_strided_slice %reshape3A_436 {offsets = [0, 0, 0, 0], sizes = [16, 1, 4, 1024], strides = [1, 1, 1, 1]} : vector<16x2x4x1024xf32> to vector<16x1x4x1024xf32>
    %squeeze3A_441 = vector.shape_cast %slice3A_440 : vector<16x1x4x1024xf32> to vector<16x4x1024xf32>
    %slice3A_442 = vector.extract_strided_slice %reshape3A_437 {offsets = [0, 0, 0, 0], sizes = [16, 1, 4, 1024], strides = [1, 1, 1, 1]} : vector<16x2x4x1024xi32> to vector<16x1x4x1024xi32>
    %squeeze3A_443 = vector.shape_cast %slice3A_442 : vector<16x1x4x1024xi32> to vector<16x4x1024xi32>
    %slice3A_444 = vector.extract_strided_slice %reshape3A_438 {offsets = [0, 0, 0, 0], sizes = [16, 1, 4, 1024], strides = [1, 1, 1, 1]} : vector<16x2x4x1024xf32> to vector<16x1x4x1024xf32>
    %squeeze3A_445 = vector.shape_cast %slice3A_444 : vector<16x1x4x1024xf32> to vector<16x4x1024xf32>
    %slice3A_446 = vector.extract_strided_slice %reshape3A_439 {offsets = [0, 0, 0, 0], sizes = [16, 1, 4, 1024], strides = [1, 1, 1, 1]} : vector<16x2x4x1024xf32> to vector<16x1x4x1024xf32>
    %squeeze3A_447 = vector.shape_cast %slice3A_446 : vector<16x1x4x1024xf32> to vector<16x4x1024xf32>
    %slice3A_448 = vector.extract_strided_slice %reshape3A_436 {offsets = [0, 1, 0, 0], sizes = [16, 1, 4, 1024], strides = [1, 1, 1, 1]} : vector<16x2x4x1024xf32> to vector<16x1x4x1024xf32>
    %squeeze3A_449 = vector.shape_cast %slice3A_448 : vector<16x1x4x1024xf32> to vector<16x4x1024xf32>
    %slice3A_450 = vector.extract_strided_slice %reshape3A_437 {offsets = [0, 1, 0, 0], sizes = [16, 1, 4, 1024], strides = [1, 1, 1, 1]} : vector<16x2x4x1024xi32> to vector<16x1x4x1024xi32>
    %squeeze3A_451 = vector.shape_cast %slice3A_450 : vector<16x1x4x1024xi32> to vector<16x4x1024xi32>
    %slice3A_452 = vector.extract_strided_slice %reshape3A_438 {offsets = [0, 1, 0, 0], sizes = [16, 1, 4, 1024], strides = [1, 1, 1, 1]} : vector<16x2x4x1024xf32> to vector<16x1x4x1024xf32>
    %squeeze3A_453 = vector.shape_cast %slice3A_452 : vector<16x1x4x1024xf32> to vector<16x4x1024xf32>
    %slice3A_454 = vector.extract_strided_slice %reshape3A_439 {offsets = [0, 1, 0, 0], sizes = [16, 1, 4, 1024], strides = [1, 1, 1, 1]} : vector<16x2x4x1024xf32> to vector<16x1x4x1024xf32>
    %squeeze3A_455 = vector.shape_cast %slice3A_454 : vector<16x1x4x1024xf32> to vector<16x4x1024xf32>
    %iota3A_456 = tpu.iota {dimensions = array<i32: 0>} : vector<16x1x1xi32>
    %mul3A_457 = arith.constant 8 : i32
    %mul3A_458 = vector.broadcast %mul3A_457 : i32 to vector<16x1x1xi32>
    %mul3A_459 = arith.muli %iota3A_456, %mul3A_458 : vector<16x1x1xi32>
    %and3A_460 = arith.constant 16 : i32
    %and3A_461 = vector.broadcast %and3A_460 : i32 to vector<16x1x1xi32>
    %and3A_462 = arith.andi %mul3A_459, %and3A_461 : vector<16x1x1xi32>
    %eq3A_463 = arith.constant 0 : i32
    %eq3A_464 = vector.broadcast %eq3A_463 : i32 to vector<16x1x1xi32>
    %eq3A_465 = arith.cmpi eq, %and3A_462, %eq3A_464 : vector<16x1x1xi32>
    %gt3A_466 = arith.cmpf ogt, %squeeze3A_441, %squeeze3A_449 : vector<16x4x1024xf32>
    %eq3A_467 = arith.cmpf oeq, %squeeze3A_441, %squeeze3A_449 : vector<16x4x1024xf32>
    %lt3A_468 = arith.cmpi slt, %squeeze3A_443, %squeeze3A_451 : vector<16x4x1024xi32>
    %and3A_469 = arith.andi %eq3A_467, %lt3A_468 : vector<16x4x1024xi1>
    %or3A_470 = arith.ori %gt3A_466, %and3A_469 : vector<16x4x1024xi1>
    %xor3A_471 = vector.broadcast %eq3A_465 : vector<16x1x1xi1> to vector<16x4x1024xi1>
    %xor3A_472 = arith.xori %or3A_470, %xor3A_471 : vector<16x4x1024xi1>
    %select_n3A_473 = arith.select %xor3A_472, %squeeze3A_449, %squeeze3A_441 : vector<16x4x1024xi1>, vector<16x4x1024xf32>
    %select_n3A_474 = arith.select %xor3A_472, %squeeze3A_441, %squeeze3A_449 : vector<16x4x1024xi1>, vector<16x4x1024xf32>
    %select_n3A_475 = arith.select %xor3A_472, %squeeze3A_451, %squeeze3A_443 : vector<16x4x1024xi1>, vector<16x4x1024xi32>
    %select_n3A_476 = arith.select %xor3A_472, %squeeze3A_443, %squeeze3A_451 : vector<16x4x1024xi1>, vector<16x4x1024xi32>
    %select_n3A_477 = arith.select %xor3A_472, %squeeze3A_453, %squeeze3A_445 : vector<16x4x1024xi1>, vector<16x4x1024xf32>
    %select_n3A_478 = arith.select %xor3A_472, %squeeze3A_445, %squeeze3A_453 : vector<16x4x1024xi1>, vector<16x4x1024xf32>
    %select_n3A_479 = arith.select %xor3A_472, %squeeze3A_455, %squeeze3A_447 : vector<16x4x1024xi1>, vector<16x4x1024xf32>
    %select_n3A_480 = arith.select %xor3A_472, %squeeze3A_447, %squeeze3A_455 : vector<16x4x1024xi1>, vector<16x4x1024xf32>
    %stack3A_481 = vector.shape_cast %select_n3A_473 : vector<16x4x1024xf32> to vector<16x1x4x1024xf32>
    %stack3A_482 = vector.shape_cast %select_n3A_474 : vector<16x4x1024xf32> to vector<16x1x4x1024xf32>
    %stack3A_483 = tpu.concatenate %stack3A_481, %stack3A_482 in 1 : vector<16x1x4x1024xf32>, vector<16x1x4x1024xf32> -> vector<16x2x4x1024xf32>
    %reshape3A_484 = vector.shape_cast %stack3A_483 : vector<16x2x4x1024xf32> to vector<128x1024xf32>
    %stack3A_485 = vector.shape_cast %select_n3A_475 : vector<16x4x1024xi32> to vector<16x1x4x1024xi32>
    %stack3A_486 = vector.shape_cast %select_n3A_476 : vector<16x4x1024xi32> to vector<16x1x4x1024xi32>
    %stack3A_487 = tpu.concatenate %stack3A_485, %stack3A_486 in 1 : vector<16x1x4x1024xi32>, vector<16x1x4x1024xi32> -> vector<16x2x4x1024xi32>
    %reshape3A_488 = vector.shape_cast %stack3A_487 : vector<16x2x4x1024xi32> to vector<128x1024xi32>
    %stack3A_489 = vector.shape_cast %select_n3A_477 : vector<16x4x1024xf32> to vector<16x1x4x1024xf32>
    %stack3A_490 = vector.shape_cast %select_n3A_478 : vector<16x4x1024xf32> to vector<16x1x4x1024xf32>
    %stack3A_491 = tpu.concatenate %stack3A_489, %stack3A_490 in 1 : vector<16x1x4x1024xf32>, vector<16x1x4x1024xf32> -> vector<16x2x4x1024xf32>
    %reshape3A_492 = vector.shape_cast %stack3A_491 : vector<16x2x4x1024xf32> to vector<128x1024xf32>
    %stack3A_493 = vector.shape_cast %select_n3A_479 : vector<16x4x1024xf32> to vector<16x1x4x1024xf32>
    %stack3A_494 = vector.shape_cast %select_n3A_480 : vector<16x4x1024xf32> to vector<16x1x4x1024xf32>
    %stack3A_495 = tpu.concatenate %stack3A_493, %stack3A_494 in 1 : vector<16x1x4x1024xf32>, vector<16x1x4x1024xf32> -> vector<16x2x4x1024xf32>
    %reshape3A_496 = vector.shape_cast %stack3A_495 : vector<16x2x4x1024xf32> to vector<128x1024xf32>
    %reshape3A_497 = vector.shape_cast %reshape3A_484 : vector<128x1024xf32> to vector<32x2x2x1024xf32>
    %reshape3A_498 = vector.shape_cast %reshape3A_488 : vector<128x1024xi32> to vector<32x2x2x1024xi32>
    %reshape3A_499 = vector.shape_cast %reshape3A_492 : vector<128x1024xf32> to vector<32x2x2x1024xf32>
    %reshape3A_500 = vector.shape_cast %reshape3A_496 : vector<128x1024xf32> to vector<32x2x2x1024xf32>
    %slice3A_501 = vector.extract_strided_slice %reshape3A_497 {offsets = [0, 0, 0, 0], sizes = [32, 1, 2, 1024], strides = [1, 1, 1, 1]} : vector<32x2x2x1024xf32> to vector<32x1x2x1024xf32>
    %squeeze3A_502 = vector.shape_cast %slice3A_501 : vector<32x1x2x1024xf32> to vector<32x2x1024xf32>
    %slice3A_503 = vector.extract_strided_slice %reshape3A_498 {offsets = [0, 0, 0, 0], sizes = [32, 1, 2, 1024], strides = [1, 1, 1, 1]} : vector<32x2x2x1024xi32> to vector<32x1x2x1024xi32>
    %squeeze3A_504 = vector.shape_cast %slice3A_503 : vector<32x1x2x1024xi32> to vector<32x2x1024xi32>
    %slice3A_505 = vector.extract_strided_slice %reshape3A_499 {offsets = [0, 0, 0, 0], sizes = [32, 1, 2, 1024], strides = [1, 1, 1, 1]} : vector<32x2x2x1024xf32> to vector<32x1x2x1024xf32>
    %squeeze3A_506 = vector.shape_cast %slice3A_505 : vector<32x1x2x1024xf32> to vector<32x2x1024xf32>
    %slice3A_507 = vector.extract_strided_slice %reshape3A_500 {offsets = [0, 0, 0, 0], sizes = [32, 1, 2, 1024], strides = [1, 1, 1, 1]} : vector<32x2x2x1024xf32> to vector<32x1x2x1024xf32>
    %squeeze3A_508 = vector.shape_cast %slice3A_507 : vector<32x1x2x1024xf32> to vector<32x2x1024xf32>
    %slice3A_509 = vector.extract_strided_slice %reshape3A_497 {offsets = [0, 1, 0, 0], sizes = [32, 1, 2, 1024], strides = [1, 1, 1, 1]} : vector<32x2x2x1024xf32> to vector<32x1x2x1024xf32>
    %squeeze3A_510 = vector.shape_cast %slice3A_509 : vector<32x1x2x1024xf32> to vector<32x2x1024xf32>
    %slice3A_511 = vector.extract_strided_slice %reshape3A_498 {offsets = [0, 1, 0, 0], sizes = [32, 1, 2, 1024], strides = [1, 1, 1, 1]} : vector<32x2x2x1024xi32> to vector<32x1x2x1024xi32>
    %squeeze3A_512 = vector.shape_cast %slice3A_511 : vector<32x1x2x1024xi32> to vector<32x2x1024xi32>
    %slice3A_513 = vector.extract_strided_slice %reshape3A_499 {offsets = [0, 1, 0, 0], sizes = [32, 1, 2, 1024], strides = [1, 1, 1, 1]} : vector<32x2x2x1024xf32> to vector<32x1x2x1024xf32>
    %squeeze3A_514 = vector.shape_cast %slice3A_513 : vector<32x1x2x1024xf32> to vector<32x2x1024xf32>
    %slice3A_515 = vector.extract_strided_slice %reshape3A_500 {offsets = [0, 1, 0, 0], sizes = [32, 1, 2, 1024], strides = [1, 1, 1, 1]} : vector<32x2x2x1024xf32> to vector<32x1x2x1024xf32>
    %squeeze3A_516 = vector.shape_cast %slice3A_515 : vector<32x1x2x1024xf32> to vector<32x2x1024xf32>
    %iota3A_517 = tpu.iota {dimensions = array<i32: 0>} : vector<32x1x1xi32>
    %mul3A_518 = arith.constant 4 : i32
    %mul3A_519 = vector.broadcast %mul3A_518 : i32 to vector<32x1x1xi32>
    %mul3A_520 = arith.muli %iota3A_517, %mul3A_519 : vector<32x1x1xi32>
    %and3A_521 = arith.constant 16 : i32
    %and3A_522 = vector.broadcast %and3A_521 : i32 to vector<32x1x1xi32>
    %and3A_523 = arith.andi %mul3A_520, %and3A_522 : vector<32x1x1xi32>
    %eq3A_524 = arith.constant 0 : i32
    %eq3A_525 = vector.broadcast %eq3A_524 : i32 to vector<32x1x1xi32>
    %eq3A_526 = arith.cmpi eq, %and3A_523, %eq3A_525 : vector<32x1x1xi32>
    %gt3A_527 = arith.cmpf ogt, %squeeze3A_502, %squeeze3A_510 : vector<32x2x1024xf32>
    %eq3A_528 = arith.cmpf oeq, %squeeze3A_502, %squeeze3A_510 : vector<32x2x1024xf32>
    %lt3A_529 = arith.cmpi slt, %squeeze3A_504, %squeeze3A_512 : vector<32x2x1024xi32>
    %and3A_530 = arith.andi %eq3A_528, %lt3A_529 : vector<32x2x1024xi1>
    %or3A_531 = arith.ori %gt3A_527, %and3A_530 : vector<32x2x1024xi1>
    %xor3A_532 = vector.broadcast %eq3A_526 : vector<32x1x1xi1> to vector<32x2x1024xi1>
    %xor3A_533 = arith.xori %or3A_531, %xor3A_532 : vector<32x2x1024xi1>
    %select_n3A_534 = arith.select %xor3A_533, %squeeze3A_510, %squeeze3A_502 : vector<32x2x1024xi1>, vector<32x2x1024xf32>
    %select_n3A_535 = arith.select %xor3A_533, %squeeze3A_502, %squeeze3A_510 : vector<32x2x1024xi1>, vector<32x2x1024xf32>
    %select_n3A_536 = arith.select %xor3A_533, %squeeze3A_512, %squeeze3A_504 : vector<32x2x1024xi1>, vector<32x2x1024xi32>
    %select_n3A_537 = arith.select %xor3A_533, %squeeze3A_504, %squeeze3A_512 : vector<32x2x1024xi1>, vector<32x2x1024xi32>
    %select_n3A_538 = arith.select %xor3A_533, %squeeze3A_514, %squeeze3A_506 : vector<32x2x1024xi1>, vector<32x2x1024xf32>
    %select_n3A_539 = arith.select %xor3A_533, %squeeze3A_506, %squeeze3A_514 : vector<32x2x1024xi1>, vector<32x2x1024xf32>
    %select_n3A_540 = arith.select %xor3A_533, %squeeze3A_516, %squeeze3A_508 : vector<32x2x1024xi1>, vector<32x2x1024xf32>
    %select_n3A_541 = arith.select %xor3A_533, %squeeze3A_508, %squeeze3A_516 : vector<32x2x1024xi1>, vector<32x2x1024xf32>
    %stack3A_542 = vector.shape_cast %select_n3A_534 : vector<32x2x1024xf32> to vector<32x1x2x1024xf32>
    %stack3A_543 = vector.shape_cast %select_n3A_535 : vector<32x2x1024xf32> to vector<32x1x2x1024xf32>
    %stack3A_544 = tpu.concatenate %stack3A_542, %stack3A_543 in 1 : vector<32x1x2x1024xf32>, vector<32x1x2x1024xf32> -> vector<32x2x2x1024xf32>
    %reshape3A_545 = vector.shape_cast %stack3A_544 : vector<32x2x2x1024xf32> to vector<128x1024xf32>
    %stack3A_546 = vector.shape_cast %select_n3A_536 : vector<32x2x1024xi32> to vector<32x1x2x1024xi32>
    %stack3A_547 = vector.shape_cast %select_n3A_537 : vector<32x2x1024xi32> to vector<32x1x2x1024xi32>
    %stack3A_548 = tpu.concatenate %stack3A_546, %stack3A_547 in 1 : vector<32x1x2x1024xi32>, vector<32x1x2x1024xi32> -> vector<32x2x2x1024xi32>
    %reshape3A_549 = vector.shape_cast %stack3A_548 : vector<32x2x2x1024xi32> to vector<128x1024xi32>
    %stack3A_550 = vector.shape_cast %select_n3A_538 : vector<32x2x1024xf32> to vector<32x1x2x1024xf32>
    %stack3A_551 = vector.shape_cast %select_n3A_539 : vector<32x2x1024xf32> to vector<32x1x2x1024xf32>
    %stack3A_552 = tpu.concatenate %stack3A_550, %stack3A_551 in 1 : vector<32x1x2x1024xf32>, vector<32x1x2x1024xf32> -> vector<32x2x2x1024xf32>
    %reshape3A_553 = vector.shape_cast %stack3A_552 : vector<32x2x2x1024xf32> to vector<128x1024xf32>
    %stack3A_554 = vector.shape_cast %select_n3A_540 : vector<32x2x1024xf32> to vector<32x1x2x1024xf32>
    %stack3A_555 = vector.shape_cast %select_n3A_541 : vector<32x2x1024xf32> to vector<32x1x2x1024xf32>
    %stack3A_556 = tpu.concatenate %stack3A_554, %stack3A_555 in 1 : vector<32x1x2x1024xf32>, vector<32x1x2x1024xf32> -> vector<32x2x2x1024xf32>
    %reshape3A_557 = vector.shape_cast %stack3A_556 : vector<32x2x2x1024xf32> to vector<128x1024xf32>
    %reshape3A_558 = vector.shape_cast %reshape3A_545 : vector<128x1024xf32> to vector<64x2x1x1024xf32>
    %reshape3A_559 = vector.shape_cast %reshape3A_549 : vector<128x1024xi32> to vector<64x2x1x1024xi32>
    %reshape3A_560 = vector.shape_cast %reshape3A_553 : vector<128x1024xf32> to vector<64x2x1x1024xf32>
    %reshape3A_561 = vector.shape_cast %reshape3A_557 : vector<128x1024xf32> to vector<64x2x1x1024xf32>
    %slice3A_562 = vector.extract_strided_slice %reshape3A_558 {offsets = [0, 0, 0, 0], sizes = [64, 1, 1, 1024], strides = [1, 1, 1, 1]} : vector<64x2x1x1024xf32> to vector<64x1x1x1024xf32>
    %squeeze3A_563 = vector.shape_cast %slice3A_562 : vector<64x1x1x1024xf32> to vector<64x1x1024xf32>
    %slice3A_564 = vector.extract_strided_slice %reshape3A_559 {offsets = [0, 0, 0, 0], sizes = [64, 1, 1, 1024], strides = [1, 1, 1, 1]} : vector<64x2x1x1024xi32> to vector<64x1x1x1024xi32>
    %squeeze3A_565 = vector.shape_cast %slice3A_564 : vector<64x1x1x1024xi32> to vector<64x1x1024xi32>
    %slice3A_566 = vector.extract_strided_slice %reshape3A_560 {offsets = [0, 0, 0, 0], sizes = [64, 1, 1, 1024], strides = [1, 1, 1, 1]} : vector<64x2x1x1024xf32> to vector<64x1x1x1024xf32>
    %squeeze3A_567 = vector.shape_cast %slice3A_566 : vector<64x1x1x1024xf32> to vector<64x1x1024xf32>
    %slice3A_568 = vector.extract_strided_slice %reshape3A_561 {offsets = [0, 0, 0, 0], sizes = [64, 1, 1, 1024], strides = [1, 1, 1, 1]} : vector<64x2x1x1024xf32> to vector<64x1x1x1024xf32>
    %squeeze3A_569 = vector.shape_cast %slice3A_568 : vector<64x1x1x1024xf32> to vector<64x1x1024xf32>
    %slice3A_570 = vector.extract_strided_slice %reshape3A_558 {offsets = [0, 1, 0, 0], sizes = [64, 1, 1, 1024], strides = [1, 1, 1, 1]} : vector<64x2x1x1024xf32> to vector<64x1x1x1024xf32>
    %squeeze3A_571 = vector.shape_cast %slice3A_570 : vector<64x1x1x1024xf32> to vector<64x1x1024xf32>
    %slice3A_572 = vector.extract_strided_slice %reshape3A_559 {offsets = [0, 1, 0, 0], sizes = [64, 1, 1, 1024], strides = [1, 1, 1, 1]} : vector<64x2x1x1024xi32> to vector<64x1x1x1024xi32>
    %squeeze3A_573 = vector.shape_cast %slice3A_572 : vector<64x1x1x1024xi32> to vector<64x1x1024xi32>
    %slice3A_574 = vector.extract_strided_slice %reshape3A_560 {offsets = [0, 1, 0, 0], sizes = [64, 1, 1, 1024], strides = [1, 1, 1, 1]} : vector<64x2x1x1024xf32> to vector<64x1x1x1024xf32>
    %squeeze3A_575 = vector.shape_cast %slice3A_574 : vector<64x1x1x1024xf32> to vector<64x1x1024xf32>
    %slice3A_576 = vector.extract_strided_slice %reshape3A_561 {offsets = [0, 1, 0, 0], sizes = [64, 1, 1, 1024], strides = [1, 1, 1, 1]} : vector<64x2x1x1024xf32> to vector<64x1x1x1024xf32>
    %squeeze3A_577 = vector.shape_cast %slice3A_576 : vector<64x1x1x1024xf32> to vector<64x1x1024xf32>
    %iota3A_578 = tpu.iota {dimensions = array<i32: 0>} : vector<64x1x1xi32>
    %mul3A_579 = arith.constant 2 : i32
    %mul3A_580 = vector.broadcast %mul3A_579 : i32 to vector<64x1x1xi32>
    %mul3A_581 = arith.muli %iota3A_578, %mul3A_580 : vector<64x1x1xi32>
    %and3A_582 = arith.constant 16 : i32
    %and3A_583 = vector.broadcast %and3A_582 : i32 to vector<64x1x1xi32>
    %and3A_584 = arith.andi %mul3A_581, %and3A_583 : vector<64x1x1xi32>
    %eq3A_585 = arith.constant 0 : i32
    %eq3A_586 = vector.broadcast %eq3A_585 : i32 to vector<64x1x1xi32>
    %eq3A_587 = arith.cmpi eq, %and3A_584, %eq3A_586 : vector<64x1x1xi32>
    %gt3A_588 = arith.cmpf ogt, %squeeze3A_563, %squeeze3A_571 : vector<64x1x1024xf32>
    %eq3A_589 = arith.cmpf oeq, %squeeze3A_563, %squeeze3A_571 : vector<64x1x1024xf32>
    %lt3A_590 = arith.cmpi slt, %squeeze3A_565, %squeeze3A_573 : vector<64x1x1024xi32>
    %and3A_591 = arith.andi %eq3A_589, %lt3A_590 : vector<64x1x1024xi1>
    %or3A_592 = arith.ori %gt3A_588, %and3A_591 : vector<64x1x1024xi1>
    %xor3A_593 = vector.broadcast %eq3A_587 : vector<64x1x1xi1> to vector<64x1x1024xi1>
    %xor3A_594 = arith.xori %or3A_592, %xor3A_593 : vector<64x1x1024xi1>
    %select_n3A_595 = arith.select %xor3A_594, %squeeze3A_571, %squeeze3A_563 : vector<64x1x1024xi1>, vector<64x1x1024xf32>
    %select_n3A_596 = arith.select %xor3A_594, %squeeze3A_563, %squeeze3A_571 : vector<64x1x1024xi1>, vector<64x1x1024xf32>
    %select_n3A_597 = arith.select %xor3A_594, %squeeze3A_573, %squeeze3A_565 : vector<64x1x1024xi1>, vector<64x1x1024xi32>
    %select_n3A_598 = arith.select %xor3A_594, %squeeze3A_565, %squeeze3A_573 : vector<64x1x1024xi1>, vector<64x1x1024xi32>
    %select_n3A_599 = arith.select %xor3A_594, %squeeze3A_575, %squeeze3A_567 : vector<64x1x1024xi1>, vector<64x1x1024xf32>
    %select_n3A_600 = arith.select %xor3A_594, %squeeze3A_567, %squeeze3A_575 : vector<64x1x1024xi1>, vector<64x1x1024xf32>
    %select_n3A_601 = arith.select %xor3A_594, %squeeze3A_577, %squeeze3A_569 : vector<64x1x1024xi1>, vector<64x1x1024xf32>
    %select_n3A_602 = arith.select %xor3A_594, %squeeze3A_569, %squeeze3A_577 : vector<64x1x1024xi1>, vector<64x1x1024xf32>
    %stack3A_603 = vector.shape_cast %select_n3A_595 : vector<64x1x1024xf32> to vector<64x1x1x1024xf32>
    %stack3A_604 = vector.shape_cast %select_n3A_596 : vector<64x1x1024xf32> to vector<64x1x1x1024xf32>
    %stack3A_605 = tpu.concatenate %stack3A_603, %stack3A_604 in 1 : vector<64x1x1x1024xf32>, vector<64x1x1x1024xf32> -> vector<64x2x1x1024xf32>
    %reshape3A_606 = vector.shape_cast %stack3A_605 : vector<64x2x1x1024xf32> to vector<128x1024xf32>
    %stack3A_607 = vector.shape_cast %select_n3A_597 : vector<64x1x1024xi32> to vector<64x1x1x1024xi32>
    %stack3A_608 = vector.shape_cast %select_n3A_598 : vector<64x1x1024xi32> to vector<64x1x1x1024xi32>
    %stack3A_609 = tpu.concatenate %stack3A_607, %stack3A_608 in 1 : vector<64x1x1x1024xi32>, vector<64x1x1x1024xi32> -> vector<64x2x1x1024xi32>
    %reshape3A_610 = vector.shape_cast %stack3A_609 : vector<64x2x1x1024xi32> to vector<128x1024xi32>
    %stack3A_611 = vector.shape_cast %select_n3A_599 : vector<64x1x1024xf32> to vector<64x1x1x1024xf32>
    %stack3A_612 = vector.shape_cast %select_n3A_600 : vector<64x1x1024xf32> to vector<64x1x1x1024xf32>
    %stack3A_613 = tpu.concatenate %stack3A_611, %stack3A_612 in 1 : vector<64x1x1x1024xf32>, vector<64x1x1x1024xf32> -> vector<64x2x1x1024xf32>
    %reshape3A_614 = vector.shape_cast %stack3A_613 : vector<64x2x1x1024xf32> to vector<128x1024xf32>
    %stack3A_615 = vector.shape_cast %select_n3A_601 : vector<64x1x1024xf32> to vector<64x1x1x1024xf32>
    %stack3A_616 = vector.shape_cast %select_n3A_602 : vector<64x1x1024xf32> to vector<64x1x1x1024xf32>
    %stack3A_617 = tpu.concatenate %stack3A_615, %stack3A_616 in 1 : vector<64x1x1x1024xf32>, vector<64x1x1x1024xf32> -> vector<64x2x1x1024xf32>
    %reshape3A_618 = vector.shape_cast %stack3A_617 : vector<64x2x1x1024xf32> to vector<128x1024xf32>
    %reshape3A_619 = vector.shape_cast %reshape3A_606 : vector<128x1024xf32> to vector<4x2x16x1024xf32>
    %reshape3A_620 = vector.shape_cast %reshape3A_610 : vector<128x1024xi32> to vector<4x2x16x1024xi32>
    %reshape3A_621 = vector.shape_cast %reshape3A_614 : vector<128x1024xf32> to vector<4x2x16x1024xf32>
    %reshape3A_622 = vector.shape_cast %reshape3A_618 : vector<128x1024xf32> to vector<4x2x16x1024xf32>
    %slice3A_623 = vector.extract_strided_slice %reshape3A_619 {offsets = [0, 0, 0, 0], sizes = [4, 1, 16, 1024], strides = [1, 1, 1, 1]} : vector<4x2x16x1024xf32> to vector<4x1x16x1024xf32>
    %squeeze3A_624 = vector.shape_cast %slice3A_623 : vector<4x1x16x1024xf32> to vector<4x16x1024xf32>
    %slice3A_625 = vector.extract_strided_slice %reshape3A_620 {offsets = [0, 0, 0, 0], sizes = [4, 1, 16, 1024], strides = [1, 1, 1, 1]} : vector<4x2x16x1024xi32> to vector<4x1x16x1024xi32>
    %squeeze3A_626 = vector.shape_cast %slice3A_625 : vector<4x1x16x1024xi32> to vector<4x16x1024xi32>
    %slice3A_627 = vector.extract_strided_slice %reshape3A_621 {offsets = [0, 0, 0, 0], sizes = [4, 1, 16, 1024], strides = [1, 1, 1, 1]} : vector<4x2x16x1024xf32> to vector<4x1x16x1024xf32>
    %squeeze3A_628 = vector.shape_cast %slice3A_627 : vector<4x1x16x1024xf32> to vector<4x16x1024xf32>
    %slice3A_629 = vector.extract_strided_slice %reshape3A_622 {offsets = [0, 0, 0, 0], sizes = [4, 1, 16, 1024], strides = [1, 1, 1, 1]} : vector<4x2x16x1024xf32> to vector<4x1x16x1024xf32>
    %squeeze3A_630 = vector.shape_cast %slice3A_629 : vector<4x1x16x1024xf32> to vector<4x16x1024xf32>
    %slice3A_631 = vector.extract_strided_slice %reshape3A_619 {offsets = [0, 1, 0, 0], sizes = [4, 1, 16, 1024], strides = [1, 1, 1, 1]} : vector<4x2x16x1024xf32> to vector<4x1x16x1024xf32>
    %squeeze3A_632 = vector.shape_cast %slice3A_631 : vector<4x1x16x1024xf32> to vector<4x16x1024xf32>
    %slice3A_633 = vector.extract_strided_slice %reshape3A_620 {offsets = [0, 1, 0, 0], sizes = [4, 1, 16, 1024], strides = [1, 1, 1, 1]} : vector<4x2x16x1024xi32> to vector<4x1x16x1024xi32>
    %squeeze3A_634 = vector.shape_cast %slice3A_633 : vector<4x1x16x1024xi32> to vector<4x16x1024xi32>
    %slice3A_635 = vector.extract_strided_slice %reshape3A_621 {offsets = [0, 1, 0, 0], sizes = [4, 1, 16, 1024], strides = [1, 1, 1, 1]} : vector<4x2x16x1024xf32> to vector<4x1x16x1024xf32>
    %squeeze3A_636 = vector.shape_cast %slice3A_635 : vector<4x1x16x1024xf32> to vector<4x16x1024xf32>
    %slice3A_637 = vector.extract_strided_slice %reshape3A_622 {offsets = [0, 1, 0, 0], sizes = [4, 1, 16, 1024], strides = [1, 1, 1, 1]} : vector<4x2x16x1024xf32> to vector<4x1x16x1024xf32>
    %squeeze3A_638 = vector.shape_cast %slice3A_637 : vector<4x1x16x1024xf32> to vector<4x16x1024xf32>
    %iota3A_639 = tpu.iota {dimensions = array<i32: 0>} : vector<4x1x1xi32>
    %mul3A_640 = arith.constant 32 : i32
    %mul3A_641 = vector.broadcast %mul3A_640 : i32 to vector<4x1x1xi32>
    %mul3A_642 = arith.muli %iota3A_639, %mul3A_641 : vector<4x1x1xi32>
    %and3A_643 = arith.constant 32 : i32
    %and3A_644 = vector.broadcast %and3A_643 : i32 to vector<4x1x1xi32>
    %and3A_645 = arith.andi %mul3A_642, %and3A_644 : vector<4x1x1xi32>
    %eq3A_646 = arith.constant 0 : i32
    %eq3A_647 = vector.broadcast %eq3A_646 : i32 to vector<4x1x1xi32>
    %eq3A_648 = arith.cmpi eq, %and3A_645, %eq3A_647 : vector<4x1x1xi32>
    %gt3A_649 = arith.cmpf ogt, %squeeze3A_624, %squeeze3A_632 : vector<4x16x1024xf32>
    %eq3A_650 = arith.cmpf oeq, %squeeze3A_624, %squeeze3A_632 : vector<4x16x1024xf32>
    %lt3A_651 = arith.cmpi slt, %squeeze3A_626, %squeeze3A_634 : vector<4x16x1024xi32>
    %and3A_652 = arith.andi %eq3A_650, %lt3A_651 : vector<4x16x1024xi1>
    %or3A_653 = arith.ori %gt3A_649, %and3A_652 : vector<4x16x1024xi1>
    %xor3A_654 = vector.broadcast %eq3A_648 : vector<4x1x1xi1> to vector<4x16x1024xi1>
    %xor3A_655 = arith.xori %or3A_653, %xor3A_654 : vector<4x16x1024xi1>
    %select_n3A_656 = arith.select %xor3A_655, %squeeze3A_632, %squeeze3A_624 : vector<4x16x1024xi1>, vector<4x16x1024xf32>
    %select_n3A_657 = arith.select %xor3A_655, %squeeze3A_624, %squeeze3A_632 : vector<4x16x1024xi1>, vector<4x16x1024xf32>
    %select_n3A_658 = arith.select %xor3A_655, %squeeze3A_634, %squeeze3A_626 : vector<4x16x1024xi1>, vector<4x16x1024xi32>
    %select_n3A_659 = arith.select %xor3A_655, %squeeze3A_626, %squeeze3A_634 : vector<4x16x1024xi1>, vector<4x16x1024xi32>
    %select_n3A_660 = arith.select %xor3A_655, %squeeze3A_636, %squeeze3A_628 : vector<4x16x1024xi1>, vector<4x16x1024xf32>
    %select_n3A_661 = arith.select %xor3A_655, %squeeze3A_628, %squeeze3A_636 : vector<4x16x1024xi1>, vector<4x16x1024xf32>
    %select_n3A_662 = arith.select %xor3A_655, %squeeze3A_638, %squeeze3A_630 : vector<4x16x1024xi1>, vector<4x16x1024xf32>
    %select_n3A_663 = arith.select %xor3A_655, %squeeze3A_630, %squeeze3A_638 : vector<4x16x1024xi1>, vector<4x16x1024xf32>
    %stack3A_664 = vector.shape_cast %select_n3A_656 : vector<4x16x1024xf32> to vector<4x1x16x1024xf32>
    %stack3A_665 = vector.shape_cast %select_n3A_657 : vector<4x16x1024xf32> to vector<4x1x16x1024xf32>
    %stack3A_666 = tpu.concatenate %stack3A_664, %stack3A_665 in 1 : vector<4x1x16x1024xf32>, vector<4x1x16x1024xf32> -> vector<4x2x16x1024xf32>
    %reshape3A_667 = vector.shape_cast %stack3A_666 : vector<4x2x16x1024xf32> to vector<128x1024xf32>
    %stack3A_668 = vector.shape_cast %select_n3A_658 : vector<4x16x1024xi32> to vector<4x1x16x1024xi32>
    %stack3A_669 = vector.shape_cast %select_n3A_659 : vector<4x16x1024xi32> to vector<4x1x16x1024xi32>
    %stack3A_670 = tpu.concatenate %stack3A_668, %stack3A_669 in 1 : vector<4x1x16x1024xi32>, vector<4x1x16x1024xi32> -> vector<4x2x16x1024xi32>
    %reshape3A_671 = vector.shape_cast %stack3A_670 : vector<4x2x16x1024xi32> to vector<128x1024xi32>
    %stack3A_672 = vector.shape_cast %select_n3A_660 : vector<4x16x1024xf32> to vector<4x1x16x1024xf32>
    %stack3A_673 = vector.shape_cast %select_n3A_661 : vector<4x16x1024xf32> to vector<4x1x16x1024xf32>
    %stack3A_674 = tpu.concatenate %stack3A_672, %stack3A_673 in 1 : vector<4x1x16x1024xf32>, vector<4x1x16x1024xf32> -> vector<4x2x16x1024xf32>
    %reshape3A_675 = vector.shape_cast %stack3A_674 : vector<4x2x16x1024xf32> to vector<128x1024xf32>
    %stack3A_676 = vector.shape_cast %select_n3A_662 : vector<4x16x1024xf32> to vector<4x1x16x1024xf32>
    %stack3A_677 = vector.shape_cast %select_n3A_663 : vector<4x16x1024xf32> to vector<4x1x16x1024xf32>
    %stack3A_678 = tpu.concatenate %stack3A_676, %stack3A_677 in 1 : vector<4x1x16x1024xf32>, vector<4x1x16x1024xf32> -> vector<4x2x16x1024xf32>
    %reshape3A_679 = vector.shape_cast %stack3A_678 : vector<4x2x16x1024xf32> to vector<128x1024xf32>
    %reshape3A_680 = vector.shape_cast %reshape3A_667 : vector<128x1024xf32> to vector<8x2x8x1024xf32>
    %reshape3A_681 = vector.shape_cast %reshape3A_671 : vector<128x1024xi32> to vector<8x2x8x1024xi32>
    %reshape3A_682 = vector.shape_cast %reshape3A_675 : vector<128x1024xf32> to vector<8x2x8x1024xf32>
    %reshape3A_683 = vector.shape_cast %reshape3A_679 : vector<128x1024xf32> to vector<8x2x8x1024xf32>
    %slice3A_684 = vector.extract_strided_slice %reshape3A_680 {offsets = [0, 0, 0, 0], sizes = [8, 1, 8, 1024], strides = [1, 1, 1, 1]} : vector<8x2x8x1024xf32> to vector<8x1x8x1024xf32>
    %squeeze3A_685 = vector.shape_cast %slice3A_684 : vector<8x1x8x1024xf32> to vector<8x8x1024xf32>
    %slice3A_686 = vector.extract_strided_slice %reshape3A_681 {offsets = [0, 0, 0, 0], sizes = [8, 1, 8, 1024], strides = [1, 1, 1, 1]} : vector<8x2x8x1024xi32> to vector<8x1x8x1024xi32>
    %squeeze3A_687 = vector.shape_cast %slice3A_686 : vector<8x1x8x1024xi32> to vector<8x8x1024xi32>
    %slice3A_688 = vector.extract_strided_slice %reshape3A_682 {offsets = [0, 0, 0, 0], sizes = [8, 1, 8, 1024], strides = [1, 1, 1, 1]} : vector<8x2x8x1024xf32> to vector<8x1x8x1024xf32>
    %squeeze3A_689 = vector.shape_cast %slice3A_688 : vector<8x1x8x1024xf32> to vector<8x8x1024xf32>
    %slice3A_690 = vector.extract_strided_slice %reshape3A_683 {offsets = [0, 0, 0, 0], sizes = [8, 1, 8, 1024], strides = [1, 1, 1, 1]} : vector<8x2x8x1024xf32> to vector<8x1x8x1024xf32>
    %squeeze3A_691 = vector.shape_cast %slice3A_690 : vector<8x1x8x1024xf32> to vector<8x8x1024xf32>
    %slice3A_692 = vector.extract_strided_slice %reshape3A_680 {offsets = [0, 1, 0, 0], sizes = [8, 1, 8, 1024], strides = [1, 1, 1, 1]} : vector<8x2x8x1024xf32> to vector<8x1x8x1024xf32>
    %squeeze3A_693 = vector.shape_cast %slice3A_692 : vector<8x1x8x1024xf32> to vector<8x8x1024xf32>
    %slice3A_694 = vector.extract_strided_slice %reshape3A_681 {offsets = [0, 1, 0, 0], sizes = [8, 1, 8, 1024], strides = [1, 1, 1, 1]} : vector<8x2x8x1024xi32> to vector<8x1x8x1024xi32>
    %squeeze3A_695 = vector.shape_cast %slice3A_694 : vector<8x1x8x1024xi32> to vector<8x8x1024xi32>
    %slice3A_696 = vector.extract_strided_slice %reshape3A_682 {offsets = [0, 1, 0, 0], sizes = [8, 1, 8, 1024], strides = [1, 1, 1, 1]} : vector<8x2x8x1024xf32> to vector<8x1x8x1024xf32>
    %squeeze3A_697 = vector.shape_cast %slice3A_696 : vector<8x1x8x1024xf32> to vector<8x8x1024xf32>
    %slice3A_698 = vector.extract_strided_slice %reshape3A_683 {offsets = [0, 1, 0, 0], sizes = [8, 1, 8, 1024], strides = [1, 1, 1, 1]} : vector<8x2x8x1024xf32> to vector<8x1x8x1024xf32>
    %squeeze3A_699 = vector.shape_cast %slice3A_698 : vector<8x1x8x1024xf32> to vector<8x8x1024xf32>
    %iota3A_700 = tpu.iota {dimensions = array<i32: 0>} : vector<8x1x1xi32>
    %mul3A_701 = arith.constant 16 : i32
    %mul3A_702 = vector.broadcast %mul3A_701 : i32 to vector<8x1x1xi32>
    %mul3A_703 = arith.muli %iota3A_700, %mul3A_702 : vector<8x1x1xi32>
    %and3A_704 = arith.constant 32 : i32
    %and3A_705 = vector.broadcast %and3A_704 : i32 to vector<8x1x1xi32>
    %and3A_706 = arith.andi %mul3A_703, %and3A_705 : vector<8x1x1xi32>
    %eq3A_707 = arith.constant 0 : i32
    %eq3A_708 = vector.broadcast %eq3A_707 : i32 to vector<8x1x1xi32>
    %eq3A_709 = arith.cmpi eq, %and3A_706, %eq3A_708 : vector<8x1x1xi32>
    %gt3A_710 = arith.cmpf ogt, %squeeze3A_685, %squeeze3A_693 : vector<8x8x1024xf32>
    %eq3A_711 = arith.cmpf oeq, %squeeze3A_685, %squeeze3A_693 : vector<8x8x1024xf32>
    %lt3A_712 = arith.cmpi slt, %squeeze3A_687, %squeeze3A_695 : vector<8x8x1024xi32>
    %and3A_713 = arith.andi %eq3A_711, %lt3A_712 : vector<8x8x1024xi1>
    %or3A_714 = arith.ori %gt3A_710, %and3A_713 : vector<8x8x1024xi1>
    %xor3A_715 = vector.broadcast %eq3A_709 : vector<8x1x1xi1> to vector<8x8x1024xi1>
    %xor3A_716 = arith.xori %or3A_714, %xor3A_715 : vector<8x8x1024xi1>
    %select_n3A_717 = arith.select %xor3A_716, %squeeze3A_693, %squeeze3A_685 : vector<8x8x1024xi1>, vector<8x8x1024xf32>
    %select_n3A_718 = arith.select %xor3A_716, %squeeze3A_685, %squeeze3A_693 : vector<8x8x1024xi1>, vector<8x8x1024xf32>
    %select_n3A_719 = arith.select %xor3A_716, %squeeze3A_695, %squeeze3A_687 : vector<8x8x1024xi1>, vector<8x8x1024xi32>
    %select_n3A_720 = arith.select %xor3A_716, %squeeze3A_687, %squeeze3A_695 : vector<8x8x1024xi1>, vector<8x8x1024xi32>
    %select_n3A_721 = arith.select %xor3A_716, %squeeze3A_697, %squeeze3A_689 : vector<8x8x1024xi1>, vector<8x8x1024xf32>
    %select_n3A_722 = arith.select %xor3A_716, %squeeze3A_689, %squeeze3A_697 : vector<8x8x1024xi1>, vector<8x8x1024xf32>
    %select_n3A_723 = arith.select %xor3A_716, %squeeze3A_699, %squeeze3A_691 : vector<8x8x1024xi1>, vector<8x8x1024xf32>
    %select_n3A_724 = arith.select %xor3A_716, %squeeze3A_691, %squeeze3A_699 : vector<8x8x1024xi1>, vector<8x8x1024xf32>
    %stack3A_725 = vector.shape_cast %select_n3A_717 : vector<8x8x1024xf32> to vector<8x1x8x1024xf32>
    %stack3A_726 = vector.shape_cast %select_n3A_718 : vector<8x8x1024xf32> to vector<8x1x8x1024xf32>
    %stack3A_727 = tpu.concatenate %stack3A_725, %stack3A_726 in 1 : vector<8x1x8x1024xf32>, vector<8x1x8x1024xf32> -> vector<8x2x8x1024xf32>
    %reshape3A_728 = vector.shape_cast %stack3A_727 : vector<8x2x8x1024xf32> to vector<128x1024xf32>
    %stack3A_729 = vector.shape_cast %select_n3A_719 : vector<8x8x1024xi32> to vector<8x1x8x1024xi32>
    %stack3A_730 = vector.shape_cast %select_n3A_720 : vector<8x8x1024xi32> to vector<8x1x8x1024xi32>
    %stack3A_731 = tpu.concatenate %stack3A_729, %stack3A_730 in 1 : vector<8x1x8x1024xi32>, vector<8x1x8x1024xi32> -> vector<8x2x8x1024xi32>
    %reshape3A_732 = vector.shape_cast %stack3A_731 : vector<8x2x8x1024xi32> to vector<128x1024xi32>
    %stack3A_733 = vector.shape_cast %select_n3A_721 : vector<8x8x1024xf32> to vector<8x1x8x1024xf32>
    %stack3A_734 = vector.shape_cast %select_n3A_722 : vector<8x8x1024xf32> to vector<8x1x8x1024xf32>
    %stack3A_735 = tpu.concatenate %stack3A_733, %stack3A_734 in 1 : vector<8x1x8x1024xf32>, vector<8x1x8x1024xf32> -> vector<8x2x8x1024xf32>
    %reshape3A_736 = vector.shape_cast %stack3A_735 : vector<8x2x8x1024xf32> to vector<128x1024xf32>
    %stack3A_737 = vector.shape_cast %select_n3A_723 : vector<8x8x1024xf32> to vector<8x1x8x1024xf32>
    %stack3A_738 = vector.shape_cast %select_n3A_724 : vector<8x8x1024xf32> to vector<8x1x8x1024xf32>
    %stack3A_739 = tpu.concatenate %stack3A_737, %stack3A_738 in 1 : vector<8x1x8x1024xf32>, vector<8x1x8x1024xf32> -> vector<8x2x8x1024xf32>
    %reshape3A_740 = vector.shape_cast %stack3A_739 : vector<8x2x8x1024xf32> to vector<128x1024xf32>
    %reshape3A_741 = vector.shape_cast %reshape3A_728 : vector<128x1024xf32> to vector<16x2x4x1024xf32>
    %reshape3A_742 = vector.shape_cast %reshape3A_732 : vector<128x1024xi32> to vector<16x2x4x1024xi32>
    %reshape3A_743 = vector.shape_cast %reshape3A_736 : vector<128x1024xf32> to vector<16x2x4x1024xf32>
    %reshape3A_744 = vector.shape_cast %reshape3A_740 : vector<128x1024xf32> to vector<16x2x4x1024xf32>
    %slice3A_745 = vector.extract_strided_slice %reshape3A_741 {offsets = [0, 0, 0, 0], sizes = [16, 1, 4, 1024], strides = [1, 1, 1, 1]} : vector<16x2x4x1024xf32> to vector<16x1x4x1024xf32>
    %squeeze3A_746 = vector.shape_cast %slice3A_745 : vector<16x1x4x1024xf32> to vector<16x4x1024xf32>
    %slice3A_747 = vector.extract_strided_slice %reshape3A_742 {offsets = [0, 0, 0, 0], sizes = [16, 1, 4, 1024], strides = [1, 1, 1, 1]} : vector<16x2x4x1024xi32> to vector<16x1x4x1024xi32>
    %squeeze3A_748 = vector.shape_cast %slice3A_747 : vector<16x1x4x1024xi32> to vector<16x4x1024xi32>
    %slice3A_749 = vector.extract_strided_slice %reshape3A_743 {offsets = [0, 0, 0, 0], sizes = [16, 1, 4, 1024], strides = [1, 1, 1, 1]} : vector<16x2x4x1024xf32> to vector<16x1x4x1024xf32>
    %squeeze3A_750 = vector.shape_cast %slice3A_749 : vector<16x1x4x1024xf32> to vector<16x4x1024xf32>
    %slice3A_751 = vector.extract_strided_slice %reshape3A_744 {offsets = [0, 0, 0, 0], sizes = [16, 1, 4, 1024], strides = [1, 1, 1, 1]} : vector<16x2x4x1024xf32> to vector<16x1x4x1024xf32>
    %squeeze3A_752 = vector.shape_cast %slice3A_751 : vector<16x1x4x1024xf32> to vector<16x4x1024xf32>
    %slice3A_753 = vector.extract_strided_slice %reshape3A_741 {offsets = [0, 1, 0, 0], sizes = [16, 1, 4, 1024], strides = [1, 1, 1, 1]} : vector<16x2x4x1024xf32> to vector<16x1x4x1024xf32>
    %squeeze3A_754 = vector.shape_cast %slice3A_753 : vector<16x1x4x1024xf32> to vector<16x4x1024xf32>
    %slice3A_755 = vector.extract_strided_slice %reshape3A_742 {offsets = [0, 1, 0, 0], sizes = [16, 1, 4, 1024], strides = [1, 1, 1, 1]} : vector<16x2x4x1024xi32> to vector<16x1x4x1024xi32>
    %squeeze3A_756 = vector.shape_cast %slice3A_755 : vector<16x1x4x1024xi32> to vector<16x4x1024xi32>
    %slice3A_757 = vector.extract_strided_slice %reshape3A_743 {offsets = [0, 1, 0, 0], sizes = [16, 1, 4, 1024], strides = [1, 1, 1, 1]} : vector<16x2x4x1024xf32> to vector<16x1x4x1024xf32>
    %squeeze3A_758 = vector.shape_cast %slice3A_757 : vector<16x1x4x1024xf32> to vector<16x4x1024xf32>
    %slice3A_759 = vector.extract_strided_slice %reshape3A_744 {offsets = [0, 1, 0, 0], sizes = [16, 1, 4, 1024], strides = [1, 1, 1, 1]} : vector<16x2x4x1024xf32> to vector<16x1x4x1024xf32>
    %squeeze3A_760 = vector.shape_cast %slice3A_759 : vector<16x1x4x1024xf32> to vector<16x4x1024xf32>
    %iota3A_761 = tpu.iota {dimensions = array<i32: 0>} : vector<16x1x1xi32>
    %mul3A_762 = arith.constant 8 : i32
    %mul3A_763 = vector.broadcast %mul3A_762 : i32 to vector<16x1x1xi32>
    %mul3A_764 = arith.muli %iota3A_761, %mul3A_763 : vector<16x1x1xi32>
    %and3A_765 = arith.constant 32 : i32
    %and3A_766 = vector.broadcast %and3A_765 : i32 to vector<16x1x1xi32>
    %and3A_767 = arith.andi %mul3A_764, %and3A_766 : vector<16x1x1xi32>
    %eq3A_768 = arith.constant 0 : i32
    %eq3A_769 = vector.broadcast %eq3A_768 : i32 to vector<16x1x1xi32>
    %eq3A_770 = arith.cmpi eq, %and3A_767, %eq3A_769 : vector<16x1x1xi32>
    %gt3A_771 = arith.cmpf ogt, %squeeze3A_746, %squeeze3A_754 : vector<16x4x1024xf32>
    %eq3A_772 = arith.cmpf oeq, %squeeze3A_746, %squeeze3A_754 : vector<16x4x1024xf32>
    %lt3A_773 = arith.cmpi slt, %squeeze3A_748, %squeeze3A_756 : vector<16x4x1024xi32>
    %and3A_774 = arith.andi %eq3A_772, %lt3A_773 : vector<16x4x1024xi1>
    %or3A_775 = arith.ori %gt3A_771, %and3A_774 : vector<16x4x1024xi1>
    %xor3A_776 = vector.broadcast %eq3A_770 : vector<16x1x1xi1> to vector<16x4x1024xi1>
    %xor3A_777 = arith.xori %or3A_775, %xor3A_776 : vector<16x4x1024xi1>
    %select_n3A_778 = arith.select %xor3A_777, %squeeze3A_754, %squeeze3A_746 : vector<16x4x1024xi1>, vector<16x4x1024xf32>
    %select_n3A_779 = arith.select %xor3A_777, %squeeze3A_746, %squeeze3A_754 : vector<16x4x1024xi1>, vector<16x4x1024xf32>
    %select_n3A_780 = arith.select %xor3A_777, %squeeze3A_756, %squeeze3A_748 : vector<16x4x1024xi1>, vector<16x4x1024xi32>
    %select_n3A_781 = arith.select %xor3A_777, %squeeze3A_748, %squeeze3A_756 : vector<16x4x1024xi1>, vector<16x4x1024xi32>
    %select_n3A_782 = arith.select %xor3A_777, %squeeze3A_758, %squeeze3A_750 : vector<16x4x1024xi1>, vector<16x4x1024xf32>
    %select_n3A_783 = arith.select %xor3A_777, %squeeze3A_750, %squeeze3A_758 : vector<16x4x1024xi1>, vector<16x4x1024xf32>
    %select_n3A_784 = arith.select %xor3A_777, %squeeze3A_760, %squeeze3A_752 : vector<16x4x1024xi1>, vector<16x4x1024xf32>
    %select_n3A_785 = arith.select %xor3A_777, %squeeze3A_752, %squeeze3A_760 : vector<16x4x1024xi1>, vector<16x4x1024xf32>
    %stack3A_786 = vector.shape_cast %select_n3A_778 : vector<16x4x1024xf32> to vector<16x1x4x1024xf32>
    %stack3A_787 = vector.shape_cast %select_n3A_779 : vector<16x4x1024xf32> to vector<16x1x4x1024xf32>
    %stack3A_788 = tpu.concatenate %stack3A_786, %stack3A_787 in 1 : vector<16x1x4x1024xf32>, vector<16x1x4x1024xf32> -> vector<16x2x4x1024xf32>
    %reshape3A_789 = vector.shape_cast %stack3A_788 : vector<16x2x4x1024xf32> to vector<128x1024xf32>
    %stack3A_790 = vector.shape_cast %select_n3A_780 : vector<16x4x1024xi32> to vector<16x1x4x1024xi32>
    %stack3A_791 = vector.shape_cast %select_n3A_781 : vector<16x4x1024xi32> to vector<16x1x4x1024xi32>
    %stack3A_792 = tpu.concatenate %stack3A_790, %stack3A_791 in 1 : vector<16x1x4x1024xi32>, vector<16x1x4x1024xi32> -> vector<16x2x4x1024xi32>
    %reshape3A_793 = vector.shape_cast %stack3A_792 : vector<16x2x4x1024xi32> to vector<128x1024xi32>
    %stack3A_794 = vector.shape_cast %select_n3A_782 : vector<16x4x1024xf32> to vector<16x1x4x1024xf32>
    %stack3A_795 = vector.shape_cast %select_n3A_783 : vector<16x4x1024xf32> to vector<16x1x4x1024xf32>
    %stack3A_796 = tpu.concatenate %stack3A_794, %stack3A_795 in 1 : vector<16x1x4x1024xf32>, vector<16x1x4x1024xf32> -> vector<16x2x4x1024xf32>
    %reshape3A_797 = vector.shape_cast %stack3A_796 : vector<16x2x4x1024xf32> to vector<128x1024xf32>
    %stack3A_798 = vector.shape_cast %select_n3A_784 : vector<16x4x1024xf32> to vector<16x1x4x1024xf32>
    %stack3A_799 = vector.shape_cast %select_n3A_785 : vector<16x4x1024xf32> to vector<16x1x4x1024xf32>
    %stack3A_800 = tpu.concatenate %stack3A_798, %stack3A_799 in 1 : vector<16x1x4x1024xf32>, vector<16x1x4x1024xf32> -> vector<16x2x4x1024xf32>
    %reshape3A_801 = vector.shape_cast %stack3A_800 : vector<16x2x4x1024xf32> to vector<128x1024xf32>
    %reshape3A_802 = vector.shape_cast %reshape3A_789 : vector<128x1024xf32> to vector<32x2x2x1024xf32>
    %reshape3A_803 = vector.shape_cast %reshape3A_793 : vector<128x1024xi32> to vector<32x2x2x1024xi32>
    %reshape3A_804 = vector.shape_cast %reshape3A_797 : vector<128x1024xf32> to vector<32x2x2x1024xf32>
    %reshape3A_805 = vector.shape_cast %reshape3A_801 : vector<128x1024xf32> to vector<32x2x2x1024xf32>
    %slice3A_806 = vector.extract_strided_slice %reshape3A_802 {offsets = [0, 0, 0, 0], sizes = [32, 1, 2, 1024], strides = [1, 1, 1, 1]} : vector<32x2x2x1024xf32> to vector<32x1x2x1024xf32>
    %squeeze3A_807 = vector.shape_cast %slice3A_806 : vector<32x1x2x1024xf32> to vector<32x2x1024xf32>
    %slice3A_808 = vector.extract_strided_slice %reshape3A_803 {offsets = [0, 0, 0, 0], sizes = [32, 1, 2, 1024], strides = [1, 1, 1, 1]} : vector<32x2x2x1024xi32> to vector<32x1x2x1024xi32>
    %squeeze3A_809 = vector.shape_cast %slice3A_808 : vector<32x1x2x1024xi32> to vector<32x2x1024xi32>
    %slice3A_810 = vector.extract_strided_slice %reshape3A_804 {offsets = [0, 0, 0, 0], sizes = [32, 1, 2, 1024], strides = [1, 1, 1, 1]} : vector<32x2x2x1024xf32> to vector<32x1x2x1024xf32>
    %squeeze3A_811 = vector.shape_cast %slice3A_810 : vector<32x1x2x1024xf32> to vector<32x2x1024xf32>
    %slice3A_812 = vector.extract_strided_slice %reshape3A_805 {offsets = [0, 0, 0, 0], sizes = [32, 1, 2, 1024], strides = [1, 1, 1, 1]} : vector<32x2x2x1024xf32> to vector<32x1x2x1024xf32>
    %squeeze3A_813 = vector.shape_cast %slice3A_812 : vector<32x1x2x1024xf32> to vector<32x2x1024xf32>
    %slice3A_814 = vector.extract_strided_slice %reshape3A_802 {offsets = [0, 1, 0, 0], sizes = [32, 1, 2, 1024], strides = [1, 1, 1, 1]} : vector<32x2x2x1024xf32> to vector<32x1x2x1024xf32>
    %squeeze3A_815 = vector.shape_cast %slice3A_814 : vector<32x1x2x1024xf32> to vector<32x2x1024xf32>
    %slice3A_816 = vector.extract_strided_slice %reshape3A_803 {offsets = [0, 1, 0, 0], sizes = [32, 1, 2, 1024], strides = [1, 1, 1, 1]} : vector<32x2x2x1024xi32> to vector<32x1x2x1024xi32>
    %squeeze3A_817 = vector.shape_cast %slice3A_816 : vector<32x1x2x1024xi32> to vector<32x2x1024xi32>
    %slice3A_818 = vector.extract_strided_slice %reshape3A_804 {offsets = [0, 1, 0, 0], sizes = [32, 1, 2, 1024], strides = [1, 1, 1, 1]} : vector<32x2x2x1024xf32> to vector<32x1x2x1024xf32>
    %squeeze3A_819 = vector.shape_cast %slice3A_818 : vector<32x1x2x1024xf32> to vector<32x2x1024xf32>
    %slice3A_820 = vector.extract_strided_slice %reshape3A_805 {offsets = [0, 1, 0, 0], sizes = [32, 1, 2, 1024], strides = [1, 1, 1, 1]} : vector<32x2x2x1024xf32> to vector<32x1x2x1024xf32>
    %squeeze3A_821 = vector.shape_cast %slice3A_820 : vector<32x1x2x1024xf32> to vector<32x2x1024xf32>
    %iota3A_822 = tpu.iota {dimensions = array<i32: 0>} : vector<32x1x1xi32>
    %mul3A_823 = arith.constant 4 : i32
    %mul3A_824 = vector.broadcast %mul3A_823 : i32 to vector<32x1x1xi32>
    %mul3A_825 = arith.muli %iota3A_822, %mul3A_824 : vector<32x1x1xi32>
    %and3A_826 = arith.constant 32 : i32
    %and3A_827 = vector.broadcast %and3A_826 : i32 to vector<32x1x1xi32>
    %and3A_828 = arith.andi %mul3A_825, %and3A_827 : vector<32x1x1xi32>
    %eq3A_829 = arith.constant 0 : i32
    %eq3A_830 = vector.broadcast %eq3A_829 : i32 to vector<32x1x1xi32>
    %eq3A_831 = arith.cmpi eq, %and3A_828, %eq3A_830 : vector<32x1x1xi32>
    %gt3A_832 = arith.cmpf ogt, %squeeze3A_807, %squeeze3A_815 : vector<32x2x1024xf32>
    %eq3A_833 = arith.cmpf oeq, %squeeze3A_807, %squeeze3A_815 : vector<32x2x1024xf32>
    %lt3A_834 = arith.cmpi slt, %squeeze3A_809, %squeeze3A_817 : vector<32x2x1024xi32>
    %and3A_835 = arith.andi %eq3A_833, %lt3A_834 : vector<32x2x1024xi1>
    %or3A_836 = arith.ori %gt3A_832, %and3A_835 : vector<32x2x1024xi1>
    %xor3A_837 = vector.broadcast %eq3A_831 : vector<32x1x1xi1> to vector<32x2x1024xi1>
    %xor3A_838 = arith.xori %or3A_836, %xor3A_837 : vector<32x2x1024xi1>
    %select_n3A_839 = arith.select %xor3A_838, %squeeze3A_815, %squeeze3A_807 : vector<32x2x1024xi1>, vector<32x2x1024xf32>
    %select_n3A_840 = arith.select %xor3A_838, %squeeze3A_807, %squeeze3A_815 : vector<32x2x1024xi1>, vector<32x2x1024xf32>
    %select_n3A_841 = arith.select %xor3A_838, %squeeze3A_817, %squeeze3A_809 : vector<32x2x1024xi1>, vector<32x2x1024xi32>
    %select_n3A_842 = arith.select %xor3A_838, %squeeze3A_809, %squeeze3A_817 : vector<32x2x1024xi1>, vector<32x2x1024xi32>
    %select_n3A_843 = arith.select %xor3A_838, %squeeze3A_819, %squeeze3A_811 : vector<32x2x1024xi1>, vector<32x2x1024xf32>
    %select_n3A_844 = arith.select %xor3A_838, %squeeze3A_811, %squeeze3A_819 : vector<32x2x1024xi1>, vector<32x2x1024xf32>
    %select_n3A_845 = arith.select %xor3A_838, %squeeze3A_821, %squeeze3A_813 : vector<32x2x1024xi1>, vector<32x2x1024xf32>
    %select_n3A_846 = arith.select %xor3A_838, %squeeze3A_813, %squeeze3A_821 : vector<32x2x1024xi1>, vector<32x2x1024xf32>
    %stack3A_847 = vector.shape_cast %select_n3A_839 : vector<32x2x1024xf32> to vector<32x1x2x1024xf32>
    %stack3A_848 = vector.shape_cast %select_n3A_840 : vector<32x2x1024xf32> to vector<32x1x2x1024xf32>
    %stack3A_849 = tpu.concatenate %stack3A_847, %stack3A_848 in 1 : vector<32x1x2x1024xf32>, vector<32x1x2x1024xf32> -> vector<32x2x2x1024xf32>
    %reshape3A_850 = vector.shape_cast %stack3A_849 : vector<32x2x2x1024xf32> to vector<128x1024xf32>
    %stack3A_851 = vector.shape_cast %select_n3A_841 : vector<32x2x1024xi32> to vector<32x1x2x1024xi32>
    %stack3A_852 = vector.shape_cast %select_n3A_842 : vector<32x2x1024xi32> to vector<32x1x2x1024xi32>
    %stack3A_853 = tpu.concatenate %stack3A_851, %stack3A_852 in 1 : vector<32x1x2x1024xi32>, vector<32x1x2x1024xi32> -> vector<32x2x2x1024xi32>
    %reshape3A_854 = vector.shape_cast %stack3A_853 : vector<32x2x2x1024xi32> to vector<128x1024xi32>
    %stack3A_855 = vector.shape_cast %select_n3A_843 : vector<32x2x1024xf32> to vector<32x1x2x1024xf32>
    %stack3A_856 = vector.shape_cast %select_n3A_844 : vector<32x2x1024xf32> to vector<32x1x2x1024xf32>
    %stack3A_857 = tpu.concatenate %stack3A_855, %stack3A_856 in 1 : vector<32x1x2x1024xf32>, vector<32x1x2x1024xf32> -> vector<32x2x2x1024xf32>
    %reshape3A_858 = vector.shape_cast %stack3A_857 : vector<32x2x2x1024xf32> to vector<128x1024xf32>
    %stack3A_859 = vector.shape_cast %select_n3A_845 : vector<32x2x1024xf32> to vector<32x1x2x1024xf32>
    %stack3A_860 = vector.shape_cast %select_n3A_846 : vector<32x2x1024xf32> to vector<32x1x2x1024xf32>
    %stack3A_861 = tpu.concatenate %stack3A_859, %stack3A_860 in 1 : vector<32x1x2x1024xf32>, vector<32x1x2x1024xf32> -> vector<32x2x2x1024xf32>
    %reshape3A_862 = vector.shape_cast %stack3A_861 : vector<32x2x2x1024xf32> to vector<128x1024xf32>
    %reshape3A_863 = vector.shape_cast %reshape3A_850 : vector<128x1024xf32> to vector<64x2x1x1024xf32>
    %reshape3A_864 = vector.shape_cast %reshape3A_854 : vector<128x1024xi32> to vector<64x2x1x1024xi32>
    %reshape3A_865 = vector.shape_cast %reshape3A_858 : vector<128x1024xf32> to vector<64x2x1x1024xf32>
    %reshape3A_866 = vector.shape_cast %reshape3A_862 : vector<128x1024xf32> to vector<64x2x1x1024xf32>
    %slice3A_867 = vector.extract_strided_slice %reshape3A_863 {offsets = [0, 0, 0, 0], sizes = [64, 1, 1, 1024], strides = [1, 1, 1, 1]} : vector<64x2x1x1024xf32> to vector<64x1x1x1024xf32>
    %squeeze3A_868 = vector.shape_cast %slice3A_867 : vector<64x1x1x1024xf32> to vector<64x1x1024xf32>
    %slice3A_869 = vector.extract_strided_slice %reshape3A_864 {offsets = [0, 0, 0, 0], sizes = [64, 1, 1, 1024], strides = [1, 1, 1, 1]} : vector<64x2x1x1024xi32> to vector<64x1x1x1024xi32>
    %squeeze3A_870 = vector.shape_cast %slice3A_869 : vector<64x1x1x1024xi32> to vector<64x1x1024xi32>
    %slice3A_871 = vector.extract_strided_slice %reshape3A_865 {offsets = [0, 0, 0, 0], sizes = [64, 1, 1, 1024], strides = [1, 1, 1, 1]} : vector<64x2x1x1024xf32> to vector<64x1x1x1024xf32>
    %squeeze3A_872 = vector.shape_cast %slice3A_871 : vector<64x1x1x1024xf32> to vector<64x1x1024xf32>
    %slice3A_873 = vector.extract_strided_slice %reshape3A_866 {offsets = [0, 0, 0, 0], sizes = [64, 1, 1, 1024], strides = [1, 1, 1, 1]} : vector<64x2x1x1024xf32> to vector<64x1x1x1024xf32>
    %squeeze3A_874 = vector.shape_cast %slice3A_873 : vector<64x1x1x1024xf32> to vector<64x1x1024xf32>
    %slice3A_875 = vector.extract_strided_slice %reshape3A_863 {offsets = [0, 1, 0, 0], sizes = [64, 1, 1, 1024], strides = [1, 1, 1, 1]} : vector<64x2x1x1024xf32> to vector<64x1x1x1024xf32>
    %squeeze3A_876 = vector.shape_cast %slice3A_875 : vector<64x1x1x1024xf32> to vector<64x1x1024xf32>
    %slice3A_877 = vector.extract_strided_slice %reshape3A_864 {offsets = [0, 1, 0, 0], sizes = [64, 1, 1, 1024], strides = [1, 1, 1, 1]} : vector<64x2x1x1024xi32> to vector<64x1x1x1024xi32>
    %squeeze3A_878 = vector.shape_cast %slice3A_877 : vector<64x1x1x1024xi32> to vector<64x1x1024xi32>
    %slice3A_879 = vector.extract_strided_slice %reshape3A_865 {offsets = [0, 1, 0, 0], sizes = [64, 1, 1, 1024], strides = [1, 1, 1, 1]} : vector<64x2x1x1024xf32> to vector<64x1x1x1024xf32>
    %squeeze3A_880 = vector.shape_cast %slice3A_879 : vector<64x1x1x1024xf32> to vector<64x1x1024xf32>
    %slice3A_881 = vector.extract_strided_slice %reshape3A_866 {offsets = [0, 1, 0, 0], sizes = [64, 1, 1, 1024], strides = [1, 1, 1, 1]} : vector<64x2x1x1024xf32> to vector<64x1x1x1024xf32>
    %squeeze3A_882 = vector.shape_cast %slice3A_881 : vector<64x1x1x1024xf32> to vector<64x1x1024xf32>
    %iota3A_883 = tpu.iota {dimensions = array<i32: 0>} : vector<64x1x1xi32>
    %mul3A_884 = arith.constant 2 : i32
    %mul3A_885 = vector.broadcast %mul3A_884 : i32 to vector<64x1x1xi32>
    %mul3A_886 = arith.muli %iota3A_883, %mul3A_885 : vector<64x1x1xi32>
    %and3A_887 = arith.constant 32 : i32
    %and3A_888 = vector.broadcast %and3A_887 : i32 to vector<64x1x1xi32>
    %and3A_889 = arith.andi %mul3A_886, %and3A_888 : vector<64x1x1xi32>
    %eq3A_890 = arith.constant 0 : i32
    %eq3A_891 = vector.broadcast %eq3A_890 : i32 to vector<64x1x1xi32>
    %eq3A_892 = arith.cmpi eq, %and3A_889, %eq3A_891 : vector<64x1x1xi32>
    %gt3A_893 = arith.cmpf ogt, %squeeze3A_868, %squeeze3A_876 : vector<64x1x1024xf32>
    %eq3A_894 = arith.cmpf oeq, %squeeze3A_868, %squeeze3A_876 : vector<64x1x1024xf32>
    %lt3A_895 = arith.cmpi slt, %squeeze3A_870, %squeeze3A_878 : vector<64x1x1024xi32>
    %and3A_896 = arith.andi %eq3A_894, %lt3A_895 : vector<64x1x1024xi1>
    %or3A_897 = arith.ori %gt3A_893, %and3A_896 : vector<64x1x1024xi1>
    %xor3A_898 = vector.broadcast %eq3A_892 : vector<64x1x1xi1> to vector<64x1x1024xi1>
    %xor3A_899 = arith.xori %or3A_897, %xor3A_898 : vector<64x1x1024xi1>
    %select_n3A_900 = arith.select %xor3A_899, %squeeze3A_876, %squeeze3A_868 : vector<64x1x1024xi1>, vector<64x1x1024xf32>
    %select_n3A_901 = arith.select %xor3A_899, %squeeze3A_868, %squeeze3A_876 : vector<64x1x1024xi1>, vector<64x1x1024xf32>
    %select_n3A_902 = arith.select %xor3A_899, %squeeze3A_878, %squeeze3A_870 : vector<64x1x1024xi1>, vector<64x1x1024xi32>
    %select_n3A_903 = arith.select %xor3A_899, %squeeze3A_870, %squeeze3A_878 : vector<64x1x1024xi1>, vector<64x1x1024xi32>
    %select_n3A_904 = arith.select %xor3A_899, %squeeze3A_880, %squeeze3A_872 : vector<64x1x1024xi1>, vector<64x1x1024xf32>
    %select_n3A_905 = arith.select %xor3A_899, %squeeze3A_872, %squeeze3A_880 : vector<64x1x1024xi1>, vector<64x1x1024xf32>
    %select_n3A_906 = arith.select %xor3A_899, %squeeze3A_882, %squeeze3A_874 : vector<64x1x1024xi1>, vector<64x1x1024xf32>
    %select_n3A_907 = arith.select %xor3A_899, %squeeze3A_874, %squeeze3A_882 : vector<64x1x1024xi1>, vector<64x1x1024xf32>
    %stack3A_908 = vector.shape_cast %select_n3A_900 : vector<64x1x1024xf32> to vector<64x1x1x1024xf32>
    %stack3A_909 = vector.shape_cast %select_n3A_901 : vector<64x1x1024xf32> to vector<64x1x1x1024xf32>
    %stack3A_910 = tpu.concatenate %stack3A_908, %stack3A_909 in 1 : vector<64x1x1x1024xf32>, vector<64x1x1x1024xf32> -> vector<64x2x1x1024xf32>
    %reshape3A_911 = vector.shape_cast %stack3A_910 : vector<64x2x1x1024xf32> to vector<128x1024xf32>
    %stack3A_912 = vector.shape_cast %select_n3A_902 : vector<64x1x1024xi32> to vector<64x1x1x1024xi32>
    %stack3A_913 = vector.shape_cast %select_n3A_903 : vector<64x1x1024xi32> to vector<64x1x1x1024xi32>
    %stack3A_914 = tpu.concatenate %stack3A_912, %stack3A_913 in 1 : vector<64x1x1x1024xi32>, vector<64x1x1x1024xi32> -> vector<64x2x1x1024xi32>
    %reshape3A_915 = vector.shape_cast %stack3A_914 : vector<64x2x1x1024xi32> to vector<128x1024xi32>
    %stack3A_916 = vector.shape_cast %select_n3A_904 : vector<64x1x1024xf32> to vector<64x1x1x1024xf32>
    %stack3A_917 = vector.shape_cast %select_n3A_905 : vector<64x1x1024xf32> to vector<64x1x1x1024xf32>
    %stack3A_918 = tpu.concatenate %stack3A_916, %stack3A_917 in 1 : vector<64x1x1x1024xf32>, vector<64x1x1x1024xf32> -> vector<64x2x1x1024xf32>
    %reshape3A_919 = vector.shape_cast %stack3A_918 : vector<64x2x1x1024xf32> to vector<128x1024xf32>
    %stack3A_920 = vector.shape_cast %select_n3A_906 : vector<64x1x1024xf32> to vector<64x1x1x1024xf32>
    %stack3A_921 = vector.shape_cast %select_n3A_907 : vector<64x1x1024xf32> to vector<64x1x1x1024xf32>
    %stack3A_922 = tpu.concatenate %stack3A_920, %stack3A_921 in 1 : vector<64x1x1x1024xf32>, vector<64x1x1x1024xf32> -> vector<64x2x1x1024xf32>
    %reshape3A_923 = vector.shape_cast %stack3A_922 : vector<64x2x1x1024xf32> to vector<128x1024xf32>
    %reshape3A_924 = vector.shape_cast %reshape3A_911 : vector<128x1024xf32> to vector<2x2x32x1024xf32>
    %reshape3A_925 = vector.shape_cast %reshape3A_915 : vector<128x1024xi32> to vector<2x2x32x1024xi32>
    %reshape3A_926 = vector.shape_cast %reshape3A_919 : vector<128x1024xf32> to vector<2x2x32x1024xf32>
    %reshape3A_927 = vector.shape_cast %reshape3A_923 : vector<128x1024xf32> to vector<2x2x32x1024xf32>
    %slice3A_928 = vector.extract_strided_slice %reshape3A_924 {offsets = [0, 0, 0, 0], sizes = [2, 1, 32, 1024], strides = [1, 1, 1, 1]} : vector<2x2x32x1024xf32> to vector<2x1x32x1024xf32>
    %squeeze3A_929 = vector.shape_cast %slice3A_928 : vector<2x1x32x1024xf32> to vector<2x32x1024xf32>
    %slice3A_930 = vector.extract_strided_slice %reshape3A_925 {offsets = [0, 0, 0, 0], sizes = [2, 1, 32, 1024], strides = [1, 1, 1, 1]} : vector<2x2x32x1024xi32> to vector<2x1x32x1024xi32>
    %squeeze3A_931 = vector.shape_cast %slice3A_930 : vector<2x1x32x1024xi32> to vector<2x32x1024xi32>
    %slice3A_932 = vector.extract_strided_slice %reshape3A_926 {offsets = [0, 0, 0, 0], sizes = [2, 1, 32, 1024], strides = [1, 1, 1, 1]} : vector<2x2x32x1024xf32> to vector<2x1x32x1024xf32>
    %squeeze3A_933 = vector.shape_cast %slice3A_932 : vector<2x1x32x1024xf32> to vector<2x32x1024xf32>
    %slice3A_934 = vector.extract_strided_slice %reshape3A_927 {offsets = [0, 0, 0, 0], sizes = [2, 1, 32, 1024], strides = [1, 1, 1, 1]} : vector<2x2x32x1024xf32> to vector<2x1x32x1024xf32>
    %squeeze3A_935 = vector.shape_cast %slice3A_934 : vector<2x1x32x1024xf32> to vector<2x32x1024xf32>
    %slice3A_936 = vector.extract_strided_slice %reshape3A_924 {offsets = [0, 1, 0, 0], sizes = [2, 1, 32, 1024], strides = [1, 1, 1, 1]} : vector<2x2x32x1024xf32> to vector<2x1x32x1024xf32>
    %squeeze3A_937 = vector.shape_cast %slice3A_936 : vector<2x1x32x1024xf32> to vector<2x32x1024xf32>
    %slice3A_938 = vector.extract_strided_slice %reshape3A_925 {offsets = [0, 1, 0, 0], sizes = [2, 1, 32, 1024], strides = [1, 1, 1, 1]} : vector<2x2x32x1024xi32> to vector<2x1x32x1024xi32>
    %squeeze3A_939 = vector.shape_cast %slice3A_938 : vector<2x1x32x1024xi32> to vector<2x32x1024xi32>
    %slice3A_940 = vector.extract_strided_slice %reshape3A_926 {offsets = [0, 1, 0, 0], sizes = [2, 1, 32, 1024], strides = [1, 1, 1, 1]} : vector<2x2x32x1024xf32> to vector<2x1x32x1024xf32>
    %squeeze3A_941 = vector.shape_cast %slice3A_940 : vector<2x1x32x1024xf32> to vector<2x32x1024xf32>
    %slice3A_942 = vector.extract_strided_slice %reshape3A_927 {offsets = [0, 1, 0, 0], sizes = [2, 1, 32, 1024], strides = [1, 1, 1, 1]} : vector<2x2x32x1024xf32> to vector<2x1x32x1024xf32>
    %squeeze3A_943 = vector.shape_cast %slice3A_942 : vector<2x1x32x1024xf32> to vector<2x32x1024xf32>
    %iota3A_944 = tpu.iota {dimensions = array<i32: 0>} : vector<2x1x1xi32>
    %mul3A_945 = arith.constant 64 : i32
    %mul3A_946 = vector.broadcast %mul3A_945 : i32 to vector<2x1x1xi32>
    %mul3A_947 = arith.muli %iota3A_944, %mul3A_946 : vector<2x1x1xi32>
    %and3A_948 = arith.constant 64 : i32
    %and3A_949 = vector.broadcast %and3A_948 : i32 to vector<2x1x1xi32>
    %and3A_950 = arith.andi %mul3A_947, %and3A_949 : vector<2x1x1xi32>
    %eq3A_951 = arith.constant 0 : i32
    %eq3A_952 = vector.broadcast %eq3A_951 : i32 to vector<2x1x1xi32>
    %eq3A_953 = arith.cmpi eq, %and3A_950, %eq3A_952 : vector<2x1x1xi32>
    %gt3A_954 = arith.cmpf ogt, %squeeze3A_929, %squeeze3A_937 : vector<2x32x1024xf32>
    %eq3A_955 = arith.cmpf oeq, %squeeze3A_929, %squeeze3A_937 : vector<2x32x1024xf32>
    %lt3A_956 = arith.cmpi slt, %squeeze3A_931, %squeeze3A_939 : vector<2x32x1024xi32>
    %and3A_957 = arith.andi %eq3A_955, %lt3A_956 : vector<2x32x1024xi1>
    %or3A_958 = arith.ori %gt3A_954, %and3A_957 : vector<2x32x1024xi1>
    %xor3A_959 = vector.broadcast %eq3A_953 : vector<2x1x1xi1> to vector<2x32x1024xi1>
    %xor3A_960 = arith.xori %or3A_958, %xor3A_959 : vector<2x32x1024xi1>
    %select_n3A_961 = arith.select %xor3A_960, %squeeze3A_937, %squeeze3A_929 : vector<2x32x1024xi1>, vector<2x32x1024xf32>
    %select_n3A_962 = arith.select %xor3A_960, %squeeze3A_929, %squeeze3A_937 : vector<2x32x1024xi1>, vector<2x32x1024xf32>
    %select_n3A_963 = arith.select %xor3A_960, %squeeze3A_939, %squeeze3A_931 : vector<2x32x1024xi1>, vector<2x32x1024xi32>
    %select_n3A_964 = arith.select %xor3A_960, %squeeze3A_931, %squeeze3A_939 : vector<2x32x1024xi1>, vector<2x32x1024xi32>
    %select_n3A_965 = arith.select %xor3A_960, %squeeze3A_941, %squeeze3A_933 : vector<2x32x1024xi1>, vector<2x32x1024xf32>
    %select_n3A_966 = arith.select %xor3A_960, %squeeze3A_933, %squeeze3A_941 : vector<2x32x1024xi1>, vector<2x32x1024xf32>
    %select_n3A_967 = arith.select %xor3A_960, %squeeze3A_943, %squeeze3A_935 : vector<2x32x1024xi1>, vector<2x32x1024xf32>
    %select_n3A_968 = arith.select %xor3A_960, %squeeze3A_935, %squeeze3A_943 : vector<2x32x1024xi1>, vector<2x32x1024xf32>
    %stack3A_969 = vector.shape_cast %select_n3A_961 : vector<2x32x1024xf32> to vector<2x1x32x1024xf32>
    %stack3A_970 = vector.shape_cast %select_n3A_962 : vector<2x32x1024xf32> to vector<2x1x32x1024xf32>
    %stack3A_971 = tpu.concatenate %stack3A_969, %stack3A_970 in 1 : vector<2x1x32x1024xf32>, vector<2x1x32x1024xf32> -> vector<2x2x32x1024xf32>
    %reshape3A_972 = vector.shape_cast %stack3A_971 : vector<2x2x32x1024xf32> to vector<128x1024xf32>
    %stack3A_973 = vector.shape_cast %select_n3A_963 : vector<2x32x1024xi32> to vector<2x1x32x1024xi32>
    %stack3A_974 = vector.shape_cast %select_n3A_964 : vector<2x32x1024xi32> to vector<2x1x32x1024xi32>
    %stack3A_975 = tpu.concatenate %stack3A_973, %stack3A_974 in 1 : vector<2x1x32x1024xi32>, vector<2x1x32x1024xi32> -> vector<2x2x32x1024xi32>
    %reshape3A_976 = vector.shape_cast %stack3A_975 : vector<2x2x32x1024xi32> to vector<128x1024xi32>
    %stack3A_977 = vector.shape_cast %select_n3A_965 : vector<2x32x1024xf32> to vector<2x1x32x1024xf32>
    %stack3A_978 = vector.shape_cast %select_n3A_966 : vector<2x32x1024xf32> to vector<2x1x32x1024xf32>
    %stack3A_979 = tpu.concatenate %stack3A_977, %stack3A_978 in 1 : vector<2x1x32x1024xf32>, vector<2x1x32x1024xf32> -> vector<2x2x32x1024xf32>
    %reshape3A_980 = vector.shape_cast %stack3A_979 : vector<2x2x32x1024xf32> to vector<128x1024xf32>
    %stack3A_981 = vector.shape_cast %select_n3A_967 : vector<2x32x1024xf32> to vector<2x1x32x1024xf32>
    %stack3A_982 = vector.shape_cast %select_n3A_968 : vector<2x32x1024xf32> to vector<2x1x32x1024xf32>
    %stack3A_983 = tpu.concatenate %stack3A_981, %stack3A_982 in 1 : vector<2x1x32x1024xf32>, vector<2x1x32x1024xf32> -> vector<2x2x32x1024xf32>
    %reshape3A_984 = vector.shape_cast %stack3A_983 : vector<2x2x32x1024xf32> to vector<128x1024xf32>
    %reshape3A_985 = vector.shape_cast %reshape3A_972 : vector<128x1024xf32> to vector<4x2x16x1024xf32>
    %reshape3A_986 = vector.shape_cast %reshape3A_976 : vector<128x1024xi32> to vector<4x2x16x1024xi32>
    %reshape3A_987 = vector.shape_cast %reshape3A_980 : vector<128x1024xf32> to vector<4x2x16x1024xf32>
    %reshape3A_988 = vector.shape_cast %reshape3A_984 : vector<128x1024xf32> to vector<4x2x16x1024xf32>
    %slice3A_989 = vector.extract_strided_slice %reshape3A_985 {offsets = [0, 0, 0, 0], sizes = [4, 1, 16, 1024], strides = [1, 1, 1, 1]} : vector<4x2x16x1024xf32> to vector<4x1x16x1024xf32>
    %squeeze3A_990 = vector.shape_cast %slice3A_989 : vector<4x1x16x1024xf32> to vector<4x16x1024xf32>
    %slice3A_991 = vector.extract_strided_slice %reshape3A_986 {offsets = [0, 0, 0, 0], sizes = [4, 1, 16, 1024], strides = [1, 1, 1, 1]} : vector<4x2x16x1024xi32> to vector<4x1x16x1024xi32>
    %squeeze3A_992 = vector.shape_cast %slice3A_991 : vector<4x1x16x1024xi32> to vector<4x16x1024xi32>
    %slice3A_993 = vector.extract_strided_slice %reshape3A_987 {offsets = [0, 0, 0, 0], sizes = [4, 1, 16, 1024], strides = [1, 1, 1, 1]} : vector<4x2x16x1024xf32> to vector<4x1x16x1024xf32>
    %squeeze3A_994 = vector.shape_cast %slice3A_993 : vector<4x1x16x1024xf32> to vector<4x16x1024xf32>
    %slice3A_995 = vector.extract_strided_slice %reshape3A_988 {offsets = [0, 0, 0, 0], sizes = [4, 1, 16, 1024], strides = [1, 1, 1, 1]} : vector<4x2x16x1024xf32> to vector<4x1x16x1024xf32>
    %squeeze3A_996 = vector.shape_cast %slice3A_995 : vector<4x1x16x1024xf32> to vector<4x16x1024xf32>
    %slice3A_997 = vector.extract_strided_slice %reshape3A_985 {offsets = [0, 1, 0, 0], sizes = [4, 1, 16, 1024], strides = [1, 1, 1, 1]} : vector<4x2x16x1024xf32> to vector<4x1x16x1024xf32>
    %squeeze3A_998 = vector.shape_cast %slice3A_997 : vector<4x1x16x1024xf32> to vector<4x16x1024xf32>
    %slice3A_999 = vector.extract_strided_slice %reshape3A_986 {offsets = [0, 1, 0, 0], sizes = [4, 1, 16, 1024], strides = [1, 1, 1, 1]} : vector<4x2x16x1024xi32> to vector<4x1x16x1024xi32>
    %squeeze3A_1000 = vector.shape_cast %slice3A_999 : vector<4x1x16x1024xi32> to vector<4x16x1024xi32>
    %slice3A_1001 = vector.extract_strided_slice %reshape3A_987 {offsets = [0, 1, 0, 0], sizes = [4, 1, 16, 1024], strides = [1, 1, 1, 1]} : vector<4x2x16x1024xf32> to vector<4x1x16x1024xf32>
    %squeeze3A_1002 = vector.shape_cast %slice3A_1001 : vector<4x1x16x1024xf32> to vector<4x16x1024xf32>
    %slice3A_1003 = vector.extract_strided_slice %reshape3A_988 {offsets = [0, 1, 0, 0], sizes = [4, 1, 16, 1024], strides = [1, 1, 1, 1]} : vector<4x2x16x1024xf32> to vector<4x1x16x1024xf32>
    %squeeze3A_1004 = vector.shape_cast %slice3A_1003 : vector<4x1x16x1024xf32> to vector<4x16x1024xf32>
    %iota3A_1005 = tpu.iota {dimensions = array<i32: 0>} : vector<4x1x1xi32>
    %mul3A_1006 = arith.constant 32 : i32
    %mul3A_1007 = vector.broadcast %mul3A_1006 : i32 to vector<4x1x1xi32>
    %mul3A_1008 = arith.muli %iota3A_1005, %mul3A_1007 : vector<4x1x1xi32>
    %and3A_1009 = arith.constant 64 : i32
    %and3A_1010 = vector.broadcast %and3A_1009 : i32 to vector<4x1x1xi32>
    %and3A_1011 = arith.andi %mul3A_1008, %and3A_1010 : vector<4x1x1xi32>
    %eq3A_1012 = arith.constant 0 : i32
    %eq3A_1013 = vector.broadcast %eq3A_1012 : i32 to vector<4x1x1xi32>
    %eq3A_1014 = arith.cmpi eq, %and3A_1011, %eq3A_1013 : vector<4x1x1xi32>
    %gt3A_1015 = arith.cmpf ogt, %squeeze3A_990, %squeeze3A_998 : vector<4x16x1024xf32>
    %eq3A_1016 = arith.cmpf oeq, %squeeze3A_990, %squeeze3A_998 : vector<4x16x1024xf32>
    %lt3A_1017 = arith.cmpi slt, %squeeze3A_992, %squeeze3A_1000 : vector<4x16x1024xi32>
    %and3A_1018 = arith.andi %eq3A_1016, %lt3A_1017 : vector<4x16x1024xi1>
    %or3A_1019 = arith.ori %gt3A_1015, %and3A_1018 : vector<4x16x1024xi1>
    %xor3A_1020 = vector.broadcast %eq3A_1014 : vector<4x1x1xi1> to vector<4x16x1024xi1>
    %xor3A_1021 = arith.xori %or3A_1019, %xor3A_1020 : vector<4x16x1024xi1>
    %select_n3A_1022 = arith.select %xor3A_1021, %squeeze3A_998, %squeeze3A_990 : vector<4x16x1024xi1>, vector<4x16x1024xf32>
    %select_n3A_1023 = arith.select %xor3A_1021, %squeeze3A_990, %squeeze3A_998 : vector<4x16x1024xi1>, vector<4x16x1024xf32>
    %select_n3A_1024 = arith.select %xor3A_1021, %squeeze3A_1000, %squeeze3A_992 : vector<4x16x1024xi1>, vector<4x16x1024xi32>
    %select_n3A_1025 = arith.select %xor3A_1021, %squeeze3A_992, %squeeze3A_1000 : vector<4x16x1024xi1>, vector<4x16x1024xi32>
    %select_n3A_1026 = arith.select %xor3A_1021, %squeeze3A_1002, %squeeze3A_994 : vector<4x16x1024xi1>, vector<4x16x1024xf32>
    %select_n3A_1027 = arith.select %xor3A_1021, %squeeze3A_994, %squeeze3A_1002 : vector<4x16x1024xi1>, vector<4x16x1024xf32>
    %select_n3A_1028 = arith.select %xor3A_1021, %squeeze3A_1004, %squeeze3A_996 : vector<4x16x1024xi1>, vector<4x16x1024xf32>
    %select_n3A_1029 = arith.select %xor3A_1021, %squeeze3A_996, %squeeze3A_1004 : vector<4x16x1024xi1>, vector<4x16x1024xf32>
    %stack3A_1030 = vector.shape_cast %select_n3A_1022 : vector<4x16x1024xf32> to vector<4x1x16x1024xf32>
    %stack3A_1031 = vector.shape_cast %select_n3A_1023 : vector<4x16x1024xf32> to vector<4x1x16x1024xf32>
    %stack3A_1032 = tpu.concatenate %stack3A_1030, %stack3A_1031 in 1 : vector<4x1x16x1024xf32>, vector<4x1x16x1024xf32> -> vector<4x2x16x1024xf32>
    %reshape3A_1033 = vector.shape_cast %stack3A_1032 : vector<4x2x16x1024xf32> to vector<128x1024xf32>
    %stack3A_1034 = vector.shape_cast %select_n3A_1024 : vector<4x16x1024xi32> to vector<4x1x16x1024xi32>
    %stack3A_1035 = vector.shape_cast %select_n3A_1025 : vector<4x16x1024xi32> to vector<4x1x16x1024xi32>
    %stack3A_1036 = tpu.concatenate %stack3A_1034, %stack3A_1035 in 1 : vector<4x1x16x1024xi32>, vector<4x1x16x1024xi32> -> vector<4x2x16x1024xi32>
    %reshape3A_1037 = vector.shape_cast %stack3A_1036 : vector<4x2x16x1024xi32> to vector<128x1024xi32>
    %stack3A_1038 = vector.shape_cast %select_n3A_1026 : vector<4x16x1024xf32> to vector<4x1x16x1024xf32>
    %stack3A_1039 = vector.shape_cast %select_n3A_1027 : vector<4x16x1024xf32> to vector<4x1x16x1024xf32>
    %stack3A_1040 = tpu.concatenate %stack3A_1038, %stack3A_1039 in 1 : vector<4x1x16x1024xf32>, vector<4x1x16x1024xf32> -> vector<4x2x16x1024xf32>
    %reshape3A_1041 = vector.shape_cast %stack3A_1040 : vector<4x2x16x1024xf32> to vector<128x1024xf32>
    %stack3A_1042 = vector.shape_cast %select_n3A_1028 : vector<4x16x1024xf32> to vector<4x1x16x1024xf32>
    %stack3A_1043 = vector.shape_cast %select_n3A_1029 : vector<4x16x1024xf32> to vector<4x1x16x1024xf32>
    %stack3A_1044 = tpu.concatenate %stack3A_1042, %stack3A_1043 in 1 : vector<4x1x16x1024xf32>, vector<4x1x16x1024xf32> -> vector<4x2x16x1024xf32>
    %reshape3A_1045 = vector.shape_cast %stack3A_1044 : vector<4x2x16x1024xf32> to vector<128x1024xf32>
    %reshape3A_1046 = vector.shape_cast %reshape3A_1033 : vector<128x1024xf32> to vector<8x2x8x1024xf32>
    %reshape3A_1047 = vector.shape_cast %reshape3A_1037 : vector<128x1024xi32> to vector<8x2x8x1024xi32>
    %reshape3A_1048 = vector.shape_cast %reshape3A_1041 : vector<128x1024xf32> to vector<8x2x8x1024xf32>
    %reshape3A_1049 = vector.shape_cast %reshape3A_1045 : vector<128x1024xf32> to vector<8x2x8x1024xf32>
    %slice3A_1050 = vector.extract_strided_slice %reshape3A_1046 {offsets = [0, 0, 0, 0], sizes = [8, 1, 8, 1024], strides = [1, 1, 1, 1]} : vector<8x2x8x1024xf32> to vector<8x1x8x1024xf32>
    %squeeze3A_1051 = vector.shape_cast %slice3A_1050 : vector<8x1x8x1024xf32> to vector<8x8x1024xf32>
    %slice3A_1052 = vector.extract_strided_slice %reshape3A_1047 {offsets = [0, 0, 0, 0], sizes = [8, 1, 8, 1024], strides = [1, 1, 1, 1]} : vector<8x2x8x1024xi32> to vector<8x1x8x1024xi32>
    %squeeze3A_1053 = vector.shape_cast %slice3A_1052 : vector<8x1x8x1024xi32> to vector<8x8x1024xi32>
    %slice3A_1054 = vector.extract_strided_slice %reshape3A_1048 {offsets = [0, 0, 0, 0], sizes = [8, 1, 8, 1024], strides = [1, 1, 1, 1]} : vector<8x2x8x1024xf32> to vector<8x1x8x1024xf32>
    %squeeze3A_1055 = vector.shape_cast %slice3A_1054 : vector<8x1x8x1024xf32> to vector<8x8x1024xf32>
    %slice3A_1056 = vector.extract_strided_slice %reshape3A_1049 {offsets = [0, 0, 0, 0], sizes = [8, 1, 8, 1024], strides = [1, 1, 1, 1]} : vector<8x2x8x1024xf32> to vector<8x1x8x1024xf32>
    %squeeze3A_1057 = vector.shape_cast %slice3A_1056 : vector<8x1x8x1024xf32> to vector<8x8x1024xf32>
    %slice3A_1058 = vector.extract_strided_slice %reshape3A_1046 {offsets = [0, 1, 0, 0], sizes = [8, 1, 8, 1024], strides = [1, 1, 1, 1]} : vector<8x2x8x1024xf32> to vector<8x1x8x1024xf32>
    %squeeze3A_1059 = vector.shape_cast %slice3A_1058 : vector<8x1x8x1024xf32> to vector<8x8x1024xf32>
    %slice3A_1060 = vector.extract_strided_slice %reshape3A_1047 {offsets = [0, 1, 0, 0], sizes = [8, 1, 8, 1024], strides = [1, 1, 1, 1]} : vector<8x2x8x1024xi32> to vector<8x1x8x1024xi32>
    %squeeze3A_1061 = vector.shape_cast %slice3A_1060 : vector<8x1x8x1024xi32> to vector<8x8x1024xi32>
    %slice3A_1062 = vector.extract_strided_slice %reshape3A_1048 {offsets = [0, 1, 0, 0], sizes = [8, 1, 8, 1024], strides = [1, 1, 1, 1]} : vector<8x2x8x1024xf32> to vector<8x1x8x1024xf32>
    %squeeze3A_1063 = vector.shape_cast %slice3A_1062 : vector<8x1x8x1024xf32> to vector<8x8x1024xf32>
    %slice3A_1064 = vector.extract_strided_slice %reshape3A_1049 {offsets = [0, 1, 0, 0], sizes = [8, 1, 8, 1024], strides = [1, 1, 1, 1]} : vector<8x2x8x1024xf32> to vector<8x1x8x1024xf32>
    %squeeze3A_1065 = vector.shape_cast %slice3A_1064 : vector<8x1x8x1024xf32> to vector<8x8x1024xf32>
    %iota3A_1066 = tpu.iota {dimensions = array<i32: 0>} : vector<8x1x1xi32>
    %mul3A_1067 = arith.constant 16 : i32
    %mul3A_1068 = vector.broadcast %mul3A_1067 : i32 to vector<8x1x1xi32>
    %mul3A_1069 = arith.muli %iota3A_1066, %mul3A_1068 : vector<8x1x1xi32>
    %and3A_1070 = arith.constant 64 : i32
    %and3A_1071 = vector.broadcast %and3A_1070 : i32 to vector<8x1x1xi32>
    %and3A_1072 = arith.andi %mul3A_1069, %and3A_1071 : vector<8x1x1xi32>
    %eq3A_1073 = arith.constant 0 : i32
    %eq3A_1074 = vector.broadcast %eq3A_1073 : i32 to vector<8x1x1xi32>
    %eq3A_1075 = arith.cmpi eq, %and3A_1072, %eq3A_1074 : vector<8x1x1xi32>
    %gt3A_1076 = arith.cmpf ogt, %squeeze3A_1051, %squeeze3A_1059 : vector<8x8x1024xf32>
    %eq3A_1077 = arith.cmpf oeq, %squeeze3A_1051, %squeeze3A_1059 : vector<8x8x1024xf32>
    %lt3A_1078 = arith.cmpi slt, %squeeze3A_1053, %squeeze3A_1061 : vector<8x8x1024xi32>
    %and3A_1079 = arith.andi %eq3A_1077, %lt3A_1078 : vector<8x8x1024xi1>
    %or3A_1080 = arith.ori %gt3A_1076, %and3A_1079 : vector<8x8x1024xi1>
    %xor3A_1081 = vector.broadcast %eq3A_1075 : vector<8x1x1xi1> to vector<8x8x1024xi1>
    %xor3A_1082 = arith.xori %or3A_1080, %xor3A_1081 : vector<8x8x1024xi1>
    %select_n3A_1083 = arith.select %xor3A_1082, %squeeze3A_1059, %squeeze3A_1051 : vector<8x8x1024xi1>, vector<8x8x1024xf32>
    %select_n3A_1084 = arith.select %xor3A_1082, %squeeze3A_1051, %squeeze3A_1059 : vector<8x8x1024xi1>, vector<8x8x1024xf32>
    %select_n3A_1085 = arith.select %xor3A_1082, %squeeze3A_1061, %squeeze3A_1053 : vector<8x8x1024xi1>, vector<8x8x1024xi32>
    %select_n3A_1086 = arith.select %xor3A_1082, %squeeze3A_1053, %squeeze3A_1061 : vector<8x8x1024xi1>, vector<8x8x1024xi32>
    %select_n3A_1087 = arith.select %xor3A_1082, %squeeze3A_1063, %squeeze3A_1055 : vector<8x8x1024xi1>, vector<8x8x1024xf32>
    %select_n3A_1088 = arith.select %xor3A_1082, %squeeze3A_1055, %squeeze3A_1063 : vector<8x8x1024xi1>, vector<8x8x1024xf32>
    %select_n3A_1089 = arith.select %xor3A_1082, %squeeze3A_1065, %squeeze3A_1057 : vector<8x8x1024xi1>, vector<8x8x1024xf32>
    %select_n3A_1090 = arith.select %xor3A_1082, %squeeze3A_1057, %squeeze3A_1065 : vector<8x8x1024xi1>, vector<8x8x1024xf32>
    %stack3A_1091 = vector.shape_cast %select_n3A_1083 : vector<8x8x1024xf32> to vector<8x1x8x1024xf32>
    %stack3A_1092 = vector.shape_cast %select_n3A_1084 : vector<8x8x1024xf32> to vector<8x1x8x1024xf32>
    %stack3A_1093 = tpu.concatenate %stack3A_1091, %stack3A_1092 in 1 : vector<8x1x8x1024xf32>, vector<8x1x8x1024xf32> -> vector<8x2x8x1024xf32>
    %reshape3A_1094 = vector.shape_cast %stack3A_1093 : vector<8x2x8x1024xf32> to vector<128x1024xf32>
    %stack3A_1095 = vector.shape_cast %select_n3A_1085 : vector<8x8x1024xi32> to vector<8x1x8x1024xi32>
    %stack3A_1096 = vector.shape_cast %select_n3A_1086 : vector<8x8x1024xi32> to vector<8x1x8x1024xi32>
    %stack3A_1097 = tpu.concatenate %stack3A_1095, %stack3A_1096 in 1 : vector<8x1x8x1024xi32>, vector<8x1x8x1024xi32> -> vector<8x2x8x1024xi32>
    %reshape3A_1098 = vector.shape_cast %stack3A_1097 : vector<8x2x8x1024xi32> to vector<128x1024xi32>
    %stack3A_1099 = vector.shape_cast %select_n3A_1087 : vector<8x8x1024xf32> to vector<8x1x8x1024xf32>
    %stack3A_1100 = vector.shape_cast %select_n3A_1088 : vector<8x8x1024xf32> to vector<8x1x8x1024xf32>
    %stack3A_1101 = tpu.concatenate %stack3A_1099, %stack3A_1100 in 1 : vector<8x1x8x1024xf32>, vector<8x1x8x1024xf32> -> vector<8x2x8x1024xf32>
    %reshape3A_1102 = vector.shape_cast %stack3A_1101 : vector<8x2x8x1024xf32> to vector<128x1024xf32>
    %stack3A_1103 = vector.shape_cast %select_n3A_1089 : vector<8x8x1024xf32> to vector<8x1x8x1024xf32>
    %stack3A_1104 = vector.shape_cast %select_n3A_1090 : vector<8x8x1024xf32> to vector<8x1x8x1024xf32>
    %stack3A_1105 = tpu.concatenate %stack3A_1103, %stack3A_1104 in 1 : vector<8x1x8x1024xf32>, vector<8x1x8x1024xf32> -> vector<8x2x8x1024xf32>
    %reshape3A_1106 = vector.shape_cast %stack3A_1105 : vector<8x2x8x1024xf32> to vector<128x1024xf32>
    %reshape3A_1107 = vector.shape_cast %reshape3A_1094 : vector<128x1024xf32> to vector<16x2x4x1024xf32>
    %reshape3A_1108 = vector.shape_cast %reshape3A_1098 : vector<128x1024xi32> to vector<16x2x4x1024xi32>
    %reshape3A_1109 = vector.shape_cast %reshape3A_1102 : vector<128x1024xf32> to vector<16x2x4x1024xf32>
    %reshape3A_1110 = vector.shape_cast %reshape3A_1106 : vector<128x1024xf32> to vector<16x2x4x1024xf32>
    %slice3A_1111 = vector.extract_strided_slice %reshape3A_1107 {offsets = [0, 0, 0, 0], sizes = [16, 1, 4, 1024], strides = [1, 1, 1, 1]} : vector<16x2x4x1024xf32> to vector<16x1x4x1024xf32>
    %squeeze3A_1112 = vector.shape_cast %slice3A_1111 : vector<16x1x4x1024xf32> to vector<16x4x1024xf32>
    %slice3A_1113 = vector.extract_strided_slice %reshape3A_1108 {offsets = [0, 0, 0, 0], sizes = [16, 1, 4, 1024], strides = [1, 1, 1, 1]} : vector<16x2x4x1024xi32> to vector<16x1x4x1024xi32>
    %squeeze3A_1114 = vector.shape_cast %slice3A_1113 : vector<16x1x4x1024xi32> to vector<16x4x1024xi32>
    %slice3A_1115 = vector.extract_strided_slice %reshape3A_1109 {offsets = [0, 0, 0, 0], sizes = [16, 1, 4, 1024], strides = [1, 1, 1, 1]} : vector<16x2x4x1024xf32> to vector<16x1x4x1024xf32>
    %squeeze3A_1116 = vector.shape_cast %slice3A_1115 : vector<16x1x4x1024xf32> to vector<16x4x1024xf32>
    %slice3A_1117 = vector.extract_strided_slice %reshape3A_1110 {offsets = [0, 0, 0, 0], sizes = [16, 1, 4, 1024], strides = [1, 1, 1, 1]} : vector<16x2x4x1024xf32> to vector<16x1x4x1024xf32>
    %squeeze3A_1118 = vector.shape_cast %slice3A_1117 : vector<16x1x4x1024xf32> to vector<16x4x1024xf32>
    %slice3A_1119 = vector.extract_strided_slice %reshape3A_1107 {offsets = [0, 1, 0, 0], sizes = [16, 1, 4, 1024], strides = [1, 1, 1, 1]} : vector<16x2x4x1024xf32> to vector<16x1x4x1024xf32>
    %squeeze3A_1120 = vector.shape_cast %slice3A_1119 : vector<16x1x4x1024xf32> to vector<16x4x1024xf32>
    %slice3A_1121 = vector.extract_strided_slice %reshape3A_1108 {offsets = [0, 1, 0, 0], sizes = [16, 1, 4, 1024], strides = [1, 1, 1, 1]} : vector<16x2x4x1024xi32> to vector<16x1x4x1024xi32>
    %squeeze3A_1122 = vector.shape_cast %slice3A_1121 : vector<16x1x4x1024xi32> to vector<16x4x1024xi32>
    %slice3A_1123 = vector.extract_strided_slice %reshape3A_1109 {offsets = [0, 1, 0, 0], sizes = [16, 1, 4, 1024], strides = [1, 1, 1, 1]} : vector<16x2x4x1024xf32> to vector<16x1x4x1024xf32>
    %squeeze3A_1124 = vector.shape_cast %slice3A_1123 : vector<16x1x4x1024xf32> to vector<16x4x1024xf32>
    %slice3A_1125 = vector.extract_strided_slice %reshape3A_1110 {offsets = [0, 1, 0, 0], sizes = [16, 1, 4, 1024], strides = [1, 1, 1, 1]} : vector<16x2x4x1024xf32> to vector<16x1x4x1024xf32>
    %squeeze3A_1126 = vector.shape_cast %slice3A_1125 : vector<16x1x4x1024xf32> to vector<16x4x1024xf32>
    %iota3A_1127 = tpu.iota {dimensions = array<i32: 0>} : vector<16x1x1xi32>
    %mul3A_1128 = arith.constant 8 : i32
    %mul3A_1129 = vector.broadcast %mul3A_1128 : i32 to vector<16x1x1xi32>
    %mul3A_1130 = arith.muli %iota3A_1127, %mul3A_1129 : vector<16x1x1xi32>
    %and3A_1131 = arith.constant 64 : i32
    %and3A_1132 = vector.broadcast %and3A_1131 : i32 to vector<16x1x1xi32>
    %and3A_1133 = arith.andi %mul3A_1130, %and3A_1132 : vector<16x1x1xi32>
    %eq3A_1134 = arith.constant 0 : i32
    %eq3A_1135 = vector.broadcast %eq3A_1134 : i32 to vector<16x1x1xi32>
    %eq3A_1136 = arith.cmpi eq, %and3A_1133, %eq3A_1135 : vector<16x1x1xi32>
    %gt3A_1137 = arith.cmpf ogt, %squeeze3A_1112, %squeeze3A_1120 : vector<16x4x1024xf32>
    %eq3A_1138 = arith.cmpf oeq, %squeeze3A_1112, %squeeze3A_1120 : vector<16x4x1024xf32>
    %lt3A_1139 = arith.cmpi slt, %squeeze3A_1114, %squeeze3A_1122 : vector<16x4x1024xi32>
    %and3A_1140 = arith.andi %eq3A_1138, %lt3A_1139 : vector<16x4x1024xi1>
    %or3A_1141 = arith.ori %gt3A_1137, %and3A_1140 : vector<16x4x1024xi1>
    %xor3A_1142 = vector.broadcast %eq3A_1136 : vector<16x1x1xi1> to vector<16x4x1024xi1>
    %xor3A_1143 = arith.xori %or3A_1141, %xor3A_1142 : vector<16x4x1024xi1>
    %select_n3A_1144 = arith.select %xor3A_1143, %squeeze3A_1120, %squeeze3A_1112 : vector<16x4x1024xi1>, vector<16x4x1024xf32>
    %select_n3A_1145 = arith.select %xor3A_1143, %squeeze3A_1112, %squeeze3A_1120 : vector<16x4x1024xi1>, vector<16x4x1024xf32>
    %select_n3A_1146 = arith.select %xor3A_1143, %squeeze3A_1122, %squeeze3A_1114 : vector<16x4x1024xi1>, vector<16x4x1024xi32>
    %select_n3A_1147 = arith.select %xor3A_1143, %squeeze3A_1114, %squeeze3A_1122 : vector<16x4x1024xi1>, vector<16x4x1024xi32>
    %select_n3A_1148 = arith.select %xor3A_1143, %squeeze3A_1124, %squeeze3A_1116 : vector<16x4x1024xi1>, vector<16x4x1024xf32>
    %select_n3A_1149 = arith.select %xor3A_1143, %squeeze3A_1116, %squeeze3A_1124 : vector<16x4x1024xi1>, vector<16x4x1024xf32>
    %select_n3A_1150 = arith.select %xor3A_1143, %squeeze3A_1126, %squeeze3A_1118 : vector<16x4x1024xi1>, vector<16x4x1024xf32>
    %select_n3A_1151 = arith.select %xor3A_1143, %squeeze3A_1118, %squeeze3A_1126 : vector<16x4x1024xi1>, vector<16x4x1024xf32>
    %stack3A_1152 = vector.shape_cast %select_n3A_1144 : vector<16x4x1024xf32> to vector<16x1x4x1024xf32>
    %stack3A_1153 = vector.shape_cast %select_n3A_1145 : vector<16x4x1024xf32> to vector<16x1x4x1024xf32>
    %stack3A_1154 = tpu.concatenate %stack3A_1152, %stack3A_1153 in 1 : vector<16x1x4x1024xf32>, vector<16x1x4x1024xf32> -> vector<16x2x4x1024xf32>
    %reshape3A_1155 = vector.shape_cast %stack3A_1154 : vector<16x2x4x1024xf32> to vector<128x1024xf32>
    %stack3A_1156 = vector.shape_cast %select_n3A_1146 : vector<16x4x1024xi32> to vector<16x1x4x1024xi32>
    %stack3A_1157 = vector.shape_cast %select_n3A_1147 : vector<16x4x1024xi32> to vector<16x1x4x1024xi32>
    %stack3A_1158 = tpu.concatenate %stack3A_1156, %stack3A_1157 in 1 : vector<16x1x4x1024xi32>, vector<16x1x4x1024xi32> -> vector<16x2x4x1024xi32>
    %reshape3A_1159 = vector.shape_cast %stack3A_1158 : vector<16x2x4x1024xi32> to vector<128x1024xi32>
    %stack3A_1160 = vector.shape_cast %select_n3A_1148 : vector<16x4x1024xf32> to vector<16x1x4x1024xf32>
    %stack3A_1161 = vector.shape_cast %select_n3A_1149 : vector<16x4x1024xf32> to vector<16x1x4x1024xf32>
    %stack3A_1162 = tpu.concatenate %stack3A_1160, %stack3A_1161 in 1 : vector<16x1x4x1024xf32>, vector<16x1x4x1024xf32> -> vector<16x2x4x1024xf32>
    %reshape3A_1163 = vector.shape_cast %stack3A_1162 : vector<16x2x4x1024xf32> to vector<128x1024xf32>
    %stack3A_1164 = vector.shape_cast %select_n3A_1150 : vector<16x4x1024xf32> to vector<16x1x4x1024xf32>
    %stack3A_1165 = vector.shape_cast %select_n3A_1151 : vector<16x4x1024xf32> to vector<16x1x4x1024xf32>
    %stack3A_1166 = tpu.concatenate %stack3A_1164, %stack3A_1165 in 1 : vector<16x1x4x1024xf32>, vector<16x1x4x1024xf32> -> vector<16x2x4x1024xf32>
    %reshape3A_1167 = vector.shape_cast %stack3A_1166 : vector<16x2x4x1024xf32> to vector<128x1024xf32>
    %reshape3A_1168 = vector.shape_cast %reshape3A_1155 : vector<128x1024xf32> to vector<32x2x2x1024xf32>
    %reshape3A_1169 = vector.shape_cast %reshape3A_1159 : vector<128x1024xi32> to vector<32x2x2x1024xi32>
    %reshape3A_1170 = vector.shape_cast %reshape3A_1163 : vector<128x1024xf32> to vector<32x2x2x1024xf32>
    %reshape3A_1171 = vector.shape_cast %reshape3A_1167 : vector<128x1024xf32> to vector<32x2x2x1024xf32>
    %slice3A_1172 = vector.extract_strided_slice %reshape3A_1168 {offsets = [0, 0, 0, 0], sizes = [32, 1, 2, 1024], strides = [1, 1, 1, 1]} : vector<32x2x2x1024xf32> to vector<32x1x2x1024xf32>
    %squeeze3A_1173 = vector.shape_cast %slice3A_1172 : vector<32x1x2x1024xf32> to vector<32x2x1024xf32>
    %slice3A_1174 = vector.extract_strided_slice %reshape3A_1169 {offsets = [0, 0, 0, 0], sizes = [32, 1, 2, 1024], strides = [1, 1, 1, 1]} : vector<32x2x2x1024xi32> to vector<32x1x2x1024xi32>
    %squeeze3A_1175 = vector.shape_cast %slice3A_1174 : vector<32x1x2x1024xi32> to vector<32x2x1024xi32>
    %slice3A_1176 = vector.extract_strided_slice %reshape3A_1170 {offsets = [0, 0, 0, 0], sizes = [32, 1, 2, 1024], strides = [1, 1, 1, 1]} : vector<32x2x2x1024xf32> to vector<32x1x2x1024xf32>
    %squeeze3A_1177 = vector.shape_cast %slice3A_1176 : vector<32x1x2x1024xf32> to vector<32x2x1024xf32>
    %slice3A_1178 = vector.extract_strided_slice %reshape3A_1171 {offsets = [0, 0, 0, 0], sizes = [32, 1, 2, 1024], strides = [1, 1, 1, 1]} : vector<32x2x2x1024xf32> to vector<32x1x2x1024xf32>
    %squeeze3A_1179 = vector.shape_cast %slice3A_1178 : vector<32x1x2x1024xf32> to vector<32x2x1024xf32>
    %slice3A_1180 = vector.extract_strided_slice %reshape3A_1168 {offsets = [0, 1, 0, 0], sizes = [32, 1, 2, 1024], strides = [1, 1, 1, 1]} : vector<32x2x2x1024xf32> to vector<32x1x2x1024xf32>
    %squeeze3A_1181 = vector.shape_cast %slice3A_1180 : vector<32x1x2x1024xf32> to vector<32x2x1024xf32>
    %slice3A_1182 = vector.extract_strided_slice %reshape3A_1169 {offsets = [0, 1, 0, 0], sizes = [32, 1, 2, 1024], strides = [1, 1, 1, 1]} : vector<32x2x2x1024xi32> to vector<32x1x2x1024xi32>
    %squeeze3A_1183 = vector.shape_cast %slice3A_1182 : vector<32x1x2x1024xi32> to vector<32x2x1024xi32>
    %slice3A_1184 = vector.extract_strided_slice %reshape3A_1170 {offsets = [0, 1, 0, 0], sizes = [32, 1, 2, 1024], strides = [1, 1, 1, 1]} : vector<32x2x2x1024xf32> to vector<32x1x2x1024xf32>
    %squeeze3A_1185 = vector.shape_cast %slice3A_1184 : vector<32x1x2x1024xf32> to vector<32x2x1024xf32>
    %slice3A_1186 = vector.extract_strided_slice %reshape3A_1171 {offsets = [0, 1, 0, 0], sizes = [32, 1, 2, 1024], strides = [1, 1, 1, 1]} : vector<32x2x2x1024xf32> to vector<32x1x2x1024xf32>
    %squeeze3A_1187 = vector.shape_cast %slice3A_1186 : vector<32x1x2x1024xf32> to vector<32x2x1024xf32>
    %iota3A_1188 = tpu.iota {dimensions = array<i32: 0>} : vector<32x1x1xi32>
    %mul3A_1189 = arith.constant 4 : i32
    %mul3A_1190 = vector.broadcast %mul3A_1189 : i32 to vector<32x1x1xi32>
    %mul3A_1191 = arith.muli %iota3A_1188, %mul3A_1190 : vector<32x1x1xi32>
    %and3A_1192 = arith.constant 64 : i32
    %and3A_1193 = vector.broadcast %and3A_1192 : i32 to vector<32x1x1xi32>
    %and3A_1194 = arith.andi %mul3A_1191, %and3A_1193 : vector<32x1x1xi32>
    %eq3A_1195 = arith.constant 0 : i32
    %eq3A_1196 = vector.broadcast %eq3A_1195 : i32 to vector<32x1x1xi32>
    %eq3A_1197 = arith.cmpi eq, %and3A_1194, %eq3A_1196 : vector<32x1x1xi32>
    %gt3A_1198 = arith.cmpf ogt, %squeeze3A_1173, %squeeze3A_1181 : vector<32x2x1024xf32>
    %eq3A_1199 = arith.cmpf oeq, %squeeze3A_1173, %squeeze3A_1181 : vector<32x2x1024xf32>
    %lt3A_1200 = arith.cmpi slt, %squeeze3A_1175, %squeeze3A_1183 : vector<32x2x1024xi32>
    %and3A_1201 = arith.andi %eq3A_1199, %lt3A_1200 : vector<32x2x1024xi1>
    %or3A_1202 = arith.ori %gt3A_1198, %and3A_1201 : vector<32x2x1024xi1>
    %xor3A_1203 = vector.broadcast %eq3A_1197 : vector<32x1x1xi1> to vector<32x2x1024xi1>
    %xor3A_1204 = arith.xori %or3A_1202, %xor3A_1203 : vector<32x2x1024xi1>
    %select_n3A_1205 = arith.select %xor3A_1204, %squeeze3A_1181, %squeeze3A_1173 : vector<32x2x1024xi1>, vector<32x2x1024xf32>
    %select_n3A_1206 = arith.select %xor3A_1204, %squeeze3A_1173, %squeeze3A_1181 : vector<32x2x1024xi1>, vector<32x2x1024xf32>
    %select_n3A_1207 = arith.select %xor3A_1204, %squeeze3A_1183, %squeeze3A_1175 : vector<32x2x1024xi1>, vector<32x2x1024xi32>
    %select_n3A_1208 = arith.select %xor3A_1204, %squeeze3A_1175, %squeeze3A_1183 : vector<32x2x1024xi1>, vector<32x2x1024xi32>
    %select_n3A_1209 = arith.select %xor3A_1204, %squeeze3A_1185, %squeeze3A_1177 : vector<32x2x1024xi1>, vector<32x2x1024xf32>
    %select_n3A_1210 = arith.select %xor3A_1204, %squeeze3A_1177, %squeeze3A_1185 : vector<32x2x1024xi1>, vector<32x2x1024xf32>
    %select_n3A_1211 = arith.select %xor3A_1204, %squeeze3A_1187, %squeeze3A_1179 : vector<32x2x1024xi1>, vector<32x2x1024xf32>
    %select_n3A_1212 = arith.select %xor3A_1204, %squeeze3A_1179, %squeeze3A_1187 : vector<32x2x1024xi1>, vector<32x2x1024xf32>
    %stack3A_1213 = vector.shape_cast %select_n3A_1205 : vector<32x2x1024xf32> to vector<32x1x2x1024xf32>
    %stack3A_1214 = vector.shape_cast %select_n3A_1206 : vector<32x2x1024xf32> to vector<32x1x2x1024xf32>
    %stack3A_1215 = tpu.concatenate %stack3A_1213, %stack3A_1214 in 1 : vector<32x1x2x1024xf32>, vector<32x1x2x1024xf32> -> vector<32x2x2x1024xf32>
    %reshape3A_1216 = vector.shape_cast %stack3A_1215 : vector<32x2x2x1024xf32> to vector<128x1024xf32>
    %stack3A_1217 = vector.shape_cast %select_n3A_1207 : vector<32x2x1024xi32> to vector<32x1x2x1024xi32>
    %stack3A_1218 = vector.shape_cast %select_n3A_1208 : vector<32x2x1024xi32> to vector<32x1x2x1024xi32>
    %stack3A_1219 = tpu.concatenate %stack3A_1217, %stack3A_1218 in 1 : vector<32x1x2x1024xi32>, vector<32x1x2x1024xi32> -> vector<32x2x2x1024xi32>
    %reshape3A_1220 = vector.shape_cast %stack3A_1219 : vector<32x2x2x1024xi32> to vector<128x1024xi32>
    %stack3A_1221 = vector.shape_cast %select_n3A_1209 : vector<32x2x1024xf32> to vector<32x1x2x1024xf32>
    %stack3A_1222 = vector.shape_cast %select_n3A_1210 : vector<32x2x1024xf32> to vector<32x1x2x1024xf32>
    %stack3A_1223 = tpu.concatenate %stack3A_1221, %stack3A_1222 in 1 : vector<32x1x2x1024xf32>, vector<32x1x2x1024xf32> -> vector<32x2x2x1024xf32>
    %reshape3A_1224 = vector.shape_cast %stack3A_1223 : vector<32x2x2x1024xf32> to vector<128x1024xf32>
    %stack3A_1225 = vector.shape_cast %select_n3A_1211 : vector<32x2x1024xf32> to vector<32x1x2x1024xf32>
    %stack3A_1226 = vector.shape_cast %select_n3A_1212 : vector<32x2x1024xf32> to vector<32x1x2x1024xf32>
    %stack3A_1227 = tpu.concatenate %stack3A_1225, %stack3A_1226 in 1 : vector<32x1x2x1024xf32>, vector<32x1x2x1024xf32> -> vector<32x2x2x1024xf32>
    %reshape3A_1228 = vector.shape_cast %stack3A_1227 : vector<32x2x2x1024xf32> to vector<128x1024xf32>
    %reshape3A_1229 = vector.shape_cast %reshape3A_1216 : vector<128x1024xf32> to vector<64x2x1x1024xf32>
    %reshape3A_1230 = vector.shape_cast %reshape3A_1220 : vector<128x1024xi32> to vector<64x2x1x1024xi32>
    %reshape3A_1231 = vector.shape_cast %reshape3A_1224 : vector<128x1024xf32> to vector<64x2x1x1024xf32>
    %reshape3A_1232 = vector.shape_cast %reshape3A_1228 : vector<128x1024xf32> to vector<64x2x1x1024xf32>
    %slice3A_1233 = vector.extract_strided_slice %reshape3A_1229 {offsets = [0, 0, 0, 0], sizes = [64, 1, 1, 1024], strides = [1, 1, 1, 1]} : vector<64x2x1x1024xf32> to vector<64x1x1x1024xf32>
    %squeeze3A_1234 = vector.shape_cast %slice3A_1233 : vector<64x1x1x1024xf32> to vector<64x1x1024xf32>
    %slice3A_1235 = vector.extract_strided_slice %reshape3A_1230 {offsets = [0, 0, 0, 0], sizes = [64, 1, 1, 1024], strides = [1, 1, 1, 1]} : vector<64x2x1x1024xi32> to vector<64x1x1x1024xi32>
    %squeeze3A_1236 = vector.shape_cast %slice3A_1235 : vector<64x1x1x1024xi32> to vector<64x1x1024xi32>
    %slice3A_1237 = vector.extract_strided_slice %reshape3A_1231 {offsets = [0, 0, 0, 0], sizes = [64, 1, 1, 1024], strides = [1, 1, 1, 1]} : vector<64x2x1x1024xf32> to vector<64x1x1x1024xf32>
    %squeeze3A_1238 = vector.shape_cast %slice3A_1237 : vector<64x1x1x1024xf32> to vector<64x1x1024xf32>
    %slice3A_1239 = vector.extract_strided_slice %reshape3A_1232 {offsets = [0, 0, 0, 0], sizes = [64, 1, 1, 1024], strides = [1, 1, 1, 1]} : vector<64x2x1x1024xf32> to vector<64x1x1x1024xf32>
    %squeeze3A_1240 = vector.shape_cast %slice3A_1239 : vector<64x1x1x1024xf32> to vector<64x1x1024xf32>
    %slice3A_1241 = vector.extract_strided_slice %reshape3A_1229 {offsets = [0, 1, 0, 0], sizes = [64, 1, 1, 1024], strides = [1, 1, 1, 1]} : vector<64x2x1x1024xf32> to vector<64x1x1x1024xf32>
    %squeeze3A_1242 = vector.shape_cast %slice3A_1241 : vector<64x1x1x1024xf32> to vector<64x1x1024xf32>
    %slice3A_1243 = vector.extract_strided_slice %reshape3A_1230 {offsets = [0, 1, 0, 0], sizes = [64, 1, 1, 1024], strides = [1, 1, 1, 1]} : vector<64x2x1x1024xi32> to vector<64x1x1x1024xi32>
    %squeeze3A_1244 = vector.shape_cast %slice3A_1243 : vector<64x1x1x1024xi32> to vector<64x1x1024xi32>
    %slice3A_1245 = vector.extract_strided_slice %reshape3A_1231 {offsets = [0, 1, 0, 0], sizes = [64, 1, 1, 1024], strides = [1, 1, 1, 1]} : vector<64x2x1x1024xf32> to vector<64x1x1x1024xf32>
    %squeeze3A_1246 = vector.shape_cast %slice3A_1245 : vector<64x1x1x1024xf32> to vector<64x1x1024xf32>
    %slice3A_1247 = vector.extract_strided_slice %reshape3A_1232 {offsets = [0, 1, 0, 0], sizes = [64, 1, 1, 1024], strides = [1, 1, 1, 1]} : vector<64x2x1x1024xf32> to vector<64x1x1x1024xf32>
    %squeeze3A_1248 = vector.shape_cast %slice3A_1247 : vector<64x1x1x1024xf32> to vector<64x1x1024xf32>
    %iota3A_1249 = tpu.iota {dimensions = array<i32: 0>} : vector<64x1x1xi32>
    %mul3A_1250 = arith.constant 2 : i32
    %mul3A_1251 = vector.broadcast %mul3A_1250 : i32 to vector<64x1x1xi32>
    %mul3A_1252 = arith.muli %iota3A_1249, %mul3A_1251 : vector<64x1x1xi32>
    %and3A_1253 = arith.constant 64 : i32
    %and3A_1254 = vector.broadcast %and3A_1253 : i32 to vector<64x1x1xi32>
    %and3A_1255 = arith.andi %mul3A_1252, %and3A_1254 : vector<64x1x1xi32>
    %eq3A_1256 = arith.constant 0 : i32
    %eq3A_1257 = vector.broadcast %eq3A_1256 : i32 to vector<64x1x1xi32>
    %eq3A_1258 = arith.cmpi eq, %and3A_1255, %eq3A_1257 : vector<64x1x1xi32>
    %gt3A_1259 = arith.cmpf ogt, %squeeze3A_1234, %squeeze3A_1242 : vector<64x1x1024xf32>
    %eq3A_1260 = arith.cmpf oeq, %squeeze3A_1234, %squeeze3A_1242 : vector<64x1x1024xf32>
    %lt3A_1261 = arith.cmpi slt, %squeeze3A_1236, %squeeze3A_1244 : vector<64x1x1024xi32>
    %and3A_1262 = arith.andi %eq3A_1260, %lt3A_1261 : vector<64x1x1024xi1>
    %or3A_1263 = arith.ori %gt3A_1259, %and3A_1262 : vector<64x1x1024xi1>
    %xor3A_1264 = vector.broadcast %eq3A_1258 : vector<64x1x1xi1> to vector<64x1x1024xi1>
    %xor3A_1265 = arith.xori %or3A_1263, %xor3A_1264 : vector<64x1x1024xi1>
    %select_n3A_1266 = arith.select %xor3A_1265, %squeeze3A_1242, %squeeze3A_1234 : vector<64x1x1024xi1>, vector<64x1x1024xf32>
    %select_n3A_1267 = arith.select %xor3A_1265, %squeeze3A_1234, %squeeze3A_1242 : vector<64x1x1024xi1>, vector<64x1x1024xf32>
    %select_n3A_1268 = arith.select %xor3A_1265, %squeeze3A_1244, %squeeze3A_1236 : vector<64x1x1024xi1>, vector<64x1x1024xi32>
    %select_n3A_1269 = arith.select %xor3A_1265, %squeeze3A_1236, %squeeze3A_1244 : vector<64x1x1024xi1>, vector<64x1x1024xi32>
    %select_n3A_1270 = arith.select %xor3A_1265, %squeeze3A_1246, %squeeze3A_1238 : vector<64x1x1024xi1>, vector<64x1x1024xf32>
    %select_n3A_1271 = arith.select %xor3A_1265, %squeeze3A_1238, %squeeze3A_1246 : vector<64x1x1024xi1>, vector<64x1x1024xf32>
    %select_n3A_1272 = arith.select %xor3A_1265, %squeeze3A_1248, %squeeze3A_1240 : vector<64x1x1024xi1>, vector<64x1x1024xf32>
    %select_n3A_1273 = arith.select %xor3A_1265, %squeeze3A_1240, %squeeze3A_1248 : vector<64x1x1024xi1>, vector<64x1x1024xf32>
    %stack3A_1274 = vector.shape_cast %select_n3A_1266 : vector<64x1x1024xf32> to vector<64x1x1x1024xf32>
    %stack3A_1275 = vector.shape_cast %select_n3A_1267 : vector<64x1x1024xf32> to vector<64x1x1x1024xf32>
    %stack3A_1276 = tpu.concatenate %stack3A_1274, %stack3A_1275 in 1 : vector<64x1x1x1024xf32>, vector<64x1x1x1024xf32> -> vector<64x2x1x1024xf32>
    %reshape3A_1277 = vector.shape_cast %stack3A_1276 : vector<64x2x1x1024xf32> to vector<128x1024xf32>
    %stack3A_1278 = vector.shape_cast %select_n3A_1268 : vector<64x1x1024xi32> to vector<64x1x1x1024xi32>
    %stack3A_1279 = vector.shape_cast %select_n3A_1269 : vector<64x1x1024xi32> to vector<64x1x1x1024xi32>
    %stack3A_1280 = tpu.concatenate %stack3A_1278, %stack3A_1279 in 1 : vector<64x1x1x1024xi32>, vector<64x1x1x1024xi32> -> vector<64x2x1x1024xi32>
    %reshape3A_1281 = vector.shape_cast %stack3A_1280 : vector<64x2x1x1024xi32> to vector<128x1024xi32>
    %stack3A_1282 = vector.shape_cast %select_n3A_1270 : vector<64x1x1024xf32> to vector<64x1x1x1024xf32>
    %stack3A_1283 = vector.shape_cast %select_n3A_1271 : vector<64x1x1024xf32> to vector<64x1x1x1024xf32>
    %stack3A_1284 = tpu.concatenate %stack3A_1282, %stack3A_1283 in 1 : vector<64x1x1x1024xf32>, vector<64x1x1x1024xf32> -> vector<64x2x1x1024xf32>
    %reshape3A_1285 = vector.shape_cast %stack3A_1284 : vector<64x2x1x1024xf32> to vector<128x1024xf32>
    %stack3A_1286 = vector.shape_cast %select_n3A_1272 : vector<64x1x1024xf32> to vector<64x1x1x1024xf32>
    %stack3A_1287 = vector.shape_cast %select_n3A_1273 : vector<64x1x1024xf32> to vector<64x1x1x1024xf32>
    %stack3A_1288 = tpu.concatenate %stack3A_1286, %stack3A_1287 in 1 : vector<64x1x1x1024xf32>, vector<64x1x1x1024xf32> -> vector<64x2x1x1024xf32>
    %reshape3A_1289 = vector.shape_cast %stack3A_1288 : vector<64x2x1x1024xf32> to vector<128x1024xf32>
    %reshape3A_1290 = vector.shape_cast %reshape3A_1277 : vector<128x1024xf32> to vector<1x2x64x1024xf32>
    %reshape3A_1291 = vector.shape_cast %reshape3A_1281 : vector<128x1024xi32> to vector<1x2x64x1024xi32>
    %reshape3A_1292 = vector.shape_cast %reshape3A_1285 : vector<128x1024xf32> to vector<1x2x64x1024xf32>
    %reshape3A_1293 = vector.shape_cast %reshape3A_1289 : vector<128x1024xf32> to vector<1x2x64x1024xf32>
    %slice3A_1294 = vector.extract_strided_slice %reshape3A_1290 {offsets = [0, 0, 0, 0], sizes = [1, 1, 64, 1024], strides = [1, 1, 1, 1]} : vector<1x2x64x1024xf32> to vector<1x1x64x1024xf32>
    %squeeze3A_1295 = vector.shape_cast %slice3A_1294 : vector<1x1x64x1024xf32> to vector<1x64x1024xf32>
    %slice3A_1296 = vector.extract_strided_slice %reshape3A_1291 {offsets = [0, 0, 0, 0], sizes = [1, 1, 64, 1024], strides = [1, 1, 1, 1]} : vector<1x2x64x1024xi32> to vector<1x1x64x1024xi32>
    %squeeze3A_1297 = vector.shape_cast %slice3A_1296 : vector<1x1x64x1024xi32> to vector<1x64x1024xi32>
    %slice3A_1298 = vector.extract_strided_slice %reshape3A_1292 {offsets = [0, 0, 0, 0], sizes = [1, 1, 64, 1024], strides = [1, 1, 1, 1]} : vector<1x2x64x1024xf32> to vector<1x1x64x1024xf32>
    %squeeze3A_1299 = vector.shape_cast %slice3A_1298 : vector<1x1x64x1024xf32> to vector<1x64x1024xf32>
    %slice3A_1300 = vector.extract_strided_slice %reshape3A_1293 {offsets = [0, 0, 0, 0], sizes = [1, 1, 64, 1024], strides = [1, 1, 1, 1]} : vector<1x2x64x1024xf32> to vector<1x1x64x1024xf32>
    %squeeze3A_1301 = vector.shape_cast %slice3A_1300 : vector<1x1x64x1024xf32> to vector<1x64x1024xf32>
    %slice3A_1302 = vector.extract_strided_slice %reshape3A_1290 {offsets = [0, 1, 0, 0], sizes = [1, 1, 64, 1024], strides = [1, 1, 1, 1]} : vector<1x2x64x1024xf32> to vector<1x1x64x1024xf32>
    %squeeze3A_1303 = vector.shape_cast %slice3A_1302 : vector<1x1x64x1024xf32> to vector<1x64x1024xf32>
    %slice3A_1304 = vector.extract_strided_slice %reshape3A_1291 {offsets = [0, 1, 0, 0], sizes = [1, 1, 64, 1024], strides = [1, 1, 1, 1]} : vector<1x2x64x1024xi32> to vector<1x1x64x1024xi32>
    %squeeze3A_1305 = vector.shape_cast %slice3A_1304 : vector<1x1x64x1024xi32> to vector<1x64x1024xi32>
    %slice3A_1306 = vector.extract_strided_slice %reshape3A_1292 {offsets = [0, 1, 0, 0], sizes = [1, 1, 64, 1024], strides = [1, 1, 1, 1]} : vector<1x2x64x1024xf32> to vector<1x1x64x1024xf32>
    %squeeze3A_1307 = vector.shape_cast %slice3A_1306 : vector<1x1x64x1024xf32> to vector<1x64x1024xf32>
    %slice3A_1308 = vector.extract_strided_slice %reshape3A_1293 {offsets = [0, 1, 0, 0], sizes = [1, 1, 64, 1024], strides = [1, 1, 1, 1]} : vector<1x2x64x1024xf32> to vector<1x1x64x1024xf32>
    %squeeze3A_1309 = vector.shape_cast %slice3A_1308 : vector<1x1x64x1024xf32> to vector<1x64x1024xf32>
    %iota3A_1310 = tpu.iota {dimensions = array<i32: 2>} : vector<1x1x1024xi32>
    %shift_right_logical3A = arith.constant 128 : i32
    %shift_right_logical3A_1311 = arith.constant 7 : i32
    %shift_right_logical3A_1312 = arith.shrui %shift_right_logical3A, %shift_right_logical3A_1311 : i32
    %and3A_1313 = vector.broadcast %shift_right_logical3A_1312 : i32 to vector<1x1x1024xi32>
    %and3A_1314 = arith.andi %iota3A_1310, %and3A_1313 : vector<1x1x1024xi32>
    %eq3A_1315 = arith.constant 0 : i32
    %eq3A_1316 = vector.broadcast %eq3A_1315 : i32 to vector<1x1x1024xi32>
    %eq3A_1317 = arith.cmpi eq, %and3A_1314, %eq3A_1316 : vector<1x1x1024xi32>
    %gt3A_1318 = arith.cmpf ogt, %squeeze3A_1295, %squeeze3A_1303 : vector<1x64x1024xf32>
    %eq3A_1319 = arith.cmpf oeq, %squeeze3A_1295, %squeeze3A_1303 : vector<1x64x1024xf32>
    %lt3A_1320 = arith.cmpi slt, %squeeze3A_1297, %squeeze3A_1305 : vector<1x64x1024xi32>
    %and3A_1321 = arith.andi %eq3A_1319, %lt3A_1320 : vector<1x64x1024xi1>
    %or3A_1322 = arith.ori %gt3A_1318, %and3A_1321 : vector<1x64x1024xi1>
    %xor3A_1323 = vector.broadcast %eq3A_1317 : vector<1x1x1024xi1> to vector<1x64x1024xi1>
    %xor3A_1324 = arith.xori %or3A_1322, %xor3A_1323 : vector<1x64x1024xi1>
    %select_n3A_1325 = arith.select %xor3A_1324, %squeeze3A_1303, %squeeze3A_1295 : vector<1x64x1024xi1>, vector<1x64x1024xf32>
    %select_n3A_1326 = arith.select %xor3A_1324, %squeeze3A_1295, %squeeze3A_1303 : vector<1x64x1024xi1>, vector<1x64x1024xf32>
    %select_n3A_1327 = arith.select %xor3A_1324, %squeeze3A_1305, %squeeze3A_1297 : vector<1x64x1024xi1>, vector<1x64x1024xi32>
    %select_n3A_1328 = arith.select %xor3A_1324, %squeeze3A_1297, %squeeze3A_1305 : vector<1x64x1024xi1>, vector<1x64x1024xi32>
    %select_n3A_1329 = arith.select %xor3A_1324, %squeeze3A_1307, %squeeze3A_1299 : vector<1x64x1024xi1>, vector<1x64x1024xf32>
    %select_n3A_1330 = arith.select %xor3A_1324, %squeeze3A_1299, %squeeze3A_1307 : vector<1x64x1024xi1>, vector<1x64x1024xf32>
    %select_n3A_1331 = arith.select %xor3A_1324, %squeeze3A_1309, %squeeze3A_1301 : vector<1x64x1024xi1>, vector<1x64x1024xf32>
    %select_n3A_1332 = arith.select %xor3A_1324, %squeeze3A_1301, %squeeze3A_1309 : vector<1x64x1024xi1>, vector<1x64x1024xf32>
    %stack3A_1333 = vector.shape_cast %select_n3A_1325 : vector<1x64x1024xf32> to vector<1x1x64x1024xf32>
    %stack3A_1334 = vector.shape_cast %select_n3A_1326 : vector<1x64x1024xf32> to vector<1x1x64x1024xf32>
    %stack3A_1335 = tpu.concatenate %stack3A_1333, %stack3A_1334 in 1 : vector<1x1x64x1024xf32>, vector<1x1x64x1024xf32> -> vector<1x2x64x1024xf32>
    %reshape3A_1336 = vector.shape_cast %stack3A_1335 : vector<1x2x64x1024xf32> to vector<128x1024xf32>
    %stack3A_1337 = vector.shape_cast %select_n3A_1327 : vector<1x64x1024xi32> to vector<1x1x64x1024xi32>
    %stack3A_1338 = vector.shape_cast %select_n3A_1328 : vector<1x64x1024xi32> to vector<1x1x64x1024xi32>
    %stack3A_1339 = tpu.concatenate %stack3A_1337, %stack3A_1338 in 1 : vector<1x1x64x1024xi32>, vector<1x1x64x1024xi32> -> vector<1x2x64x1024xi32>
    %reshape3A_1340 = vector.shape_cast %stack3A_1339 : vector<1x2x64x1024xi32> to vector<128x1024xi32>
    %stack3A_1341 = vector.shape_cast %select_n3A_1329 : vector<1x64x1024xf32> to vector<1x1x64x1024xf32>
    %stack3A_1342 = vector.shape_cast %select_n3A_1330 : vector<1x64x1024xf32> to vector<1x1x64x1024xf32>
    %stack3A_1343 = tpu.concatenate %stack3A_1341, %stack3A_1342 in 1 : vector<1x1x64x1024xf32>, vector<1x1x64x1024xf32> -> vector<1x2x64x1024xf32>
    %reshape3A_1344 = vector.shape_cast %stack3A_1343 : vector<1x2x64x1024xf32> to vector<128x1024xf32>
    %stack3A_1345 = vector.shape_cast %select_n3A_1331 : vector<1x64x1024xf32> to vector<1x1x64x1024xf32>
    %stack3A_1346 = vector.shape_cast %select_n3A_1332 : vector<1x64x1024xf32> to vector<1x1x64x1024xf32>
    %stack3A_1347 = tpu.concatenate %stack3A_1345, %stack3A_1346 in 1 : vector<1x1x64x1024xf32>, vector<1x1x64x1024xf32> -> vector<1x2x64x1024xf32>
    %reshape3A_1348 = vector.shape_cast %stack3A_1347 : vector<1x2x64x1024xf32> to vector<128x1024xf32>
    %reshape3A_1349 = vector.shape_cast %reshape3A_1336 : vector<128x1024xf32> to vector<2x2x32x1024xf32>
    %reshape3A_1350 = vector.shape_cast %reshape3A_1340 : vector<128x1024xi32> to vector<2x2x32x1024xi32>
    %reshape3A_1351 = vector.shape_cast %reshape3A_1344 : vector<128x1024xf32> to vector<2x2x32x1024xf32>
    %reshape3A_1352 = vector.shape_cast %reshape3A_1348 : vector<128x1024xf32> to vector<2x2x32x1024xf32>
    %slice3A_1353 = vector.extract_strided_slice %reshape3A_1349 {offsets = [0, 0, 0, 0], sizes = [2, 1, 32, 1024], strides = [1, 1, 1, 1]} : vector<2x2x32x1024xf32> to vector<2x1x32x1024xf32>
    %squeeze3A_1354 = vector.shape_cast %slice3A_1353 : vector<2x1x32x1024xf32> to vector<2x32x1024xf32>
    %slice3A_1355 = vector.extract_strided_slice %reshape3A_1350 {offsets = [0, 0, 0, 0], sizes = [2, 1, 32, 1024], strides = [1, 1, 1, 1]} : vector<2x2x32x1024xi32> to vector<2x1x32x1024xi32>
    %squeeze3A_1356 = vector.shape_cast %slice3A_1355 : vector<2x1x32x1024xi32> to vector<2x32x1024xi32>
    %slice3A_1357 = vector.extract_strided_slice %reshape3A_1351 {offsets = [0, 0, 0, 0], sizes = [2, 1, 32, 1024], strides = [1, 1, 1, 1]} : vector<2x2x32x1024xf32> to vector<2x1x32x1024xf32>
    %squeeze3A_1358 = vector.shape_cast %slice3A_1357 : vector<2x1x32x1024xf32> to vector<2x32x1024xf32>
    %slice3A_1359 = vector.extract_strided_slice %reshape3A_1352 {offsets = [0, 0, 0, 0], sizes = [2, 1, 32, 1024], strides = [1, 1, 1, 1]} : vector<2x2x32x1024xf32> to vector<2x1x32x1024xf32>
    %squeeze3A_1360 = vector.shape_cast %slice3A_1359 : vector<2x1x32x1024xf32> to vector<2x32x1024xf32>
    %slice3A_1361 = vector.extract_strided_slice %reshape3A_1349 {offsets = [0, 1, 0, 0], sizes = [2, 1, 32, 1024], strides = [1, 1, 1, 1]} : vector<2x2x32x1024xf32> to vector<2x1x32x1024xf32>
    %squeeze3A_1362 = vector.shape_cast %slice3A_1361 : vector<2x1x32x1024xf32> to vector<2x32x1024xf32>
    %slice3A_1363 = vector.extract_strided_slice %reshape3A_1350 {offsets = [0, 1, 0, 0], sizes = [2, 1, 32, 1024], strides = [1, 1, 1, 1]} : vector<2x2x32x1024xi32> to vector<2x1x32x1024xi32>
    %squeeze3A_1364 = vector.shape_cast %slice3A_1363 : vector<2x1x32x1024xi32> to vector<2x32x1024xi32>
    %slice3A_1365 = vector.extract_strided_slice %reshape3A_1351 {offsets = [0, 1, 0, 0], sizes = [2, 1, 32, 1024], strides = [1, 1, 1, 1]} : vector<2x2x32x1024xf32> to vector<2x1x32x1024xf32>
    %squeeze3A_1366 = vector.shape_cast %slice3A_1365 : vector<2x1x32x1024xf32> to vector<2x32x1024xf32>
    %slice3A_1367 = vector.extract_strided_slice %reshape3A_1352 {offsets = [0, 1, 0, 0], sizes = [2, 1, 32, 1024], strides = [1, 1, 1, 1]} : vector<2x2x32x1024xf32> to vector<2x1x32x1024xf32>
    %squeeze3A_1368 = vector.shape_cast %slice3A_1367 : vector<2x1x32x1024xf32> to vector<2x32x1024xf32>
    %iota3A_1369 = tpu.iota {dimensions = array<i32: 2>} : vector<1x1x1024xi32>
    %shift_right_logical3A_1370 = arith.constant 128 : i32
    %shift_right_logical3A_1371 = arith.constant 7 : i32
    %shift_right_logical3A_1372 = arith.shrui %shift_right_logical3A_1370, %shift_right_logical3A_1371 : i32
    %and3A_1373 = vector.broadcast %shift_right_logical3A_1372 : i32 to vector<1x1x1024xi32>
    %and3A_1374 = arith.andi %iota3A_1369, %and3A_1373 : vector<1x1x1024xi32>
    %eq3A_1375 = arith.constant 0 : i32
    %eq3A_1376 = vector.broadcast %eq3A_1375 : i32 to vector<1x1x1024xi32>
    %eq3A_1377 = arith.cmpi eq, %and3A_1374, %eq3A_1376 : vector<1x1x1024xi32>
    %gt3A_1378 = arith.cmpf ogt, %squeeze3A_1354, %squeeze3A_1362 : vector<2x32x1024xf32>
    %eq3A_1379 = arith.cmpf oeq, %squeeze3A_1354, %squeeze3A_1362 : vector<2x32x1024xf32>
    %lt3A_1380 = arith.cmpi slt, %squeeze3A_1356, %squeeze3A_1364 : vector<2x32x1024xi32>
    %and3A_1381 = arith.andi %eq3A_1379, %lt3A_1380 : vector<2x32x1024xi1>
    %or3A_1382 = arith.ori %gt3A_1378, %and3A_1381 : vector<2x32x1024xi1>
    %xor3A_1383 = vector.broadcast %eq3A_1377 : vector<1x1x1024xi1> to vector<2x32x1024xi1>
    %xor3A_1384 = arith.xori %or3A_1382, %xor3A_1383 : vector<2x32x1024xi1>
    %select_n3A_1385 = arith.select %xor3A_1384, %squeeze3A_1362, %squeeze3A_1354 : vector<2x32x1024xi1>, vector<2x32x1024xf32>
    %select_n3A_1386 = arith.select %xor3A_1384, %squeeze3A_1354, %squeeze3A_1362 : vector<2x32x1024xi1>, vector<2x32x1024xf32>
    %select_n3A_1387 = arith.select %xor3A_1384, %squeeze3A_1364, %squeeze3A_1356 : vector<2x32x1024xi1>, vector<2x32x1024xi32>
    %select_n3A_1388 = arith.select %xor3A_1384, %squeeze3A_1356, %squeeze3A_1364 : vector<2x32x1024xi1>, vector<2x32x1024xi32>
    %select_n3A_1389 = arith.select %xor3A_1384, %squeeze3A_1366, %squeeze3A_1358 : vector<2x32x1024xi1>, vector<2x32x1024xf32>
    %select_n3A_1390 = arith.select %xor3A_1384, %squeeze3A_1358, %squeeze3A_1366 : vector<2x32x1024xi1>, vector<2x32x1024xf32>
    %select_n3A_1391 = arith.select %xor3A_1384, %squeeze3A_1368, %squeeze3A_1360 : vector<2x32x1024xi1>, vector<2x32x1024xf32>
    %select_n3A_1392 = arith.select %xor3A_1384, %squeeze3A_1360, %squeeze3A_1368 : vector<2x32x1024xi1>, vector<2x32x1024xf32>
    %stack3A_1393 = vector.shape_cast %select_n3A_1385 : vector<2x32x1024xf32> to vector<2x1x32x1024xf32>
    %stack3A_1394 = vector.shape_cast %select_n3A_1386 : vector<2x32x1024xf32> to vector<2x1x32x1024xf32>
    %stack3A_1395 = tpu.concatenate %stack3A_1393, %stack3A_1394 in 1 : vector<2x1x32x1024xf32>, vector<2x1x32x1024xf32> -> vector<2x2x32x1024xf32>
    %reshape3A_1396 = vector.shape_cast %stack3A_1395 : vector<2x2x32x1024xf32> to vector<128x1024xf32>
    %stack3A_1397 = vector.shape_cast %select_n3A_1387 : vector<2x32x1024xi32> to vector<2x1x32x1024xi32>
    %stack3A_1398 = vector.shape_cast %select_n3A_1388 : vector<2x32x1024xi32> to vector<2x1x32x1024xi32>
    %stack3A_1399 = tpu.concatenate %stack3A_1397, %stack3A_1398 in 1 : vector<2x1x32x1024xi32>, vector<2x1x32x1024xi32> -> vector<2x2x32x1024xi32>
    %reshape3A_1400 = vector.shape_cast %stack3A_1399 : vector<2x2x32x1024xi32> to vector<128x1024xi32>
    %stack3A_1401 = vector.shape_cast %select_n3A_1389 : vector<2x32x1024xf32> to vector<2x1x32x1024xf32>
    %stack3A_1402 = vector.shape_cast %select_n3A_1390 : vector<2x32x1024xf32> to vector<2x1x32x1024xf32>
    %stack3A_1403 = tpu.concatenate %stack3A_1401, %stack3A_1402 in 1 : vector<2x1x32x1024xf32>, vector<2x1x32x1024xf32> -> vector<2x2x32x1024xf32>
    %reshape3A_1404 = vector.shape_cast %stack3A_1403 : vector<2x2x32x1024xf32> to vector<128x1024xf32>
    %stack3A_1405 = vector.shape_cast %select_n3A_1391 : vector<2x32x1024xf32> to vector<2x1x32x1024xf32>
    %stack3A_1406 = vector.shape_cast %select_n3A_1392 : vector<2x32x1024xf32> to vector<2x1x32x1024xf32>
    %stack3A_1407 = tpu.concatenate %stack3A_1405, %stack3A_1406 in 1 : vector<2x1x32x1024xf32>, vector<2x1x32x1024xf32> -> vector<2x2x32x1024xf32>
    %reshape3A_1408 = vector.shape_cast %stack3A_1407 : vector<2x2x32x1024xf32> to vector<128x1024xf32>
    %reshape3A_1409 = vector.shape_cast %reshape3A_1396 : vector<128x1024xf32> to vector<4x2x16x1024xf32>
    %reshape3A_1410 = vector.shape_cast %reshape3A_1400 : vector<128x1024xi32> to vector<4x2x16x1024xi32>
    %reshape3A_1411 = vector.shape_cast %reshape3A_1404 : vector<128x1024xf32> to vector<4x2x16x1024xf32>
    %reshape3A_1412 = vector.shape_cast %reshape3A_1408 : vector<128x1024xf32> to vector<4x2x16x1024xf32>
    %slice3A_1413 = vector.extract_strided_slice %reshape3A_1409 {offsets = [0, 0, 0, 0], sizes = [4, 1, 16, 1024], strides = [1, 1, 1, 1]} : vector<4x2x16x1024xf32> to vector<4x1x16x1024xf32>
    %squeeze3A_1414 = vector.shape_cast %slice3A_1413 : vector<4x1x16x1024xf32> to vector<4x16x1024xf32>
    %slice3A_1415 = vector.extract_strided_slice %reshape3A_1410 {offsets = [0, 0, 0, 0], sizes = [4, 1, 16, 1024], strides = [1, 1, 1, 1]} : vector<4x2x16x1024xi32> to vector<4x1x16x1024xi32>
    %squeeze3A_1416 = vector.shape_cast %slice3A_1415 : vector<4x1x16x1024xi32> to vector<4x16x1024xi32>
    %slice3A_1417 = vector.extract_strided_slice %reshape3A_1411 {offsets = [0, 0, 0, 0], sizes = [4, 1, 16, 1024], strides = [1, 1, 1, 1]} : vector<4x2x16x1024xf32> to vector<4x1x16x1024xf32>
    %squeeze3A_1418 = vector.shape_cast %slice3A_1417 : vector<4x1x16x1024xf32> to vector<4x16x1024xf32>
    %slice3A_1419 = vector.extract_strided_slice %reshape3A_1412 {offsets = [0, 0, 0, 0], sizes = [4, 1, 16, 1024], strides = [1, 1, 1, 1]} : vector<4x2x16x1024xf32> to vector<4x1x16x1024xf32>
    %squeeze3A_1420 = vector.shape_cast %slice3A_1419 : vector<4x1x16x1024xf32> to vector<4x16x1024xf32>
    %slice3A_1421 = vector.extract_strided_slice %reshape3A_1409 {offsets = [0, 1, 0, 0], sizes = [4, 1, 16, 1024], strides = [1, 1, 1, 1]} : vector<4x2x16x1024xf32> to vector<4x1x16x1024xf32>
    %squeeze3A_1422 = vector.shape_cast %slice3A_1421 : vector<4x1x16x1024xf32> to vector<4x16x1024xf32>
    %slice3A_1423 = vector.extract_strided_slice %reshape3A_1410 {offsets = [0, 1, 0, 0], sizes = [4, 1, 16, 1024], strides = [1, 1, 1, 1]} : vector<4x2x16x1024xi32> to vector<4x1x16x1024xi32>
    %squeeze3A_1424 = vector.shape_cast %slice3A_1423 : vector<4x1x16x1024xi32> to vector<4x16x1024xi32>
    %slice3A_1425 = vector.extract_strided_slice %reshape3A_1411 {offsets = [0, 1, 0, 0], sizes = [4, 1, 16, 1024], strides = [1, 1, 1, 1]} : vector<4x2x16x1024xf32> to vector<4x1x16x1024xf32>
    %squeeze3A_1426 = vector.shape_cast %slice3A_1425 : vector<4x1x16x1024xf32> to vector<4x16x1024xf32>
    %slice3A_1427 = vector.extract_strided_slice %reshape3A_1412 {offsets = [0, 1, 0, 0], sizes = [4, 1, 16, 1024], strides = [1, 1, 1, 1]} : vector<4x2x16x1024xf32> to vector<4x1x16x1024xf32>
    %squeeze3A_1428 = vector.shape_cast %slice3A_1427 : vector<4x1x16x1024xf32> to vector<4x16x1024xf32>
    %iota3A_1429 = tpu.iota {dimensions = array<i32: 2>} : vector<1x1x1024xi32>
    %shift_right_logical3A_1430 = arith.constant 128 : i32
    %shift_right_logical3A_1431 = arith.constant 7 : i32
    %shift_right_logical3A_1432 = arith.shrui %shift_right_logical3A_1430, %shift_right_logical3A_1431 : i32
    %and3A_1433 = vector.broadcast %shift_right_logical3A_1432 : i32 to vector<1x1x1024xi32>
    %and3A_1434 = arith.andi %iota3A_1429, %and3A_1433 : vector<1x1x1024xi32>
    %eq3A_1435 = arith.constant 0 : i32
    %eq3A_1436 = vector.broadcast %eq3A_1435 : i32 to vector<1x1x1024xi32>
    %eq3A_1437 = arith.cmpi eq, %and3A_1434, %eq3A_1436 : vector<1x1x1024xi32>
    %gt3A_1438 = arith.cmpf ogt, %squeeze3A_1414, %squeeze3A_1422 : vector<4x16x1024xf32>
    %eq3A_1439 = arith.cmpf oeq, %squeeze3A_1414, %squeeze3A_1422 : vector<4x16x1024xf32>
    %lt3A_1440 = arith.cmpi slt, %squeeze3A_1416, %squeeze3A_1424 : vector<4x16x1024xi32>
    %and3A_1441 = arith.andi %eq3A_1439, %lt3A_1440 : vector<4x16x1024xi1>
    %or3A_1442 = arith.ori %gt3A_1438, %and3A_1441 : vector<4x16x1024xi1>
    %xor3A_1443 = vector.broadcast %eq3A_1437 : vector<1x1x1024xi1> to vector<4x16x1024xi1>
    %xor3A_1444 = arith.xori %or3A_1442, %xor3A_1443 : vector<4x16x1024xi1>
    %select_n3A_1445 = arith.select %xor3A_1444, %squeeze3A_1422, %squeeze3A_1414 : vector<4x16x1024xi1>, vector<4x16x1024xf32>
    %select_n3A_1446 = arith.select %xor3A_1444, %squeeze3A_1414, %squeeze3A_1422 : vector<4x16x1024xi1>, vector<4x16x1024xf32>
    %select_n3A_1447 = arith.select %xor3A_1444, %squeeze3A_1424, %squeeze3A_1416 : vector<4x16x1024xi1>, vector<4x16x1024xi32>
    %select_n3A_1448 = arith.select %xor3A_1444, %squeeze3A_1416, %squeeze3A_1424 : vector<4x16x1024xi1>, vector<4x16x1024xi32>
    %select_n3A_1449 = arith.select %xor3A_1444, %squeeze3A_1426, %squeeze3A_1418 : vector<4x16x1024xi1>, vector<4x16x1024xf32>
    %select_n3A_1450 = arith.select %xor3A_1444, %squeeze3A_1418, %squeeze3A_1426 : vector<4x16x1024xi1>, vector<4x16x1024xf32>
    %select_n3A_1451 = arith.select %xor3A_1444, %squeeze3A_1428, %squeeze3A_1420 : vector<4x16x1024xi1>, vector<4x16x1024xf32>
    %select_n3A_1452 = arith.select %xor3A_1444, %squeeze3A_1420, %squeeze3A_1428 : vector<4x16x1024xi1>, vector<4x16x1024xf32>
    %stack3A_1453 = vector.shape_cast %select_n3A_1445 : vector<4x16x1024xf32> to vector<4x1x16x1024xf32>
    %stack3A_1454 = vector.shape_cast %select_n3A_1446 : vector<4x16x1024xf32> to vector<4x1x16x1024xf32>
    %stack3A_1455 = tpu.concatenate %stack3A_1453, %stack3A_1454 in 1 : vector<4x1x16x1024xf32>, vector<4x1x16x1024xf32> -> vector<4x2x16x1024xf32>
    %reshape3A_1456 = vector.shape_cast %stack3A_1455 : vector<4x2x16x1024xf32> to vector<128x1024xf32>
    %stack3A_1457 = vector.shape_cast %select_n3A_1447 : vector<4x16x1024xi32> to vector<4x1x16x1024xi32>
    %stack3A_1458 = vector.shape_cast %select_n3A_1448 : vector<4x16x1024xi32> to vector<4x1x16x1024xi32>
    %stack3A_1459 = tpu.concatenate %stack3A_1457, %stack3A_1458 in 1 : vector<4x1x16x1024xi32>, vector<4x1x16x1024xi32> -> vector<4x2x16x1024xi32>
    %reshape3A_1460 = vector.shape_cast %stack3A_1459 : vector<4x2x16x1024xi32> to vector<128x1024xi32>
    %stack3A_1461 = vector.shape_cast %select_n3A_1449 : vector<4x16x1024xf32> to vector<4x1x16x1024xf32>
    %stack3A_1462 = vector.shape_cast %select_n3A_1450 : vector<4x16x1024xf32> to vector<4x1x16x1024xf32>
    %stack3A_1463 = tpu.concatenate %stack3A_1461, %stack3A_1462 in 1 : vector<4x1x16x1024xf32>, vector<4x1x16x1024xf32> -> vector<4x2x16x1024xf32>
    %reshape3A_1464 = vector.shape_cast %stack3A_1463 : vector<4x2x16x1024xf32> to vector<128x1024xf32>
    %stack3A_1465 = vector.shape_cast %select_n3A_1451 : vector<4x16x1024xf32> to vector<4x1x16x1024xf32>
    %stack3A_1466 = vector.shape_cast %select_n3A_1452 : vector<4x16x1024xf32> to vector<4x1x16x1024xf32>
    %stack3A_1467 = tpu.concatenate %stack3A_1465, %stack3A_1466 in 1 : vector<4x1x16x1024xf32>, vector<4x1x16x1024xf32> -> vector<4x2x16x1024xf32>
    %reshape3A_1468 = vector.shape_cast %stack3A_1467 : vector<4x2x16x1024xf32> to vector<128x1024xf32>
    %reshape3A_1469 = vector.shape_cast %reshape3A_1456 : vector<128x1024xf32> to vector<8x2x8x1024xf32>
    %reshape3A_1470 = vector.shape_cast %reshape3A_1460 : vector<128x1024xi32> to vector<8x2x8x1024xi32>
    %reshape3A_1471 = vector.shape_cast %reshape3A_1464 : vector<128x1024xf32> to vector<8x2x8x1024xf32>
    %reshape3A_1472 = vector.shape_cast %reshape3A_1468 : vector<128x1024xf32> to vector<8x2x8x1024xf32>
    %slice3A_1473 = vector.extract_strided_slice %reshape3A_1469 {offsets = [0, 0, 0, 0], sizes = [8, 1, 8, 1024], strides = [1, 1, 1, 1]} : vector<8x2x8x1024xf32> to vector<8x1x8x1024xf32>
    %squeeze3A_1474 = vector.shape_cast %slice3A_1473 : vector<8x1x8x1024xf32> to vector<8x8x1024xf32>
    %slice3A_1475 = vector.extract_strided_slice %reshape3A_1470 {offsets = [0, 0, 0, 0], sizes = [8, 1, 8, 1024], strides = [1, 1, 1, 1]} : vector<8x2x8x1024xi32> to vector<8x1x8x1024xi32>
    %squeeze3A_1476 = vector.shape_cast %slice3A_1475 : vector<8x1x8x1024xi32> to vector<8x8x1024xi32>
    %slice3A_1477 = vector.extract_strided_slice %reshape3A_1471 {offsets = [0, 0, 0, 0], sizes = [8, 1, 8, 1024], strides = [1, 1, 1, 1]} : vector<8x2x8x1024xf32> to vector<8x1x8x1024xf32>
    %squeeze3A_1478 = vector.shape_cast %slice3A_1477 : vector<8x1x8x1024xf32> to vector<8x8x1024xf32>
    %slice3A_1479 = vector.extract_strided_slice %reshape3A_1472 {offsets = [0, 0, 0, 0], sizes = [8, 1, 8, 1024], strides = [1, 1, 1, 1]} : vector<8x2x8x1024xf32> to vector<8x1x8x1024xf32>
    %squeeze3A_1480 = vector.shape_cast %slice3A_1479 : vector<8x1x8x1024xf32> to vector<8x8x1024xf32>
    %slice3A_1481 = vector.extract_strided_slice %reshape3A_1469 {offsets = [0, 1, 0, 0], sizes = [8, 1, 8, 1024], strides = [1, 1, 1, 1]} : vector<8x2x8x1024xf32> to vector<8x1x8x1024xf32>
    %squeeze3A_1482 = vector.shape_cast %slice3A_1481 : vector<8x1x8x1024xf32> to vector<8x8x1024xf32>
    %slice3A_1483 = vector.extract_strided_slice %reshape3A_1470 {offsets = [0, 1, 0, 0], sizes = [8, 1, 8, 1024], strides = [1, 1, 1, 1]} : vector<8x2x8x1024xi32> to vector<8x1x8x1024xi32>
    %squeeze3A_1484 = vector.shape_cast %slice3A_1483 : vector<8x1x8x1024xi32> to vector<8x8x1024xi32>
    %slice3A_1485 = vector.extract_strided_slice %reshape3A_1471 {offsets = [0, 1, 0, 0], sizes = [8, 1, 8, 1024], strides = [1, 1, 1, 1]} : vector<8x2x8x1024xf32> to vector<8x1x8x1024xf32>
    %squeeze3A_1486 = vector.shape_cast %slice3A_1485 : vector<8x1x8x1024xf32> to vector<8x8x1024xf32>
    %slice3A_1487 = vector.extract_strided_slice %reshape3A_1472 {offsets = [0, 1, 0, 0], sizes = [8, 1, 8, 1024], strides = [1, 1, 1, 1]} : vector<8x2x8x1024xf32> to vector<8x1x8x1024xf32>
    %squeeze3A_1488 = vector.shape_cast %slice3A_1487 : vector<8x1x8x1024xf32> to vector<8x8x1024xf32>
    %iota3A_1489 = tpu.iota {dimensions = array<i32: 2>} : vector<1x1x1024xi32>
    %shift_right_logical3A_1490 = arith.constant 128 : i32
    %shift_right_logical3A_1491 = arith.constant 7 : i32
    %shift_right_logical3A_1492 = arith.shrui %shift_right_logical3A_1490, %shift_right_logical3A_1491 : i32
    %and3A_1493 = vector.broadcast %shift_right_logical3A_1492 : i32 to vector<1x1x1024xi32>
    %and3A_1494 = arith.andi %iota3A_1489, %and3A_1493 : vector<1x1x1024xi32>
    %eq3A_1495 = arith.constant 0 : i32
    %eq3A_1496 = vector.broadcast %eq3A_1495 : i32 to vector<1x1x1024xi32>
    %eq3A_1497 = arith.cmpi eq, %and3A_1494, %eq3A_1496 : vector<1x1x1024xi32>
    %gt3A_1498 = arith.cmpf ogt, %squeeze3A_1474, %squeeze3A_1482 : vector<8x8x1024xf32>
    %eq3A_1499 = arith.cmpf oeq, %squeeze3A_1474, %squeeze3A_1482 : vector<8x8x1024xf32>
    %lt3A_1500 = arith.cmpi slt, %squeeze3A_1476, %squeeze3A_1484 : vector<8x8x1024xi32>
    %and3A_1501 = arith.andi %eq3A_1499, %lt3A_1500 : vector<8x8x1024xi1>
    %or3A_1502 = arith.ori %gt3A_1498, %and3A_1501 : vector<8x8x1024xi1>
    %xor3A_1503 = vector.broadcast %eq3A_1497 : vector<1x1x1024xi1> to vector<8x8x1024xi1>
    %xor3A_1504 = arith.xori %or3A_1502, %xor3A_1503 : vector<8x8x1024xi1>
    %select_n3A_1505 = arith.select %xor3A_1504, %squeeze3A_1482, %squeeze3A_1474 : vector<8x8x1024xi1>, vector<8x8x1024xf32>
    %select_n3A_1506 = arith.select %xor3A_1504, %squeeze3A_1474, %squeeze3A_1482 : vector<8x8x1024xi1>, vector<8x8x1024xf32>
    %select_n3A_1507 = arith.select %xor3A_1504, %squeeze3A_1484, %squeeze3A_1476 : vector<8x8x1024xi1>, vector<8x8x1024xi32>
    %select_n3A_1508 = arith.select %xor3A_1504, %squeeze3A_1476, %squeeze3A_1484 : vector<8x8x1024xi1>, vector<8x8x1024xi32>
    %select_n3A_1509 = arith.select %xor3A_1504, %squeeze3A_1486, %squeeze3A_1478 : vector<8x8x1024xi1>, vector<8x8x1024xf32>
    %select_n3A_1510 = arith.select %xor3A_1504, %squeeze3A_1478, %squeeze3A_1486 : vector<8x8x1024xi1>, vector<8x8x1024xf32>
    %select_n3A_1511 = arith.select %xor3A_1504, %squeeze3A_1488, %squeeze3A_1480 : vector<8x8x1024xi1>, vector<8x8x1024xf32>
    %select_n3A_1512 = arith.select %xor3A_1504, %squeeze3A_1480, %squeeze3A_1488 : vector<8x8x1024xi1>, vector<8x8x1024xf32>
    %stack3A_1513 = vector.shape_cast %select_n3A_1505 : vector<8x8x1024xf32> to vector<8x1x8x1024xf32>
    %stack3A_1514 = vector.shape_cast %select_n3A_1506 : vector<8x8x1024xf32> to vector<8x1x8x1024xf32>
    %stack3A_1515 = tpu.concatenate %stack3A_1513, %stack3A_1514 in 1 : vector<8x1x8x1024xf32>, vector<8x1x8x1024xf32> -> vector<8x2x8x1024xf32>
    %reshape3A_1516 = vector.shape_cast %stack3A_1515 : vector<8x2x8x1024xf32> to vector<128x1024xf32>
    %stack3A_1517 = vector.shape_cast %select_n3A_1507 : vector<8x8x1024xi32> to vector<8x1x8x1024xi32>
    %stack3A_1518 = vector.shape_cast %select_n3A_1508 : vector<8x8x1024xi32> to vector<8x1x8x1024xi32>
    %stack3A_1519 = tpu.concatenate %stack3A_1517, %stack3A_1518 in 1 : vector<8x1x8x1024xi32>, vector<8x1x8x1024xi32> -> vector<8x2x8x1024xi32>
    %reshape3A_1520 = vector.shape_cast %stack3A_1519 : vector<8x2x8x1024xi32> to vector<128x1024xi32>
    %stack3A_1521 = vector.shape_cast %select_n3A_1509 : vector<8x8x1024xf32> to vector<8x1x8x1024xf32>
    %stack3A_1522 = vector.shape_cast %select_n3A_1510 : vector<8x8x1024xf32> to vector<8x1x8x1024xf32>
    %stack3A_1523 = tpu.concatenate %stack3A_1521, %stack3A_1522 in 1 : vector<8x1x8x1024xf32>, vector<8x1x8x1024xf32> -> vector<8x2x8x1024xf32>
    %reshape3A_1524 = vector.shape_cast %stack3A_1523 : vector<8x2x8x1024xf32> to vector<128x1024xf32>
    %stack3A_1525 = vector.shape_cast %select_n3A_1511 : vector<8x8x1024xf32> to vector<8x1x8x1024xf32>
    %stack3A_1526 = vector.shape_cast %select_n3A_1512 : vector<8x8x1024xf32> to vector<8x1x8x1024xf32>
    %stack3A_1527 = tpu.concatenate %stack3A_1525, %stack3A_1526 in 1 : vector<8x1x8x1024xf32>, vector<8x1x8x1024xf32> -> vector<8x2x8x1024xf32>
    %reshape3A_1528 = vector.shape_cast %stack3A_1527 : vector<8x2x8x1024xf32> to vector<128x1024xf32>
    %reshape3A_1529 = vector.shape_cast %reshape3A_1516 : vector<128x1024xf32> to vector<16x2x4x1024xf32>
    %reshape3A_1530 = vector.shape_cast %reshape3A_1520 : vector<128x1024xi32> to vector<16x2x4x1024xi32>
    %reshape3A_1531 = vector.shape_cast %reshape3A_1524 : vector<128x1024xf32> to vector<16x2x4x1024xf32>
    %reshape3A_1532 = vector.shape_cast %reshape3A_1528 : vector<128x1024xf32> to vector<16x2x4x1024xf32>
    %slice3A_1533 = vector.extract_strided_slice %reshape3A_1529 {offsets = [0, 0, 0, 0], sizes = [16, 1, 4, 1024], strides = [1, 1, 1, 1]} : vector<16x2x4x1024xf32> to vector<16x1x4x1024xf32>
    %squeeze3A_1534 = vector.shape_cast %slice3A_1533 : vector<16x1x4x1024xf32> to vector<16x4x1024xf32>
    %slice3A_1535 = vector.extract_strided_slice %reshape3A_1530 {offsets = [0, 0, 0, 0], sizes = [16, 1, 4, 1024], strides = [1, 1, 1, 1]} : vector<16x2x4x1024xi32> to vector<16x1x4x1024xi32>
    %squeeze3A_1536 = vector.shape_cast %slice3A_1535 : vector<16x1x4x1024xi32> to vector<16x4x1024xi32>
    %slice3A_1537 = vector.extract_strided_slice %reshape3A_1531 {offsets = [0, 0, 0, 0], sizes = [16, 1, 4, 1024], strides = [1, 1, 1, 1]} : vector<16x2x4x1024xf32> to vector<16x1x4x1024xf32>
    %squeeze3A_1538 = vector.shape_cast %slice3A_1537 : vector<16x1x4x1024xf32> to vector<16x4x1024xf32>
    %slice3A_1539 = vector.extract_strided_slice %reshape3A_1532 {offsets = [0, 0, 0, 0], sizes = [16, 1, 4, 1024], strides = [1, 1, 1, 1]} : vector<16x2x4x1024xf32> to vector<16x1x4x1024xf32>
    %squeeze3A_1540 = vector.shape_cast %slice3A_1539 : vector<16x1x4x1024xf32> to vector<16x4x1024xf32>
    %slice3A_1541 = vector.extract_strided_slice %reshape3A_1529 {offsets = [0, 1, 0, 0], sizes = [16, 1, 4, 1024], strides = [1, 1, 1, 1]} : vector<16x2x4x1024xf32> to vector<16x1x4x1024xf32>
    %squeeze3A_1542 = vector.shape_cast %slice3A_1541 : vector<16x1x4x1024xf32> to vector<16x4x1024xf32>
    %slice3A_1543 = vector.extract_strided_slice %reshape3A_1530 {offsets = [0, 1, 0, 0], sizes = [16, 1, 4, 1024], strides = [1, 1, 1, 1]} : vector<16x2x4x1024xi32> to vector<16x1x4x1024xi32>
    %squeeze3A_1544 = vector.shape_cast %slice3A_1543 : vector<16x1x4x1024xi32> to vector<16x4x1024xi32>
    %slice3A_1545 = vector.extract_strided_slice %reshape3A_1531 {offsets = [0, 1, 0, 0], sizes = [16, 1, 4, 1024], strides = [1, 1, 1, 1]} : vector<16x2x4x1024xf32> to vector<16x1x4x1024xf32>
    %squeeze3A_1546 = vector.shape_cast %slice3A_1545 : vector<16x1x4x1024xf32> to vector<16x4x1024xf32>
    %slice3A_1547 = vector.extract_strided_slice %reshape3A_1532 {offsets = [0, 1, 0, 0], sizes = [16, 1, 4, 1024], strides = [1, 1, 1, 1]} : vector<16x2x4x1024xf32> to vector<16x1x4x1024xf32>
    %squeeze3A_1548 = vector.shape_cast %slice3A_1547 : vector<16x1x4x1024xf32> to vector<16x4x1024xf32>
    %iota3A_1549 = tpu.iota {dimensions = array<i32: 2>} : vector<1x1x1024xi32>
    %shift_right_logical3A_1550 = arith.constant 128 : i32
    %shift_right_logical3A_1551 = arith.constant 7 : i32
    %shift_right_logical3A_1552 = arith.shrui %shift_right_logical3A_1550, %shift_right_logical3A_1551 : i32
    %and3A_1553 = vector.broadcast %shift_right_logical3A_1552 : i32 to vector<1x1x1024xi32>
    %and3A_1554 = arith.andi %iota3A_1549, %and3A_1553 : vector<1x1x1024xi32>
    %eq3A_1555 = arith.constant 0 : i32
    %eq3A_1556 = vector.broadcast %eq3A_1555 : i32 to vector<1x1x1024xi32>
    %eq3A_1557 = arith.cmpi eq, %and3A_1554, %eq3A_1556 : vector<1x1x1024xi32>
    %gt3A_1558 = arith.cmpf ogt, %squeeze3A_1534, %squeeze3A_1542 : vector<16x4x1024xf32>
    %eq3A_1559 = arith.cmpf oeq, %squeeze3A_1534, %squeeze3A_1542 : vector<16x4x1024xf32>
    %lt3A_1560 = arith.cmpi slt, %squeeze3A_1536, %squeeze3A_1544 : vector<16x4x1024xi32>
    %and3A_1561 = arith.andi %eq3A_1559, %lt3A_1560 : vector<16x4x1024xi1>
    %or3A_1562 = arith.ori %gt3A_1558, %and3A_1561 : vector<16x4x1024xi1>
    %xor3A_1563 = vector.broadcast %eq3A_1557 : vector<1x1x1024xi1> to vector<16x4x1024xi1>
    %xor3A_1564 = arith.xori %or3A_1562, %xor3A_1563 : vector<16x4x1024xi1>
    %select_n3A_1565 = arith.select %xor3A_1564, %squeeze3A_1542, %squeeze3A_1534 : vector<16x4x1024xi1>, vector<16x4x1024xf32>
    %select_n3A_1566 = arith.select %xor3A_1564, %squeeze3A_1534, %squeeze3A_1542 : vector<16x4x1024xi1>, vector<16x4x1024xf32>
    %select_n3A_1567 = arith.select %xor3A_1564, %squeeze3A_1544, %squeeze3A_1536 : vector<16x4x1024xi1>, vector<16x4x1024xi32>
    %select_n3A_1568 = arith.select %xor3A_1564, %squeeze3A_1536, %squeeze3A_1544 : vector<16x4x1024xi1>, vector<16x4x1024xi32>
    %select_n3A_1569 = arith.select %xor3A_1564, %squeeze3A_1546, %squeeze3A_1538 : vector<16x4x1024xi1>, vector<16x4x1024xf32>
    %select_n3A_1570 = arith.select %xor3A_1564, %squeeze3A_1538, %squeeze3A_1546 : vector<16x4x1024xi1>, vector<16x4x1024xf32>
    %select_n3A_1571 = arith.select %xor3A_1564, %squeeze3A_1548, %squeeze3A_1540 : vector<16x4x1024xi1>, vector<16x4x1024xf32>
    %select_n3A_1572 = arith.select %xor3A_1564, %squeeze3A_1540, %squeeze3A_1548 : vector<16x4x1024xi1>, vector<16x4x1024xf32>
    %stack3A_1573 = vector.shape_cast %select_n3A_1565 : vector<16x4x1024xf32> to vector<16x1x4x1024xf32>
    %stack3A_1574 = vector.shape_cast %select_n3A_1566 : vector<16x4x1024xf32> to vector<16x1x4x1024xf32>
    %stack3A_1575 = tpu.concatenate %stack3A_1573, %stack3A_1574 in 1 : vector<16x1x4x1024xf32>, vector<16x1x4x1024xf32> -> vector<16x2x4x1024xf32>
    %reshape3A_1576 = vector.shape_cast %stack3A_1575 : vector<16x2x4x1024xf32> to vector<128x1024xf32>
    %stack3A_1577 = vector.shape_cast %select_n3A_1567 : vector<16x4x1024xi32> to vector<16x1x4x1024xi32>
    %stack3A_1578 = vector.shape_cast %select_n3A_1568 : vector<16x4x1024xi32> to vector<16x1x4x1024xi32>
    %stack3A_1579 = tpu.concatenate %stack3A_1577, %stack3A_1578 in 1 : vector<16x1x4x1024xi32>, vector<16x1x4x1024xi32> -> vector<16x2x4x1024xi32>
    %reshape3A_1580 = vector.shape_cast %stack3A_1579 : vector<16x2x4x1024xi32> to vector<128x1024xi32>
    %stack3A_1581 = vector.shape_cast %select_n3A_1569 : vector<16x4x1024xf32> to vector<16x1x4x1024xf32>
    %stack3A_1582 = vector.shape_cast %select_n3A_1570 : vector<16x4x1024xf32> to vector<16x1x4x1024xf32>
    %stack3A_1583 = tpu.concatenate %stack3A_1581, %stack3A_1582 in 1 : vector<16x1x4x1024xf32>, vector<16x1x4x1024xf32> -> vector<16x2x4x1024xf32>
    %reshape3A_1584 = vector.shape_cast %stack3A_1583 : vector<16x2x4x1024xf32> to vector<128x1024xf32>
    %stack3A_1585 = vector.shape_cast %select_n3A_1571 : vector<16x4x1024xf32> to vector<16x1x4x1024xf32>
    %stack3A_1586 = vector.shape_cast %select_n3A_1572 : vector<16x4x1024xf32> to vector<16x1x4x1024xf32>
    %stack3A_1587 = tpu.concatenate %stack3A_1585, %stack3A_1586 in 1 : vector<16x1x4x1024xf32>, vector<16x1x4x1024xf32> -> vector<16x2x4x1024xf32>
    %reshape3A_1588 = vector.shape_cast %stack3A_1587 : vector<16x2x4x1024xf32> to vector<128x1024xf32>
    %reshape3A_1589 = vector.shape_cast %reshape3A_1576 : vector<128x1024xf32> to vector<32x2x2x1024xf32>
    %reshape3A_1590 = vector.shape_cast %reshape3A_1580 : vector<128x1024xi32> to vector<32x2x2x1024xi32>
    %reshape3A_1591 = vector.shape_cast %reshape3A_1584 : vector<128x1024xf32> to vector<32x2x2x1024xf32>
    %reshape3A_1592 = vector.shape_cast %reshape3A_1588 : vector<128x1024xf32> to vector<32x2x2x1024xf32>
    %slice3A_1593 = vector.extract_strided_slice %reshape3A_1589 {offsets = [0, 0, 0, 0], sizes = [32, 1, 2, 1024], strides = [1, 1, 1, 1]} : vector<32x2x2x1024xf32> to vector<32x1x2x1024xf32>
    %squeeze3A_1594 = vector.shape_cast %slice3A_1593 : vector<32x1x2x1024xf32> to vector<32x2x1024xf32>
    %slice3A_1595 = vector.extract_strided_slice %reshape3A_1590 {offsets = [0, 0, 0, 0], sizes = [32, 1, 2, 1024], strides = [1, 1, 1, 1]} : vector<32x2x2x1024xi32> to vector<32x1x2x1024xi32>
    %squeeze3A_1596 = vector.shape_cast %slice3A_1595 : vector<32x1x2x1024xi32> to vector<32x2x1024xi32>
    %slice3A_1597 = vector.extract_strided_slice %reshape3A_1591 {offsets = [0, 0, 0, 0], sizes = [32, 1, 2, 1024], strides = [1, 1, 1, 1]} : vector<32x2x2x1024xf32> to vector<32x1x2x1024xf32>
    %squeeze3A_1598 = vector.shape_cast %slice3A_1597 : vector<32x1x2x1024xf32> to vector<32x2x1024xf32>
    %slice3A_1599 = vector.extract_strided_slice %reshape3A_1592 {offsets = [0, 0, 0, 0], sizes = [32, 1, 2, 1024], strides = [1, 1, 1, 1]} : vector<32x2x2x1024xf32> to vector<32x1x2x1024xf32>
    %squeeze3A_1600 = vector.shape_cast %slice3A_1599 : vector<32x1x2x1024xf32> to vector<32x2x1024xf32>
    %slice3A_1601 = vector.extract_strided_slice %reshape3A_1589 {offsets = [0, 1, 0, 0], sizes = [32, 1, 2, 1024], strides = [1, 1, 1, 1]} : vector<32x2x2x1024xf32> to vector<32x1x2x1024xf32>
    %squeeze3A_1602 = vector.shape_cast %slice3A_1601 : vector<32x1x2x1024xf32> to vector<32x2x1024xf32>
    %slice3A_1603 = vector.extract_strided_slice %reshape3A_1590 {offsets = [0, 1, 0, 0], sizes = [32, 1, 2, 1024], strides = [1, 1, 1, 1]} : vector<32x2x2x1024xi32> to vector<32x1x2x1024xi32>
    %squeeze3A_1604 = vector.shape_cast %slice3A_1603 : vector<32x1x2x1024xi32> to vector<32x2x1024xi32>
    %slice3A_1605 = vector.extract_strided_slice %reshape3A_1591 {offsets = [0, 1, 0, 0], sizes = [32, 1, 2, 1024], strides = [1, 1, 1, 1]} : vector<32x2x2x1024xf32> to vector<32x1x2x1024xf32>
    %squeeze3A_1606 = vector.shape_cast %slice3A_1605 : vector<32x1x2x1024xf32> to vector<32x2x1024xf32>
    %slice3A_1607 = vector.extract_strided_slice %reshape3A_1592 {offsets = [0, 1, 0, 0], sizes = [32, 1, 2, 1024], strides = [1, 1, 1, 1]} : vector<32x2x2x1024xf32> to vector<32x1x2x1024xf32>
    %squeeze3A_1608 = vector.shape_cast %slice3A_1607 : vector<32x1x2x1024xf32> to vector<32x2x1024xf32>
    %iota3A_1609 = tpu.iota {dimensions = array<i32: 2>} : vector<1x1x1024xi32>
    %shift_right_logical3A_1610 = arith.constant 128 : i32
    %shift_right_logical3A_1611 = arith.constant 7 : i32
    %shift_right_logical3A_1612 = arith.shrui %shift_right_logical3A_1610, %shift_right_logical3A_1611 : i32
    %and3A_1613 = vector.broadcast %shift_right_logical3A_1612 : i32 to vector<1x1x1024xi32>
    %and3A_1614 = arith.andi %iota3A_1609, %and3A_1613 : vector<1x1x1024xi32>
    %eq3A_1615 = arith.constant 0 : i32
    %eq3A_1616 = vector.broadcast %eq3A_1615 : i32 to vector<1x1x1024xi32>
    %eq3A_1617 = arith.cmpi eq, %and3A_1614, %eq3A_1616 : vector<1x1x1024xi32>
    %gt3A_1618 = arith.cmpf ogt, %squeeze3A_1594, %squeeze3A_1602 : vector<32x2x1024xf32>
    %eq3A_1619 = arith.cmpf oeq, %squeeze3A_1594, %squeeze3A_1602 : vector<32x2x1024xf32>
    %lt3A_1620 = arith.cmpi slt, %squeeze3A_1596, %squeeze3A_1604 : vector<32x2x1024xi32>
    %and3A_1621 = arith.andi %eq3A_1619, %lt3A_1620 : vector<32x2x1024xi1>
    %or3A_1622 = arith.ori %gt3A_1618, %and3A_1621 : vector<32x2x1024xi1>
    %xor3A_1623 = vector.broadcast %eq3A_1617 : vector<1x1x1024xi1> to vector<32x2x1024xi1>
    %xor3A_1624 = arith.xori %or3A_1622, %xor3A_1623 : vector<32x2x1024xi1>
    %select_n3A_1625 = arith.select %xor3A_1624, %squeeze3A_1602, %squeeze3A_1594 : vector<32x2x1024xi1>, vector<32x2x1024xf32>
    %select_n3A_1626 = arith.select %xor3A_1624, %squeeze3A_1594, %squeeze3A_1602 : vector<32x2x1024xi1>, vector<32x2x1024xf32>
    %select_n3A_1627 = arith.select %xor3A_1624, %squeeze3A_1604, %squeeze3A_1596 : vector<32x2x1024xi1>, vector<32x2x1024xi32>
    %select_n3A_1628 = arith.select %xor3A_1624, %squeeze3A_1596, %squeeze3A_1604 : vector<32x2x1024xi1>, vector<32x2x1024xi32>
    %select_n3A_1629 = arith.select %xor3A_1624, %squeeze3A_1606, %squeeze3A_1598 : vector<32x2x1024xi1>, vector<32x2x1024xf32>
    %select_n3A_1630 = arith.select %xor3A_1624, %squeeze3A_1598, %squeeze3A_1606 : vector<32x2x1024xi1>, vector<32x2x1024xf32>
    %select_n3A_1631 = arith.select %xor3A_1624, %squeeze3A_1608, %squeeze3A_1600 : vector<32x2x1024xi1>, vector<32x2x1024xf32>
    %select_n3A_1632 = arith.select %xor3A_1624, %squeeze3A_1600, %squeeze3A_1608 : vector<32x2x1024xi1>, vector<32x2x1024xf32>
    %stack3A_1633 = vector.shape_cast %select_n3A_1625 : vector<32x2x1024xf32> to vector<32x1x2x1024xf32>
    %stack3A_1634 = vector.shape_cast %select_n3A_1626 : vector<32x2x1024xf32> to vector<32x1x2x1024xf32>
    %stack3A_1635 = tpu.concatenate %stack3A_1633, %stack3A_1634 in 1 : vector<32x1x2x1024xf32>, vector<32x1x2x1024xf32> -> vector<32x2x2x1024xf32>
    %reshape3A_1636 = vector.shape_cast %stack3A_1635 : vector<32x2x2x1024xf32> to vector<128x1024xf32>
    %stack3A_1637 = vector.shape_cast %select_n3A_1627 : vector<32x2x1024xi32> to vector<32x1x2x1024xi32>
    %stack3A_1638 = vector.shape_cast %select_n3A_1628 : vector<32x2x1024xi32> to vector<32x1x2x1024xi32>
    %stack3A_1639 = tpu.concatenate %stack3A_1637, %stack3A_1638 in 1 : vector<32x1x2x1024xi32>, vector<32x1x2x1024xi32> -> vector<32x2x2x1024xi32>
    %reshape3A_1640 = vector.shape_cast %stack3A_1639 : vector<32x2x2x1024xi32> to vector<128x1024xi32>
    %stack3A_1641 = vector.shape_cast %select_n3A_1629 : vector<32x2x1024xf32> to vector<32x1x2x1024xf32>
    %stack3A_1642 = vector.shape_cast %select_n3A_1630 : vector<32x2x1024xf32> to vector<32x1x2x1024xf32>
    %stack3A_1643 = tpu.concatenate %stack3A_1641, %stack3A_1642 in 1 : vector<32x1x2x1024xf32>, vector<32x1x2x1024xf32> -> vector<32x2x2x1024xf32>
    %reshape3A_1644 = vector.shape_cast %stack3A_1643 : vector<32x2x2x1024xf32> to vector<128x1024xf32>
    %stack3A_1645 = vector.shape_cast %select_n3A_1631 : vector<32x2x1024xf32> to vector<32x1x2x1024xf32>
    %stack3A_1646 = vector.shape_cast %select_n3A_1632 : vector<32x2x1024xf32> to vector<32x1x2x1024xf32>
    %stack3A_1647 = tpu.concatenate %stack3A_1645, %stack3A_1646 in 1 : vector<32x1x2x1024xf32>, vector<32x1x2x1024xf32> -> vector<32x2x2x1024xf32>
    %reshape3A_1648 = vector.shape_cast %stack3A_1647 : vector<32x2x2x1024xf32> to vector<128x1024xf32>
    %reshape3A_1649 = vector.shape_cast %reshape3A_1636 : vector<128x1024xf32> to vector<64x2x1x1024xf32>
    %reshape3A_1650 = vector.shape_cast %reshape3A_1640 : vector<128x1024xi32> to vector<64x2x1x1024xi32>
    %reshape3A_1651 = vector.shape_cast %reshape3A_1644 : vector<128x1024xf32> to vector<64x2x1x1024xf32>
    %reshape3A_1652 = vector.shape_cast %reshape3A_1648 : vector<128x1024xf32> to vector<64x2x1x1024xf32>
    %slice3A_1653 = vector.extract_strided_slice %reshape3A_1649 {offsets = [0, 0, 0, 0], sizes = [64, 1, 1, 1024], strides = [1, 1, 1, 1]} : vector<64x2x1x1024xf32> to vector<64x1x1x1024xf32>
    %squeeze3A_1654 = vector.shape_cast %slice3A_1653 : vector<64x1x1x1024xf32> to vector<64x1x1024xf32>
    %slice3A_1655 = vector.extract_strided_slice %reshape3A_1650 {offsets = [0, 0, 0, 0], sizes = [64, 1, 1, 1024], strides = [1, 1, 1, 1]} : vector<64x2x1x1024xi32> to vector<64x1x1x1024xi32>
    %squeeze3A_1656 = vector.shape_cast %slice3A_1655 : vector<64x1x1x1024xi32> to vector<64x1x1024xi32>
    %slice3A_1657 = vector.extract_strided_slice %reshape3A_1651 {offsets = [0, 0, 0, 0], sizes = [64, 1, 1, 1024], strides = [1, 1, 1, 1]} : vector<64x2x1x1024xf32> to vector<64x1x1x1024xf32>
    %squeeze3A_1658 = vector.shape_cast %slice3A_1657 : vector<64x1x1x1024xf32> to vector<64x1x1024xf32>
    %slice3A_1659 = vector.extract_strided_slice %reshape3A_1652 {offsets = [0, 0, 0, 0], sizes = [64, 1, 1, 1024], strides = [1, 1, 1, 1]} : vector<64x2x1x1024xf32> to vector<64x1x1x1024xf32>
    %squeeze3A_1660 = vector.shape_cast %slice3A_1659 : vector<64x1x1x1024xf32> to vector<64x1x1024xf32>
    %slice3A_1661 = vector.extract_strided_slice %reshape3A_1649 {offsets = [0, 1, 0, 0], sizes = [64, 1, 1, 1024], strides = [1, 1, 1, 1]} : vector<64x2x1x1024xf32> to vector<64x1x1x1024xf32>
    %squeeze3A_1662 = vector.shape_cast %slice3A_1661 : vector<64x1x1x1024xf32> to vector<64x1x1024xf32>
    %slice3A_1663 = vector.extract_strided_slice %reshape3A_1650 {offsets = [0, 1, 0, 0], sizes = [64, 1, 1, 1024], strides = [1, 1, 1, 1]} : vector<64x2x1x1024xi32> to vector<64x1x1x1024xi32>
    %squeeze3A_1664 = vector.shape_cast %slice3A_1663 : vector<64x1x1x1024xi32> to vector<64x1x1024xi32>
    %slice3A_1665 = vector.extract_strided_slice %reshape3A_1651 {offsets = [0, 1, 0, 0], sizes = [64, 1, 1, 1024], strides = [1, 1, 1, 1]} : vector<64x2x1x1024xf32> to vector<64x1x1x1024xf32>
    %squeeze3A_1666 = vector.shape_cast %slice3A_1665 : vector<64x1x1x1024xf32> to vector<64x1x1024xf32>
    %slice3A_1667 = vector.extract_strided_slice %reshape3A_1652 {offsets = [0, 1, 0, 0], sizes = [64, 1, 1, 1024], strides = [1, 1, 1, 1]} : vector<64x2x1x1024xf32> to vector<64x1x1x1024xf32>
    %squeeze3A_1668 = vector.shape_cast %slice3A_1667 : vector<64x1x1x1024xf32> to vector<64x1x1024xf32>
    %iota3A_1669 = tpu.iota {dimensions = array<i32: 2>} : vector<1x1x1024xi32>
    %shift_right_logical3A_1670 = arith.constant 128 : i32
    %shift_right_logical3A_1671 = arith.constant 7 : i32
    %shift_right_logical3A_1672 = arith.shrui %shift_right_logical3A_1670, %shift_right_logical3A_1671 : i32
    %and3A_1673 = vector.broadcast %shift_right_logical3A_1672 : i32 to vector<1x1x1024xi32>
    %and3A_1674 = arith.andi %iota3A_1669, %and3A_1673 : vector<1x1x1024xi32>
    %eq3A_1675 = arith.constant 0 : i32
    %eq3A_1676 = vector.broadcast %eq3A_1675 : i32 to vector<1x1x1024xi32>
    %eq3A_1677 = arith.cmpi eq, %and3A_1674, %eq3A_1676 : vector<1x1x1024xi32>
    %gt3A_1678 = arith.cmpf ogt, %squeeze3A_1654, %squeeze3A_1662 : vector<64x1x1024xf32>
    %eq3A_1679 = arith.cmpf oeq, %squeeze3A_1654, %squeeze3A_1662 : vector<64x1x1024xf32>
    %lt3A_1680 = arith.cmpi slt, %squeeze3A_1656, %squeeze3A_1664 : vector<64x1x1024xi32>
    %and3A_1681 = arith.andi %eq3A_1679, %lt3A_1680 : vector<64x1x1024xi1>
    %or3A_1682 = arith.ori %gt3A_1678, %and3A_1681 : vector<64x1x1024xi1>
    %xor3A_1683 = vector.broadcast %eq3A_1677 : vector<1x1x1024xi1> to vector<64x1x1024xi1>
    %xor3A_1684 = arith.xori %or3A_1682, %xor3A_1683 : vector<64x1x1024xi1>
    %select_n3A_1685 = arith.select %xor3A_1684, %squeeze3A_1662, %squeeze3A_1654 : vector<64x1x1024xi1>, vector<64x1x1024xf32>
    %select_n3A_1686 = arith.select %xor3A_1684, %squeeze3A_1654, %squeeze3A_1662 : vector<64x1x1024xi1>, vector<64x1x1024xf32>
    %select_n3A_1687 = arith.select %xor3A_1684, %squeeze3A_1664, %squeeze3A_1656 : vector<64x1x1024xi1>, vector<64x1x1024xi32>
    %select_n3A_1688 = arith.select %xor3A_1684, %squeeze3A_1656, %squeeze3A_1664 : vector<64x1x1024xi1>, vector<64x1x1024xi32>
    %select_n3A_1689 = arith.select %xor3A_1684, %squeeze3A_1666, %squeeze3A_1658 : vector<64x1x1024xi1>, vector<64x1x1024xf32>
    %select_n3A_1690 = arith.select %xor3A_1684, %squeeze3A_1658, %squeeze3A_1666 : vector<64x1x1024xi1>, vector<64x1x1024xf32>
    %select_n3A_1691 = arith.select %xor3A_1684, %squeeze3A_1668, %squeeze3A_1660 : vector<64x1x1024xi1>, vector<64x1x1024xf32>
    %select_n3A_1692 = arith.select %xor3A_1684, %squeeze3A_1660, %squeeze3A_1668 : vector<64x1x1024xi1>, vector<64x1x1024xf32>
    %stack3A_1693 = vector.shape_cast %select_n3A_1685 : vector<64x1x1024xf32> to vector<64x1x1x1024xf32>
    %stack3A_1694 = vector.shape_cast %select_n3A_1686 : vector<64x1x1024xf32> to vector<64x1x1x1024xf32>
    %stack3A_1695 = tpu.concatenate %stack3A_1693, %stack3A_1694 in 1 : vector<64x1x1x1024xf32>, vector<64x1x1x1024xf32> -> vector<64x2x1x1024xf32>
    %reshape3A_1696 = vector.shape_cast %stack3A_1695 : vector<64x2x1x1024xf32> to vector<128x1024xf32>
    %stack3A_1697 = vector.shape_cast %select_n3A_1687 : vector<64x1x1024xi32> to vector<64x1x1x1024xi32>
    %stack3A_1698 = vector.shape_cast %select_n3A_1688 : vector<64x1x1024xi32> to vector<64x1x1x1024xi32>
    %stack3A_1699 = tpu.concatenate %stack3A_1697, %stack3A_1698 in 1 : vector<64x1x1x1024xi32>, vector<64x1x1x1024xi32> -> vector<64x2x1x1024xi32>
    %reshape3A_1700 = vector.shape_cast %stack3A_1699 : vector<64x2x1x1024xi32> to vector<128x1024xi32>
    %stack3A_1701 = vector.shape_cast %select_n3A_1689 : vector<64x1x1024xf32> to vector<64x1x1x1024xf32>
    %stack3A_1702 = vector.shape_cast %select_n3A_1690 : vector<64x1x1024xf32> to vector<64x1x1x1024xf32>
    %stack3A_1703 = tpu.concatenate %stack3A_1701, %stack3A_1702 in 1 : vector<64x1x1x1024xf32>, vector<64x1x1x1024xf32> -> vector<64x2x1x1024xf32>
    %reshape3A_1704 = vector.shape_cast %stack3A_1703 : vector<64x2x1x1024xf32> to vector<128x1024xf32>
    %stack3A_1705 = vector.shape_cast %select_n3A_1691 : vector<64x1x1024xf32> to vector<64x1x1x1024xf32>
    %stack3A_1706 = vector.shape_cast %select_n3A_1692 : vector<64x1x1024xf32> to vector<64x1x1x1024xf32>
    %stack3A_1707 = tpu.concatenate %stack3A_1705, %stack3A_1706 in 1 : vector<64x1x1x1024xf32>, vector<64x1x1x1024xf32> -> vector<64x2x1x1024xf32>
    %reshape3A_1708 = vector.shape_cast %stack3A_1707 : vector<64x2x1x1024xf32> to vector<128x1024xf32>
    %scan3A = arith.constant 8 : i32
    %scan3A_1709 = arith.constant 10 : i32
    %scan3A_1710 = arith.addi %scan3A, %scan3A_1709 : i32
    %scan3A_1711 = arith.constant 1 : i32
    %scan3A_1712:4 = scf.for %scan3A_1729 = %scan3A to %scan3A_1710 step %scan3A_1711 iter_args(%scan3A_1730 = %reshape3A_1696, %scan3A_1731 = %reshape3A_1700, %scan3A_1732 = %reshape3A_1704, %scan3A_1733 = %reshape3A_1708) -> (vector<128x1024xf32>, vector<128x1024xi32>, vector<128x1024xf32>, vector<128x1024xf32>)  : i32 {
      %shift_left3A = arith.constant 1 : i32
      %shift_left3A_1734 = arith.shli %shift_left3A, %scan3A_1729 : i32
      %transpose3A_1735 = tpu.transpose %scan3A_1730, [1, 0] : vector<128x1024xf32> -> vector<1024x128xf32>
      %transpose3A_1736 = tpu.transpose %scan3A_1731, [1, 0] : vector<128x1024xi32> -> vector<1024x128xi32>
      %transpose3A_1737 = tpu.transpose %scan3A_1732, [1, 0] : vector<128x1024xf32> -> vector<1024x128xf32>
      %transpose3A_1738 = tpu.transpose %scan3A_1733, [1, 0] : vector<128x1024xf32> -> vector<1024x128xf32>
      %ge3A = arith.constant 131072 : i32
      %ge3A_1739 = arith.cmpi sge, %shift_left3A_1734, %ge3A : i32
      %reshape3A_1740 = vector.shape_cast %transpose3A_1735 : vector<1024x128xf32> to vector<1x2x512x128xf32>
      %reshape3A_1741 = vector.shape_cast %transpose3A_1736 : vector<1024x128xi32> to vector<1x2x512x128xi32>
      %reshape3A_1742 = vector.shape_cast %transpose3A_1737 : vector<1024x128xf32> to vector<1x2x512x128xf32>
      %reshape3A_1743 = vector.shape_cast %transpose3A_1738 : vector<1024x128xf32> to vector<1x2x512x128xf32>
      %slice3A_1744 = vector.extract_strided_slice %reshape3A_1740 {offsets = [0, 0, 0, 0], sizes = [1, 1, 512, 128], strides = [1, 1, 1, 1]} : vector<1x2x512x128xf32> to vector<1x1x512x128xf32>
      %squeeze3A_1745 = vector.shape_cast %slice3A_1744 : vector<1x1x512x128xf32> to vector<1x512x128xf32>
      %slice3A_1746 = vector.extract_strided_slice %reshape3A_1741 {offsets = [0, 0, 0, 0], sizes = [1, 1, 512, 128], strides = [1, 1, 1, 1]} : vector<1x2x512x128xi32> to vector<1x1x512x128xi32>
      %squeeze3A_1747 = vector.shape_cast %slice3A_1746 : vector<1x1x512x128xi32> to vector<1x512x128xi32>
      %slice3A_1748 = vector.extract_strided_slice %reshape3A_1742 {offsets = [0, 0, 0, 0], sizes = [1, 1, 512, 128], strides = [1, 1, 1, 1]} : vector<1x2x512x128xf32> to vector<1x1x512x128xf32>
      %squeeze3A_1749 = vector.shape_cast %slice3A_1748 : vector<1x1x512x128xf32> to vector<1x512x128xf32>
      %slice3A_1750 = vector.extract_strided_slice %reshape3A_1743 {offsets = [0, 0, 0, 0], sizes = [1, 1, 512, 128], strides = [1, 1, 1, 1]} : vector<1x2x512x128xf32> to vector<1x1x512x128xf32>
      %squeeze3A_1751 = vector.shape_cast %slice3A_1750 : vector<1x1x512x128xf32> to vector<1x512x128xf32>
      %slice3A_1752 = vector.extract_strided_slice %reshape3A_1740 {offsets = [0, 1, 0, 0], sizes = [1, 1, 512, 128], strides = [1, 1, 1, 1]} : vector<1x2x512x128xf32> to vector<1x1x512x128xf32>
      %squeeze3A_1753 = vector.shape_cast %slice3A_1752 : vector<1x1x512x128xf32> to vector<1x512x128xf32>
      %slice3A_1754 = vector.extract_strided_slice %reshape3A_1741 {offsets = [0, 1, 0, 0], sizes = [1, 1, 512, 128], strides = [1, 1, 1, 1]} : vector<1x2x512x128xi32> to vector<1x1x512x128xi32>
      %squeeze3A_1755 = vector.shape_cast %slice3A_1754 : vector<1x1x512x128xi32> to vector<1x512x128xi32>
      %slice3A_1756 = vector.extract_strided_slice %reshape3A_1742 {offsets = [0, 1, 0, 0], sizes = [1, 1, 512, 128], strides = [1, 1, 1, 1]} : vector<1x2x512x128xf32> to vector<1x1x512x128xf32>
      %squeeze3A_1757 = vector.shape_cast %slice3A_1756 : vector<1x1x512x128xf32> to vector<1x512x128xf32>
      %slice3A_1758 = vector.extract_strided_slice %reshape3A_1743 {offsets = [0, 1, 0, 0], sizes = [1, 1, 512, 128], strides = [1, 1, 1, 1]} : vector<1x2x512x128xf32> to vector<1x1x512x128xf32>
      %squeeze3A_1759 = vector.shape_cast %slice3A_1758 : vector<1x1x512x128xf32> to vector<1x512x128xf32>
      %iota3A_1760 = tpu.iota {dimensions = array<i32: 0>} : vector<1x1x1xi32>
      %mul3A_1761 = arith.constant 1024 : i32
      %mul3A_1762 = vector.broadcast %mul3A_1761 : i32 to vector<1x1x1xi32>
      %mul3A_1763 = arith.muli %iota3A_1760, %mul3A_1762 : vector<1x1x1xi32>
      %shift_right_logical3A_1764 = arith.constant 7 : i32
      %shift_right_logical3A_1765 = arith.shrui %shift_left3A_1734, %shift_right_logical3A_1764 : i32
      %and3A_1766 = vector.broadcast %shift_right_logical3A_1765 : i32 to vector<1x1x1xi32>
      %and3A_1767 = arith.andi %mul3A_1763, %and3A_1766 : vector<1x1x1xi32>
      %eq3A_1768 = arith.constant 0 : i32
      %eq3A_1769 = vector.broadcast %eq3A_1768 : i32 to vector<1x1x1xi32>
      %eq3A_1770 = arith.cmpi eq, %and3A_1767, %eq3A_1769 : vector<1x1x1xi32>
      %gt3A_1771 = arith.cmpf ogt, %squeeze3A_1745, %squeeze3A_1753 : vector<1x512x128xf32>
      %eq3A_1772 = arith.cmpf oeq, %squeeze3A_1745, %squeeze3A_1753 : vector<1x512x128xf32>
      %lt3A_1773 = arith.cmpi slt, %squeeze3A_1747, %squeeze3A_1755 : vector<1x512x128xi32>
      %and3A_1774 = arith.andi %eq3A_1772, %lt3A_1773 : vector<1x512x128xi1>
      %or3A_1775 = arith.ori %gt3A_1771, %and3A_1774 : vector<1x512x128xi1>
      %xor3A_1776 = vector.broadcast %eq3A_1770 : vector<1x1x1xi1> to vector<1x512x128xi1>
      %xor3A_1777 = arith.xori %or3A_1775, %xor3A_1776 : vector<1x512x128xi1>
      %and3A_1778 = vector.broadcast %ge3A_1739 : i1 to vector<1x512x128xi1>
      %and3A_1779 = arith.andi %xor3A_1777, %and3A_1778 : vector<1x512x128xi1>
      %select_n3A_1780 = arith.select %and3A_1779, %squeeze3A_1753, %squeeze3A_1745 : vector<1x512x128xi1>, vector<1x512x128xf32>
      %select_n3A_1781 = arith.select %and3A_1779, %squeeze3A_1745, %squeeze3A_1753 : vector<1x512x128xi1>, vector<1x512x128xf32>
      %select_n3A_1782 = arith.select %and3A_1779, %squeeze3A_1755, %squeeze3A_1747 : vector<1x512x128xi1>, vector<1x512x128xi32>
      %select_n3A_1783 = arith.select %and3A_1779, %squeeze3A_1747, %squeeze3A_1755 : vector<1x512x128xi1>, vector<1x512x128xi32>
      %select_n3A_1784 = arith.select %and3A_1779, %squeeze3A_1757, %squeeze3A_1749 : vector<1x512x128xi1>, vector<1x512x128xf32>
      %select_n3A_1785 = arith.select %and3A_1779, %squeeze3A_1749, %squeeze3A_1757 : vector<1x512x128xi1>, vector<1x512x128xf32>
      %select_n3A_1786 = arith.select %and3A_1779, %squeeze3A_1759, %squeeze3A_1751 : vector<1x512x128xi1>, vector<1x512x128xf32>
      %select_n3A_1787 = arith.select %and3A_1779, %squeeze3A_1751, %squeeze3A_1759 : vector<1x512x128xi1>, vector<1x512x128xf32>
      %stack3A_1788 = vector.shape_cast %select_n3A_1780 : vector<1x512x128xf32> to vector<1x1x512x128xf32>
      %stack3A_1789 = vector.shape_cast %select_n3A_1781 : vector<1x512x128xf32> to vector<1x1x512x128xf32>
      %stack3A_1790 = tpu.concatenate %stack3A_1788, %stack3A_1789 in 1 : vector<1x1x512x128xf32>, vector<1x1x512x128xf32> -> vector<1x2x512x128xf32>
      %reshape3A_1791 = vector.shape_cast %stack3A_1790 : vector<1x2x512x128xf32> to vector<1024x128xf32>
      %stack3A_1792 = vector.shape_cast %select_n3A_1782 : vector<1x512x128xi32> to vector<1x1x512x128xi32>
      %stack3A_1793 = vector.shape_cast %select_n3A_1783 : vector<1x512x128xi32> to vector<1x1x512x128xi32>
      %stack3A_1794 = tpu.concatenate %stack3A_1792, %stack3A_1793 in 1 : vector<1x1x512x128xi32>, vector<1x1x512x128xi32> -> vector<1x2x512x128xi32>
      %reshape3A_1795 = vector.shape_cast %stack3A_1794 : vector<1x2x512x128xi32> to vector<1024x128xi32>
      %stack3A_1796 = vector.shape_cast %select_n3A_1784 : vector<1x512x128xf32> to vector<1x1x512x128xf32>
      %stack3A_1797 = vector.shape_cast %select_n3A_1785 : vector<1x512x128xf32> to vector<1x1x512x128xf32>
      %stack3A_1798 = tpu.concatenate %stack3A_1796, %stack3A_1797 in 1 : vector<1x1x512x128xf32>, vector<1x1x512x128xf32> -> vector<1x2x512x128xf32>
      %reshape3A_1799 = vector.shape_cast %stack3A_1798 : vector<1x2x512x128xf32> to vector<1024x128xf32>
      %stack3A_1800 = vector.shape_cast %select_n3A_1786 : vector<1x512x128xf32> to vector<1x1x512x128xf32>
      %stack3A_1801 = vector.shape_cast %select_n3A_1787 : vector<1x512x128xf32> to vector<1x1x512x128xf32>
      %stack3A_1802 = tpu.concatenate %stack3A_1800, %stack3A_1801 in 1 : vector<1x1x512x128xf32>, vector<1x1x512x128xf32> -> vector<1x2x512x128xf32>
      %reshape3A_1803 = vector.shape_cast %stack3A_1802 : vector<1x2x512x128xf32> to vector<1024x128xf32>
      %ge3A_1804 = arith.constant 65536 : i32
      %ge3A_1805 = arith.cmpi sge, %shift_left3A_1734, %ge3A_1804 : i32
      %reshape3A_1806 = vector.shape_cast %reshape3A_1791 : vector<1024x128xf32> to vector<2x2x256x128xf32>
      %reshape3A_1807 = vector.shape_cast %reshape3A_1795 : vector<1024x128xi32> to vector<2x2x256x128xi32>
      %reshape3A_1808 = vector.shape_cast %reshape3A_1799 : vector<1024x128xf32> to vector<2x2x256x128xf32>
      %reshape3A_1809 = vector.shape_cast %reshape3A_1803 : vector<1024x128xf32> to vector<2x2x256x128xf32>
      %slice3A_1810 = vector.extract_strided_slice %reshape3A_1806 {offsets = [0, 0, 0, 0], sizes = [2, 1, 256, 128], strides = [1, 1, 1, 1]} : vector<2x2x256x128xf32> to vector<2x1x256x128xf32>
      %squeeze3A_1811 = vector.shape_cast %slice3A_1810 : vector<2x1x256x128xf32> to vector<2x256x128xf32>
      %slice3A_1812 = vector.extract_strided_slice %reshape3A_1807 {offsets = [0, 0, 0, 0], sizes = [2, 1, 256, 128], strides = [1, 1, 1, 1]} : vector<2x2x256x128xi32> to vector<2x1x256x128xi32>
      %squeeze3A_1813 = vector.shape_cast %slice3A_1812 : vector<2x1x256x128xi32> to vector<2x256x128xi32>
      %slice3A_1814 = vector.extract_strided_slice %reshape3A_1808 {offsets = [0, 0, 0, 0], sizes = [2, 1, 256, 128], strides = [1, 1, 1, 1]} : vector<2x2x256x128xf32> to vector<2x1x256x128xf32>
      %squeeze3A_1815 = vector.shape_cast %slice3A_1814 : vector<2x1x256x128xf32> to vector<2x256x128xf32>
      %slice3A_1816 = vector.extract_strided_slice %reshape3A_1809 {offsets = [0, 0, 0, 0], sizes = [2, 1, 256, 128], strides = [1, 1, 1, 1]} : vector<2x2x256x128xf32> to vector<2x1x256x128xf32>
      %squeeze3A_1817 = vector.shape_cast %slice3A_1816 : vector<2x1x256x128xf32> to vector<2x256x128xf32>
      %slice3A_1818 = vector.extract_strided_slice %reshape3A_1806 {offsets = [0, 1, 0, 0], sizes = [2, 1, 256, 128], strides = [1, 1, 1, 1]} : vector<2x2x256x128xf32> to vector<2x1x256x128xf32>
      %squeeze3A_1819 = vector.shape_cast %slice3A_1818 : vector<2x1x256x128xf32> to vector<2x256x128xf32>
      %slice3A_1820 = vector.extract_strided_slice %reshape3A_1807 {offsets = [0, 1, 0, 0], sizes = [2, 1, 256, 128], strides = [1, 1, 1, 1]} : vector<2x2x256x128xi32> to vector<2x1x256x128xi32>
      %squeeze3A_1821 = vector.shape_cast %slice3A_1820 : vector<2x1x256x128xi32> to vector<2x256x128xi32>
      %slice3A_1822 = vector.extract_strided_slice %reshape3A_1808 {offsets = [0, 1, 0, 0], sizes = [2, 1, 256, 128], strides = [1, 1, 1, 1]} : vector<2x2x256x128xf32> to vector<2x1x256x128xf32>
      %squeeze3A_1823 = vector.shape_cast %slice3A_1822 : vector<2x1x256x128xf32> to vector<2x256x128xf32>
      %slice3A_1824 = vector.extract_strided_slice %reshape3A_1809 {offsets = [0, 1, 0, 0], sizes = [2, 1, 256, 128], strides = [1, 1, 1, 1]} : vector<2x2x256x128xf32> to vector<2x1x256x128xf32>
      %squeeze3A_1825 = vector.shape_cast %slice3A_1824 : vector<2x1x256x128xf32> to vector<2x256x128xf32>
      %iota3A_1826 = tpu.iota {dimensions = array<i32: 0>} : vector<2x1x1xi32>
      %mul3A_1827 = arith.constant 512 : i32
      %mul3A_1828 = vector.broadcast %mul3A_1827 : i32 to vector<2x1x1xi32>
      %mul3A_1829 = arith.muli %iota3A_1826, %mul3A_1828 : vector<2x1x1xi32>
      %shift_right_logical3A_1830 = arith.constant 7 : i32
      %shift_right_logical3A_1831 = arith.shrui %shift_left3A_1734, %shift_right_logical3A_1830 : i32
      %and3A_1832 = vector.broadcast %shift_right_logical3A_1831 : i32 to vector<2x1x1xi32>
      %and3A_1833 = arith.andi %mul3A_1829, %and3A_1832 : vector<2x1x1xi32>
      %eq3A_1834 = arith.constant 0 : i32
      %eq3A_1835 = vector.broadcast %eq3A_1834 : i32 to vector<2x1x1xi32>
      %eq3A_1836 = arith.cmpi eq, %and3A_1833, %eq3A_1835 : vector<2x1x1xi32>
      %gt3A_1837 = arith.cmpf ogt, %squeeze3A_1811, %squeeze3A_1819 : vector<2x256x128xf32>
      %eq3A_1838 = arith.cmpf oeq, %squeeze3A_1811, %squeeze3A_1819 : vector<2x256x128xf32>
      %lt3A_1839 = arith.cmpi slt, %squeeze3A_1813, %squeeze3A_1821 : vector<2x256x128xi32>
      %and3A_1840 = arith.andi %eq3A_1838, %lt3A_1839 : vector<2x256x128xi1>
      %or3A_1841 = arith.ori %gt3A_1837, %and3A_1840 : vector<2x256x128xi1>
      %xor3A_1842 = vector.broadcast %eq3A_1836 : vector<2x1x1xi1> to vector<2x256x128xi1>
      %xor3A_1843 = arith.xori %or3A_1841, %xor3A_1842 : vector<2x256x128xi1>
      %and3A_1844 = vector.broadcast %ge3A_1805 : i1 to vector<2x256x128xi1>
      %and3A_1845 = arith.andi %xor3A_1843, %and3A_1844 : vector<2x256x128xi1>
      %select_n3A_1846 = arith.select %and3A_1845, %squeeze3A_1819, %squeeze3A_1811 : vector<2x256x128xi1>, vector<2x256x128xf32>
      %select_n3A_1847 = arith.select %and3A_1845, %squeeze3A_1811, %squeeze3A_1819 : vector<2x256x128xi1>, vector<2x256x128xf32>
      %select_n3A_1848 = arith.select %and3A_1845, %squeeze3A_1821, %squeeze3A_1813 : vector<2x256x128xi1>, vector<2x256x128xi32>
      %select_n3A_1849 = arith.select %and3A_1845, %squeeze3A_1813, %squeeze3A_1821 : vector<2x256x128xi1>, vector<2x256x128xi32>
      %select_n3A_1850 = arith.select %and3A_1845, %squeeze3A_1823, %squeeze3A_1815 : vector<2x256x128xi1>, vector<2x256x128xf32>
      %select_n3A_1851 = arith.select %and3A_1845, %squeeze3A_1815, %squeeze3A_1823 : vector<2x256x128xi1>, vector<2x256x128xf32>
      %select_n3A_1852 = arith.select %and3A_1845, %squeeze3A_1825, %squeeze3A_1817 : vector<2x256x128xi1>, vector<2x256x128xf32>
      %select_n3A_1853 = arith.select %and3A_1845, %squeeze3A_1817, %squeeze3A_1825 : vector<2x256x128xi1>, vector<2x256x128xf32>
      %stack3A_1854 = vector.shape_cast %select_n3A_1846 : vector<2x256x128xf32> to vector<2x1x256x128xf32>
      %stack3A_1855 = vector.shape_cast %select_n3A_1847 : vector<2x256x128xf32> to vector<2x1x256x128xf32>
      %stack3A_1856 = tpu.concatenate %stack3A_1854, %stack3A_1855 in 1 : vector<2x1x256x128xf32>, vector<2x1x256x128xf32> -> vector<2x2x256x128xf32>
      %reshape3A_1857 = vector.shape_cast %stack3A_1856 : vector<2x2x256x128xf32> to vector<1024x128xf32>
      %stack3A_1858 = vector.shape_cast %select_n3A_1848 : vector<2x256x128xi32> to vector<2x1x256x128xi32>
      %stack3A_1859 = vector.shape_cast %select_n3A_1849 : vector<2x256x128xi32> to vector<2x1x256x128xi32>
      %stack3A_1860 = tpu.concatenate %stack3A_1858, %stack3A_1859 in 1 : vector<2x1x256x128xi32>, vector<2x1x256x128xi32> -> vector<2x2x256x128xi32>
      %reshape3A_1861 = vector.shape_cast %stack3A_1860 : vector<2x2x256x128xi32> to vector<1024x128xi32>
      %stack3A_1862 = vector.shape_cast %select_n3A_1850 : vector<2x256x128xf32> to vector<2x1x256x128xf32>
      %stack3A_1863 = vector.shape_cast %select_n3A_1851 : vector<2x256x128xf32> to vector<2x1x256x128xf32>
      %stack3A_1864 = tpu.concatenate %stack3A_1862, %stack3A_1863 in 1 : vector<2x1x256x128xf32>, vector<2x1x256x128xf32> -> vector<2x2x256x128xf32>
      %reshape3A_1865 = vector.shape_cast %stack3A_1864 : vector<2x2x256x128xf32> to vector<1024x128xf32>
      %stack3A_1866 = vector.shape_cast %select_n3A_1852 : vector<2x256x128xf32> to vector<2x1x256x128xf32>
      %stack3A_1867 = vector.shape_cast %select_n3A_1853 : vector<2x256x128xf32> to vector<2x1x256x128xf32>
      %stack3A_1868 = tpu.concatenate %stack3A_1866, %stack3A_1867 in 1 : vector<2x1x256x128xf32>, vector<2x1x256x128xf32> -> vector<2x2x256x128xf32>
      %reshape3A_1869 = vector.shape_cast %stack3A_1868 : vector<2x2x256x128xf32> to vector<1024x128xf32>
      %ge3A_1870 = arith.constant 32768 : i32
      %ge3A_1871 = arith.cmpi sge, %shift_left3A_1734, %ge3A_1870 : i32
      %reshape3A_1872 = vector.shape_cast %reshape3A_1857 : vector<1024x128xf32> to vector<4x2x128x128xf32>
      %reshape3A_1873 = vector.shape_cast %reshape3A_1861 : vector<1024x128xi32> to vector<4x2x128x128xi32>
      %reshape3A_1874 = vector.shape_cast %reshape3A_1865 : vector<1024x128xf32> to vector<4x2x128x128xf32>
      %reshape3A_1875 = vector.shape_cast %reshape3A_1869 : vector<1024x128xf32> to vector<4x2x128x128xf32>
      %slice3A_1876 = vector.extract_strided_slice %reshape3A_1872 {offsets = [0, 0, 0, 0], sizes = [4, 1, 128, 128], strides = [1, 1, 1, 1]} : vector<4x2x128x128xf32> to vector<4x1x128x128xf32>
      %squeeze3A_1877 = vector.shape_cast %slice3A_1876 : vector<4x1x128x128xf32> to vector<4x128x128xf32>
      %slice3A_1878 = vector.extract_strided_slice %reshape3A_1873 {offsets = [0, 0, 0, 0], sizes = [4, 1, 128, 128], strides = [1, 1, 1, 1]} : vector<4x2x128x128xi32> to vector<4x1x128x128xi32>
      %squeeze3A_1879 = vector.shape_cast %slice3A_1878 : vector<4x1x128x128xi32> to vector<4x128x128xi32>
      %slice3A_1880 = vector.extract_strided_slice %reshape3A_1874 {offsets = [0, 0, 0, 0], sizes = [4, 1, 128, 128], strides = [1, 1, 1, 1]} : vector<4x2x128x128xf32> to vector<4x1x128x128xf32>
      %squeeze3A_1881 = vector.shape_cast %slice3A_1880 : vector<4x1x128x128xf32> to vector<4x128x128xf32>
      %slice3A_1882 = vector.extract_strided_slice %reshape3A_1875 {offsets = [0, 0, 0, 0], sizes = [4, 1, 128, 128], strides = [1, 1, 1, 1]} : vector<4x2x128x128xf32> to vector<4x1x128x128xf32>
      %squeeze3A_1883 = vector.shape_cast %slice3A_1882 : vector<4x1x128x128xf32> to vector<4x128x128xf32>
      %slice3A_1884 = vector.extract_strided_slice %reshape3A_1872 {offsets = [0, 1, 0, 0], sizes = [4, 1, 128, 128], strides = [1, 1, 1, 1]} : vector<4x2x128x128xf32> to vector<4x1x128x128xf32>
      %squeeze3A_1885 = vector.shape_cast %slice3A_1884 : vector<4x1x128x128xf32> to vector<4x128x128xf32>
      %slice3A_1886 = vector.extract_strided_slice %reshape3A_1873 {offsets = [0, 1, 0, 0], sizes = [4, 1, 128, 128], strides = [1, 1, 1, 1]} : vector<4x2x128x128xi32> to vector<4x1x128x128xi32>
      %squeeze3A_1887 = vector.shape_cast %slice3A_1886 : vector<4x1x128x128xi32> to vector<4x128x128xi32>
      %slice3A_1888 = vector.extract_strided_slice %reshape3A_1874 {offsets = [0, 1, 0, 0], sizes = [4, 1, 128, 128], strides = [1, 1, 1, 1]} : vector<4x2x128x128xf32> to vector<4x1x128x128xf32>
      %squeeze3A_1889 = vector.shape_cast %slice3A_1888 : vector<4x1x128x128xf32> to vector<4x128x128xf32>
      %slice3A_1890 = vector.extract_strided_slice %reshape3A_1875 {offsets = [0, 1, 0, 0], sizes = [4, 1, 128, 128], strides = [1, 1, 1, 1]} : vector<4x2x128x128xf32> to vector<4x1x128x128xf32>
      %squeeze3A_1891 = vector.shape_cast %slice3A_1890 : vector<4x1x128x128xf32> to vector<4x128x128xf32>
      %iota3A_1892 = tpu.iota {dimensions = array<i32: 0>} : vector<4x1x1xi32>
      %mul3A_1893 = arith.constant 256 : i32
      %mul3A_1894 = vector.broadcast %mul3A_1893 : i32 to vector<4x1x1xi32>
      %mul3A_1895 = arith.muli %iota3A_1892, %mul3A_1894 : vector<4x1x1xi32>
      %shift_right_logical3A_1896 = arith.constant 7 : i32
      %shift_right_logical3A_1897 = arith.shrui %shift_left3A_1734, %shift_right_logical3A_1896 : i32
      %and3A_1898 = vector.broadcast %shift_right_logical3A_1897 : i32 to vector<4x1x1xi32>
      %and3A_1899 = arith.andi %mul3A_1895, %and3A_1898 : vector<4x1x1xi32>
      %eq3A_1900 = arith.constant 0 : i32
      %eq3A_1901 = vector.broadcast %eq3A_1900 : i32 to vector<4x1x1xi32>
      %eq3A_1902 = arith.cmpi eq, %and3A_1899, %eq3A_1901 : vector<4x1x1xi32>
      %gt3A_1903 = arith.cmpf ogt, %squeeze3A_1877, %squeeze3A_1885 : vector<4x128x128xf32>
      %eq3A_1904 = arith.cmpf oeq, %squeeze3A_1877, %squeeze3A_1885 : vector<4x128x128xf32>
      %lt3A_1905 = arith.cmpi slt, %squeeze3A_1879, %squeeze3A_1887 : vector<4x128x128xi32>
      %and3A_1906 = arith.andi %eq3A_1904, %lt3A_1905 : vector<4x128x128xi1>
      %or3A_1907 = arith.ori %gt3A_1903, %and3A_1906 : vector<4x128x128xi1>
      %xor3A_1908 = vector.broadcast %eq3A_1902 : vector<4x1x1xi1> to vector<4x128x128xi1>
      %xor3A_1909 = arith.xori %or3A_1907, %xor3A_1908 : vector<4x128x128xi1>
      %and3A_1910 = vector.broadcast %ge3A_1871 : i1 to vector<4x128x128xi1>
      %and3A_1911 = arith.andi %xor3A_1909, %and3A_1910 : vector<4x128x128xi1>
      %select_n3A_1912 = arith.select %and3A_1911, %squeeze3A_1885, %squeeze3A_1877 : vector<4x128x128xi1>, vector<4x128x128xf32>
      %select_n3A_1913 = arith.select %and3A_1911, %squeeze3A_1877, %squeeze3A_1885 : vector<4x128x128xi1>, vector<4x128x128xf32>
      %select_n3A_1914 = arith.select %and3A_1911, %squeeze3A_1887, %squeeze3A_1879 : vector<4x128x128xi1>, vector<4x128x128xi32>
      %select_n3A_1915 = arith.select %and3A_1911, %squeeze3A_1879, %squeeze3A_1887 : vector<4x128x128xi1>, vector<4x128x128xi32>
      %select_n3A_1916 = arith.select %and3A_1911, %squeeze3A_1889, %squeeze3A_1881 : vector<4x128x128xi1>, vector<4x128x128xf32>
      %select_n3A_1917 = arith.select %and3A_1911, %squeeze3A_1881, %squeeze3A_1889 : vector<4x128x128xi1>, vector<4x128x128xf32>
      %select_n3A_1918 = arith.select %and3A_1911, %squeeze3A_1891, %squeeze3A_1883 : vector<4x128x128xi1>, vector<4x128x128xf32>
      %select_n3A_1919 = arith.select %and3A_1911, %squeeze3A_1883, %squeeze3A_1891 : vector<4x128x128xi1>, vector<4x128x128xf32>
      %stack3A_1920 = vector.shape_cast %select_n3A_1912 : vector<4x128x128xf32> to vector<4x1x128x128xf32>
      %stack3A_1921 = vector.shape_cast %select_n3A_1913 : vector<4x128x128xf32> to vector<4x1x128x128xf32>
      %stack3A_1922 = tpu.concatenate %stack3A_1920, %stack3A_1921 in 1 : vector<4x1x128x128xf32>, vector<4x1x128x128xf32> -> vector<4x2x128x128xf32>
      %reshape3A_1923 = vector.shape_cast %stack3A_1922 : vector<4x2x128x128xf32> to vector<1024x128xf32>
      %stack3A_1924 = vector.shape_cast %select_n3A_1914 : vector<4x128x128xi32> to vector<4x1x128x128xi32>
      %stack3A_1925 = vector.shape_cast %select_n3A_1915 : vector<4x128x128xi32> to vector<4x1x128x128xi32>
      %stack3A_1926 = tpu.concatenate %stack3A_1924, %stack3A_1925 in 1 : vector<4x1x128x128xi32>, vector<4x1x128x128xi32> -> vector<4x2x128x128xi32>
      %reshape3A_1927 = vector.shape_cast %stack3A_1926 : vector<4x2x128x128xi32> to vector<1024x128xi32>
      %stack3A_1928 = vector.shape_cast %select_n3A_1916 : vector<4x128x128xf32> to vector<4x1x128x128xf32>
      %stack3A_1929 = vector.shape_cast %select_n3A_1917 : vector<4x128x128xf32> to vector<4x1x128x128xf32>
      %stack3A_1930 = tpu.concatenate %stack3A_1928, %stack3A_1929 in 1 : vector<4x1x128x128xf32>, vector<4x1x128x128xf32> -> vector<4x2x128x128xf32>
      %reshape3A_1931 = vector.shape_cast %stack3A_1930 : vector<4x2x128x128xf32> to vector<1024x128xf32>
      %stack3A_1932 = vector.shape_cast %select_n3A_1918 : vector<4x128x128xf32> to vector<4x1x128x128xf32>
      %stack3A_1933 = vector.shape_cast %select_n3A_1919 : vector<4x128x128xf32> to vector<4x1x128x128xf32>
      %stack3A_1934 = tpu.concatenate %stack3A_1932, %stack3A_1933 in 1 : vector<4x1x128x128xf32>, vector<4x1x128x128xf32> -> vector<4x2x128x128xf32>
      %reshape3A_1935 = vector.shape_cast %stack3A_1934 : vector<4x2x128x128xf32> to vector<1024x128xf32>
      %ge3A_1936 = arith.constant 16384 : i32
      %ge3A_1937 = arith.cmpi sge, %shift_left3A_1734, %ge3A_1936 : i32
      %reshape3A_1938 = vector.shape_cast %reshape3A_1923 : vector<1024x128xf32> to vector<8x2x64x128xf32>
      %reshape3A_1939 = vector.shape_cast %reshape3A_1927 : vector<1024x128xi32> to vector<8x2x64x128xi32>
      %reshape3A_1940 = vector.shape_cast %reshape3A_1931 : vector<1024x128xf32> to vector<8x2x64x128xf32>
      %reshape3A_1941 = vector.shape_cast %reshape3A_1935 : vector<1024x128xf32> to vector<8x2x64x128xf32>
      %slice3A_1942 = vector.extract_strided_slice %reshape3A_1938 {offsets = [0, 0, 0, 0], sizes = [8, 1, 64, 128], strides = [1, 1, 1, 1]} : vector<8x2x64x128xf32> to vector<8x1x64x128xf32>
      %squeeze3A_1943 = vector.shape_cast %slice3A_1942 : vector<8x1x64x128xf32> to vector<8x64x128xf32>
      %slice3A_1944 = vector.extract_strided_slice %reshape3A_1939 {offsets = [0, 0, 0, 0], sizes = [8, 1, 64, 128], strides = [1, 1, 1, 1]} : vector<8x2x64x128xi32> to vector<8x1x64x128xi32>
      %squeeze3A_1945 = vector.shape_cast %slice3A_1944 : vector<8x1x64x128xi32> to vector<8x64x128xi32>
      %slice3A_1946 = vector.extract_strided_slice %reshape3A_1940 {offsets = [0, 0, 0, 0], sizes = [8, 1, 64, 128], strides = [1, 1, 1, 1]} : vector<8x2x64x128xf32> to vector<8x1x64x128xf32>
      %squeeze3A_1947 = vector.shape_cast %slice3A_1946 : vector<8x1x64x128xf32> to vector<8x64x128xf32>
      %slice3A_1948 = vector.extract_strided_slice %reshape3A_1941 {offsets = [0, 0, 0, 0], sizes = [8, 1, 64, 128], strides = [1, 1, 1, 1]} : vector<8x2x64x128xf32> to vector<8x1x64x128xf32>
      %squeeze3A_1949 = vector.shape_cast %slice3A_1948 : vector<8x1x64x128xf32> to vector<8x64x128xf32>
      %slice3A_1950 = vector.extract_strided_slice %reshape3A_1938 {offsets = [0, 1, 0, 0], sizes = [8, 1, 64, 128], strides = [1, 1, 1, 1]} : vector<8x2x64x128xf32> to vector<8x1x64x128xf32>
      %squeeze3A_1951 = vector.shape_cast %slice3A_1950 : vector<8x1x64x128xf32> to vector<8x64x128xf32>
      %slice3A_1952 = vector.extract_strided_slice %reshape3A_1939 {offsets = [0, 1, 0, 0], sizes = [8, 1, 64, 128], strides = [1, 1, 1, 1]} : vector<8x2x64x128xi32> to vector<8x1x64x128xi32>
      %squeeze3A_1953 = vector.shape_cast %slice3A_1952 : vector<8x1x64x128xi32> to vector<8x64x128xi32>
      %slice3A_1954 = vector.extract_strided_slice %reshape3A_1940 {offsets = [0, 1, 0, 0], sizes = [8, 1, 64, 128], strides = [1, 1, 1, 1]} : vector<8x2x64x128xf32> to vector<8x1x64x128xf32>
      %squeeze3A_1955 = vector.shape_cast %slice3A_1954 : vector<8x1x64x128xf32> to vector<8x64x128xf32>
      %slice3A_1956 = vector.extract_strided_slice %reshape3A_1941 {offsets = [0, 1, 0, 0], sizes = [8, 1, 64, 128], strides = [1, 1, 1, 1]} : vector<8x2x64x128xf32> to vector<8x1x64x128xf32>
      %squeeze3A_1957 = vector.shape_cast %slice3A_1956 : vector<8x1x64x128xf32> to vector<8x64x128xf32>
      %iota3A_1958 = tpu.iota {dimensions = array<i32: 0>} : vector<8x1x1xi32>
      %mul3A_1959 = arith.constant 128 : i32
      %mul3A_1960 = vector.broadcast %mul3A_1959 : i32 to vector<8x1x1xi32>
      %mul3A_1961 = arith.muli %iota3A_1958, %mul3A_1960 : vector<8x1x1xi32>
      %shift_right_logical3A_1962 = arith.constant 7 : i32
      %shift_right_logical3A_1963 = arith.shrui %shift_left3A_1734, %shift_right_logical3A_1962 : i32
      %and3A_1964 = vector.broadcast %shift_right_logical3A_1963 : i32 to vector<8x1x1xi32>
      %and3A_1965 = arith.andi %mul3A_1961, %and3A_1964 : vector<8x1x1xi32>
      %eq3A_1966 = arith.constant 0 : i32
      %eq3A_1967 = vector.broadcast %eq3A_1966 : i32 to vector<8x1x1xi32>
      %eq3A_1968 = arith.cmpi eq, %and3A_1965, %eq3A_1967 : vector<8x1x1xi32>
      %gt3A_1969 = arith.cmpf ogt, %squeeze3A_1943, %squeeze3A_1951 : vector<8x64x128xf32>
      %eq3A_1970 = arith.cmpf oeq, %squeeze3A_1943, %squeeze3A_1951 : vector<8x64x128xf32>
      %lt3A_1971 = arith.cmpi slt, %squeeze3A_1945, %squeeze3A_1953 : vector<8x64x128xi32>
      %and3A_1972 = arith.andi %eq3A_1970, %lt3A_1971 : vector<8x64x128xi1>
      %or3A_1973 = arith.ori %gt3A_1969, %and3A_1972 : vector<8x64x128xi1>
      %xor3A_1974 = vector.broadcast %eq3A_1968 : vector<8x1x1xi1> to vector<8x64x128xi1>
      %xor3A_1975 = arith.xori %or3A_1973, %xor3A_1974 : vector<8x64x128xi1>
      %and3A_1976 = vector.broadcast %ge3A_1937 : i1 to vector<8x64x128xi1>
      %and3A_1977 = arith.andi %xor3A_1975, %and3A_1976 : vector<8x64x128xi1>
      %select_n3A_1978 = arith.select %and3A_1977, %squeeze3A_1951, %squeeze3A_1943 : vector<8x64x128xi1>, vector<8x64x128xf32>
      %select_n3A_1979 = arith.select %and3A_1977, %squeeze3A_1943, %squeeze3A_1951 : vector<8x64x128xi1>, vector<8x64x128xf32>
      %select_n3A_1980 = arith.select %and3A_1977, %squeeze3A_1953, %squeeze3A_1945 : vector<8x64x128xi1>, vector<8x64x128xi32>
      %select_n3A_1981 = arith.select %and3A_1977, %squeeze3A_1945, %squeeze3A_1953 : vector<8x64x128xi1>, vector<8x64x128xi32>
      %select_n3A_1982 = arith.select %and3A_1977, %squeeze3A_1955, %squeeze3A_1947 : vector<8x64x128xi1>, vector<8x64x128xf32>
      %select_n3A_1983 = arith.select %and3A_1977, %squeeze3A_1947, %squeeze3A_1955 : vector<8x64x128xi1>, vector<8x64x128xf32>
      %select_n3A_1984 = arith.select %and3A_1977, %squeeze3A_1957, %squeeze3A_1949 : vector<8x64x128xi1>, vector<8x64x128xf32>
      %select_n3A_1985 = arith.select %and3A_1977, %squeeze3A_1949, %squeeze3A_1957 : vector<8x64x128xi1>, vector<8x64x128xf32>
      %stack3A_1986 = vector.shape_cast %select_n3A_1978 : vector<8x64x128xf32> to vector<8x1x64x128xf32>
      %stack3A_1987 = vector.shape_cast %select_n3A_1979 : vector<8x64x128xf32> to vector<8x1x64x128xf32>
      %stack3A_1988 = tpu.concatenate %stack3A_1986, %stack3A_1987 in 1 : vector<8x1x64x128xf32>, vector<8x1x64x128xf32> -> vector<8x2x64x128xf32>
      %reshape3A_1989 = vector.shape_cast %stack3A_1988 : vector<8x2x64x128xf32> to vector<1024x128xf32>
      %stack3A_1990 = vector.shape_cast %select_n3A_1980 : vector<8x64x128xi32> to vector<8x1x64x128xi32>
      %stack3A_1991 = vector.shape_cast %select_n3A_1981 : vector<8x64x128xi32> to vector<8x1x64x128xi32>
      %stack3A_1992 = tpu.concatenate %stack3A_1990, %stack3A_1991 in 1 : vector<8x1x64x128xi32>, vector<8x1x64x128xi32> -> vector<8x2x64x128xi32>
      %reshape3A_1993 = vector.shape_cast %stack3A_1992 : vector<8x2x64x128xi32> to vector<1024x128xi32>
      %stack3A_1994 = vector.shape_cast %select_n3A_1982 : vector<8x64x128xf32> to vector<8x1x64x128xf32>
      %stack3A_1995 = vector.shape_cast %select_n3A_1983 : vector<8x64x128xf32> to vector<8x1x64x128xf32>
      %stack3A_1996 = tpu.concatenate %stack3A_1994, %stack3A_1995 in 1 : vector<8x1x64x128xf32>, vector<8x1x64x128xf32> -> vector<8x2x64x128xf32>
      %reshape3A_1997 = vector.shape_cast %stack3A_1996 : vector<8x2x64x128xf32> to vector<1024x128xf32>
      %stack3A_1998 = vector.shape_cast %select_n3A_1984 : vector<8x64x128xf32> to vector<8x1x64x128xf32>
      %stack3A_1999 = vector.shape_cast %select_n3A_1985 : vector<8x64x128xf32> to vector<8x1x64x128xf32>
      %stack3A_2000 = tpu.concatenate %stack3A_1998, %stack3A_1999 in 1 : vector<8x1x64x128xf32>, vector<8x1x64x128xf32> -> vector<8x2x64x128xf32>
      %reshape3A_2001 = vector.shape_cast %stack3A_2000 : vector<8x2x64x128xf32> to vector<1024x128xf32>
      %ge3A_2002 = arith.constant 8192 : i32
      %ge3A_2003 = arith.cmpi sge, %shift_left3A_1734, %ge3A_2002 : i32
      %reshape3A_2004 = vector.shape_cast %reshape3A_1989 : vector<1024x128xf32> to vector<16x2x32x128xf32>
      %reshape3A_2005 = vector.shape_cast %reshape3A_1993 : vector<1024x128xi32> to vector<16x2x32x128xi32>
      %reshape3A_2006 = vector.shape_cast %reshape3A_1997 : vector<1024x128xf32> to vector<16x2x32x128xf32>
      %reshape3A_2007 = vector.shape_cast %reshape3A_2001 : vector<1024x128xf32> to vector<16x2x32x128xf32>
      %slice3A_2008 = vector.extract_strided_slice %reshape3A_2004 {offsets = [0, 0, 0, 0], sizes = [16, 1, 32, 128], strides = [1, 1, 1, 1]} : vector<16x2x32x128xf32> to vector<16x1x32x128xf32>
      %squeeze3A_2009 = vector.shape_cast %slice3A_2008 : vector<16x1x32x128xf32> to vector<16x32x128xf32>
      %slice3A_2010 = vector.extract_strided_slice %reshape3A_2005 {offsets = [0, 0, 0, 0], sizes = [16, 1, 32, 128], strides = [1, 1, 1, 1]} : vector<16x2x32x128xi32> to vector<16x1x32x128xi32>
      %squeeze3A_2011 = vector.shape_cast %slice3A_2010 : vector<16x1x32x128xi32> to vector<16x32x128xi32>
      %slice3A_2012 = vector.extract_strided_slice %reshape3A_2006 {offsets = [0, 0, 0, 0], sizes = [16, 1, 32, 128], strides = [1, 1, 1, 1]} : vector<16x2x32x128xf32> to vector<16x1x32x128xf32>
      %squeeze3A_2013 = vector.shape_cast %slice3A_2012 : vector<16x1x32x128xf32> to vector<16x32x128xf32>
      %slice3A_2014 = vector.extract_strided_slice %reshape3A_2007 {offsets = [0, 0, 0, 0], sizes = [16, 1, 32, 128], strides = [1, 1, 1, 1]} : vector<16x2x32x128xf32> to vector<16x1x32x128xf32>
      %squeeze3A_2015 = vector.shape_cast %slice3A_2014 : vector<16x1x32x128xf32> to vector<16x32x128xf32>
      %slice3A_2016 = vector.extract_strided_slice %reshape3A_2004 {offsets = [0, 1, 0, 0], sizes = [16, 1, 32, 128], strides = [1, 1, 1, 1]} : vector<16x2x32x128xf32> to vector<16x1x32x128xf32>
      %squeeze3A_2017 = vector.shape_cast %slice3A_2016 : vector<16x1x32x128xf32> to vector<16x32x128xf32>
      %slice3A_2018 = vector.extract_strided_slice %reshape3A_2005 {offsets = [0, 1, 0, 0], sizes = [16, 1, 32, 128], strides = [1, 1, 1, 1]} : vector<16x2x32x128xi32> to vector<16x1x32x128xi32>
      %squeeze3A_2019 = vector.shape_cast %slice3A_2018 : vector<16x1x32x128xi32> to vector<16x32x128xi32>
      %slice3A_2020 = vector.extract_strided_slice %reshape3A_2006 {offsets = [0, 1, 0, 0], sizes = [16, 1, 32, 128], strides = [1, 1, 1, 1]} : vector<16x2x32x128xf32> to vector<16x1x32x128xf32>
      %squeeze3A_2021 = vector.shape_cast %slice3A_2020 : vector<16x1x32x128xf32> to vector<16x32x128xf32>
      %slice3A_2022 = vector.extract_strided_slice %reshape3A_2007 {offsets = [0, 1, 0, 0], sizes = [16, 1, 32, 128], strides = [1, 1, 1, 1]} : vector<16x2x32x128xf32> to vector<16x1x32x128xf32>
      %squeeze3A_2023 = vector.shape_cast %slice3A_2022 : vector<16x1x32x128xf32> to vector<16x32x128xf32>
      %iota3A_2024 = tpu.iota {dimensions = array<i32: 0>} : vector<16x1x1xi32>
      %mul3A_2025 = arith.constant 64 : i32
      %mul3A_2026 = vector.broadcast %mul3A_2025 : i32 to vector<16x1x1xi32>
      %mul3A_2027 = arith.muli %iota3A_2024, %mul3A_2026 : vector<16x1x1xi32>
      %shift_right_logical3A_2028 = arith.constant 7 : i32
      %shift_right_logical3A_2029 = arith.shrui %shift_left3A_1734, %shift_right_logical3A_2028 : i32
      %and3A_2030 = vector.broadcast %shift_right_logical3A_2029 : i32 to vector<16x1x1xi32>
      %and3A_2031 = arith.andi %mul3A_2027, %and3A_2030 : vector<16x1x1xi32>
      %eq3A_2032 = arith.constant 0 : i32
      %eq3A_2033 = vector.broadcast %eq3A_2032 : i32 to vector<16x1x1xi32>
      %eq3A_2034 = arith.cmpi eq, %and3A_2031, %eq3A_2033 : vector<16x1x1xi32>
      %gt3A_2035 = arith.cmpf ogt, %squeeze3A_2009, %squeeze3A_2017 : vector<16x32x128xf32>
      %eq3A_2036 = arith.cmpf oeq, %squeeze3A_2009, %squeeze3A_2017 : vector<16x32x128xf32>
      %lt3A_2037 = arith.cmpi slt, %squeeze3A_2011, %squeeze3A_2019 : vector<16x32x128xi32>
      %and3A_2038 = arith.andi %eq3A_2036, %lt3A_2037 : vector<16x32x128xi1>
      %or3A_2039 = arith.ori %gt3A_2035, %and3A_2038 : vector<16x32x128xi1>
      %xor3A_2040 = vector.broadcast %eq3A_2034 : vector<16x1x1xi1> to vector<16x32x128xi1>
      %xor3A_2041 = arith.xori %or3A_2039, %xor3A_2040 : vector<16x32x128xi1>
      %and3A_2042 = vector.broadcast %ge3A_2003 : i1 to vector<16x32x128xi1>
      %and3A_2043 = arith.andi %xor3A_2041, %and3A_2042 : vector<16x32x128xi1>
      %select_n3A_2044 = arith.select %and3A_2043, %squeeze3A_2017, %squeeze3A_2009 : vector<16x32x128xi1>, vector<16x32x128xf32>
      %select_n3A_2045 = arith.select %and3A_2043, %squeeze3A_2009, %squeeze3A_2017 : vector<16x32x128xi1>, vector<16x32x128xf32>
      %select_n3A_2046 = arith.select %and3A_2043, %squeeze3A_2019, %squeeze3A_2011 : vector<16x32x128xi1>, vector<16x32x128xi32>
      %select_n3A_2047 = arith.select %and3A_2043, %squeeze3A_2011, %squeeze3A_2019 : vector<16x32x128xi1>, vector<16x32x128xi32>
      %select_n3A_2048 = arith.select %and3A_2043, %squeeze3A_2021, %squeeze3A_2013 : vector<16x32x128xi1>, vector<16x32x128xf32>
      %select_n3A_2049 = arith.select %and3A_2043, %squeeze3A_2013, %squeeze3A_2021 : vector<16x32x128xi1>, vector<16x32x128xf32>
      %select_n3A_2050 = arith.select %and3A_2043, %squeeze3A_2023, %squeeze3A_2015 : vector<16x32x128xi1>, vector<16x32x128xf32>
      %select_n3A_2051 = arith.select %and3A_2043, %squeeze3A_2015, %squeeze3A_2023 : vector<16x32x128xi1>, vector<16x32x128xf32>
      %stack3A_2052 = vector.shape_cast %select_n3A_2044 : vector<16x32x128xf32> to vector<16x1x32x128xf32>
      %stack3A_2053 = vector.shape_cast %select_n3A_2045 : vector<16x32x128xf32> to vector<16x1x32x128xf32>
      %stack3A_2054 = tpu.concatenate %stack3A_2052, %stack3A_2053 in 1 : vector<16x1x32x128xf32>, vector<16x1x32x128xf32> -> vector<16x2x32x128xf32>
      %reshape3A_2055 = vector.shape_cast %stack3A_2054 : vector<16x2x32x128xf32> to vector<1024x128xf32>
      %stack3A_2056 = vector.shape_cast %select_n3A_2046 : vector<16x32x128xi32> to vector<16x1x32x128xi32>
      %stack3A_2057 = vector.shape_cast %select_n3A_2047 : vector<16x32x128xi32> to vector<16x1x32x128xi32>
      %stack3A_2058 = tpu.concatenate %stack3A_2056, %stack3A_2057 in 1 : vector<16x1x32x128xi32>, vector<16x1x32x128xi32> -> vector<16x2x32x128xi32>
      %reshape3A_2059 = vector.shape_cast %stack3A_2058 : vector<16x2x32x128xi32> to vector<1024x128xi32>
      %stack3A_2060 = vector.shape_cast %select_n3A_2048 : vector<16x32x128xf32> to vector<16x1x32x128xf32>
      %stack3A_2061 = vector.shape_cast %select_n3A_2049 : vector<16x32x128xf32> to vector<16x1x32x128xf32>
      %stack3A_2062 = tpu.concatenate %stack3A_2060, %stack3A_2061 in 1 : vector<16x1x32x128xf32>, vector<16x1x32x128xf32> -> vector<16x2x32x128xf32>
      %reshape3A_2063 = vector.shape_cast %stack3A_2062 : vector<16x2x32x128xf32> to vector<1024x128xf32>
      %stack3A_2064 = vector.shape_cast %select_n3A_2050 : vector<16x32x128xf32> to vector<16x1x32x128xf32>
      %stack3A_2065 = vector.shape_cast %select_n3A_2051 : vector<16x32x128xf32> to vector<16x1x32x128xf32>
      %stack3A_2066 = tpu.concatenate %stack3A_2064, %stack3A_2065 in 1 : vector<16x1x32x128xf32>, vector<16x1x32x128xf32> -> vector<16x2x32x128xf32>
      %reshape3A_2067 = vector.shape_cast %stack3A_2066 : vector<16x2x32x128xf32> to vector<1024x128xf32>
      %ge3A_2068 = arith.constant 4096 : i32
      %ge3A_2069 = arith.cmpi sge, %shift_left3A_1734, %ge3A_2068 : i32
      %reshape3A_2070 = vector.shape_cast %reshape3A_2055 : vector<1024x128xf32> to vector<32x2x16x128xf32>
      %reshape3A_2071 = vector.shape_cast %reshape3A_2059 : vector<1024x128xi32> to vector<32x2x16x128xi32>
      %reshape3A_2072 = vector.shape_cast %reshape3A_2063 : vector<1024x128xf32> to vector<32x2x16x128xf32>
      %reshape3A_2073 = vector.shape_cast %reshape3A_2067 : vector<1024x128xf32> to vector<32x2x16x128xf32>
      %slice3A_2074 = vector.extract_strided_slice %reshape3A_2070 {offsets = [0, 0, 0, 0], sizes = [32, 1, 16, 128], strides = [1, 1, 1, 1]} : vector<32x2x16x128xf32> to vector<32x1x16x128xf32>
      %squeeze3A_2075 = vector.shape_cast %slice3A_2074 : vector<32x1x16x128xf32> to vector<32x16x128xf32>
      %slice3A_2076 = vector.extract_strided_slice %reshape3A_2071 {offsets = [0, 0, 0, 0], sizes = [32, 1, 16, 128], strides = [1, 1, 1, 1]} : vector<32x2x16x128xi32> to vector<32x1x16x128xi32>
      %squeeze3A_2077 = vector.shape_cast %slice3A_2076 : vector<32x1x16x128xi32> to vector<32x16x128xi32>
      %slice3A_2078 = vector.extract_strided_slice %reshape3A_2072 {offsets = [0, 0, 0, 0], sizes = [32, 1, 16, 128], strides = [1, 1, 1, 1]} : vector<32x2x16x128xf32> to vector<32x1x16x128xf32>
      %squeeze3A_2079 = vector.shape_cast %slice3A_2078 : vector<32x1x16x128xf32> to vector<32x16x128xf32>
      %slice3A_2080 = vector.extract_strided_slice %reshape3A_2073 {offsets = [0, 0, 0, 0], sizes = [32, 1, 16, 128], strides = [1, 1, 1, 1]} : vector<32x2x16x128xf32> to vector<32x1x16x128xf32>
      %squeeze3A_2081 = vector.shape_cast %slice3A_2080 : vector<32x1x16x128xf32> to vector<32x16x128xf32>
      %slice3A_2082 = vector.extract_strided_slice %reshape3A_2070 {offsets = [0, 1, 0, 0], sizes = [32, 1, 16, 128], strides = [1, 1, 1, 1]} : vector<32x2x16x128xf32> to vector<32x1x16x128xf32>
      %squeeze3A_2083 = vector.shape_cast %slice3A_2082 : vector<32x1x16x128xf32> to vector<32x16x128xf32>
      %slice3A_2084 = vector.extract_strided_slice %reshape3A_2071 {offsets = [0, 1, 0, 0], sizes = [32, 1, 16, 128], strides = [1, 1, 1, 1]} : vector<32x2x16x128xi32> to vector<32x1x16x128xi32>
      %squeeze3A_2085 = vector.shape_cast %slice3A_2084 : vector<32x1x16x128xi32> to vector<32x16x128xi32>
      %slice3A_2086 = vector.extract_strided_slice %reshape3A_2072 {offsets = [0, 1, 0, 0], sizes = [32, 1, 16, 128], strides = [1, 1, 1, 1]} : vector<32x2x16x128xf32> to vector<32x1x16x128xf32>
      %squeeze3A_2087 = vector.shape_cast %slice3A_2086 : vector<32x1x16x128xf32> to vector<32x16x128xf32>
      %slice3A_2088 = vector.extract_strided_slice %reshape3A_2073 {offsets = [0, 1, 0, 0], sizes = [32, 1, 16, 128], strides = [1, 1, 1, 1]} : vector<32x2x16x128xf32> to vector<32x1x16x128xf32>
      %squeeze3A_2089 = vector.shape_cast %slice3A_2088 : vector<32x1x16x128xf32> to vector<32x16x128xf32>
      %iota3A_2090 = tpu.iota {dimensions = array<i32: 0>} : vector<32x1x1xi32>
      %mul3A_2091 = arith.constant 32 : i32
      %mul3A_2092 = vector.broadcast %mul3A_2091 : i32 to vector<32x1x1xi32>
      %mul3A_2093 = arith.muli %iota3A_2090, %mul3A_2092 : vector<32x1x1xi32>
      %shift_right_logical3A_2094 = arith.constant 7 : i32
      %shift_right_logical3A_2095 = arith.shrui %shift_left3A_1734, %shift_right_logical3A_2094 : i32
      %and3A_2096 = vector.broadcast %shift_right_logical3A_2095 : i32 to vector<32x1x1xi32>
      %and3A_2097 = arith.andi %mul3A_2093, %and3A_2096 : vector<32x1x1xi32>
      %eq3A_2098 = arith.constant 0 : i32
      %eq3A_2099 = vector.broadcast %eq3A_2098 : i32 to vector<32x1x1xi32>
      %eq3A_2100 = arith.cmpi eq, %and3A_2097, %eq3A_2099 : vector<32x1x1xi32>
      %gt3A_2101 = arith.cmpf ogt, %squeeze3A_2075, %squeeze3A_2083 : vector<32x16x128xf32>
      %eq3A_2102 = arith.cmpf oeq, %squeeze3A_2075, %squeeze3A_2083 : vector<32x16x128xf32>
      %lt3A_2103 = arith.cmpi slt, %squeeze3A_2077, %squeeze3A_2085 : vector<32x16x128xi32>
      %and3A_2104 = arith.andi %eq3A_2102, %lt3A_2103 : vector<32x16x128xi1>
      %or3A_2105 = arith.ori %gt3A_2101, %and3A_2104 : vector<32x16x128xi1>
      %xor3A_2106 = vector.broadcast %eq3A_2100 : vector<32x1x1xi1> to vector<32x16x128xi1>
      %xor3A_2107 = arith.xori %or3A_2105, %xor3A_2106 : vector<32x16x128xi1>
      %and3A_2108 = vector.broadcast %ge3A_2069 : i1 to vector<32x16x128xi1>
      %and3A_2109 = arith.andi %xor3A_2107, %and3A_2108 : vector<32x16x128xi1>
      %select_n3A_2110 = arith.select %and3A_2109, %squeeze3A_2083, %squeeze3A_2075 : vector<32x16x128xi1>, vector<32x16x128xf32>
      %select_n3A_2111 = arith.select %and3A_2109, %squeeze3A_2075, %squeeze3A_2083 : vector<32x16x128xi1>, vector<32x16x128xf32>
      %select_n3A_2112 = arith.select %and3A_2109, %squeeze3A_2085, %squeeze3A_2077 : vector<32x16x128xi1>, vector<32x16x128xi32>
      %select_n3A_2113 = arith.select %and3A_2109, %squeeze3A_2077, %squeeze3A_2085 : vector<32x16x128xi1>, vector<32x16x128xi32>
      %select_n3A_2114 = arith.select %and3A_2109, %squeeze3A_2087, %squeeze3A_2079 : vector<32x16x128xi1>, vector<32x16x128xf32>
      %select_n3A_2115 = arith.select %and3A_2109, %squeeze3A_2079, %squeeze3A_2087 : vector<32x16x128xi1>, vector<32x16x128xf32>
      %select_n3A_2116 = arith.select %and3A_2109, %squeeze3A_2089, %squeeze3A_2081 : vector<32x16x128xi1>, vector<32x16x128xf32>
      %select_n3A_2117 = arith.select %and3A_2109, %squeeze3A_2081, %squeeze3A_2089 : vector<32x16x128xi1>, vector<32x16x128xf32>
      %stack3A_2118 = vector.shape_cast %select_n3A_2110 : vector<32x16x128xf32> to vector<32x1x16x128xf32>
      %stack3A_2119 = vector.shape_cast %select_n3A_2111 : vector<32x16x128xf32> to vector<32x1x16x128xf32>
      %stack3A_2120 = tpu.concatenate %stack3A_2118, %stack3A_2119 in 1 : vector<32x1x16x128xf32>, vector<32x1x16x128xf32> -> vector<32x2x16x128xf32>
      %reshape3A_2121 = vector.shape_cast %stack3A_2120 : vector<32x2x16x128xf32> to vector<1024x128xf32>
      %stack3A_2122 = vector.shape_cast %select_n3A_2112 : vector<32x16x128xi32> to vector<32x1x16x128xi32>
      %stack3A_2123 = vector.shape_cast %select_n3A_2113 : vector<32x16x128xi32> to vector<32x1x16x128xi32>
      %stack3A_2124 = tpu.concatenate %stack3A_2122, %stack3A_2123 in 1 : vector<32x1x16x128xi32>, vector<32x1x16x128xi32> -> vector<32x2x16x128xi32>
      %reshape3A_2125 = vector.shape_cast %stack3A_2124 : vector<32x2x16x128xi32> to vector<1024x128xi32>
      %stack3A_2126 = vector.shape_cast %select_n3A_2114 : vector<32x16x128xf32> to vector<32x1x16x128xf32>
      %stack3A_2127 = vector.shape_cast %select_n3A_2115 : vector<32x16x128xf32> to vector<32x1x16x128xf32>
      %stack3A_2128 = tpu.concatenate %stack3A_2126, %stack3A_2127 in 1 : vector<32x1x16x128xf32>, vector<32x1x16x128xf32> -> vector<32x2x16x128xf32>
      %reshape3A_2129 = vector.shape_cast %stack3A_2128 : vector<32x2x16x128xf32> to vector<1024x128xf32>
      %stack3A_2130 = vector.shape_cast %select_n3A_2116 : vector<32x16x128xf32> to vector<32x1x16x128xf32>
      %stack3A_2131 = vector.shape_cast %select_n3A_2117 : vector<32x16x128xf32> to vector<32x1x16x128xf32>
      %stack3A_2132 = tpu.concatenate %stack3A_2130, %stack3A_2131 in 1 : vector<32x1x16x128xf32>, vector<32x1x16x128xf32> -> vector<32x2x16x128xf32>
      %reshape3A_2133 = vector.shape_cast %stack3A_2132 : vector<32x2x16x128xf32> to vector<1024x128xf32>
      %ge3A_2134 = arith.constant 2048 : i32
      %ge3A_2135 = arith.cmpi sge, %shift_left3A_1734, %ge3A_2134 : i32
      %reshape3A_2136 = vector.shape_cast %reshape3A_2121 : vector<1024x128xf32> to vector<64x2x8x128xf32>
      %reshape3A_2137 = vector.shape_cast %reshape3A_2125 : vector<1024x128xi32> to vector<64x2x8x128xi32>
      %reshape3A_2138 = vector.shape_cast %reshape3A_2129 : vector<1024x128xf32> to vector<64x2x8x128xf32>
      %reshape3A_2139 = vector.shape_cast %reshape3A_2133 : vector<1024x128xf32> to vector<64x2x8x128xf32>
      %slice3A_2140 = vector.extract_strided_slice %reshape3A_2136 {offsets = [0, 0, 0, 0], sizes = [64, 1, 8, 128], strides = [1, 1, 1, 1]} : vector<64x2x8x128xf32> to vector<64x1x8x128xf32>
      %squeeze3A_2141 = vector.shape_cast %slice3A_2140 : vector<64x1x8x128xf32> to vector<64x8x128xf32>
      %slice3A_2142 = vector.extract_strided_slice %reshape3A_2137 {offsets = [0, 0, 0, 0], sizes = [64, 1, 8, 128], strides = [1, 1, 1, 1]} : vector<64x2x8x128xi32> to vector<64x1x8x128xi32>
      %squeeze3A_2143 = vector.shape_cast %slice3A_2142 : vector<64x1x8x128xi32> to vector<64x8x128xi32>
      %slice3A_2144 = vector.extract_strided_slice %reshape3A_2138 {offsets = [0, 0, 0, 0], sizes = [64, 1, 8, 128], strides = [1, 1, 1, 1]} : vector<64x2x8x128xf32> to vector<64x1x8x128xf32>
      %squeeze3A_2145 = vector.shape_cast %slice3A_2144 : vector<64x1x8x128xf32> to vector<64x8x128xf32>
      %slice3A_2146 = vector.extract_strided_slice %reshape3A_2139 {offsets = [0, 0, 0, 0], sizes = [64, 1, 8, 128], strides = [1, 1, 1, 1]} : vector<64x2x8x128xf32> to vector<64x1x8x128xf32>
      %squeeze3A_2147 = vector.shape_cast %slice3A_2146 : vector<64x1x8x128xf32> to vector<64x8x128xf32>
      %slice3A_2148 = vector.extract_strided_slice %reshape3A_2136 {offsets = [0, 1, 0, 0], sizes = [64, 1, 8, 128], strides = [1, 1, 1, 1]} : vector<64x2x8x128xf32> to vector<64x1x8x128xf32>
      %squeeze3A_2149 = vector.shape_cast %slice3A_2148 : vector<64x1x8x128xf32> to vector<64x8x128xf32>
      %slice3A_2150 = vector.extract_strided_slice %reshape3A_2137 {offsets = [0, 1, 0, 0], sizes = [64, 1, 8, 128], strides = [1, 1, 1, 1]} : vector<64x2x8x128xi32> to vector<64x1x8x128xi32>
      %squeeze3A_2151 = vector.shape_cast %slice3A_2150 : vector<64x1x8x128xi32> to vector<64x8x128xi32>
      %slice3A_2152 = vector.extract_strided_slice %reshape3A_2138 {offsets = [0, 1, 0, 0], sizes = [64, 1, 8, 128], strides = [1, 1, 1, 1]} : vector<64x2x8x128xf32> to vector<64x1x8x128xf32>
      %squeeze3A_2153 = vector.shape_cast %slice3A_2152 : vector<64x1x8x128xf32> to vector<64x8x128xf32>
      %slice3A_2154 = vector.extract_strided_slice %reshape3A_2139 {offsets = [0, 1, 0, 0], sizes = [64, 1, 8, 128], strides = [1, 1, 1, 1]} : vector<64x2x8x128xf32> to vector<64x1x8x128xf32>
      %squeeze3A_2155 = vector.shape_cast %slice3A_2154 : vector<64x1x8x128xf32> to vector<64x8x128xf32>
      %iota3A_2156 = tpu.iota {dimensions = array<i32: 0>} : vector<64x1x1xi32>
      %mul3A_2157 = arith.constant 16 : i32
      %mul3A_2158 = vector.broadcast %mul3A_2157 : i32 to vector<64x1x1xi32>
      %mul3A_2159 = arith.muli %iota3A_2156, %mul3A_2158 : vector<64x1x1xi32>
      %shift_right_logical3A_2160 = arith.constant 7 : i32
      %shift_right_logical3A_2161 = arith.shrui %shift_left3A_1734, %shift_right_logical3A_2160 : i32
      %and3A_2162 = vector.broadcast %shift_right_logical3A_2161 : i32 to vector<64x1x1xi32>
      %and3A_2163 = arith.andi %mul3A_2159, %and3A_2162 : vector<64x1x1xi32>
      %eq3A_2164 = arith.constant 0 : i32
      %eq3A_2165 = vector.broadcast %eq3A_2164 : i32 to vector<64x1x1xi32>
      %eq3A_2166 = arith.cmpi eq, %and3A_2163, %eq3A_2165 : vector<64x1x1xi32>
      %gt3A_2167 = arith.cmpf ogt, %squeeze3A_2141, %squeeze3A_2149 : vector<64x8x128xf32>
      %eq3A_2168 = arith.cmpf oeq, %squeeze3A_2141, %squeeze3A_2149 : vector<64x8x128xf32>
      %lt3A_2169 = arith.cmpi slt, %squeeze3A_2143, %squeeze3A_2151 : vector<64x8x128xi32>
      %and3A_2170 = arith.andi %eq3A_2168, %lt3A_2169 : vector<64x8x128xi1>
      %or3A_2171 = arith.ori %gt3A_2167, %and3A_2170 : vector<64x8x128xi1>
      %xor3A_2172 = vector.broadcast %eq3A_2166 : vector<64x1x1xi1> to vector<64x8x128xi1>
      %xor3A_2173 = arith.xori %or3A_2171, %xor3A_2172 : vector<64x8x128xi1>
      %and3A_2174 = vector.broadcast %ge3A_2135 : i1 to vector<64x8x128xi1>
      %and3A_2175 = arith.andi %xor3A_2173, %and3A_2174 : vector<64x8x128xi1>
      %select_n3A_2176 = arith.select %and3A_2175, %squeeze3A_2149, %squeeze3A_2141 : vector<64x8x128xi1>, vector<64x8x128xf32>
      %select_n3A_2177 = arith.select %and3A_2175, %squeeze3A_2141, %squeeze3A_2149 : vector<64x8x128xi1>, vector<64x8x128xf32>
      %select_n3A_2178 = arith.select %and3A_2175, %squeeze3A_2151, %squeeze3A_2143 : vector<64x8x128xi1>, vector<64x8x128xi32>
      %select_n3A_2179 = arith.select %and3A_2175, %squeeze3A_2143, %squeeze3A_2151 : vector<64x8x128xi1>, vector<64x8x128xi32>
      %select_n3A_2180 = arith.select %and3A_2175, %squeeze3A_2153, %squeeze3A_2145 : vector<64x8x128xi1>, vector<64x8x128xf32>
      %select_n3A_2181 = arith.select %and3A_2175, %squeeze3A_2145, %squeeze3A_2153 : vector<64x8x128xi1>, vector<64x8x128xf32>
      %select_n3A_2182 = arith.select %and3A_2175, %squeeze3A_2155, %squeeze3A_2147 : vector<64x8x128xi1>, vector<64x8x128xf32>
      %select_n3A_2183 = arith.select %and3A_2175, %squeeze3A_2147, %squeeze3A_2155 : vector<64x8x128xi1>, vector<64x8x128xf32>
      %stack3A_2184 = vector.shape_cast %select_n3A_2176 : vector<64x8x128xf32> to vector<64x1x8x128xf32>
      %stack3A_2185 = vector.shape_cast %select_n3A_2177 : vector<64x8x128xf32> to vector<64x1x8x128xf32>
      %stack3A_2186 = tpu.concatenate %stack3A_2184, %stack3A_2185 in 1 : vector<64x1x8x128xf32>, vector<64x1x8x128xf32> -> vector<64x2x8x128xf32>
      %reshape3A_2187 = vector.shape_cast %stack3A_2186 : vector<64x2x8x128xf32> to vector<1024x128xf32>
      %stack3A_2188 = vector.shape_cast %select_n3A_2178 : vector<64x8x128xi32> to vector<64x1x8x128xi32>
      %stack3A_2189 = vector.shape_cast %select_n3A_2179 : vector<64x8x128xi32> to vector<64x1x8x128xi32>
      %stack3A_2190 = tpu.concatenate %stack3A_2188, %stack3A_2189 in 1 : vector<64x1x8x128xi32>, vector<64x1x8x128xi32> -> vector<64x2x8x128xi32>
      %reshape3A_2191 = vector.shape_cast %stack3A_2190 : vector<64x2x8x128xi32> to vector<1024x128xi32>
      %stack3A_2192 = vector.shape_cast %select_n3A_2180 : vector<64x8x128xf32> to vector<64x1x8x128xf32>
      %stack3A_2193 = vector.shape_cast %select_n3A_2181 : vector<64x8x128xf32> to vector<64x1x8x128xf32>
      %stack3A_2194 = tpu.concatenate %stack3A_2192, %stack3A_2193 in 1 : vector<64x1x8x128xf32>, vector<64x1x8x128xf32> -> vector<64x2x8x128xf32>
      %reshape3A_2195 = vector.shape_cast %stack3A_2194 : vector<64x2x8x128xf32> to vector<1024x128xf32>
      %stack3A_2196 = vector.shape_cast %select_n3A_2182 : vector<64x8x128xf32> to vector<64x1x8x128xf32>
      %stack3A_2197 = vector.shape_cast %select_n3A_2183 : vector<64x8x128xf32> to vector<64x1x8x128xf32>
      %stack3A_2198 = tpu.concatenate %stack3A_2196, %stack3A_2197 in 1 : vector<64x1x8x128xf32>, vector<64x1x8x128xf32> -> vector<64x2x8x128xf32>
      %reshape3A_2199 = vector.shape_cast %stack3A_2198 : vector<64x2x8x128xf32> to vector<1024x128xf32>
      %ge3A_2200 = arith.constant 1024 : i32
      %ge3A_2201 = arith.cmpi sge, %shift_left3A_1734, %ge3A_2200 : i32
      %reshape3A_2202 = vector.shape_cast %reshape3A_2187 : vector<1024x128xf32> to vector<128x2x4x128xf32>
      %reshape3A_2203 = vector.shape_cast %reshape3A_2191 : vector<1024x128xi32> to vector<128x2x4x128xi32>
      %reshape3A_2204 = vector.shape_cast %reshape3A_2195 : vector<1024x128xf32> to vector<128x2x4x128xf32>
      %reshape3A_2205 = vector.shape_cast %reshape3A_2199 : vector<1024x128xf32> to vector<128x2x4x128xf32>
      %slice3A_2206 = vector.extract_strided_slice %reshape3A_2202 {offsets = [0, 0, 0, 0], sizes = [128, 1, 4, 128], strides = [1, 1, 1, 1]} : vector<128x2x4x128xf32> to vector<128x1x4x128xf32>
      %squeeze3A_2207 = vector.shape_cast %slice3A_2206 : vector<128x1x4x128xf32> to vector<128x4x128xf32>
      %slice3A_2208 = vector.extract_strided_slice %reshape3A_2203 {offsets = [0, 0, 0, 0], sizes = [128, 1, 4, 128], strides = [1, 1, 1, 1]} : vector<128x2x4x128xi32> to vector<128x1x4x128xi32>
      %squeeze3A_2209 = vector.shape_cast %slice3A_2208 : vector<128x1x4x128xi32> to vector<128x4x128xi32>
      %slice3A_2210 = vector.extract_strided_slice %reshape3A_2204 {offsets = [0, 0, 0, 0], sizes = [128, 1, 4, 128], strides = [1, 1, 1, 1]} : vector<128x2x4x128xf32> to vector<128x1x4x128xf32>
      %squeeze3A_2211 = vector.shape_cast %slice3A_2210 : vector<128x1x4x128xf32> to vector<128x4x128xf32>
      %slice3A_2212 = vector.extract_strided_slice %reshape3A_2205 {offsets = [0, 0, 0, 0], sizes = [128, 1, 4, 128], strides = [1, 1, 1, 1]} : vector<128x2x4x128xf32> to vector<128x1x4x128xf32>
      %squeeze3A_2213 = vector.shape_cast %slice3A_2212 : vector<128x1x4x128xf32> to vector<128x4x128xf32>
      %slice3A_2214 = vector.extract_strided_slice %reshape3A_2202 {offsets = [0, 1, 0, 0], sizes = [128, 1, 4, 128], strides = [1, 1, 1, 1]} : vector<128x2x4x128xf32> to vector<128x1x4x128xf32>
      %squeeze3A_2215 = vector.shape_cast %slice3A_2214 : vector<128x1x4x128xf32> to vector<128x4x128xf32>
      %slice3A_2216 = vector.extract_strided_slice %reshape3A_2203 {offsets = [0, 1, 0, 0], sizes = [128, 1, 4, 128], strides = [1, 1, 1, 1]} : vector<128x2x4x128xi32> to vector<128x1x4x128xi32>
      %squeeze3A_2217 = vector.shape_cast %slice3A_2216 : vector<128x1x4x128xi32> to vector<128x4x128xi32>
      %slice3A_2218 = vector.extract_strided_slice %reshape3A_2204 {offsets = [0, 1, 0, 0], sizes = [128, 1, 4, 128], strides = [1, 1, 1, 1]} : vector<128x2x4x128xf32> to vector<128x1x4x128xf32>
      %squeeze3A_2219 = vector.shape_cast %slice3A_2218 : vector<128x1x4x128xf32> to vector<128x4x128xf32>
      %slice3A_2220 = vector.extract_strided_slice %reshape3A_2205 {offsets = [0, 1, 0, 0], sizes = [128, 1, 4, 128], strides = [1, 1, 1, 1]} : vector<128x2x4x128xf32> to vector<128x1x4x128xf32>
      %squeeze3A_2221 = vector.shape_cast %slice3A_2220 : vector<128x1x4x128xf32> to vector<128x4x128xf32>
      %iota3A_2222 = tpu.iota {dimensions = array<i32: 0>} : vector<128x1x1xi32>
      %mul3A_2223 = arith.constant 8 : i32
      %mul3A_2224 = vector.broadcast %mul3A_2223 : i32 to vector<128x1x1xi32>
      %mul3A_2225 = arith.muli %iota3A_2222, %mul3A_2224 : vector<128x1x1xi32>
      %shift_right_logical3A_2226 = arith.constant 7 : i32
      %shift_right_logical3A_2227 = arith.shrui %shift_left3A_1734, %shift_right_logical3A_2226 : i32
      %and3A_2228 = vector.broadcast %shift_right_logical3A_2227 : i32 to vector<128x1x1xi32>
      %and3A_2229 = arith.andi %mul3A_2225, %and3A_2228 : vector<128x1x1xi32>
      %eq3A_2230 = arith.constant 0 : i32
      %eq3A_2231 = vector.broadcast %eq3A_2230 : i32 to vector<128x1x1xi32>
      %eq3A_2232 = arith.cmpi eq, %and3A_2229, %eq3A_2231 : vector<128x1x1xi32>
      %gt3A_2233 = arith.cmpf ogt, %squeeze3A_2207, %squeeze3A_2215 : vector<128x4x128xf32>
      %eq3A_2234 = arith.cmpf oeq, %squeeze3A_2207, %squeeze3A_2215 : vector<128x4x128xf32>
      %lt3A_2235 = arith.cmpi slt, %squeeze3A_2209, %squeeze3A_2217 : vector<128x4x128xi32>
      %and3A_2236 = arith.andi %eq3A_2234, %lt3A_2235 : vector<128x4x128xi1>
      %or3A_2237 = arith.ori %gt3A_2233, %and3A_2236 : vector<128x4x128xi1>
      %xor3A_2238 = vector.broadcast %eq3A_2232 : vector<128x1x1xi1> to vector<128x4x128xi1>
      %xor3A_2239 = arith.xori %or3A_2237, %xor3A_2238 : vector<128x4x128xi1>
      %and3A_2240 = vector.broadcast %ge3A_2201 : i1 to vector<128x4x128xi1>
      %and3A_2241 = arith.andi %xor3A_2239, %and3A_2240 : vector<128x4x128xi1>
      %select_n3A_2242 = arith.select %and3A_2241, %squeeze3A_2215, %squeeze3A_2207 : vector<128x4x128xi1>, vector<128x4x128xf32>
      %select_n3A_2243 = arith.select %and3A_2241, %squeeze3A_2207, %squeeze3A_2215 : vector<128x4x128xi1>, vector<128x4x128xf32>
      %select_n3A_2244 = arith.select %and3A_2241, %squeeze3A_2217, %squeeze3A_2209 : vector<128x4x128xi1>, vector<128x4x128xi32>
      %select_n3A_2245 = arith.select %and3A_2241, %squeeze3A_2209, %squeeze3A_2217 : vector<128x4x128xi1>, vector<128x4x128xi32>
      %select_n3A_2246 = arith.select %and3A_2241, %squeeze3A_2219, %squeeze3A_2211 : vector<128x4x128xi1>, vector<128x4x128xf32>
      %select_n3A_2247 = arith.select %and3A_2241, %squeeze3A_2211, %squeeze3A_2219 : vector<128x4x128xi1>, vector<128x4x128xf32>
      %select_n3A_2248 = arith.select %and3A_2241, %squeeze3A_2221, %squeeze3A_2213 : vector<128x4x128xi1>, vector<128x4x128xf32>
      %select_n3A_2249 = arith.select %and3A_2241, %squeeze3A_2213, %squeeze3A_2221 : vector<128x4x128xi1>, vector<128x4x128xf32>
      %stack3A_2250 = vector.shape_cast %select_n3A_2242 : vector<128x4x128xf32> to vector<128x1x4x128xf32>
      %stack3A_2251 = vector.shape_cast %select_n3A_2243 : vector<128x4x128xf32> to vector<128x1x4x128xf32>
      %stack3A_2252 = tpu.concatenate %stack3A_2250, %stack3A_2251 in 1 : vector<128x1x4x128xf32>, vector<128x1x4x128xf32> -> vector<128x2x4x128xf32>
      %reshape3A_2253 = vector.shape_cast %stack3A_2252 : vector<128x2x4x128xf32> to vector<1024x128xf32>
      %stack3A_2254 = vector.shape_cast %select_n3A_2244 : vector<128x4x128xi32> to vector<128x1x4x128xi32>
      %stack3A_2255 = vector.shape_cast %select_n3A_2245 : vector<128x4x128xi32> to vector<128x1x4x128xi32>
      %stack3A_2256 = tpu.concatenate %stack3A_2254, %stack3A_2255 in 1 : vector<128x1x4x128xi32>, vector<128x1x4x128xi32> -> vector<128x2x4x128xi32>
      %reshape3A_2257 = vector.shape_cast %stack3A_2256 : vector<128x2x4x128xi32> to vector<1024x128xi32>
      %stack3A_2258 = vector.shape_cast %select_n3A_2246 : vector<128x4x128xf32> to vector<128x1x4x128xf32>
      %stack3A_2259 = vector.shape_cast %select_n3A_2247 : vector<128x4x128xf32> to vector<128x1x4x128xf32>
      %stack3A_2260 = tpu.concatenate %stack3A_2258, %stack3A_2259 in 1 : vector<128x1x4x128xf32>, vector<128x1x4x128xf32> -> vector<128x2x4x128xf32>
      %reshape3A_2261 = vector.shape_cast %stack3A_2260 : vector<128x2x4x128xf32> to vector<1024x128xf32>
      %stack3A_2262 = vector.shape_cast %select_n3A_2248 : vector<128x4x128xf32> to vector<128x1x4x128xf32>
      %stack3A_2263 = vector.shape_cast %select_n3A_2249 : vector<128x4x128xf32> to vector<128x1x4x128xf32>
      %stack3A_2264 = tpu.concatenate %stack3A_2262, %stack3A_2263 in 1 : vector<128x1x4x128xf32>, vector<128x1x4x128xf32> -> vector<128x2x4x128xf32>
      %reshape3A_2265 = vector.shape_cast %stack3A_2264 : vector<128x2x4x128xf32> to vector<1024x128xf32>
      %ge3A_2266 = arith.constant 512 : i32
      %ge3A_2267 = arith.cmpi sge, %shift_left3A_1734, %ge3A_2266 : i32
      %reshape3A_2268 = vector.shape_cast %reshape3A_2253 : vector<1024x128xf32> to vector<256x2x2x128xf32>
      %reshape3A_2269 = vector.shape_cast %reshape3A_2257 : vector<1024x128xi32> to vector<256x2x2x128xi32>
      %reshape3A_2270 = vector.shape_cast %reshape3A_2261 : vector<1024x128xf32> to vector<256x2x2x128xf32>
      %reshape3A_2271 = vector.shape_cast %reshape3A_2265 : vector<1024x128xf32> to vector<256x2x2x128xf32>
      %slice3A_2272 = vector.extract_strided_slice %reshape3A_2268 {offsets = [0, 0, 0, 0], sizes = [256, 1, 2, 128], strides = [1, 1, 1, 1]} : vector<256x2x2x128xf32> to vector<256x1x2x128xf32>
      %squeeze3A_2273 = vector.shape_cast %slice3A_2272 : vector<256x1x2x128xf32> to vector<256x2x128xf32>
      %slice3A_2274 = vector.extract_strided_slice %reshape3A_2269 {offsets = [0, 0, 0, 0], sizes = [256, 1, 2, 128], strides = [1, 1, 1, 1]} : vector<256x2x2x128xi32> to vector<256x1x2x128xi32>
      %squeeze3A_2275 = vector.shape_cast %slice3A_2274 : vector<256x1x2x128xi32> to vector<256x2x128xi32>
      %slice3A_2276 = vector.extract_strided_slice %reshape3A_2270 {offsets = [0, 0, 0, 0], sizes = [256, 1, 2, 128], strides = [1, 1, 1, 1]} : vector<256x2x2x128xf32> to vector<256x1x2x128xf32>
      %squeeze3A_2277 = vector.shape_cast %slice3A_2276 : vector<256x1x2x128xf32> to vector<256x2x128xf32>
      %slice3A_2278 = vector.extract_strided_slice %reshape3A_2271 {offsets = [0, 0, 0, 0], sizes = [256, 1, 2, 128], strides = [1, 1, 1, 1]} : vector<256x2x2x128xf32> to vector<256x1x2x128xf32>
      %squeeze3A_2279 = vector.shape_cast %slice3A_2278 : vector<256x1x2x128xf32> to vector<256x2x128xf32>
      %slice3A_2280 = vector.extract_strided_slice %reshape3A_2268 {offsets = [0, 1, 0, 0], sizes = [256, 1, 2, 128], strides = [1, 1, 1, 1]} : vector<256x2x2x128xf32> to vector<256x1x2x128xf32>
      %squeeze3A_2281 = vector.shape_cast %slice3A_2280 : vector<256x1x2x128xf32> to vector<256x2x128xf32>
      %slice3A_2282 = vector.extract_strided_slice %reshape3A_2269 {offsets = [0, 1, 0, 0], sizes = [256, 1, 2, 128], strides = [1, 1, 1, 1]} : vector<256x2x2x128xi32> to vector<256x1x2x128xi32>
      %squeeze3A_2283 = vector.shape_cast %slice3A_2282 : vector<256x1x2x128xi32> to vector<256x2x128xi32>
      %slice3A_2284 = vector.extract_strided_slice %reshape3A_2270 {offsets = [0, 1, 0, 0], sizes = [256, 1, 2, 128], strides = [1, 1, 1, 1]} : vector<256x2x2x128xf32> to vector<256x1x2x128xf32>
      %squeeze3A_2285 = vector.shape_cast %slice3A_2284 : vector<256x1x2x128xf32> to vector<256x2x128xf32>
      %slice3A_2286 = vector.extract_strided_slice %reshape3A_2271 {offsets = [0, 1, 0, 0], sizes = [256, 1, 2, 128], strides = [1, 1, 1, 1]} : vector<256x2x2x128xf32> to vector<256x1x2x128xf32>
      %squeeze3A_2287 = vector.shape_cast %slice3A_2286 : vector<256x1x2x128xf32> to vector<256x2x128xf32>
      %iota3A_2288 = tpu.iota {dimensions = array<i32: 0>} : vector<256x1x1xi32>
      %mul3A_2289 = arith.constant 4 : i32
      %mul3A_2290 = vector.broadcast %mul3A_2289 : i32 to vector<256x1x1xi32>
      %mul3A_2291 = arith.muli %iota3A_2288, %mul3A_2290 : vector<256x1x1xi32>
      %shift_right_logical3A_2292 = arith.constant 7 : i32
      %shift_right_logical3A_2293 = arith.shrui %shift_left3A_1734, %shift_right_logical3A_2292 : i32
      %and3A_2294 = vector.broadcast %shift_right_logical3A_2293 : i32 to vector<256x1x1xi32>
      %and3A_2295 = arith.andi %mul3A_2291, %and3A_2294 : vector<256x1x1xi32>
      %eq3A_2296 = arith.constant 0 : i32
      %eq3A_2297 = vector.broadcast %eq3A_2296 : i32 to vector<256x1x1xi32>
      %eq3A_2298 = arith.cmpi eq, %and3A_2295, %eq3A_2297 : vector<256x1x1xi32>
      %gt3A_2299 = arith.cmpf ogt, %squeeze3A_2273, %squeeze3A_2281 : vector<256x2x128xf32>
      %eq3A_2300 = arith.cmpf oeq, %squeeze3A_2273, %squeeze3A_2281 : vector<256x2x128xf32>
      %lt3A_2301 = arith.cmpi slt, %squeeze3A_2275, %squeeze3A_2283 : vector<256x2x128xi32>
      %and3A_2302 = arith.andi %eq3A_2300, %lt3A_2301 : vector<256x2x128xi1>
      %or3A_2303 = arith.ori %gt3A_2299, %and3A_2302 : vector<256x2x128xi1>
      %xor3A_2304 = vector.broadcast %eq3A_2298 : vector<256x1x1xi1> to vector<256x2x128xi1>
      %xor3A_2305 = arith.xori %or3A_2303, %xor3A_2304 : vector<256x2x128xi1>
      %and3A_2306 = vector.broadcast %ge3A_2267 : i1 to vector<256x2x128xi1>
      %and3A_2307 = arith.andi %xor3A_2305, %and3A_2306 : vector<256x2x128xi1>
      %select_n3A_2308 = arith.select %and3A_2307, %squeeze3A_2281, %squeeze3A_2273 : vector<256x2x128xi1>, vector<256x2x128xf32>
      %select_n3A_2309 = arith.select %and3A_2307, %squeeze3A_2273, %squeeze3A_2281 : vector<256x2x128xi1>, vector<256x2x128xf32>
      %select_n3A_2310 = arith.select %and3A_2307, %squeeze3A_2283, %squeeze3A_2275 : vector<256x2x128xi1>, vector<256x2x128xi32>
      %select_n3A_2311 = arith.select %and3A_2307, %squeeze3A_2275, %squeeze3A_2283 : vector<256x2x128xi1>, vector<256x2x128xi32>
      %select_n3A_2312 = arith.select %and3A_2307, %squeeze3A_2285, %squeeze3A_2277 : vector<256x2x128xi1>, vector<256x2x128xf32>
      %select_n3A_2313 = arith.select %and3A_2307, %squeeze3A_2277, %squeeze3A_2285 : vector<256x2x128xi1>, vector<256x2x128xf32>
      %select_n3A_2314 = arith.select %and3A_2307, %squeeze3A_2287, %squeeze3A_2279 : vector<256x2x128xi1>, vector<256x2x128xf32>
      %select_n3A_2315 = arith.select %and3A_2307, %squeeze3A_2279, %squeeze3A_2287 : vector<256x2x128xi1>, vector<256x2x128xf32>
      %stack3A_2316 = vector.shape_cast %select_n3A_2308 : vector<256x2x128xf32> to vector<256x1x2x128xf32>
      %stack3A_2317 = vector.shape_cast %select_n3A_2309 : vector<256x2x128xf32> to vector<256x1x2x128xf32>
      %stack3A_2318 = tpu.concatenate %stack3A_2316, %stack3A_2317 in 1 : vector<256x1x2x128xf32>, vector<256x1x2x128xf32> -> vector<256x2x2x128xf32>
      %reshape3A_2319 = vector.shape_cast %stack3A_2318 : vector<256x2x2x128xf32> to vector<1024x128xf32>
      %stack3A_2320 = vector.shape_cast %select_n3A_2310 : vector<256x2x128xi32> to vector<256x1x2x128xi32>
      %stack3A_2321 = vector.shape_cast %select_n3A_2311 : vector<256x2x128xi32> to vector<256x1x2x128xi32>
      %stack3A_2322 = tpu.concatenate %stack3A_2320, %stack3A_2321 in 1 : vector<256x1x2x128xi32>, vector<256x1x2x128xi32> -> vector<256x2x2x128xi32>
      %reshape3A_2323 = vector.shape_cast %stack3A_2322 : vector<256x2x2x128xi32> to vector<1024x128xi32>
      %stack3A_2324 = vector.shape_cast %select_n3A_2312 : vector<256x2x128xf32> to vector<256x1x2x128xf32>
      %stack3A_2325 = vector.shape_cast %select_n3A_2313 : vector<256x2x128xf32> to vector<256x1x2x128xf32>
      %stack3A_2326 = tpu.concatenate %stack3A_2324, %stack3A_2325 in 1 : vector<256x1x2x128xf32>, vector<256x1x2x128xf32> -> vector<256x2x2x128xf32>
      %reshape3A_2327 = vector.shape_cast %stack3A_2326 : vector<256x2x2x128xf32> to vector<1024x128xf32>
      %stack3A_2328 = vector.shape_cast %select_n3A_2314 : vector<256x2x128xf32> to vector<256x1x2x128xf32>
      %stack3A_2329 = vector.shape_cast %select_n3A_2315 : vector<256x2x128xf32> to vector<256x1x2x128xf32>
      %stack3A_2330 = tpu.concatenate %stack3A_2328, %stack3A_2329 in 1 : vector<256x1x2x128xf32>, vector<256x1x2x128xf32> -> vector<256x2x2x128xf32>
      %reshape3A_2331 = vector.shape_cast %stack3A_2330 : vector<256x2x2x128xf32> to vector<1024x128xf32>
      %ge3A_2332 = arith.constant 256 : i32
      %ge3A_2333 = arith.cmpi sge, %shift_left3A_1734, %ge3A_2332 : i32
      %reshape3A_2334 = vector.shape_cast %reshape3A_2319 : vector<1024x128xf32> to vector<512x2x1x128xf32>
      %reshape3A_2335 = vector.shape_cast %reshape3A_2323 : vector<1024x128xi32> to vector<512x2x1x128xi32>
      %reshape3A_2336 = vector.shape_cast %reshape3A_2327 : vector<1024x128xf32> to vector<512x2x1x128xf32>
      %reshape3A_2337 = vector.shape_cast %reshape3A_2331 : vector<1024x128xf32> to vector<512x2x1x128xf32>
      %slice3A_2338 = vector.extract_strided_slice %reshape3A_2334 {offsets = [0, 0, 0, 0], sizes = [512, 1, 1, 128], strides = [1, 1, 1, 1]} : vector<512x2x1x128xf32> to vector<512x1x1x128xf32>
      %squeeze3A_2339 = vector.shape_cast %slice3A_2338 : vector<512x1x1x128xf32> to vector<512x1x128xf32>
      %slice3A_2340 = vector.extract_strided_slice %reshape3A_2335 {offsets = [0, 0, 0, 0], sizes = [512, 1, 1, 128], strides = [1, 1, 1, 1]} : vector<512x2x1x128xi32> to vector<512x1x1x128xi32>
      %squeeze3A_2341 = vector.shape_cast %slice3A_2340 : vector<512x1x1x128xi32> to vector<512x1x128xi32>
      %slice3A_2342 = vector.extract_strided_slice %reshape3A_2336 {offsets = [0, 0, 0, 0], sizes = [512, 1, 1, 128], strides = [1, 1, 1, 1]} : vector<512x2x1x128xf32> to vector<512x1x1x128xf32>
      %squeeze3A_2343 = vector.shape_cast %slice3A_2342 : vector<512x1x1x128xf32> to vector<512x1x128xf32>
      %slice3A_2344 = vector.extract_strided_slice %reshape3A_2337 {offsets = [0, 0, 0, 0], sizes = [512, 1, 1, 128], strides = [1, 1, 1, 1]} : vector<512x2x1x128xf32> to vector<512x1x1x128xf32>
      %squeeze3A_2345 = vector.shape_cast %slice3A_2344 : vector<512x1x1x128xf32> to vector<512x1x128xf32>
      %slice3A_2346 = vector.extract_strided_slice %reshape3A_2334 {offsets = [0, 1, 0, 0], sizes = [512, 1, 1, 128], strides = [1, 1, 1, 1]} : vector<512x2x1x128xf32> to vector<512x1x1x128xf32>
      %squeeze3A_2347 = vector.shape_cast %slice3A_2346 : vector<512x1x1x128xf32> to vector<512x1x128xf32>
      %slice3A_2348 = vector.extract_strided_slice %reshape3A_2335 {offsets = [0, 1, 0, 0], sizes = [512, 1, 1, 128], strides = [1, 1, 1, 1]} : vector<512x2x1x128xi32> to vector<512x1x1x128xi32>
      %squeeze3A_2349 = vector.shape_cast %slice3A_2348 : vector<512x1x1x128xi32> to vector<512x1x128xi32>
      %slice3A_2350 = vector.extract_strided_slice %reshape3A_2336 {offsets = [0, 1, 0, 0], sizes = [512, 1, 1, 128], strides = [1, 1, 1, 1]} : vector<512x2x1x128xf32> to vector<512x1x1x128xf32>
      %squeeze3A_2351 = vector.shape_cast %slice3A_2350 : vector<512x1x1x128xf32> to vector<512x1x128xf32>
      %slice3A_2352 = vector.extract_strided_slice %reshape3A_2337 {offsets = [0, 1, 0, 0], sizes = [512, 1, 1, 128], strides = [1, 1, 1, 1]} : vector<512x2x1x128xf32> to vector<512x1x1x128xf32>
      %squeeze3A_2353 = vector.shape_cast %slice3A_2352 : vector<512x1x1x128xf32> to vector<512x1x128xf32>
      %iota3A_2354 = tpu.iota {dimensions = array<i32: 0>} : vector<512x1x1xi32>
      %mul3A_2355 = arith.constant 2 : i32
      %mul3A_2356 = vector.broadcast %mul3A_2355 : i32 to vector<512x1x1xi32>
      %mul3A_2357 = arith.muli %iota3A_2354, %mul3A_2356 : vector<512x1x1xi32>
      %shift_right_logical3A_2358 = arith.constant 7 : i32
      %shift_right_logical3A_2359 = arith.shrui %shift_left3A_1734, %shift_right_logical3A_2358 : i32
      %and3A_2360 = vector.broadcast %shift_right_logical3A_2359 : i32 to vector<512x1x1xi32>
      %and3A_2361 = arith.andi %mul3A_2357, %and3A_2360 : vector<512x1x1xi32>
      %eq3A_2362 = arith.constant 0 : i32
      %eq3A_2363 = vector.broadcast %eq3A_2362 : i32 to vector<512x1x1xi32>
      %eq3A_2364 = arith.cmpi eq, %and3A_2361, %eq3A_2363 : vector<512x1x1xi32>
      %gt3A_2365 = arith.cmpf ogt, %squeeze3A_2339, %squeeze3A_2347 : vector<512x1x128xf32>
      %eq3A_2366 = arith.cmpf oeq, %squeeze3A_2339, %squeeze3A_2347 : vector<512x1x128xf32>
      %lt3A_2367 = arith.cmpi slt, %squeeze3A_2341, %squeeze3A_2349 : vector<512x1x128xi32>
      %and3A_2368 = arith.andi %eq3A_2366, %lt3A_2367 : vector<512x1x128xi1>
      %or3A_2369 = arith.ori %gt3A_2365, %and3A_2368 : vector<512x1x128xi1>
      %xor3A_2370 = vector.broadcast %eq3A_2364 : vector<512x1x1xi1> to vector<512x1x128xi1>
      %xor3A_2371 = arith.xori %or3A_2369, %xor3A_2370 : vector<512x1x128xi1>
      %and3A_2372 = vector.broadcast %ge3A_2333 : i1 to vector<512x1x128xi1>
      %and3A_2373 = arith.andi %xor3A_2371, %and3A_2372 : vector<512x1x128xi1>
      %select_n3A_2374 = arith.select %and3A_2373, %squeeze3A_2347, %squeeze3A_2339 : vector<512x1x128xi1>, vector<512x1x128xf32>
      %select_n3A_2375 = arith.select %and3A_2373, %squeeze3A_2339, %squeeze3A_2347 : vector<512x1x128xi1>, vector<512x1x128xf32>
      %select_n3A_2376 = arith.select %and3A_2373, %squeeze3A_2349, %squeeze3A_2341 : vector<512x1x128xi1>, vector<512x1x128xi32>
      %select_n3A_2377 = arith.select %and3A_2373, %squeeze3A_2341, %squeeze3A_2349 : vector<512x1x128xi1>, vector<512x1x128xi32>
      %select_n3A_2378 = arith.select %and3A_2373, %squeeze3A_2351, %squeeze3A_2343 : vector<512x1x128xi1>, vector<512x1x128xf32>
      %select_n3A_2379 = arith.select %and3A_2373, %squeeze3A_2343, %squeeze3A_2351 : vector<512x1x128xi1>, vector<512x1x128xf32>
      %select_n3A_2380 = arith.select %and3A_2373, %squeeze3A_2353, %squeeze3A_2345 : vector<512x1x128xi1>, vector<512x1x128xf32>
      %select_n3A_2381 = arith.select %and3A_2373, %squeeze3A_2345, %squeeze3A_2353 : vector<512x1x128xi1>, vector<512x1x128xf32>
      %stack3A_2382 = vector.shape_cast %select_n3A_2374 : vector<512x1x128xf32> to vector<512x1x1x128xf32>
      %stack3A_2383 = vector.shape_cast %select_n3A_2375 : vector<512x1x128xf32> to vector<512x1x1x128xf32>
      %stack3A_2384 = tpu.concatenate %stack3A_2382, %stack3A_2383 in 1 : vector<512x1x1x128xf32>, vector<512x1x1x128xf32> -> vector<512x2x1x128xf32>
      %reshape3A_2385 = vector.shape_cast %stack3A_2384 : vector<512x2x1x128xf32> to vector<1024x128xf32>
      %stack3A_2386 = vector.shape_cast %select_n3A_2376 : vector<512x1x128xi32> to vector<512x1x1x128xi32>
      %stack3A_2387 = vector.shape_cast %select_n3A_2377 : vector<512x1x128xi32> to vector<512x1x1x128xi32>
      %stack3A_2388 = tpu.concatenate %stack3A_2386, %stack3A_2387 in 1 : vector<512x1x1x128xi32>, vector<512x1x1x128xi32> -> vector<512x2x1x128xi32>
      %reshape3A_2389 = vector.shape_cast %stack3A_2388 : vector<512x2x1x128xi32> to vector<1024x128xi32>
      %stack3A_2390 = vector.shape_cast %select_n3A_2378 : vector<512x1x128xf32> to vector<512x1x1x128xf32>
      %stack3A_2391 = vector.shape_cast %select_n3A_2379 : vector<512x1x128xf32> to vector<512x1x1x128xf32>
      %stack3A_2392 = tpu.concatenate %stack3A_2390, %stack3A_2391 in 1 : vector<512x1x1x128xf32>, vector<512x1x1x128xf32> -> vector<512x2x1x128xf32>
      %reshape3A_2393 = vector.shape_cast %stack3A_2392 : vector<512x2x1x128xf32> to vector<1024x128xf32>
      %stack3A_2394 = vector.shape_cast %select_n3A_2380 : vector<512x1x128xf32> to vector<512x1x1x128xf32>
      %stack3A_2395 = vector.shape_cast %select_n3A_2381 : vector<512x1x128xf32> to vector<512x1x1x128xf32>
      %stack3A_2396 = tpu.concatenate %stack3A_2394, %stack3A_2395 in 1 : vector<512x1x1x128xf32>, vector<512x1x1x128xf32> -> vector<512x2x1x128xf32>
      %reshape3A_2397 = vector.shape_cast %stack3A_2396 : vector<512x2x1x128xf32> to vector<1024x128xf32>
      %transpose3A_2398 = tpu.transpose %reshape3A_2385, [1, 0] : vector<1024x128xf32> -> vector<128x1024xf32>
      %transpose3A_2399 = tpu.transpose %reshape3A_2389, [1, 0] : vector<1024x128xi32> -> vector<128x1024xi32>
      %transpose3A_2400 = tpu.transpose %reshape3A_2393, [1, 0] : vector<1024x128xf32> -> vector<128x1024xf32>
      %transpose3A_2401 = tpu.transpose %reshape3A_2397, [1, 0] : vector<1024x128xf32> -> vector<128x1024xf32>
      %reshape3A_2402 = vector.shape_cast %transpose3A_2398 : vector<128x1024xf32> to vector<1x2x64x1024xf32>
      %reshape3A_2403 = vector.shape_cast %transpose3A_2399 : vector<128x1024xi32> to vector<1x2x64x1024xi32>
      %reshape3A_2404 = vector.shape_cast %transpose3A_2400 : vector<128x1024xf32> to vector<1x2x64x1024xf32>
      %reshape3A_2405 = vector.shape_cast %transpose3A_2401 : vector<128x1024xf32> to vector<1x2x64x1024xf32>
      %slice3A_2406 = vector.extract_strided_slice %reshape3A_2402 {offsets = [0, 0, 0, 0], sizes = [1, 1, 64, 1024], strides = [1, 1, 1, 1]} : vector<1x2x64x1024xf32> to vector<1x1x64x1024xf32>
      %squeeze3A_2407 = vector.shape_cast %slice3A_2406 : vector<1x1x64x1024xf32> to vector<1x64x1024xf32>
      %slice3A_2408 = vector.extract_strided_slice %reshape3A_2403 {offsets = [0, 0, 0, 0], sizes = [1, 1, 64, 1024], strides = [1, 1, 1, 1]} : vector<1x2x64x1024xi32> to vector<1x1x64x1024xi32>
      %squeeze3A_2409 = vector.shape_cast %slice3A_2408 : vector<1x1x64x1024xi32> to vector<1x64x1024xi32>
      %slice3A_2410 = vector.extract_strided_slice %reshape3A_2404 {offsets = [0, 0, 0, 0], sizes = [1, 1, 64, 1024], strides = [1, 1, 1, 1]} : vector<1x2x64x1024xf32> to vector<1x1x64x1024xf32>
      %squeeze3A_2411 = vector.shape_cast %slice3A_2410 : vector<1x1x64x1024xf32> to vector<1x64x1024xf32>
      %slice3A_2412 = vector.extract_strided_slice %reshape3A_2405 {offsets = [0, 0, 0, 0], sizes = [1, 1, 64, 1024], strides = [1, 1, 1, 1]} : vector<1x2x64x1024xf32> to vector<1x1x64x1024xf32>
      %squeeze3A_2413 = vector.shape_cast %slice3A_2412 : vector<1x1x64x1024xf32> to vector<1x64x1024xf32>
      %slice3A_2414 = vector.extract_strided_slice %reshape3A_2402 {offsets = [0, 1, 0, 0], sizes = [1, 1, 64, 1024], strides = [1, 1, 1, 1]} : vector<1x2x64x1024xf32> to vector<1x1x64x1024xf32>
      %squeeze3A_2415 = vector.shape_cast %slice3A_2414 : vector<1x1x64x1024xf32> to vector<1x64x1024xf32>
      %slice3A_2416 = vector.extract_strided_slice %reshape3A_2403 {offsets = [0, 1, 0, 0], sizes = [1, 1, 64, 1024], strides = [1, 1, 1, 1]} : vector<1x2x64x1024xi32> to vector<1x1x64x1024xi32>
      %squeeze3A_2417 = vector.shape_cast %slice3A_2416 : vector<1x1x64x1024xi32> to vector<1x64x1024xi32>
      %slice3A_2418 = vector.extract_strided_slice %reshape3A_2404 {offsets = [0, 1, 0, 0], sizes = [1, 1, 64, 1024], strides = [1, 1, 1, 1]} : vector<1x2x64x1024xf32> to vector<1x1x64x1024xf32>
      %squeeze3A_2419 = vector.shape_cast %slice3A_2418 : vector<1x1x64x1024xf32> to vector<1x64x1024xf32>
      %slice3A_2420 = vector.extract_strided_slice %reshape3A_2405 {offsets = [0, 1, 0, 0], sizes = [1, 1, 64, 1024], strides = [1, 1, 1, 1]} : vector<1x2x64x1024xf32> to vector<1x1x64x1024xf32>
      %squeeze3A_2421 = vector.shape_cast %slice3A_2420 : vector<1x1x64x1024xf32> to vector<1x64x1024xf32>
      %iota3A_2422 = tpu.iota {dimensions = array<i32: 2>} : vector<1x1x1024xi32>
      %shift_right_logical3A_2423 = arith.constant 7 : i32
      %shift_right_logical3A_2424 = arith.shrui %shift_left3A_1734, %shift_right_logical3A_2423 : i32
      %and3A_2425 = vector.broadcast %shift_right_logical3A_2424 : i32 to vector<1x1x1024xi32>
      %and3A_2426 = arith.andi %iota3A_2422, %and3A_2425 : vector<1x1x1024xi32>
      %eq3A_2427 = arith.constant 0 : i32
      %eq3A_2428 = vector.broadcast %eq3A_2427 : i32 to vector<1x1x1024xi32>
      %eq3A_2429 = arith.cmpi eq, %and3A_2426, %eq3A_2428 : vector<1x1x1024xi32>
      %gt3A_2430 = arith.cmpf ogt, %squeeze3A_2407, %squeeze3A_2415 : vector<1x64x1024xf32>
      %eq3A_2431 = arith.cmpf oeq, %squeeze3A_2407, %squeeze3A_2415 : vector<1x64x1024xf32>
      %lt3A_2432 = arith.cmpi slt, %squeeze3A_2409, %squeeze3A_2417 : vector<1x64x1024xi32>
      %and3A_2433 = arith.andi %eq3A_2431, %lt3A_2432 : vector<1x64x1024xi1>
      %or3A_2434 = arith.ori %gt3A_2430, %and3A_2433 : vector<1x64x1024xi1>
      %xor3A_2435 = vector.broadcast %eq3A_2429 : vector<1x1x1024xi1> to vector<1x64x1024xi1>
      %xor3A_2436 = arith.xori %or3A_2434, %xor3A_2435 : vector<1x64x1024xi1>
      %select_n3A_2437 = arith.select %xor3A_2436, %squeeze3A_2415, %squeeze3A_2407 : vector<1x64x1024xi1>, vector<1x64x1024xf32>
      %select_n3A_2438 = arith.select %xor3A_2436, %squeeze3A_2407, %squeeze3A_2415 : vector<1x64x1024xi1>, vector<1x64x1024xf32>
      %select_n3A_2439 = arith.select %xor3A_2436, %squeeze3A_2417, %squeeze3A_2409 : vector<1x64x1024xi1>, vector<1x64x1024xi32>
      %select_n3A_2440 = arith.select %xor3A_2436, %squeeze3A_2409, %squeeze3A_2417 : vector<1x64x1024xi1>, vector<1x64x1024xi32>
      %select_n3A_2441 = arith.select %xor3A_2436, %squeeze3A_2419, %squeeze3A_2411 : vector<1x64x1024xi1>, vector<1x64x1024xf32>
      %select_n3A_2442 = arith.select %xor3A_2436, %squeeze3A_2411, %squeeze3A_2419 : vector<1x64x1024xi1>, vector<1x64x1024xf32>
      %select_n3A_2443 = arith.select %xor3A_2436, %squeeze3A_2421, %squeeze3A_2413 : vector<1x64x1024xi1>, vector<1x64x1024xf32>
      %select_n3A_2444 = arith.select %xor3A_2436, %squeeze3A_2413, %squeeze3A_2421 : vector<1x64x1024xi1>, vector<1x64x1024xf32>
      %stack3A_2445 = vector.shape_cast %select_n3A_2437 : vector<1x64x1024xf32> to vector<1x1x64x1024xf32>
      %stack3A_2446 = vector.shape_cast %select_n3A_2438 : vector<1x64x1024xf32> to vector<1x1x64x1024xf32>
      %stack3A_2447 = tpu.concatenate %stack3A_2445, %stack3A_2446 in 1 : vector<1x1x64x1024xf32>, vector<1x1x64x1024xf32> -> vector<1x2x64x1024xf32>
      %reshape3A_2448 = vector.shape_cast %stack3A_2447 : vector<1x2x64x1024xf32> to vector<128x1024xf32>
      %stack3A_2449 = vector.shape_cast %select_n3A_2439 : vector<1x64x1024xi32> to vector<1x1x64x1024xi32>
      %stack3A_2450 = vector.shape_cast %select_n3A_2440 : vector<1x64x1024xi32> to vector<1x1x64x1024xi32>
      %stack3A_2451 = tpu.concatenate %stack3A_2449, %stack3A_2450 in 1 : vector<1x1x64x1024xi32>, vector<1x1x64x1024xi32> -> vector<1x2x64x1024xi32>
      %reshape3A_2452 = vector.shape_cast %stack3A_2451 : vector<1x2x64x1024xi32> to vector<128x1024xi32>
      %stack3A_2453 = vector.shape_cast %select_n3A_2441 : vector<1x64x1024xf32> to vector<1x1x64x1024xf32>
      %stack3A_2454 = vector.shape_cast %select_n3A_2442 : vector<1x64x1024xf32> to vector<1x1x64x1024xf32>
      %stack3A_2455 = tpu.concatenate %stack3A_2453, %stack3A_2454 in 1 : vector<1x1x64x1024xf32>, vector<1x1x64x1024xf32> -> vector<1x2x64x1024xf32>
      %reshape3A_2456 = vector.shape_cast %stack3A_2455 : vector<1x2x64x1024xf32> to vector<128x1024xf32>
      %stack3A_2457 = vector.shape_cast %select_n3A_2443 : vector<1x64x1024xf32> to vector<1x1x64x1024xf32>
      %stack3A_2458 = vector.shape_cast %select_n3A_2444 : vector<1x64x1024xf32> to vector<1x1x64x1024xf32>
      %stack3A_2459 = tpu.concatenate %stack3A_2457, %stack3A_2458 in 1 : vector<1x1x64x1024xf32>, vector<1x1x64x1024xf32> -> vector<1x2x64x1024xf32>
      %reshape3A_2460 = vector.shape_cast %stack3A_2459 : vector<1x2x64x1024xf32> to vector<128x1024xf32>
      %reshape3A_2461 = vector.shape_cast %reshape3A_2448 : vector<128x1024xf32> to vector<2x2x32x1024xf32>
      %reshape3A_2462 = vector.shape_cast %reshape3A_2452 : vector<128x1024xi32> to vector<2x2x32x1024xi32>
      %reshape3A_2463 = vector.shape_cast %reshape3A_2456 : vector<128x1024xf32> to vector<2x2x32x1024xf32>
      %reshape3A_2464 = vector.shape_cast %reshape3A_2460 : vector<128x1024xf32> to vector<2x2x32x1024xf32>
      %slice3A_2465 = vector.extract_strided_slice %reshape3A_2461 {offsets = [0, 0, 0, 0], sizes = [2, 1, 32, 1024], strides = [1, 1, 1, 1]} : vector<2x2x32x1024xf32> to vector<2x1x32x1024xf32>
      %squeeze3A_2466 = vector.shape_cast %slice3A_2465 : vector<2x1x32x1024xf32> to vector<2x32x1024xf32>
      %slice3A_2467 = vector.extract_strided_slice %reshape3A_2462 {offsets = [0, 0, 0, 0], sizes = [2, 1, 32, 1024], strides = [1, 1, 1, 1]} : vector<2x2x32x1024xi32> to vector<2x1x32x1024xi32>
      %squeeze3A_2468 = vector.shape_cast %slice3A_2467 : vector<2x1x32x1024xi32> to vector<2x32x1024xi32>
      %slice3A_2469 = vector.extract_strided_slice %reshape3A_2463 {offsets = [0, 0, 0, 0], sizes = [2, 1, 32, 1024], strides = [1, 1, 1, 1]} : vector<2x2x32x1024xf32> to vector<2x1x32x1024xf32>
      %squeeze3A_2470 = vector.shape_cast %slice3A_2469 : vector<2x1x32x1024xf32> to vector<2x32x1024xf32>
      %slice3A_2471 = vector.extract_strided_slice %reshape3A_2464 {offsets = [0, 0, 0, 0], sizes = [2, 1, 32, 1024], strides = [1, 1, 1, 1]} : vector<2x2x32x1024xf32> to vector<2x1x32x1024xf32>
      %squeeze3A_2472 = vector.shape_cast %slice3A_2471 : vector<2x1x32x1024xf32> to vector<2x32x1024xf32>
      %slice3A_2473 = vector.extract_strided_slice %reshape3A_2461 {offsets = [0, 1, 0, 0], sizes = [2, 1, 32, 1024], strides = [1, 1, 1, 1]} : vector<2x2x32x1024xf32> to vector<2x1x32x1024xf32>
      %squeeze3A_2474 = vector.shape_cast %slice3A_2473 : vector<2x1x32x1024xf32> to vector<2x32x1024xf32>
      %slice3A_2475 = vector.extract_strided_slice %reshape3A_2462 {offsets = [0, 1, 0, 0], sizes = [2, 1, 32, 1024], strides = [1, 1, 1, 1]} : vector<2x2x32x1024xi32> to vector<2x1x32x1024xi32>
      %squeeze3A_2476 = vector.shape_cast %slice3A_2475 : vector<2x1x32x1024xi32> to vector<2x32x1024xi32>
      %slice3A_2477 = vector.extract_strided_slice %reshape3A_2463 {offsets = [0, 1, 0, 0], sizes = [2, 1, 32, 1024], strides = [1, 1, 1, 1]} : vector<2x2x32x1024xf32> to vector<2x1x32x1024xf32>
      %squeeze3A_2478 = vector.shape_cast %slice3A_2477 : vector<2x1x32x1024xf32> to vector<2x32x1024xf32>
      %slice3A_2479 = vector.extract_strided_slice %reshape3A_2464 {offsets = [0, 1, 0, 0], sizes = [2, 1, 32, 1024], strides = [1, 1, 1, 1]} : vector<2x2x32x1024xf32> to vector<2x1x32x1024xf32>
      %squeeze3A_2480 = vector.shape_cast %slice3A_2479 : vector<2x1x32x1024xf32> to vector<2x32x1024xf32>
      %iota3A_2481 = tpu.iota {dimensions = array<i32: 2>} : vector<1x1x1024xi32>
      %shift_right_logical3A_2482 = arith.constant 7 : i32
      %shift_right_logical3A_2483 = arith.shrui %shift_left3A_1734, %shift_right_logical3A_2482 : i32
      %and3A_2484 = vector.broadcast %shift_right_logical3A_2483 : i32 to vector<1x1x1024xi32>
      %and3A_2485 = arith.andi %iota3A_2481, %and3A_2484 : vector<1x1x1024xi32>
      %eq3A_2486 = arith.constant 0 : i32
      %eq3A_2487 = vector.broadcast %eq3A_2486 : i32 to vector<1x1x1024xi32>
      %eq3A_2488 = arith.cmpi eq, %and3A_2485, %eq3A_2487 : vector<1x1x1024xi32>
      %gt3A_2489 = arith.cmpf ogt, %squeeze3A_2466, %squeeze3A_2474 : vector<2x32x1024xf32>
      %eq3A_2490 = arith.cmpf oeq, %squeeze3A_2466, %squeeze3A_2474 : vector<2x32x1024xf32>
      %lt3A_2491 = arith.cmpi slt, %squeeze3A_2468, %squeeze3A_2476 : vector<2x32x1024xi32>
      %and3A_2492 = arith.andi %eq3A_2490, %lt3A_2491 : vector<2x32x1024xi1>
      %or3A_2493 = arith.ori %gt3A_2489, %and3A_2492 : vector<2x32x1024xi1>
      %xor3A_2494 = vector.broadcast %eq3A_2488 : vector<1x1x1024xi1> to vector<2x32x1024xi1>
      %xor3A_2495 = arith.xori %or3A_2493, %xor3A_2494 : vector<2x32x1024xi1>
      %select_n3A_2496 = arith.select %xor3A_2495, %squeeze3A_2474, %squeeze3A_2466 : vector<2x32x1024xi1>, vector<2x32x1024xf32>
      %select_n3A_2497 = arith.select %xor3A_2495, %squeeze3A_2466, %squeeze3A_2474 : vector<2x32x1024xi1>, vector<2x32x1024xf32>
      %select_n3A_2498 = arith.select %xor3A_2495, %squeeze3A_2476, %squeeze3A_2468 : vector<2x32x1024xi1>, vector<2x32x1024xi32>
      %select_n3A_2499 = arith.select %xor3A_2495, %squeeze3A_2468, %squeeze3A_2476 : vector<2x32x1024xi1>, vector<2x32x1024xi32>
      %select_n3A_2500 = arith.select %xor3A_2495, %squeeze3A_2478, %squeeze3A_2470 : vector<2x32x1024xi1>, vector<2x32x1024xf32>
      %select_n3A_2501 = arith.select %xor3A_2495, %squeeze3A_2470, %squeeze3A_2478 : vector<2x32x1024xi1>, vector<2x32x1024xf32>
      %select_n3A_2502 = arith.select %xor3A_2495, %squeeze3A_2480, %squeeze3A_2472 : vector<2x32x1024xi1>, vector<2x32x1024xf32>
      %select_n3A_2503 = arith.select %xor3A_2495, %squeeze3A_2472, %squeeze3A_2480 : vector<2x32x1024xi1>, vector<2x32x1024xf32>
      %stack3A_2504 = vector.shape_cast %select_n3A_2496 : vector<2x32x1024xf32> to vector<2x1x32x1024xf32>
      %stack3A_2505 = vector.shape_cast %select_n3A_2497 : vector<2x32x1024xf32> to vector<2x1x32x1024xf32>
      %stack3A_2506 = tpu.concatenate %stack3A_2504, %stack3A_2505 in 1 : vector<2x1x32x1024xf32>, vector<2x1x32x1024xf32> -> vector<2x2x32x1024xf32>
      %reshape3A_2507 = vector.shape_cast %stack3A_2506 : vector<2x2x32x1024xf32> to vector<128x1024xf32>
      %stack3A_2508 = vector.shape_cast %select_n3A_2498 : vector<2x32x1024xi32> to vector<2x1x32x1024xi32>
      %stack3A_2509 = vector.shape_cast %select_n3A_2499 : vector<2x32x1024xi32> to vector<2x1x32x1024xi32>
      %stack3A_2510 = tpu.concatenate %stack3A_2508, %stack3A_2509 in 1 : vector<2x1x32x1024xi32>, vector<2x1x32x1024xi32> -> vector<2x2x32x1024xi32>
      %reshape3A_2511 = vector.shape_cast %stack3A_2510 : vector<2x2x32x1024xi32> to vector<128x1024xi32>
      %stack3A_2512 = vector.shape_cast %select_n3A_2500 : vector<2x32x1024xf32> to vector<2x1x32x1024xf32>
      %stack3A_2513 = vector.shape_cast %select_n3A_2501 : vector<2x32x1024xf32> to vector<2x1x32x1024xf32>
      %stack3A_2514 = tpu.concatenate %stack3A_2512, %stack3A_2513 in 1 : vector<2x1x32x1024xf32>, vector<2x1x32x1024xf32> -> vector<2x2x32x1024xf32>
      %reshape3A_2515 = vector.shape_cast %stack3A_2514 : vector<2x2x32x1024xf32> to vector<128x1024xf32>
      %stack3A_2516 = vector.shape_cast %select_n3A_2502 : vector<2x32x1024xf32> to vector<2x1x32x1024xf32>
      %stack3A_2517 = vector.shape_cast %select_n3A_2503 : vector<2x32x1024xf32> to vector<2x1x32x1024xf32>
      %stack3A_2518 = tpu.concatenate %stack3A_2516, %stack3A_2517 in 1 : vector<2x1x32x1024xf32>, vector<2x1x32x1024xf32> -> vector<2x2x32x1024xf32>
      %reshape3A_2519 = vector.shape_cast %stack3A_2518 : vector<2x2x32x1024xf32> to vector<128x1024xf32>
      %reshape3A_2520 = vector.shape_cast %reshape3A_2507 : vector<128x1024xf32> to vector<4x2x16x1024xf32>
      %reshape3A_2521 = vector.shape_cast %reshape3A_2511 : vector<128x1024xi32> to vector<4x2x16x1024xi32>
      %reshape3A_2522 = vector.shape_cast %reshape3A_2515 : vector<128x1024xf32> to vector<4x2x16x1024xf32>
      %reshape3A_2523 = vector.shape_cast %reshape3A_2519 : vector<128x1024xf32> to vector<4x2x16x1024xf32>
      %slice3A_2524 = vector.extract_strided_slice %reshape3A_2520 {offsets = [0, 0, 0, 0], sizes = [4, 1, 16, 1024], strides = [1, 1, 1, 1]} : vector<4x2x16x1024xf32> to vector<4x1x16x1024xf32>
      %squeeze3A_2525 = vector.shape_cast %slice3A_2524 : vector<4x1x16x1024xf32> to vector<4x16x1024xf32>
      %slice3A_2526 = vector.extract_strided_slice %reshape3A_2521 {offsets = [0, 0, 0, 0], sizes = [4, 1, 16, 1024], strides = [1, 1, 1, 1]} : vector<4x2x16x1024xi32> to vector<4x1x16x1024xi32>
      %squeeze3A_2527 = vector.shape_cast %slice3A_2526 : vector<4x1x16x1024xi32> to vector<4x16x1024xi32>
      %slice3A_2528 = vector.extract_strided_slice %reshape3A_2522 {offsets = [0, 0, 0, 0], sizes = [4, 1, 16, 1024], strides = [1, 1, 1, 1]} : vector<4x2x16x1024xf32> to vector<4x1x16x1024xf32>
      %squeeze3A_2529 = vector.shape_cast %slice3A_2528 : vector<4x1x16x1024xf32> to vector<4x16x1024xf32>
      %slice3A_2530 = vector.extract_strided_slice %reshape3A_2523 {offsets = [0, 0, 0, 0], sizes = [4, 1, 16, 1024], strides = [1, 1, 1, 1]} : vector<4x2x16x1024xf32> to vector<4x1x16x1024xf32>
      %squeeze3A_2531 = vector.shape_cast %slice3A_2530 : vector<4x1x16x1024xf32> to vector<4x16x1024xf32>
      %slice3A_2532 = vector.extract_strided_slice %reshape3A_2520 {offsets = [0, 1, 0, 0], sizes = [4, 1, 16, 1024], strides = [1, 1, 1, 1]} : vector<4x2x16x1024xf32> to vector<4x1x16x1024xf32>
      %squeeze3A_2533 = vector.shape_cast %slice3A_2532 : vector<4x1x16x1024xf32> to vector<4x16x1024xf32>
      %slice3A_2534 = vector.extract_strided_slice %reshape3A_2521 {offsets = [0, 1, 0, 0], sizes = [4, 1, 16, 1024], strides = [1, 1, 1, 1]} : vector<4x2x16x1024xi32> to vector<4x1x16x1024xi32>
      %squeeze3A_2535 = vector.shape_cast %slice3A_2534 : vector<4x1x16x1024xi32> to vector<4x16x1024xi32>
      %slice3A_2536 = vector.extract_strided_slice %reshape3A_2522 {offsets = [0, 1, 0, 0], sizes = [4, 1, 16, 1024], strides = [1, 1, 1, 1]} : vector<4x2x16x1024xf32> to vector<4x1x16x1024xf32>
      %squeeze3A_2537 = vector.shape_cast %slice3A_2536 : vector<4x1x16x1024xf32> to vector<4x16x1024xf32>
      %slice3A_2538 = vector.extract_strided_slice %reshape3A_2523 {offsets = [0, 1, 0, 0], sizes = [4, 1, 16, 1024], strides = [1, 1, 1, 1]} : vector<4x2x16x1024xf32> to vector<4x1x16x1024xf32>
      %squeeze3A_2539 = vector.shape_cast %slice3A_2538 : vector<4x1x16x1024xf32> to vector<4x16x1024xf32>
      %iota3A_2540 = tpu.iota {dimensions = array<i32: 2>} : vector<1x1x1024xi32>
      %shift_right_logical3A_2541 = arith.constant 7 : i32
      %shift_right_logical3A_2542 = arith.shrui %shift_left3A_1734, %shift_right_logical3A_2541 : i32
      %and3A_2543 = vector.broadcast %shift_right_logical3A_2542 : i32 to vector<1x1x1024xi32>
      %and3A_2544 = arith.andi %iota3A_2540, %and3A_2543 : vector<1x1x1024xi32>
      %eq3A_2545 = arith.constant 0 : i32
      %eq3A_2546 = vector.broadcast %eq3A_2545 : i32 to vector<1x1x1024xi32>
      %eq3A_2547 = arith.cmpi eq, %and3A_2544, %eq3A_2546 : vector<1x1x1024xi32>
      %gt3A_2548 = arith.cmpf ogt, %squeeze3A_2525, %squeeze3A_2533 : vector<4x16x1024xf32>
      %eq3A_2549 = arith.cmpf oeq, %squeeze3A_2525, %squeeze3A_2533 : vector<4x16x1024xf32>
      %lt3A_2550 = arith.cmpi slt, %squeeze3A_2527, %squeeze3A_2535 : vector<4x16x1024xi32>
      %and3A_2551 = arith.andi %eq3A_2549, %lt3A_2550 : vector<4x16x1024xi1>
      %or3A_2552 = arith.ori %gt3A_2548, %and3A_2551 : vector<4x16x1024xi1>
      %xor3A_2553 = vector.broadcast %eq3A_2547 : vector<1x1x1024xi1> to vector<4x16x1024xi1>
      %xor3A_2554 = arith.xori %or3A_2552, %xor3A_2553 : vector<4x16x1024xi1>
      %select_n3A_2555 = arith.select %xor3A_2554, %squeeze3A_2533, %squeeze3A_2525 : vector<4x16x1024xi1>, vector<4x16x1024xf32>
      %select_n3A_2556 = arith.select %xor3A_2554, %squeeze3A_2525, %squeeze3A_2533 : vector<4x16x1024xi1>, vector<4x16x1024xf32>
      %select_n3A_2557 = arith.select %xor3A_2554, %squeeze3A_2535, %squeeze3A_2527 : vector<4x16x1024xi1>, vector<4x16x1024xi32>
      %select_n3A_2558 = arith.select %xor3A_2554, %squeeze3A_2527, %squeeze3A_2535 : vector<4x16x1024xi1>, vector<4x16x1024xi32>
      %select_n3A_2559 = arith.select %xor3A_2554, %squeeze3A_2537, %squeeze3A_2529 : vector<4x16x1024xi1>, vector<4x16x1024xf32>
      %select_n3A_2560 = arith.select %xor3A_2554, %squeeze3A_2529, %squeeze3A_2537 : vector<4x16x1024xi1>, vector<4x16x1024xf32>
      %select_n3A_2561 = arith.select %xor3A_2554, %squeeze3A_2539, %squeeze3A_2531 : vector<4x16x1024xi1>, vector<4x16x1024xf32>
      %select_n3A_2562 = arith.select %xor3A_2554, %squeeze3A_2531, %squeeze3A_2539 : vector<4x16x1024xi1>, vector<4x16x1024xf32>
      %stack3A_2563 = vector.shape_cast %select_n3A_2555 : vector<4x16x1024xf32> to vector<4x1x16x1024xf32>
      %stack3A_2564 = vector.shape_cast %select_n3A_2556 : vector<4x16x1024xf32> to vector<4x1x16x1024xf32>
      %stack3A_2565 = tpu.concatenate %stack3A_2563, %stack3A_2564 in 1 : vector<4x1x16x1024xf32>, vector<4x1x16x1024xf32> -> vector<4x2x16x1024xf32>
      %reshape3A_2566 = vector.shape_cast %stack3A_2565 : vector<4x2x16x1024xf32> to vector<128x1024xf32>
      %stack3A_2567 = vector.shape_cast %select_n3A_2557 : vector<4x16x1024xi32> to vector<4x1x16x1024xi32>
      %stack3A_2568 = vector.shape_cast %select_n3A_2558 : vector<4x16x1024xi32> to vector<4x1x16x1024xi32>
      %stack3A_2569 = tpu.concatenate %stack3A_2567, %stack3A_2568 in 1 : vector<4x1x16x1024xi32>, vector<4x1x16x1024xi32> -> vector<4x2x16x1024xi32>
      %reshape3A_2570 = vector.shape_cast %stack3A_2569 : vector<4x2x16x1024xi32> to vector<128x1024xi32>
      %stack3A_2571 = vector.shape_cast %select_n3A_2559 : vector<4x16x1024xf32> to vector<4x1x16x1024xf32>
      %stack3A_2572 = vector.shape_cast %select_n3A_2560 : vector<4x16x1024xf32> to vector<4x1x16x1024xf32>
      %stack3A_2573 = tpu.concatenate %stack3A_2571, %stack3A_2572 in 1 : vector<4x1x16x1024xf32>, vector<4x1x16x1024xf32> -> vector<4x2x16x1024xf32>
      %reshape3A_2574 = vector.shape_cast %stack3A_2573 : vector<4x2x16x1024xf32> to vector<128x1024xf32>
      %stack3A_2575 = vector.shape_cast %select_n3A_2561 : vector<4x16x1024xf32> to vector<4x1x16x1024xf32>
      %stack3A_2576 = vector.shape_cast %select_n3A_2562 : vector<4x16x1024xf32> to vector<4x1x16x1024xf32>
      %stack3A_2577 = tpu.concatenate %stack3A_2575, %stack3A_2576 in 1 : vector<4x1x16x1024xf32>, vector<4x1x16x1024xf32> -> vector<4x2x16x1024xf32>
      %reshape3A_2578 = vector.shape_cast %stack3A_2577 : vector<4x2x16x1024xf32> to vector<128x1024xf32>
      %reshape3A_2579 = vector.shape_cast %reshape3A_2566 : vector<128x1024xf32> to vector<8x2x8x1024xf32>
      %reshape3A_2580 = vector.shape_cast %reshape3A_2570 : vector<128x1024xi32> to vector<8x2x8x1024xi32>
      %reshape3A_2581 = vector.shape_cast %reshape3A_2574 : vector<128x1024xf32> to vector<8x2x8x1024xf32>
      %reshape3A_2582 = vector.shape_cast %reshape3A_2578 : vector<128x1024xf32> to vector<8x2x8x1024xf32>
      %slice3A_2583 = vector.extract_strided_slice %reshape3A_2579 {offsets = [0, 0, 0, 0], sizes = [8, 1, 8, 1024], strides = [1, 1, 1, 1]} : vector<8x2x8x1024xf32> to vector<8x1x8x1024xf32>
      %squeeze3A_2584 = vector.shape_cast %slice3A_2583 : vector<8x1x8x1024xf32> to vector<8x8x1024xf32>
      %slice3A_2585 = vector.extract_strided_slice %reshape3A_2580 {offsets = [0, 0, 0, 0], sizes = [8, 1, 8, 1024], strides = [1, 1, 1, 1]} : vector<8x2x8x1024xi32> to vector<8x1x8x1024xi32>
      %squeeze3A_2586 = vector.shape_cast %slice3A_2585 : vector<8x1x8x1024xi32> to vector<8x8x1024xi32>
      %slice3A_2587 = vector.extract_strided_slice %reshape3A_2581 {offsets = [0, 0, 0, 0], sizes = [8, 1, 8, 1024], strides = [1, 1, 1, 1]} : vector<8x2x8x1024xf32> to vector<8x1x8x1024xf32>
      %squeeze3A_2588 = vector.shape_cast %slice3A_2587 : vector<8x1x8x1024xf32> to vector<8x8x1024xf32>
      %slice3A_2589 = vector.extract_strided_slice %reshape3A_2582 {offsets = [0, 0, 0, 0], sizes = [8, 1, 8, 1024], strides = [1, 1, 1, 1]} : vector<8x2x8x1024xf32> to vector<8x1x8x1024xf32>
      %squeeze3A_2590 = vector.shape_cast %slice3A_2589 : vector<8x1x8x1024xf32> to vector<8x8x1024xf32>
      %slice3A_2591 = vector.extract_strided_slice %reshape3A_2579 {offsets = [0, 1, 0, 0], sizes = [8, 1, 8, 1024], strides = [1, 1, 1, 1]} : vector<8x2x8x1024xf32> to vector<8x1x8x1024xf32>
      %squeeze3A_2592 = vector.shape_cast %slice3A_2591 : vector<8x1x8x1024xf32> to vector<8x8x1024xf32>
      %slice3A_2593 = vector.extract_strided_slice %reshape3A_2580 {offsets = [0, 1, 0, 0], sizes = [8, 1, 8, 1024], strides = [1, 1, 1, 1]} : vector<8x2x8x1024xi32> to vector<8x1x8x1024xi32>
      %squeeze3A_2594 = vector.shape_cast %slice3A_2593 : vector<8x1x8x1024xi32> to vector<8x8x1024xi32>
      %slice3A_2595 = vector.extract_strided_slice %reshape3A_2581 {offsets = [0, 1, 0, 0], sizes = [8, 1, 8, 1024], strides = [1, 1, 1, 1]} : vector<8x2x8x1024xf32> to vector<8x1x8x1024xf32>
      %squeeze3A_2596 = vector.shape_cast %slice3A_2595 : vector<8x1x8x1024xf32> to vector<8x8x1024xf32>
      %slice3A_2597 = vector.extract_strided_slice %reshape3A_2582 {offsets = [0, 1, 0, 0], sizes = [8, 1, 8, 1024], strides = [1, 1, 1, 1]} : vector<8x2x8x1024xf32> to vector<8x1x8x1024xf32>
      %squeeze3A_2598 = vector.shape_cast %slice3A_2597 : vector<8x1x8x1024xf32> to vector<8x8x1024xf32>
      %iota3A_2599 = tpu.iota {dimensions = array<i32: 2>} : vector<1x1x1024xi32>
      %shift_right_logical3A_2600 = arith.constant 7 : i32
      %shift_right_logical3A_2601 = arith.shrui %shift_left3A_1734, %shift_right_logical3A_2600 : i32
      %and3A_2602 = vector.broadcast %shift_right_logical3A_2601 : i32 to vector<1x1x1024xi32>
      %and3A_2603 = arith.andi %iota3A_2599, %and3A_2602 : vector<1x1x1024xi32>
      %eq3A_2604 = arith.constant 0 : i32
      %eq3A_2605 = vector.broadcast %eq3A_2604 : i32 to vector<1x1x1024xi32>
      %eq3A_2606 = arith.cmpi eq, %and3A_2603, %eq3A_2605 : vector<1x1x1024xi32>
      %gt3A_2607 = arith.cmpf ogt, %squeeze3A_2584, %squeeze3A_2592 : vector<8x8x1024xf32>
      %eq3A_2608 = arith.cmpf oeq, %squeeze3A_2584, %squeeze3A_2592 : vector<8x8x1024xf32>
      %lt3A_2609 = arith.cmpi slt, %squeeze3A_2586, %squeeze3A_2594 : vector<8x8x1024xi32>
      %and3A_2610 = arith.andi %eq3A_2608, %lt3A_2609 : vector<8x8x1024xi1>
      %or3A_2611 = arith.ori %gt3A_2607, %and3A_2610 : vector<8x8x1024xi1>
      %xor3A_2612 = vector.broadcast %eq3A_2606 : vector<1x1x1024xi1> to vector<8x8x1024xi1>
      %xor3A_2613 = arith.xori %or3A_2611, %xor3A_2612 : vector<8x8x1024xi1>
      %select_n3A_2614 = arith.select %xor3A_2613, %squeeze3A_2592, %squeeze3A_2584 : vector<8x8x1024xi1>, vector<8x8x1024xf32>
      %select_n3A_2615 = arith.select %xor3A_2613, %squeeze3A_2584, %squeeze3A_2592 : vector<8x8x1024xi1>, vector<8x8x1024xf32>
      %select_n3A_2616 = arith.select %xor3A_2613, %squeeze3A_2594, %squeeze3A_2586 : vector<8x8x1024xi1>, vector<8x8x1024xi32>
      %select_n3A_2617 = arith.select %xor3A_2613, %squeeze3A_2586, %squeeze3A_2594 : vector<8x8x1024xi1>, vector<8x8x1024xi32>
      %select_n3A_2618 = arith.select %xor3A_2613, %squeeze3A_2596, %squeeze3A_2588 : vector<8x8x1024xi1>, vector<8x8x1024xf32>
      %select_n3A_2619 = arith.select %xor3A_2613, %squeeze3A_2588, %squeeze3A_2596 : vector<8x8x1024xi1>, vector<8x8x1024xf32>
      %select_n3A_2620 = arith.select %xor3A_2613, %squeeze3A_2598, %squeeze3A_2590 : vector<8x8x1024xi1>, vector<8x8x1024xf32>
      %select_n3A_2621 = arith.select %xor3A_2613, %squeeze3A_2590, %squeeze3A_2598 : vector<8x8x1024xi1>, vector<8x8x1024xf32>
      %stack3A_2622 = vector.shape_cast %select_n3A_2614 : vector<8x8x1024xf32> to vector<8x1x8x1024xf32>
      %stack3A_2623 = vector.shape_cast %select_n3A_2615 : vector<8x8x1024xf32> to vector<8x1x8x1024xf32>
      %stack3A_2624 = tpu.concatenate %stack3A_2622, %stack3A_2623 in 1 : vector<8x1x8x1024xf32>, vector<8x1x8x1024xf32> -> vector<8x2x8x1024xf32>
      %reshape3A_2625 = vector.shape_cast %stack3A_2624 : vector<8x2x8x1024xf32> to vector<128x1024xf32>
      %stack3A_2626 = vector.shape_cast %select_n3A_2616 : vector<8x8x1024xi32> to vector<8x1x8x1024xi32>
      %stack3A_2627 = vector.shape_cast %select_n3A_2617 : vector<8x8x1024xi32> to vector<8x1x8x1024xi32>
      %stack3A_2628 = tpu.concatenate %stack3A_2626, %stack3A_2627 in 1 : vector<8x1x8x1024xi32>, vector<8x1x8x1024xi32> -> vector<8x2x8x1024xi32>
      %reshape3A_2629 = vector.shape_cast %stack3A_2628 : vector<8x2x8x1024xi32> to vector<128x1024xi32>
      %stack3A_2630 = vector.shape_cast %select_n3A_2618 : vector<8x8x1024xf32> to vector<8x1x8x1024xf32>
      %stack3A_2631 = vector.shape_cast %select_n3A_2619 : vector<8x8x1024xf32> to vector<8x1x8x1024xf32>
      %stack3A_2632 = tpu.concatenate %stack3A_2630, %stack3A_2631 in 1 : vector<8x1x8x1024xf32>, vector<8x1x8x1024xf32> -> vector<8x2x8x1024xf32>
      %reshape3A_2633 = vector.shape_cast %stack3A_2632 : vector<8x2x8x1024xf32> to vector<128x1024xf32>
      %stack3A_2634 = vector.shape_cast %select_n3A_2620 : vector<8x8x1024xf32> to vector<8x1x8x1024xf32>
      %stack3A_2635 = vector.shape_cast %select_n3A_2621 : vector<8x8x1024xf32> to vector<8x1x8x1024xf32>
      %stack3A_2636 = tpu.concatenate %stack3A_2634, %stack3A_2635 in 1 : vector<8x1x8x1024xf32>, vector<8x1x8x1024xf32> -> vector<8x2x8x1024xf32>
      %reshape3A_2637 = vector.shape_cast %stack3A_2636 : vector<8x2x8x1024xf32> to vector<128x1024xf32>
      %reshape3A_2638 = vector.shape_cast %reshape3A_2625 : vector<128x1024xf32> to vector<16x2x4x1024xf32>
      %reshape3A_2639 = vector.shape_cast %reshape3A_2629 : vector<128x1024xi32> to vector<16x2x4x1024xi32>
      %reshape3A_2640 = vector.shape_cast %reshape3A_2633 : vector<128x1024xf32> to vector<16x2x4x1024xf32>
      %reshape3A_2641 = vector.shape_cast %reshape3A_2637 : vector<128x1024xf32> to vector<16x2x4x1024xf32>
      %slice3A_2642 = vector.extract_strided_slice %reshape3A_2638 {offsets = [0, 0, 0, 0], sizes = [16, 1, 4, 1024], strides = [1, 1, 1, 1]} : vector<16x2x4x1024xf32> to vector<16x1x4x1024xf32>
      %squeeze3A_2643 = vector.shape_cast %slice3A_2642 : vector<16x1x4x1024xf32> to vector<16x4x1024xf32>
      %slice3A_2644 = vector.extract_strided_slice %reshape3A_2639 {offsets = [0, 0, 0, 0], sizes = [16, 1, 4, 1024], strides = [1, 1, 1, 1]} : vector<16x2x4x1024xi32> to vector<16x1x4x1024xi32>
      %squeeze3A_2645 = vector.shape_cast %slice3A_2644 : vector<16x1x4x1024xi32> to vector<16x4x1024xi32>
      %slice3A_2646 = vector.extract_strided_slice %reshape3A_2640 {offsets = [0, 0, 0, 0], sizes = [16, 1, 4, 1024], strides = [1, 1, 1, 1]} : vector<16x2x4x1024xf32> to vector<16x1x4x1024xf32>
      %squeeze3A_2647 = vector.shape_cast %slice3A_2646 : vector<16x1x4x1024xf32> to vector<16x4x1024xf32>
      %slice3A_2648 = vector.extract_strided_slice %reshape3A_2641 {offsets = [0, 0, 0, 0], sizes = [16, 1, 4, 1024], strides = [1, 1, 1, 1]} : vector<16x2x4x1024xf32> to vector<16x1x4x1024xf32>
      %squeeze3A_2649 = vector.shape_cast %slice3A_2648 : vector<16x1x4x1024xf32> to vector<16x4x1024xf32>
      %slice3A_2650 = vector.extract_strided_slice %reshape3A_2638 {offsets = [0, 1, 0, 0], sizes = [16, 1, 4, 1024], strides = [1, 1, 1, 1]} : vector<16x2x4x1024xf32> to vector<16x1x4x1024xf32>
      %squeeze3A_2651 = vector.shape_cast %slice3A_2650 : vector<16x1x4x1024xf32> to vector<16x4x1024xf32>
      %slice3A_2652 = vector.extract_strided_slice %reshape3A_2639 {offsets = [0, 1, 0, 0], sizes = [16, 1, 4, 1024], strides = [1, 1, 1, 1]} : vector<16x2x4x1024xi32> to vector<16x1x4x1024xi32>
      %squeeze3A_2653 = vector.shape_cast %slice3A_2652 : vector<16x1x4x1024xi32> to vector<16x4x1024xi32>
      %slice3A_2654 = vector.extract_strided_slice %reshape3A_2640 {offsets = [0, 1, 0, 0], sizes = [16, 1, 4, 1024], strides = [1, 1, 1, 1]} : vector<16x2x4x1024xf32> to vector<16x1x4x1024xf32>
      %squeeze3A_2655 = vector.shape_cast %slice3A_2654 : vector<16x1x4x1024xf32> to vector<16x4x1024xf32>
      %slice3A_2656 = vector.extract_strided_slice %reshape3A_2641 {offsets = [0, 1, 0, 0], sizes = [16, 1, 4, 1024], strides = [1, 1, 1, 1]} : vector<16x2x4x1024xf32> to vector<16x1x4x1024xf32>
      %squeeze3A_2657 = vector.shape_cast %slice3A_2656 : vector<16x1x4x1024xf32> to vector<16x4x1024xf32>
      %iota3A_2658 = tpu.iota {dimensions = array<i32: 2>} : vector<1x1x1024xi32>
      %shift_right_logical3A_2659 = arith.constant 7 : i32
      %shift_right_logical3A_2660 = arith.shrui %shift_left3A_1734, %shift_right_logical3A_2659 : i32
      %and3A_2661 = vector.broadcast %shift_right_logical3A_2660 : i32 to vector<1x1x1024xi32>
      %and3A_2662 = arith.andi %iota3A_2658, %and3A_2661 : vector<1x1x1024xi32>
      %eq3A_2663 = arith.constant 0 : i32
      %eq3A_2664 = vector.broadcast %eq3A_2663 : i32 to vector<1x1x1024xi32>
      %eq3A_2665 = arith.cmpi eq, %and3A_2662, %eq3A_2664 : vector<1x1x1024xi32>
      %gt3A_2666 = arith.cmpf ogt, %squeeze3A_2643, %squeeze3A_2651 : vector<16x4x1024xf32>
      %eq3A_2667 = arith.cmpf oeq, %squeeze3A_2643, %squeeze3A_2651 : vector<16x4x1024xf32>
      %lt3A_2668 = arith.cmpi slt, %squeeze3A_2645, %squeeze3A_2653 : vector<16x4x1024xi32>
      %and3A_2669 = arith.andi %eq3A_2667, %lt3A_2668 : vector<16x4x1024xi1>
      %or3A_2670 = arith.ori %gt3A_2666, %and3A_2669 : vector<16x4x1024xi1>
      %xor3A_2671 = vector.broadcast %eq3A_2665 : vector<1x1x1024xi1> to vector<16x4x1024xi1>
      %xor3A_2672 = arith.xori %or3A_2670, %xor3A_2671 : vector<16x4x1024xi1>
      %select_n3A_2673 = arith.select %xor3A_2672, %squeeze3A_2651, %squeeze3A_2643 : vector<16x4x1024xi1>, vector<16x4x1024xf32>
      %select_n3A_2674 = arith.select %xor3A_2672, %squeeze3A_2643, %squeeze3A_2651 : vector<16x4x1024xi1>, vector<16x4x1024xf32>
      %select_n3A_2675 = arith.select %xor3A_2672, %squeeze3A_2653, %squeeze3A_2645 : vector<16x4x1024xi1>, vector<16x4x1024xi32>
      %select_n3A_2676 = arith.select %xor3A_2672, %squeeze3A_2645, %squeeze3A_2653 : vector<16x4x1024xi1>, vector<16x4x1024xi32>
      %select_n3A_2677 = arith.select %xor3A_2672, %squeeze3A_2655, %squeeze3A_2647 : vector<16x4x1024xi1>, vector<16x4x1024xf32>
      %select_n3A_2678 = arith.select %xor3A_2672, %squeeze3A_2647, %squeeze3A_2655 : vector<16x4x1024xi1>, vector<16x4x1024xf32>
      %select_n3A_2679 = arith.select %xor3A_2672, %squeeze3A_2657, %squeeze3A_2649 : vector<16x4x1024xi1>, vector<16x4x1024xf32>
      %select_n3A_2680 = arith.select %xor3A_2672, %squeeze3A_2649, %squeeze3A_2657 : vector<16x4x1024xi1>, vector<16x4x1024xf32>
      %stack3A_2681 = vector.shape_cast %select_n3A_2673 : vector<16x4x1024xf32> to vector<16x1x4x1024xf32>
      %stack3A_2682 = vector.shape_cast %select_n3A_2674 : vector<16x4x1024xf32> to vector<16x1x4x1024xf32>
      %stack3A_2683 = tpu.concatenate %stack3A_2681, %stack3A_2682 in 1 : vector<16x1x4x1024xf32>, vector<16x1x4x1024xf32> -> vector<16x2x4x1024xf32>
      %reshape3A_2684 = vector.shape_cast %stack3A_2683 : vector<16x2x4x1024xf32> to vector<128x1024xf32>
      %stack3A_2685 = vector.shape_cast %select_n3A_2675 : vector<16x4x1024xi32> to vector<16x1x4x1024xi32>
      %stack3A_2686 = vector.shape_cast %select_n3A_2676 : vector<16x4x1024xi32> to vector<16x1x4x1024xi32>
      %stack3A_2687 = tpu.concatenate %stack3A_2685, %stack3A_2686 in 1 : vector<16x1x4x1024xi32>, vector<16x1x4x1024xi32> -> vector<16x2x4x1024xi32>
      %reshape3A_2688 = vector.shape_cast %stack3A_2687 : vector<16x2x4x1024xi32> to vector<128x1024xi32>
      %stack3A_2689 = vector.shape_cast %select_n3A_2677 : vector<16x4x1024xf32> to vector<16x1x4x1024xf32>
      %stack3A_2690 = vector.shape_cast %select_n3A_2678 : vector<16x4x1024xf32> to vector<16x1x4x1024xf32>
      %stack3A_2691 = tpu.concatenate %stack3A_2689, %stack3A_2690 in 1 : vector<16x1x4x1024xf32>, vector<16x1x4x1024xf32> -> vector<16x2x4x1024xf32>
      %reshape3A_2692 = vector.shape_cast %stack3A_2691 : vector<16x2x4x1024xf32> to vector<128x1024xf32>
      %stack3A_2693 = vector.shape_cast %select_n3A_2679 : vector<16x4x1024xf32> to vector<16x1x4x1024xf32>
      %stack3A_2694 = vector.shape_cast %select_n3A_2680 : vector<16x4x1024xf32> to vector<16x1x4x1024xf32>
      %stack3A_2695 = tpu.concatenate %stack3A_2693, %stack3A_2694 in 1 : vector<16x1x4x1024xf32>, vector<16x1x4x1024xf32> -> vector<16x2x4x1024xf32>
      %reshape3A_2696 = vector.shape_cast %stack3A_2695 : vector<16x2x4x1024xf32> to vector<128x1024xf32>
      %reshape3A_2697 = vector.shape_cast %reshape3A_2684 : vector<128x1024xf32> to vector<32x2x2x1024xf32>
      %reshape3A_2698 = vector.shape_cast %reshape3A_2688 : vector<128x1024xi32> to vector<32x2x2x1024xi32>
      %reshape3A_2699 = vector.shape_cast %reshape3A_2692 : vector<128x1024xf32> to vector<32x2x2x1024xf32>
      %reshape3A_2700 = vector.shape_cast %reshape3A_2696 : vector<128x1024xf32> to vector<32x2x2x1024xf32>
      %slice3A_2701 = vector.extract_strided_slice %reshape3A_2697 {offsets = [0, 0, 0, 0], sizes = [32, 1, 2, 1024], strides = [1, 1, 1, 1]} : vector<32x2x2x1024xf32> to vector<32x1x2x1024xf32>
      %squeeze3A_2702 = vector.shape_cast %slice3A_2701 : vector<32x1x2x1024xf32> to vector<32x2x1024xf32>
      %slice3A_2703 = vector.extract_strided_slice %reshape3A_2698 {offsets = [0, 0, 0, 0], sizes = [32, 1, 2, 1024], strides = [1, 1, 1, 1]} : vector<32x2x2x1024xi32> to vector<32x1x2x1024xi32>
      %squeeze3A_2704 = vector.shape_cast %slice3A_2703 : vector<32x1x2x1024xi32> to vector<32x2x1024xi32>
      %slice3A_2705 = vector.extract_strided_slice %reshape3A_2699 {offsets = [0, 0, 0, 0], sizes = [32, 1, 2, 1024], strides = [1, 1, 1, 1]} : vector<32x2x2x1024xf32> to vector<32x1x2x1024xf32>
      %squeeze3A_2706 = vector.shape_cast %slice3A_2705 : vector<32x1x2x1024xf32> to vector<32x2x1024xf32>
      %slice3A_2707 = vector.extract_strided_slice %reshape3A_2700 {offsets = [0, 0, 0, 0], sizes = [32, 1, 2, 1024], strides = [1, 1, 1, 1]} : vector<32x2x2x1024xf32> to vector<32x1x2x1024xf32>
      %squeeze3A_2708 = vector.shape_cast %slice3A_2707 : vector<32x1x2x1024xf32> to vector<32x2x1024xf32>
      %slice3A_2709 = vector.extract_strided_slice %reshape3A_2697 {offsets = [0, 1, 0, 0], sizes = [32, 1, 2, 1024], strides = [1, 1, 1, 1]} : vector<32x2x2x1024xf32> to vector<32x1x2x1024xf32>
      %squeeze3A_2710 = vector.shape_cast %slice3A_2709 : vector<32x1x2x1024xf32> to vector<32x2x1024xf32>
      %slice3A_2711 = vector.extract_strided_slice %reshape3A_2698 {offsets = [0, 1, 0, 0], sizes = [32, 1, 2, 1024], strides = [1, 1, 1, 1]} : vector<32x2x2x1024xi32> to vector<32x1x2x1024xi32>
      %squeeze3A_2712 = vector.shape_cast %slice3A_2711 : vector<32x1x2x1024xi32> to vector<32x2x1024xi32>
      %slice3A_2713 = vector.extract_strided_slice %reshape3A_2699 {offsets = [0, 1, 0, 0], sizes = [32, 1, 2, 1024], strides = [1, 1, 1, 1]} : vector<32x2x2x1024xf32> to vector<32x1x2x1024xf32>
      %squeeze3A_2714 = vector.shape_cast %slice3A_2713 : vector<32x1x2x1024xf32> to vector<32x2x1024xf32>
      %slice3A_2715 = vector.extract_strided_slice %reshape3A_2700 {offsets = [0, 1, 0, 0], sizes = [32, 1, 2, 1024], strides = [1, 1, 1, 1]} : vector<32x2x2x1024xf32> to vector<32x1x2x1024xf32>
      %squeeze3A_2716 = vector.shape_cast %slice3A_2715 : vector<32x1x2x1024xf32> to vector<32x2x1024xf32>
      %iota3A_2717 = tpu.iota {dimensions = array<i32: 2>} : vector<1x1x1024xi32>
      %shift_right_logical3A_2718 = arith.constant 7 : i32
      %shift_right_logical3A_2719 = arith.shrui %shift_left3A_1734, %shift_right_logical3A_2718 : i32
      %and3A_2720 = vector.broadcast %shift_right_logical3A_2719 : i32 to vector<1x1x1024xi32>
      %and3A_2721 = arith.andi %iota3A_2717, %and3A_2720 : vector<1x1x1024xi32>
      %eq3A_2722 = arith.constant 0 : i32
      %eq3A_2723 = vector.broadcast %eq3A_2722 : i32 to vector<1x1x1024xi32>
      %eq3A_2724 = arith.cmpi eq, %and3A_2721, %eq3A_2723 : vector<1x1x1024xi32>
      %gt3A_2725 = arith.cmpf ogt, %squeeze3A_2702, %squeeze3A_2710 : vector<32x2x1024xf32>
      %eq3A_2726 = arith.cmpf oeq, %squeeze3A_2702, %squeeze3A_2710 : vector<32x2x1024xf32>
      %lt3A_2727 = arith.cmpi slt, %squeeze3A_2704, %squeeze3A_2712 : vector<32x2x1024xi32>
      %and3A_2728 = arith.andi %eq3A_2726, %lt3A_2727 : vector<32x2x1024xi1>
      %or3A_2729 = arith.ori %gt3A_2725, %and3A_2728 : vector<32x2x1024xi1>
      %xor3A_2730 = vector.broadcast %eq3A_2724 : vector<1x1x1024xi1> to vector<32x2x1024xi1>
      %xor3A_2731 = arith.xori %or3A_2729, %xor3A_2730 : vector<32x2x1024xi1>
      %select_n3A_2732 = arith.select %xor3A_2731, %squeeze3A_2710, %squeeze3A_2702 : vector<32x2x1024xi1>, vector<32x2x1024xf32>
      %select_n3A_2733 = arith.select %xor3A_2731, %squeeze3A_2702, %squeeze3A_2710 : vector<32x2x1024xi1>, vector<32x2x1024xf32>
      %select_n3A_2734 = arith.select %xor3A_2731, %squeeze3A_2712, %squeeze3A_2704 : vector<32x2x1024xi1>, vector<32x2x1024xi32>
      %select_n3A_2735 = arith.select %xor3A_2731, %squeeze3A_2704, %squeeze3A_2712 : vector<32x2x1024xi1>, vector<32x2x1024xi32>
      %select_n3A_2736 = arith.select %xor3A_2731, %squeeze3A_2714, %squeeze3A_2706 : vector<32x2x1024xi1>, vector<32x2x1024xf32>
      %select_n3A_2737 = arith.select %xor3A_2731, %squeeze3A_2706, %squeeze3A_2714 : vector<32x2x1024xi1>, vector<32x2x1024xf32>
      %select_n3A_2738 = arith.select %xor3A_2731, %squeeze3A_2716, %squeeze3A_2708 : vector<32x2x1024xi1>, vector<32x2x1024xf32>
      %select_n3A_2739 = arith.select %xor3A_2731, %squeeze3A_2708, %squeeze3A_2716 : vector<32x2x1024xi1>, vector<32x2x1024xf32>
      %stack3A_2740 = vector.shape_cast %select_n3A_2732 : vector<32x2x1024xf32> to vector<32x1x2x1024xf32>
      %stack3A_2741 = vector.shape_cast %select_n3A_2733 : vector<32x2x1024xf32> to vector<32x1x2x1024xf32>
      %stack3A_2742 = tpu.concatenate %stack3A_2740, %stack3A_2741 in 1 : vector<32x1x2x1024xf32>, vector<32x1x2x1024xf32> -> vector<32x2x2x1024xf32>
      %reshape3A_2743 = vector.shape_cast %stack3A_2742 : vector<32x2x2x1024xf32> to vector<128x1024xf32>
      %stack3A_2744 = vector.shape_cast %select_n3A_2734 : vector<32x2x1024xi32> to vector<32x1x2x1024xi32>
      %stack3A_2745 = vector.shape_cast %select_n3A_2735 : vector<32x2x1024xi32> to vector<32x1x2x1024xi32>
      %stack3A_2746 = tpu.concatenate %stack3A_2744, %stack3A_2745 in 1 : vector<32x1x2x1024xi32>, vector<32x1x2x1024xi32> -> vector<32x2x2x1024xi32>
      %reshape3A_2747 = vector.shape_cast %stack3A_2746 : vector<32x2x2x1024xi32> to vector<128x1024xi32>
      %stack3A_2748 = vector.shape_cast %select_n3A_2736 : vector<32x2x1024xf32> to vector<32x1x2x1024xf32>
      %stack3A_2749 = vector.shape_cast %select_n3A_2737 : vector<32x2x1024xf32> to vector<32x1x2x1024xf32>
      %stack3A_2750 = tpu.concatenate %stack3A_2748, %stack3A_2749 in 1 : vector<32x1x2x1024xf32>, vector<32x1x2x1024xf32> -> vector<32x2x2x1024xf32>
      %reshape3A_2751 = vector.shape_cast %stack3A_2750 : vector<32x2x2x1024xf32> to vector<128x1024xf32>
      %stack3A_2752 = vector.shape_cast %select_n3A_2738 : vector<32x2x1024xf32> to vector<32x1x2x1024xf32>
      %stack3A_2753 = vector.shape_cast %select_n3A_2739 : vector<32x2x1024xf32> to vector<32x1x2x1024xf32>
      %stack3A_2754 = tpu.concatenate %stack3A_2752, %stack3A_2753 in 1 : vector<32x1x2x1024xf32>, vector<32x1x2x1024xf32> -> vector<32x2x2x1024xf32>
      %reshape3A_2755 = vector.shape_cast %stack3A_2754 : vector<32x2x2x1024xf32> to vector<128x1024xf32>
      %reshape3A_2756 = vector.shape_cast %reshape3A_2743 : vector<128x1024xf32> to vector<64x2x1x1024xf32>
      %reshape3A_2757 = vector.shape_cast %reshape3A_2747 : vector<128x1024xi32> to vector<64x2x1x1024xi32>
      %reshape3A_2758 = vector.shape_cast %reshape3A_2751 : vector<128x1024xf32> to vector<64x2x1x1024xf32>
      %reshape3A_2759 = vector.shape_cast %reshape3A_2755 : vector<128x1024xf32> to vector<64x2x1x1024xf32>
      %slice3A_2760 = vector.extract_strided_slice %reshape3A_2756 {offsets = [0, 0, 0, 0], sizes = [64, 1, 1, 1024], strides = [1, 1, 1, 1]} : vector<64x2x1x1024xf32> to vector<64x1x1x1024xf32>
      %squeeze3A_2761 = vector.shape_cast %slice3A_2760 : vector<64x1x1x1024xf32> to vector<64x1x1024xf32>
      %slice3A_2762 = vector.extract_strided_slice %reshape3A_2757 {offsets = [0, 0, 0, 0], sizes = [64, 1, 1, 1024], strides = [1, 1, 1, 1]} : vector<64x2x1x1024xi32> to vector<64x1x1x1024xi32>
      %squeeze3A_2763 = vector.shape_cast %slice3A_2762 : vector<64x1x1x1024xi32> to vector<64x1x1024xi32>
      %slice3A_2764 = vector.extract_strided_slice %reshape3A_2758 {offsets = [0, 0, 0, 0], sizes = [64, 1, 1, 1024], strides = [1, 1, 1, 1]} : vector<64x2x1x1024xf32> to vector<64x1x1x1024xf32>
      %squeeze3A_2765 = vector.shape_cast %slice3A_2764 : vector<64x1x1x1024xf32> to vector<64x1x1024xf32>
      %slice3A_2766 = vector.extract_strided_slice %reshape3A_2759 {offsets = [0, 0, 0, 0], sizes = [64, 1, 1, 1024], strides = [1, 1, 1, 1]} : vector<64x2x1x1024xf32> to vector<64x1x1x1024xf32>
      %squeeze3A_2767 = vector.shape_cast %slice3A_2766 : vector<64x1x1x1024xf32> to vector<64x1x1024xf32>
      %slice3A_2768 = vector.extract_strided_slice %reshape3A_2756 {offsets = [0, 1, 0, 0], sizes = [64, 1, 1, 1024], strides = [1, 1, 1, 1]} : vector<64x2x1x1024xf32> to vector<64x1x1x1024xf32>
      %squeeze3A_2769 = vector.shape_cast %slice3A_2768 : vector<64x1x1x1024xf32> to vector<64x1x1024xf32>
      %slice3A_2770 = vector.extract_strided_slice %reshape3A_2757 {offsets = [0, 1, 0, 0], sizes = [64, 1, 1, 1024], strides = [1, 1, 1, 1]} : vector<64x2x1x1024xi32> to vector<64x1x1x1024xi32>
      %squeeze3A_2771 = vector.shape_cast %slice3A_2770 : vector<64x1x1x1024xi32> to vector<64x1x1024xi32>
      %slice3A_2772 = vector.extract_strided_slice %reshape3A_2758 {offsets = [0, 1, 0, 0], sizes = [64, 1, 1, 1024], strides = [1, 1, 1, 1]} : vector<64x2x1x1024xf32> to vector<64x1x1x1024xf32>
      %squeeze3A_2773 = vector.shape_cast %slice3A_2772 : vector<64x1x1x1024xf32> to vector<64x1x1024xf32>
      %slice3A_2774 = vector.extract_strided_slice %reshape3A_2759 {offsets = [0, 1, 0, 0], sizes = [64, 1, 1, 1024], strides = [1, 1, 1, 1]} : vector<64x2x1x1024xf32> to vector<64x1x1x1024xf32>
      %squeeze3A_2775 = vector.shape_cast %slice3A_2774 : vector<64x1x1x1024xf32> to vector<64x1x1024xf32>
      %iota3A_2776 = tpu.iota {dimensions = array<i32: 2>} : vector<1x1x1024xi32>
      %shift_right_logical3A_2777 = arith.constant 7 : i32
      %shift_right_logical3A_2778 = arith.shrui %shift_left3A_1734, %shift_right_logical3A_2777 : i32
      %and3A_2779 = vector.broadcast %shift_right_logical3A_2778 : i32 to vector<1x1x1024xi32>
      %and3A_2780 = arith.andi %iota3A_2776, %and3A_2779 : vector<1x1x1024xi32>
      %eq3A_2781 = arith.constant 0 : i32
      %eq3A_2782 = vector.broadcast %eq3A_2781 : i32 to vector<1x1x1024xi32>
      %eq3A_2783 = arith.cmpi eq, %and3A_2780, %eq3A_2782 : vector<1x1x1024xi32>
      %gt3A_2784 = arith.cmpf ogt, %squeeze3A_2761, %squeeze3A_2769 : vector<64x1x1024xf32>
      %eq3A_2785 = arith.cmpf oeq, %squeeze3A_2761, %squeeze3A_2769 : vector<64x1x1024xf32>
      %lt3A_2786 = arith.cmpi slt, %squeeze3A_2763, %squeeze3A_2771 : vector<64x1x1024xi32>
      %and3A_2787 = arith.andi %eq3A_2785, %lt3A_2786 : vector<64x1x1024xi1>
      %or3A_2788 = arith.ori %gt3A_2784, %and3A_2787 : vector<64x1x1024xi1>
      %xor3A_2789 = vector.broadcast %eq3A_2783 : vector<1x1x1024xi1> to vector<64x1x1024xi1>
      %xor3A_2790 = arith.xori %or3A_2788, %xor3A_2789 : vector<64x1x1024xi1>
      %select_n3A_2791 = arith.select %xor3A_2790, %squeeze3A_2769, %squeeze3A_2761 : vector<64x1x1024xi1>, vector<64x1x1024xf32>
      %select_n3A_2792 = arith.select %xor3A_2790, %squeeze3A_2761, %squeeze3A_2769 : vector<64x1x1024xi1>, vector<64x1x1024xf32>
      %select_n3A_2793 = arith.select %xor3A_2790, %squeeze3A_2771, %squeeze3A_2763 : vector<64x1x1024xi1>, vector<64x1x1024xi32>
      %select_n3A_2794 = arith.select %xor3A_2790, %squeeze3A_2763, %squeeze3A_2771 : vector<64x1x1024xi1>, vector<64x1x1024xi32>
      %select_n3A_2795 = arith.select %xor3A_2790, %squeeze3A_2773, %squeeze3A_2765 : vector<64x1x1024xi1>, vector<64x1x1024xf32>
      %select_n3A_2796 = arith.select %xor3A_2790, %squeeze3A_2765, %squeeze3A_2773 : vector<64x1x1024xi1>, vector<64x1x1024xf32>
      %select_n3A_2797 = arith.select %xor3A_2790, %squeeze3A_2775, %squeeze3A_2767 : vector<64x1x1024xi1>, vector<64x1x1024xf32>
      %select_n3A_2798 = arith.select %xor3A_2790, %squeeze3A_2767, %squeeze3A_2775 : vector<64x1x1024xi1>, vector<64x1x1024xf32>
      %stack3A_2799 = vector.shape_cast %select_n3A_2791 : vector<64x1x1024xf32> to vector<64x1x1x1024xf32>
      %stack3A_2800 = vector.shape_cast %select_n3A_2792 : vector<64x1x1024xf32> to vector<64x1x1x1024xf32>
      %stack3A_2801 = tpu.concatenate %stack3A_2799, %stack3A_2800 in 1 : vector<64x1x1x1024xf32>, vector<64x1x1x1024xf32> -> vector<64x2x1x1024xf32>
      %reshape3A_2802 = vector.shape_cast %stack3A_2801 : vector<64x2x1x1024xf32> to vector<128x1024xf32>
      %stack3A_2803 = vector.shape_cast %select_n3A_2793 : vector<64x1x1024xi32> to vector<64x1x1x1024xi32>
      %stack3A_2804 = vector.shape_cast %select_n3A_2794 : vector<64x1x1024xi32> to vector<64x1x1x1024xi32>
      %stack3A_2805 = tpu.concatenate %stack3A_2803, %stack3A_2804 in 1 : vector<64x1x1x1024xi32>, vector<64x1x1x1024xi32> -> vector<64x2x1x1024xi32>
      %reshape3A_2806 = vector.shape_cast %stack3A_2805 : vector<64x2x1x1024xi32> to vector<128x1024xi32>
      %stack3A_2807 = vector.shape_cast %select_n3A_2795 : vector<64x1x1024xf32> to vector<64x1x1x1024xf32>
      %stack3A_2808 = vector.shape_cast %select_n3A_2796 : vector<64x1x1024xf32> to vector<64x1x1x1024xf32>
      %stack3A_2809 = tpu.concatenate %stack3A_2807, %stack3A_2808 in 1 : vector<64x1x1x1024xf32>, vector<64x1x1x1024xf32> -> vector<64x2x1x1024xf32>
      %reshape3A_2810 = vector.shape_cast %stack3A_2809 : vector<64x2x1x1024xf32> to vector<128x1024xf32>
      %stack3A_2811 = vector.shape_cast %select_n3A_2797 : vector<64x1x1024xf32> to vector<64x1x1x1024xf32>
      %stack3A_2812 = vector.shape_cast %select_n3A_2798 : vector<64x1x1024xf32> to vector<64x1x1x1024xf32>
      %stack3A_2813 = tpu.concatenate %stack3A_2811, %stack3A_2812 in 1 : vector<64x1x1x1024xf32>, vector<64x1x1x1024xf32> -> vector<64x2x1x1024xf32>
      %reshape3A_2814 = vector.shape_cast %stack3A_2813 : vector<64x2x1x1024xf32> to vector<128x1024xf32>
      scf.yield %reshape3A_2802, %reshape3A_2806, %reshape3A_2810, %reshape3A_2814 : vector<128x1024xf32>, vector<128x1024xi32>, vector<128x1024xf32>, vector<128x1024xf32>
    }
    %scan3A_1713 = arith.constant 10 : i32
    %transpose3A_1714 = tpu.transpose %scan3A_1712#2, [1, 0] : vector<128x1024xf32> -> vector<1024x128xf32>
    %transpose3A_1715 = tpu.transpose %scan3A_1712#3, [1, 0] : vector<128x1024xf32> -> vector<1024x128xf32>
    %slice3A_1716 = vector.extract_strided_slice %transpose3A_1714 {offsets = [0, 0], sizes = [216, 128], strides = [1, 1]} : vector<1024x128xf32> to vector<216x128xf32>
    %swap3A = arith.constant 0 : index
    %swap3A_1717 = arith.constant 0 : index
    %swap3A_1718 = arith.constant 0 : index
    %swap3A_1719 = vector.load %arg4[%swap3A, %swap3A_1717, %swap3A_1718] : memref<1x216x128xf32, #tpu.memory_space<vmem>>, vector<1x216x128xf32>
    %swap3A_1720 = vector.shape_cast %swap3A_1719 : vector<1x216x128xf32> to vector<216x128xf32>
    %swap3A_1721 = vector.shape_cast %slice3A_1716 : vector<216x128xf32> to vector<1x216x128xf32>
    tpu.vector_store %arg4[%swap3A, %swap3A_1717, %swap3A_1718], %swap3A_1721 {strides = array<i32>} : memref<1x216x128xf32, #tpu.memory_space<vmem>>, vector<1x216x128xf32>,
    %slice3A_1722 = vector.extract_strided_slice %transpose3A_1715 {offsets = [0, 0], sizes = [216, 128], strides = [1, 1]} : vector<1024x128xf32> to vector<216x128xf32>
    %swap3A_1723 = arith.constant 0 : index
    %swap3A_1724 = arith.constant 0 : index
    %swap3A_1725 = arith.constant 0 : index
    %swap3A_1726 = vector.load %arg5[%swap3A_1723, %swap3A_1724, %swap3A_1725] : memref<1x216x128xf32, #tpu.memory_space<vmem>>, vector<1x216x128xf32>
    %swap3A_1727 = vector.shape_cast %swap3A_1726 : vector<1x216x128xf32> to vector<216x128xf32>
    %swap3A_1728 = vector.shape_cast %slice3A_1722 : vector<216x128xf32> to vector<1x216x128xf32>
    tpu.vector_store %arg5[%swap3A_1723, %swap3A_1724, %swap3A_1725], %swap3A_1728 {strides = array<i32>} : memref<1x216x128xf32, #tpu.memory_space<vmem>>, vector<1x216x128xf32>,
    return
  }
  func.func @transform_0(%arg0: i32) -> (i32, i32, i32) {
    %c0_i32 = arith.constant 0 : i32
    %c0_i32_0 = arith.constant 0 : i32
    %c0_i32_1 = arith.constant 0 : i32
    return %arg0, %c0_i32, %c0_i32_0 : i32, i32, i32
  }
  func.func @transform_1(%arg0: i32) -> (i32, i32, i32) {
    %c0_i32 = arith.constant 0 : i32
    %c0_i32_0 = arith.constant 0 : i32
    %c0_i32_1 = arith.constant 0 : i32
    return %arg0, %c0_i32, %c0_i32_0 : i32, i32, i32
  }
  func.func @transform_2(%arg0: i32) -> (i32, i32, i32) {
    %c0_i32 = arith.constant 0 : i32
    %c0_i32_0 = arith.constant 0 : i32
    %c0_i32_1 = arith.constant 0 : i32
    return %arg0, %c0_i32, %c0_i32_0 : i32, i32, i32
  }
  func.func @transform_3(%arg0: i32) -> (i32, i32, i32) {
    %c0_i32 = arith.constant 0 : i32
    %c0_i32_0 = arith.constant 0 : i32
    %c0_i32_1 = arith.constant 0 : i32
    return %arg0, %c0_i32, %c0_i32_0 : i32, i32, i32
  }
  func.func @transform_4(%arg0: i32) -> (i32, i32, i32) {
    %c0_i32 = arith.constant 0 : i32
    %c0_i32_0 = arith.constant 0 : i32
    %c0_i32_1 = arith.constant 0 : i32
    return %arg0, %c0_i32, %c0_i32_0 : i32, i32, i32
  }
}

</mosaic_0001>

<sc_bundles>
// kernel: kernel.5.cloned.1.call-start
scs
__scs_entry_jumppad:
0x0: {  	(pc) =	sbr.rel $0x88, $3  }
0x1: {  	(tag) =	ssettag $0x0;
	lr =	simm.s32 $0x1  }
0x2: {  	[smem:$0x3FA0] =	sst lr;
	_ =	strace $0xD0000000  }
0x3: {  	_ = 	snop  }
0x4: {  	_ = 	snop  }
0x5: {  	_ = 	snop  }
0x6: {  	_ = 	snop  }
0x7: {  	_ = 	snop  }
__scs_overlays_trampoline_lowered:
0x8: {  	[smem:$0x3FAF] =	sst s0  }
0x9: {  	[smem:$0x3FB0] =	sst s1  }
0xa: {  	[smem:$0x3FB1] =	sst s2  }
0xb: {  	[smem:$0x3FB2] =	sst s3  }
0xc: {  	[smem:$0x3FB3] =	sst s4  }
0xd: {  	[smem:$0x3FB4] =	sst s5  }
0xe: {  	[smem:$0x3FB5] =	sst s6  }
0xf: {  	[smem:$0x3FB6] =	sst s7  }
0x10: {  	[smem:$0x3FB7] =	sst s8  }
0x11: {  	[smem:$0x3FB8] =	sst s9;
	s0 =	simm.s32 @!p0 $0x0  }
0x12: {  	s1 =	sld [smem:$0x3F9E];
	s0 =	simm.s32 @p0 $0x1  }
0x13: {  	[smem:$0x3FB9] =	sst s0;
	s0 =	simm.s32 @!p1 $0x0  }
0x14: {  	s2 =	sld [smem:$0x3F9D];
	s0 =	simm.s32 @p1 $0x1  }
0x15: {  	[smem:$0x3FBA] =	sst s0;
	s0 =	simm.s32 @!p2 $0x0  }
0x16: {  	s3 =	sld [smem:$0x3FDB];
	s0 =	simm.s32 @p2 $0x1  }
0x17: {  	s4 =	simm.s32 $0x1BF5;
	[smem:$0x3FBC] =	sst s0  }
0x18: {  	s0 =	sld [smem:$0x3F9F];
	_ =	swait.ge [sflag:s4], $0x0  }
0x19: {  	s7 =	sld [smem:$0x3FA0]  }
0x1a: {  	s8 =	sadd.s32 $0xFFFFE003, lr  }
0x1b: {  	s9 =	sadd.s32 $0xFFFFFEF7, lr;
	s5 =	simm.s32 $0xFFFFFFFF;
	p2 =	slt.u32 s8, $0xFFFFF086  }
0x1c: {  	p1 =	slt.u32 s9, $0xF7A;
	s5 =	simm.s32 @!p2 $0x0  }
0x1d: {  	s5 =	simm.s32 @p1 $0x1;
	p0 =	seq.s32 s7, s2  }
0x1e: {  	s7 =	smul.u32 @!p0 $0xF7A, s2;
	p2 =	seq.s32 @!p0 s5, $0x0  }
0x1f: {  	s9 =	smul.u32 $0xF7A, s1;
	s8 =	simm.s32 @!p0 $0x1BF5;
	p2 =	por !p2, p0  }
0x20: {  	[sflag:s8] =	ssyncset.s32 @!p0 $0xFFFFF086;
	s6 =	sadd.s32 @!p0 s3, s7;
	s7 =	simm.s32 @!p0 $0x108  }
0x21: {  	s3 =	sadd.s32 s3, s9;
	s6 =	sadd.s32 @!p0 $0x88, s6;
	s7 =	simm.s32 @p2 $0x1082  }
0x22: {  	[simem:s7], [sflag:s8] =	dma.local @!p0 [hbm:s6], $0xF7A  }
0x23: {  	s9 =	sor.u32 $0xD0000000, s2;
	s6 =	simm.s32 $0x108;
	_ =	swait.ge @!p0 [sflag:s8], $0x0  }
0x24: {  	s3 =	sadd.s32 $0x88, s3;
	s6 =	simm.s32 @!p1 $0x1082;
	[sflag:s4] =	ssyncset.s32 $0xFFFFF086  }
0x25: {  	[simem:s6], [sflag:s4] =	dma.local [hbm:s3], $0xF7A  }
0x26: {  	[smem:$0x3FA0] =	sst s1;
	(tag) =	ssettag s2;
	_ =	strace s9  }
0x27: {  	s1 =	sld [smem:$0x3FB0]  }
0x28: {  	s2 =	sld [smem:$0x3FB1]  }
0x29: {  	s4 =	sld [smem:$0x3FB3]  }
0x2a: {  	p0 =	seq.s32 s5, $0x0;
	s5 =	sld [smem:$0x3FB4]  }
0x2b: {  	s6 =	sld [smem:$0x3FB5]  }
0x2c: {  	s7 =	sld [smem:$0x3FB6]  }
0x2d: {  	s3 =	simm.s32 $0x108;
	s8 =	sld [smem:$0x3FB7]  }
0x2e: {  	s3 =	simm.s32 @!p0 $0x1082;
	s9 =	sld [smem:$0x3FB8]  }
0x2f: {  	lr =	sadd.s32 s0, s3;
	s0 =	sld [smem:$0x3FAF]  }
0x30: {  	s3 =	sld [smem:$0x3FB2]  }
0x31: {  	[smem:$0x3FBB] =	sst s10  }
0x32: {  	s10 =	sld [smem:$0x3FB9];
	_ =	sdelay $0x3  }
0x33: {  	p0 =	seq.s32 s10, $0x1;
	s10 =	sld [smem:$0x3FBB];
	_ =	sdelay $0x3  }
0x34: {  	[smem:$0x3FBB] =	sst s10  }
0x35: {  	s10 =	sld [smem:$0x3FBA];
	_ =	sdelay $0x3  }
0x36: {  	p1 =	seq.s32 s10, $0x1;
	s10 =	sld [smem:$0x3FBB];
	_ =	sdelay $0x3  }
0x37: {  	[smem:$0x3FBB] =	sst s10  }
0x38: {  	s10 =	sld [smem:$0x3FBC]  }
0x39: {  	_ = 	snop;
	(pc) =	sbr.ind lr, $3  }
0x3a: {  	_ = 	snop  }
0x3b: {  	_ = 	snop  }
0x3c: {  	p2 =	seq.s32 s10, $0x1;
	s10 =	sld [smem:$0x3FBB]  }
0x3d: {  	_ =	shalt  }
0x3e: {  	_ =	shalt  }
0x3f: {  	_ =	shalt  }
0x40: {  	_ =	shalt  }
0x41: {  	_ =	shalt  }
0x42: {  	_ =	shalt  }
0x43: {  	_ =	shalt  }
0x44: {  	_ =	shalt  }
0x45: {  	_ =	shalt  }
0x46: {  	_ =	shalt  }
0x47: {  	_ =	shalt  }
0x48: {  	_ =	shalt  }
0x49: {  	_ =	shalt  }
0x4a: {  	_ =	shalt  }
0x4b: {  	_ =	shalt  }
0x4c: {  	_ =	shalt  }
0x4d: {  	_ =	shalt  }
0x4e: {  	_ =	shalt  }
0x4f: {  	_ =	shalt  }
0x50: {  	_ =	shalt  }
0x51: {  	_ =	shalt  }
0x52: {  	_ =	shalt  }
0x53: {  	_ =	shalt  }
0x54: {  	_ =	shalt  }
0x55: {  	_ =	shalt  }
0x56: {  	_ =	shalt  }
0x57: {  	_ =	shalt  }
0x58: {  	_ =	shalt  }
0x59: {  	_ =	shalt  }
0x5a: {  	_ =	shalt  }
0x5b: {  	_ =	shalt  }
0x5c: {  	_ =	shalt  }
0x5d: {  	_ =	shalt  }
0x5e: {  	_ =	shalt  }
0x5f: {  	_ =	shalt  }
0x60: {  	_ =	shalt  }
0x61: {  	_ =	shalt  }
0x62: {  	_ =	shalt  }
0x63: {  	_ =	shalt  }
0x64: {  	_ =	shalt  }
0x65: {  	_ =	shalt  }
0x66: {  	_ =	shalt  }
0x67: {  	_ =	shalt  }
0x68: {  	_ =	shalt  }
0x69: {  	_ =	shalt  }
0x6a: {  	_ =	shalt  }
0x6b: {  	_ =	shalt  }
0x6c: {  	_ =	shalt  }
0x6d: {  	_ =	shalt  }
0x6e: {  	_ =	shalt  }
0x6f: {  	_ =	shalt  }
0x70: {  	_ =	shalt  }
0x71: {  	_ =	shalt  }
0x72: {  	_ =	shalt  }
0x73: {  	_ =	shalt  }
0x74: {  	_ =	shalt  }
0x75: {  	_ =	shalt  }
0x76: {  	_ =	shalt  }
0x77: {  	_ =	shalt  }
0x78: {  	_ =	shalt  }
0x79: {  	_ =	shalt  }
0x7a: {  	_ =	shalt  }
0x7b: {  	_ =	shalt  }
0x7c: {  	_ =	shalt  }
0x7d: {  	_ =	shalt  }
0x7e: {  	_ =	shalt  }
0x7f: {  	_ =	shalt  }
0x80: {  	_ =	shalt  }
0x81: {  	_ =	shalt  }
0x82: {  	_ =	shalt  }
0x83: {  	_ =	shalt  }
0x84: {  	_ =	shalt  }
0x85: {  	_ =	shalt  }
0x86: {  	_ =	shalt  }
0x87: {  	_ =	shalt  }
.Lfunc_end0:
.L_simem_size_0:
called_computation_lowered:
.L_overlay_start_0:
0x88: {  	s2 =	sld [smem:$0x3FD9]  }
0x89: {  	s3 =	sld [smem:$0x3FFE];
	_ =	sdelay $0x1  }
0x8a: {  	s1 =	srdreg.scid  }
0x8b: {  	s0 =	sand.u32 $0x1, s1  }
0x8c: {  	s16 =	sshll.u32 s0, $0xA;
	s2 =	sadd.s32 s3, s2  }
0x8d: {  	s2 =	sadd.s32 s2, s16  }
0x8e: {  	[smem:$0x3FC7] =	sst s2  }
0x8f: {  	_ = 	snop  }
0x90: {  	(tm) =	ssettm $0x1  }
0x91: {  	s17 =	sld [smem:$0x3FFB];
	_ =	sdelay $0x3  }
0x92: {  	_ =	strace s17  }
0x93: {  	s2 =	sld [smem:$0x3FFC];
	_ =	sdelay $0x3  }
0x94: {  	_ =	strace s2  }
0x95: {  	s2 =	sld [smem:$0x3FFD];
	_ =	sdelay $0x3  }
0x96: {  	_ =	strace s2  }
0x97: {  	_ =	strace $0x8FFFFFFF  }
0x98: {  	s18 =	sld [smem:$0x3FDB];
	_ =	sdelay $0x1  }
0x99: {  	s19 =	simm.s32 $_scs_section_size  }
0x9a: {  	s4 =	simm.s32 $_size__tile_overlayer_lowered;
	s5 =	simm.s32 $_tile_overlayer_lowered  }
0x9b: {  	s22 =	simm.s32 $0x1BFF;
	s21 =	sshll.u32 s5, $0x1;
	s2 =	sadd.s32 s19, s18  }
0x9c: {  	s6 =	simm.s32 $0x0;
	s20 =	sshll.u32 s4, $0x1;
	s4 =	sadd.s32 s21, s2  }
0x9d: {  	[timem:s6], [sflag:s22] =	dma.local [hbm:s4], s20  }
0x9e: {  	_ =	swait.ge [sflag:s22], s20  }
0x9f: {  	s3 =	ssub.s32 $0x0, s20;
	[sflag:s22] =	ssyncset.done $0x0  }
0xa0: {  	[sflag:s22] =	ssyncadd.s32 s3;
	_ =	sdelay $0x1  }
0xa1: {  	s23 =	simm.s32 $0x1B8B  }
0xa2: {  	_ =	swait.ge [sflag:s23], $0x1  }
0xa3: {  	[sflag:s23] =	ssyncset.done $0x0  }
0xa4: {  	s25 =	simm.s32 $0x1B8E;
	s24 =	sld [smem:$0x3FFE];
	[sflag:s23] =	ssyncadd.s32 $0xFFFFFFFF  }
0xa5: {  	s26 =	simm.s32 $execute0_lowered;
	[smem:$0x3FD2] =	sst s25  }
0xa6: {  	s4 =	sshll.u32 s26, $0x1;
	_ =	strace $0x80000046;
	[dreg:$0x1] =	wrdreg $0xFFFFFFFF  }
0xa7: {  	s28 =	simm.s32 $_size_execute0_lowered;
	s2 =	sadd.s32 s2, s4;
	[dreg:$0x0] =	wrdreg $0x0  }
0xa8: {  	s4 =	sshll.u32 s28, $0x1;
	[dreg:$0x2] =	wrdreg s2  }
0xa9: {  	[dreg:$0x3] =	wrdreg s4  }
0xaa: {  	[dreg:$0x4] =	wrdreg $0xC0  }
0xab: {  	_ =	task [dreg:s6], $0x5FFFF  }
0xac: {  	[dreg:$0x1] =	wrdreg $0xFFFFFFFF  }
0xad: {  	[dreg:$0x0] =	wrdreg $0x60  }
0xae: {  	[dreg:$0x2] =	wrdreg s24  }
0xaf: {  	[dreg:$0x3] =	wrdreg $0x9  }
0xb0: {  	_ =	task.clear_ibuf [dreg:s6], $0x4FFFF;
	_ =	strace $0x90000046  }
0xb1: {  	s29 =	simm.s32 $0x9;
	_ =	strace $0x80000048  }
0xb2: {  	_ =	swait.ge [sflag:s29], $0x1  }
0xb3: {  	[sflag:s29] =	ssyncadd.s32 $0xFFFFFFFF  }
0xb4: {  	_ =	strace $0x90000048  }
0xb5: {  	_ =	sfence  }
0xb6: {  	s30 =	sld [smem:$0x0];
	_ =	sdelay $0x2  }
0xb7: {  	s31 =	sshll.u32 s1, $0xD;
	s1 =	sshrl.u32 s1, $0x2  }
0xb8: {  	s3 =	sand.u32 $0x4000, s31;
	s1 =	sadd.s32 s1, s30  }
0xb9: {  	s0 =	sor.u32 s3, s0;
	s1 =	sshll.u32 s1, $0x11  }
0xba: {  	s0 =	sor.u32 s1, s0  }
0xbb: {  	s0 =	sadd.s32 $0x8F2B, s0  }
0xbc: {  	[sflag:s0] =	ssyncadd.remote.s32 $0x1  }
0xbd: {  	_ =	sfence.sel $0xFFFF  }
0xbe: {  	[dreg:$0x0] =	wrdreg $0xFFFFFFFF;
	(pc) =	sbr.abs _section_cstart, $3  }
0xbf: {  	[dreg:$0x1] =	wrdreg $0xFFFFFFFF  }
0xc0: {  	_ =	task.clear_ibuf [dreg:s6], $0x2FFFF;
	_ =	strace $0x9FFFFFFF  }
0xc1: {  	(tm) =	ssettm $0x7FFFFFFF  }
tec
execute0_lowered:
.L_overlay_start_1:
0x0: {  	(tag) =	ssettag $0x1  }
0x1: {  	s4 =	rddreg [dreg:$0x0]  }
0x2: {  	s0 =	rddreg [dreg:$0x1]  }
0x3: {  	s3 =	srdreg.scid;
	s1 =	stileid.u32  }
0x4: {  	s2 =	simm.s32 $0x0;
	s14 =	simm.s32 $0x1;
	s12 =	smul.u32 $0xD8000, s1  }
0x5: {  	s15 =	simm.s32 $0x2;
	s7 =	sand.u32 $0x1, s3;
	s24 =	smul.u32 $0x6C0000, s1  }
0x6: {  	s16 =	simm.s32 $0x0;
	s21 =	sshll.u32 s1, $0x1;
	s26 =	smul.u32 $0x360000, s7  }
0x7: {  	s3 =	sadd.s32 $0x4B9200, s4;
	s5 =	sor.u32 s7, s21;
	s13 =	smul.u32 $0x6C000, s7  }
0x8: {  	[smem:$0x7FF] =	sst s2;
	s11 =	sadd.s32 $0x939200, s4;
	s6 =	smul.u32 $0xD80, s5  }
0x9: {  	_ =	strace $0x80000047;
	s9 =	ssub.s32 $0x2, s7;
	s8 =	smul.u32 $0x360000, s5  }
0xa: {  	s10 =	smul.u32 $0x6C000, s5;
	s22 =	sshrl.u32 s9, $0x1;
	s29 =	sadd.s32 s12, s11  }
0xb: {  	s12 =	simm.s32 $0x6C00;
	s23 =	ssub.s32 s9, s22;
	s30 =	sadd.s32 s13, s29  }
0xc: {  	s13 =	simm.s32 $0xAC00;
	s6 =	sadd.s32 s6, s4;
	s8 =	sshrl.u32 s8, $0x3  }
0xd: {  	s5 =	smax.u32 s23, $0x1;
	s28 =	sadd.s32 s10, s11;
	s10 =	simm.s32 $0x3  }
0xe: {  	s4 =	sadd.s32 $0x1E200, s6;
	s25 =	sadd.s32 s11, s8;
	s8 =	sadd.s32 s26, s24  }
0xf: {  	s7 =	sadd.s32 $0x6B800, s28;
	s6 =	sadd.s32 $0x6B000, s25;
	s31 =	sshrl.u32 s8, $0x3  }
0x10: {  	s8 =	sadd.s32 $0x800, s30;
	s9 =	sadd.s32 s31, s11;
	s11 =	simm.s32 $0x80  }
.LBB2_1:
0x11: {  	[tilespmem:s2], [sflag:$0x3] =	stream.linear.gather [hbm4b:s4+s2], $0x6C00, $0x38;
	[tilespmem:$0xEC00] =	vst v63  }
0x12: {  	_ =	swait.ge [sflag:s10], $0x6C00  }
0x13: {  	[sflag:s10] =	ssyncset.done $0x0  }
0x14: {  	[sflag:s10] =	ssyncadd.s32 $0xFFFF9400  }
0x15: {  	[tilespmem:s12], [sflag:$0x1] =	stream.indirect.gather [hbm4b:s3+s11], $0x80, s2, s11, $0xb8;
	[tilespmem:$0xEC00] =	vst v63  }
0x16: {  	_ = 	snop  }
0x17: {  	[tilespmem:s13], [sflag:$0x2] =	stream.indirect.gather [hbm4b:s3+s11], $0x80, s11, s11, $0xb8;
	[tilespmem:$0xEC00] =	vst v63  }
0x18: {  	_ =	swait.ge [sflag:s14], $0x4000  }
0x19: {  	[sflag:s14] =	ssyncset.done $0x0  }
0x1a: {  	s17 =	sadd.s32 $0x0, s9;
	[sflag:s14] =	ssyncadd.s32 $0xFFFFC000  }
0x1b: {  	[hbm4b:s17+s2] =	stream.linear.scatter [tilespmem:s12], [sflag:$0x3], $0x4000, $0x38;
	[tilespmem:$0xEC00] =	vst v63  }
0x1c: {  	_ =	swait.ge [sflag:s10], $0x4000  }
0x1d: {  	[sflag:s10] =	ssyncset.done $0x0  }
0x1e: {  	s30 =	simm.s32 $0x100;
	[sflag:s10] =	ssyncadd.s32 $0xFFFFC000  }
0x1f: {  	[tilespmem:s12], [sflag:$0x1] =	stream.indirect.gather [hbm4b:s3+s11], $0x80, s30, s11, $0xb8;
	[tilespmem:$0xEC00] =	vst v63  }
0x20: {  	_ =	swait.ge [sflag:s15], $0x4000  }
0x21: {  	[sflag:s15] =	ssyncset.done $0x0  }
0x22: {  	s31 =	sadd.s32 $0x0, s8;
	[sflag:s15] =	ssyncadd.s32 $0xFFFFC000  }
0x23: {  	[hbm4b:s31+s2] =	stream.linear.scatter [tilespmem:s13], [sflag:$0x3], $0x4000, $0x38;
	[tilespmem:$0xEC00] =	vst v63  }
0x24: {  	_ =	swait.ge [sflag:s10], $0x4000  }
0x25: {  	s18 =	simm.s32 $0x1000;
	[sflag:s10] =	ssyncset.done $0x0  }
0x26: {  	s19 =	simm.s32 $0x280;
	s17 =	simm.s32 $0x180;
	[sflag:s10] =	ssyncadd.s32 $0xFFFFC000  }
.LBB2_2:
0x27: {  	[tilespmem:s13], [sflag:$0x2] =	stream.indirect.gather [hbm4b:s3+s11], $0x80, s17, s11, $0xb8;
	[tilespmem:$0xEC00] =	vst v63  }
0x28: {  	s20 =	smov.u32 s18;
	s17 =	smov.u32 s19  }
0x29: {  	p0 =	sne.s32 s18, $0x6A000;
	s18 =	sadd.s32 $0x1000, s18;
	_ =	swait.ge [sflag:s14], $0x4000  }
0x2a: {  	[sflag:s14] =	ssyncset.done $0x0  }
0x2b: {  	s21 =	sadd.s32 s20, s9;
	[sflag:s14] =	ssyncadd.s32 $0xFFFFC000  }
0x2c: {  	[hbm4b:s21+s2] =	stream.linear.scatter [tilespmem:s12], [sflag:$0x3], $0x4000, $0x38;
	[tilespmem:$0xEC00] =	vst v63  }
0x2d: {  	_ =	swait.ge [sflag:s10], $0x4000  }
0x2e: {  	[sflag:s10] =	ssyncset.done $0x0  }
0x2f: {  	s21 =	sadd.s32 $0xFFFFFF80, s19;
	[sflag:s10] =	ssyncadd.s32 $0xFFFFC000  }
0x30: {  	[tilespmem:s12], [sflag:$0x1] =	stream.indirect.gather [hbm4b:s3+s11], $0x80, s21, s11, $0xb8;
	[tilespmem:$0xEC00] =	vst v63  }
0x31: {  	_ =	swait.ge [sflag:s15], $0x4000  }
0x32: {  	[sflag:s15] =	ssyncset.done $0x0  }
.Ltmp0:
0x33: {  	s20 =	sadd.s32 s20, s8;
	[sflag:s15] =	ssyncadd.s32 $0xFFFFC000;
	(pc) =	sbr.rel @p0 .LBB2_2-.Ltmp0, $4  }
0x34: {  	[hbm4b:s20+s2] =	stream.linear.scatter [tilespmem:s13], [sflag:$0x3], $0x4000, $0x38;
	[tilespmem:$0xEC00] =	vst v63  }
0x35: {  	_ =	swait.ge [sflag:s10], $0x4000  }
0x36: {  	[sflag:s10] =	ssyncset.done $0x0  }
0x37: {  	s19 =	sadd.s32 $0x100, s19;
	[sflag:s10] =	ssyncadd.s32 $0xFFFFC000  }
0x38: {  	[tilespmem:s13], [sflag:$0x2] =	stream.indirect.gather [hbm4b:s3+s11], $0x80, s17, s11, $0xb8;
	[tilespmem:$0xEC00] =	vst v63  }
0x39: {  	_ =	swait.ge [sflag:s14], $0x4000  }
0x3a: {  	[sflag:s14] =	ssyncset.done $0x0  }
0x3b: {  	[sflag:s14] =	ssyncadd.s32 $0xFFFFC000  }
0x3c: {  	[hbm4b:s6+s2] =	stream.linear.scatter [tilespmem:s12], [sflag:$0x3], $0x4000, $0x38;
	[tilespmem:$0xEC00] =	vst v63  }
0x3d: {  	_ =	swait.ge [sflag:s10], $0x4000  }
0x3e: {  	[sflag:s10] =	ssyncset.done $0x0  }
0x3f: {  	[sflag:s10] =	ssyncadd.s32 $0xFFFFC000  }
0x40: {  	s16 =	sadd.s32 $0x1, s16;
	_ =	swait.ge [sflag:s15], $0x4000  }
0x41: {  	p0 =	sne.s32 s16, s5;
	[sflag:s15] =	ssyncset.done $0x0  }
.Ltmp1:
0x42: {  	[sflag:s15] =	ssyncadd.s32 $0xFFFFC000;
	(pc) =	sbr.rel @p0 .LBB2_1-.Ltmp1, $4  }
0x43: {  	[hbm4b:s7+s2] =	stream.linear.scatter [tilespmem:s13], [sflag:$0x3], $0x4000, $0x38;
	[tilespmem:$0xEC00] =	vst v63  }
0x44: {  	_ =	swait.ge [sflag:s10], $0x4000  }
0x45: {  	[sflag:s10] =	ssyncset.done $0x0  }
0x46: {  	[sflag:s10] =	ssyncadd.s32 $0xFFFFC000  }
0x47: {  	_ =	sfence.sel $0x180000  }
0x48: {  	[bflag:$0x0] =	sbarrier.arrive $0xFFFF  }
0x49: {  	p0 =	sne.s32 s1, $0x0;
	_ =	strace $0x90000047  }
0x4a: {  	s0 =	sadd.s32 @!p0 $0x100000, s0;
	[bflag:$0x2] =	sbarrier.arrive $0xFFFF  }
0x4b: {  	[sflag:s0] =	ssyncadd.tile.s32 @!p0 $0x1;
	_ =	shalt  }
.Lfunc_end2:
_tile_overlayer_lowered:
.L_overlay_start_2:
0x4c: {  	(tag) =	ssettag $0x2  }
0x4d: {  	s0 =	rddreg [dreg:$0x0];
	s2 =	stileid.u32  }
0x4e: {  	s1 =	rddreg [dreg:$0x1];
	p0 =	sne.s32 s2, $0x0  }
0x4f: {  	s3 =	rddreg [dreg:$0x2];
	[bflag:$0x3] =	sbarrier.arrive $0xFFFF;
	s2 =	simm.s32 @!p0 $0x1C03  }
0x50: {  	[timem:s3], [sflag:s2] =	dma.local @!p0 [hbm:s0], s1  }
0x51: {  	s0 =	simm.s32 @!p0 $0x3  }
0x52: {  	_ =	swait.ge @!p0 [sflag:s0], s1  }
0x53: {  	s1 =	ssub.s32 @!p0 $0x0, s1;
	[sflag:s0] =	ssyncset.done @!p0 $0x0  }
0x54: {  	[sflag:s0] =	ssyncadd.s32 @!p0 s1  }
0x55: {  	[bflag:$0x3] =	sbarrier.arrive $0xFFFF  }
0x56: {  	_ =	shalt  }

</sc_bundles>
